<compile_context>
chip_gen: v7x
topology: tpu7x:2x2x1
jax: 0.10.2.dev20260603
libtpu: 0.0.44.dev20260713+nightly
codegen_flags: <defaults>
</compile_context>

<pallas_src>
import functools

import jax
import jax.numpy as jnp
from jax import lax
from jax.experimental import pallas as pl
from jax.experimental.pallas import tpu as pltpu
from jax.experimental.pallas import tpu_sc as plsc

N = 10000
E = 160000
L = 64
CNN_C = 64
NEWS_P = 32
GCN_IN = CNN_C + NEWS_P
G_HID = 256
G_OUT = 128

NB = 400
NBLK = N // NB
ACC_N = 10112
SLAB = ACC_N // 16
EB = 128
EP = 16 * 80 * EB
T0 = 64
T1 = 80 - T0
TMAX = max(T0, T1)
CHW = 128
NBUF = 2


def _deg_body(dst_ref, out_ref):
    i = pl.program_id(0)
    d = dst_ref[0, 0, :]
    hi = d >> 7
    lo = d & 127
    oh_hi = (hi[None, :] == lax.broadcasted_iota(jnp.int32, (80, 4096), 0)
             ).astype(jnp.bfloat16)
    oh_lo = (lo[None, :] == lax.broadcasted_iota(jnp.int32, (128, 4096), 0)
             ).astype(jnp.bfloat16)
    contrib = lax.dot_general(oh_hi, oh_lo, (((1,), (1,)), ((), ())),
                              preferred_element_type=jnp.float32)

    @pl.when(i == 0)
    def _():
        out_ref[...] = jnp.zeros_like(out_ref)

    out_ref[...] += contrib


def _deg_hist(dst2d):
    return pl.pallas_call(
        _deg_body,
        grid=(dst2d.shape[0],),
        in_specs=[pl.BlockSpec((1, 1, 4096), lambda i: (i, 0, 0))],
        out_specs=pl.BlockSpec((80, 128), lambda i: (0, 0)),
        out_shape=jax.ShapeDtypeStruct((80, 128), jnp.float32),
    )(dst2d)


def _b1_body(xp_ref, news_ref, M_ref, P_ref, w1_ref, b1_ref, w2_ref,
             b2_ref, out_ref):
    feats = []
    for b in range(2):
        xp = xp_ref[b].astype(jnp.bfloat16)
        y = jnp.dot(xp, M_ref[...], preferred_element_type=jnp.float32)
        y = jnp.maximum(y, 0.0).astype(jnp.bfloat16)
        cnn = jnp.dot(y, P_ref[...], preferred_element_type=jnp.float32)
        nw = news_ref[b]
        h = jnp.dot(nw, w1_ref[...], preferred_element_type=jnp.float32)
        h = jnp.maximum(h + b1_ref[0][None, :], 0.0)
        nf = jnp.dot(h, w2_ref[...], preferred_element_type=jnp.float32)
        nf = nf + b2_ref[0][None, :]
        feats += [cnn, nf]
    out_ref[...] = jnp.concatenate(feats, axis=1)


def _fused_features(xpad, news, M, P, npw1, npb1, npw2, npb2):
    return pl.pallas_call(
        _b1_body,
        grid=(NBLK,),
        in_specs=[
            pl.BlockSpec((2, NB, L + 3), lambda i: (0, i, 0)),
            pl.BlockSpec((2, NB, 128), lambda i: (0, i, 0)),
            pl.BlockSpec((L + 3, CNN_C * L), lambda i: (0, 0)),
            pl.BlockSpec((CNN_C * L, CNN_C), lambda i: (0, 0)),
            pl.BlockSpec((128, 64), lambda i: (0, 0)),
            pl.BlockSpec((1, 64), lambda i: (0, 0)),
            pl.BlockSpec((64, 32), lambda i: (0, 0)),
            pl.BlockSpec((1, 32), lambda i: (0, 0)),
        ],
        out_specs=pl.BlockSpec((NB, 2 * GCN_IN), lambda i: (i, 0)),
        out_shape=jax.ShapeDtypeStruct((N, 2 * GCN_IN), jnp.float32),
    )(xpad, news, M, P, npw1, npb1, npw2, npb2)


def _b2_body(f2_ref, W_ref, bb_ref, deg_ref, g0, g1, g2, g3, dinv_ref):
    h = jnp.dot(f2_ref[...], W_ref[...], preferred_element_type=jnp.float32)
    h = h + bb_ref[0][None, :]
    deg = deg_ref[...] + 1.0
    dinv = lax.rsqrt(jnp.maximum(deg, 1.0))
    dinv_ref[...] = dinv
    g = h * dinv
    outs = (g0, g1, g2, g3)
    for c in range(4):
        outs[c][...] = g[:, c * CHW:(c + 1) * CHW]


def _g1_tables(f2, Wbig1, bbig1, deg_col):
    outs = tuple(jax.ShapeDtypeStruct((N, CHW), jnp.float32) for _ in range(4))
    return pl.pallas_call(
        _b2_body,
        grid=(NBLK,),
        in_specs=[
            pl.BlockSpec((NB, 2 * GCN_IN), lambda i: (i, 0)),
            pl.BlockSpec((2 * GCN_IN, 2 * G_HID), lambda i: (0, 0)),
            pl.BlockSpec((1, 2 * G_HID), lambda i: (0, 0)),
            pl.BlockSpec((NB, 1), lambda i: (i, 0)),
        ],
        out_specs=tuple(pl.BlockSpec((NB, CHW), lambda i: (i, 0))
                        for _ in range(4)) + (pl.BlockSpec((NB, 1), lambda i: (i, 0)),),
        out_shape=outs + (jax.ShapeDtypeStruct((N, 1), jnp.float32),),
    )(f2, Wbig1, bbig1, deg_col)


def _make_sc_scatter(nch):
    mesh = plsc.VectorSubcoreMesh(core_axis_name="c", subcore_axis_name="s")

    @functools.partial(
        pl.kernel,
        mesh=mesh,
        out_type=jax.ShapeDtypeStruct((nch, 2, ACC_N, CHW), jnp.float32),
        scratch_types=[
            pltpu.VMEM((TMAX, EB), jnp.int32),
            pltpu.VMEM((TMAX, EB), jnp.int32),
            pltpu.VMEM((NBUF, EB, CHW), jnp.float32),
            pltpu.VMEM_SHARED((ACC_N, CHW), jnp.float32),
            pltpu.VMEM_SHARED((120, CHW), jnp.float32),
            pltpu.SemaphoreType.DMA,
            pltpu.SemaphoreType.DMA,
        ],
    )
    def sc_scatter(src_hbm, dst_hbm, zeros_hbm, *rest):
        tables = rest[:nch]
        out = rest[nch]
        src_v, dst_v, gb, acc, zbuf, sem, ssem = rest[nch + 1:]
        c = lax.axis_index("c")
        s = lax.axis_index("s")

        @pl.when(s == 0)
        def _():
            pltpu.sync_copy(zeros_hbm, zbuf)
        plsc.subcore_barrier()

        def run(first, nt):
            pltpu.sync_copy(src_hbm.at[s, pl.ds(first, nt)],
                            src_v.at[pl.ds(0, nt)])
            pltpu.sync_copy(dst_hbm.at[s, pl.ds(first, nt)],
                            dst_v.at[pl.ds(0, nt)])
            for ch in range(nch):
                base = s * SLAB
                for off in range(0, 600, 120):
                    pltpu.sync_copy(zbuf, acc.at[pl.ds(base + off, 120)])
                pltpu.sync_copy(zbuf.at[pl.ds(0, 32)],
                                acc.at[pl.ds(base + 600, 32)])
                plsc.subcore_barrier()

                for b in range(NBUF):
                    pltpu.async_copy(tables[ch].at[src_v.at[b]], gb.at[b], sem)

                def body(t, carry):
                    b = jnp.bitwise_and(t, NBUF - 1)
                    pltpu.make_async_copy(tables[ch].at[src_v.at[t]],
                                          gb.at[b], sem).wait()
                    pltpu.async_copy(gb.at[b], acc.at[dst_v.at[t]], ssem,
                                     add=True)

                    @pl.when(t + NBUF < nt)
                    def _():
                        pltpu.make_async_copy(gb.at[b], acc.at[dst_v.at[t]],
                                              ssem).wait()
                        pltpu.async_copy(tables[ch].at[src_v.at[t + NBUF]],
                                         gb.at[b], sem)
                    return carry

                lax.fori_loop(0, nt, body, 0)
                for b in range(NBUF):
                    pltpu.make_async_copy(gb.at[b], acc.at[dst_v.at[b]],
                                          ssem).wait()
                plsc.subcore_barrier()
                pltpu.sync_copy(acc.at[pl.ds(s * SLAB, SLAB)],
                                out.at[ch, c, pl.ds(s * SLAB, SLAB)])

        @pl.when(c == 0)
        def _():
            run(0, T0)

        @pl.when(c == 1)
        def _():
            run(T0, T1)

    return sc_scatter


_sc_cache = {}


def _sc_scatter(nch, *args):
    if nch not in _sc_cache:
        _sc_cache[nch] = _make_sc_scatter(nch)
    return _sc_cache[nch](*args)


def _c_body(P_ref, g10, g11, g12, g13, dinv_ref, W_ref, bb_ref, o0, o1):
    dinv = dinv_ref[...]
    g1s = (g10, g11, g12, g13)
    xs = []
    for ch in range(4):
        S = P_ref[ch, 0] + P_ref[ch, 1]
        xs.append(jnp.maximum((S + g1s[ch][...]) * dinv, 0.0))
    x1 = jnp.concatenate(xs, axis=1)
    h = jnp.dot(x1, W_ref[...], preferred_element_type=jnp.float32)
    h = h + bb_ref[0][None, :]
    g = h * dinv
    o0[...] = g[:, :CHW]
    o1[...] = g[:, CHW:]


def _layer2_tables(P1, g1s, dinv_col, Wbig2, bbig2):
    outs = tuple(jax.ShapeDtypeStruct((N, CHW), jnp.float32) for _ in range(2))
    return pl.pallas_call(
        _c_body,
        grid=(NBLK,),
        in_specs=[
            pl.BlockSpec((4, 2, NB, CHW), lambda i: (0, 0, i, 0)),
            pl.BlockSpec((NB, CHW), lambda i: (i, 0)),
            pl.BlockSpec((NB, CHW), lambda i: (i, 0)),
            pl.BlockSpec((NB, CHW), lambda i: (i, 0)),
            pl.BlockSpec((NB, CHW), lambda i: (i, 0)),
            pl.BlockSpec((NB, 1), lambda i: (i, 0)),
            pl.BlockSpec((2 * G_HID, 2 * G_OUT), lambda i: (0, 0)),
            pl.BlockSpec((1, 2 * G_OUT), lambda i: (0, 0)),
        ],
        out_specs=tuple(pl.BlockSpec((NB, CHW), lambda i: (i, 0))
                        for _ in range(2)),
        out_shape=outs,
    )(P1, *g1s, dinv_col, Wbig2, bbig2)


def _f_body(P_ref, g20, g21, dinv_ref, W1_ref, b1_ref, W2_ref, b2_ref, o_ref):
    dinv = dinv_ref[...]
    g2s = (g20, g21)
    xs = []
    for ch in range(2):
        S = P_ref[ch, 0] + P_ref[ch, 1]
        xs.append((S + g2s[ch][...]) * dinv)
    x2 = jnp.concatenate(xs, axis=1)
    h = jnp.dot(x2, W1_ref[...], preferred_element_type=jnp.float32)
    h = jnp.maximum(h + b1_ref[0][None, :], 0.0)
    o = jnp.dot(h, W2_ref[...], preferred_element_type=jnp.float32)
    o_ref[...] = o + b2_ref[0][None, :]


def _final_mlp(P2, g2s, dinv_col, Mw1b, mb1b, Mw2b, mb2b):
    return pl.pallas_call(
        _f_body,
        grid=(NBLK,),
        in_specs=[
            pl.BlockSpec((2, 2, NB, CHW), lambda i: (0, 0, i, 0)),
            pl.BlockSpec((NB, CHW), lambda i: (i, 0)),
            pl.BlockSpec((NB, CHW), lambda i: (i, 0)),
            pl.BlockSpec((NB, 1), lambda i: (i, 0)),
            pl.BlockSpec((2 * G_OUT, 2 * G_OUT), lambda i: (0, 0)),
            pl.BlockSpec((1, 2 * G_OUT), lambda i: (0, 0)),
            pl.BlockSpec((2 * G_OUT, 4), lambda i: (0, 0)),
            pl.BlockSpec((1, 4), lambda i: (0, 0)),
        ],
        out_specs=pl.BlockSpec((NB, 4), lambda i: (i, 0)),
        out_shape=jax.ShapeDtypeStruct((N, 4), jnp.float32),
    )(P2, *g2s, dinv_col, Mw1b, mb1b, Mw2b, mb2b)


def _blockdiag2(w):
    r, c = w.shape
    out = jnp.zeros((2 * r, 2 * c), jnp.float32)
    out = out.at[:r, :c].set(w)
    out = out.at[r:, c:].set(w)
    return out


def kernel(price_data_x, edge_index, news_features, conv_w, conv_b,
           npw1, npb1, npw2, npb2, gw1, gb1, gw2, gb2, mw1, mb1, mw2, mb2):
    f32 = jnp.float32
    src = edge_index[0]
    dst = edge_index[1]

    npad = EP - E
    src_pad = jnp.concatenate([src, jnp.zeros((npad,), jnp.int32)])
    dst_pad = jnp.concatenate([dst, jnp.full((npad,), N, jnp.int32)])
    src_r = src_pad.reshape(16, 80, EB)
    dst_r = dst_pad.reshape(16, 80, EB)
    dst_deg = jnp.concatenate([dst, jnp.full((npad,), 10240, jnp.int32)])
    dst_deg2d = dst_deg.reshape(EP // 4096, 1, 4096)
    zeros_slab = jnp.zeros((120, CHW), f32)

    j_i = lax.broadcasted_iota(jnp.int32, (L + 2, CNN_C, L), 0)
    t_i = lax.broadcasted_iota(jnp.int32, (L + 2, CNN_C, L), 2)
    d = j_i - t_i
    M = jnp.zeros((L + 2, CNN_C, L), f32)
    for k in range(3):
        M = M + jnp.where(d == k, conv_w[None, :, 0, k, None], 0.0)
    brep = jnp.broadcast_to(conv_b[:, None], (CNN_C, L)).reshape(1, CNN_C * L)
    M = jnp.concatenate([M.reshape(L + 2, CNN_C * L), brep], axis=0)
    P = jnp.kron(jnp.eye(CNN_C, dtype=f32), jnp.ones((L, 1), f32)) / L

    Wbig1 = _blockdiag2(gw1)
    bbig1 = jnp.concatenate([gb1, gb1]).reshape(1, -1)
    Wbig2 = _blockdiag2(gw2)
    bbig2 = jnp.concatenate([gb2, gb2]).reshape(1, -1)
    Mw1b = _blockdiag2(mw1)
    mb1b = jnp.concatenate([mb1, mb1]).reshape(1, -1)
    Mw2b = _blockdiag2(mw2)
    mb2b = jnp.concatenate([mb2, mb2]).reshape(1, -1)

    xpad = jnp.pad(price_data_x, ((0, 0), (0, 0), (1, 2)))
    xpad = xpad.at[:, :, L + 2].set(1.0)

    deg2d = _deg_hist(dst_deg2d)
    deg_col = deg2d.reshape(10240)[:N].reshape(N, 1)

    f2 = _fused_features(xpad, news_features, M, P,
                         npw1, npb1.reshape(1, -1), npw2, npb2.reshape(1, -1))

    *g1s, dinv_col = _g1_tables(f2, Wbig1, bbig1, deg_col)

    P1 = _sc_scatter(4, src_r, dst_r, zeros_slab, *g1s)

    g2s = _layer2_tables(P1, g1s, dinv_col, Wbig2, bbig2)

    P2 = _sc_scatter(2, src_r, dst_r, zeros_slab, *g2s)

    out4 = _final_mlp(P2, g2s, dinv_col, Mw1b, mb1b, Mw2b, mb2b)
    return out4.reshape(N, 2, 2).transpose(1, 0, 2)

# --- scband reference (transcript-rebuilt; emitter-appended) ---
"""Pipeline reference for scband-cnn-gnn-17231408792352 (READ-ONLY COPY).

The authoritative reference and input builder live on the scoring server;
editing this copy changes nothing except your own understanding.
"""

import jax, jax.numpy as jnp
import numpy as np

B = 2
NUM_NODES = 10000
E = 160000
L = 64
NEWS_DIM = 128
CNN_C = 64
NEWS_P = 32
GCN_IN = CNN_C + NEWS_P
G_HID = 256
G_OUT = 128
MLP_H = 128
NCLS = 2


def setup_inputs(seed: int = 0) -> dict:
    key = jax.random.key(seed)
    ks = jax.random.split(key, 20)
    s = 0.02
    inp = {}
    inp['price_data_x'] = jax.random.normal(ks[0], (B, NUM_NODES, L), dtype=jnp.float32)
    inp['edge_index'] = jax.random.randint(ks[1], (2, E), 0, NUM_NODES, dtype=jnp.int32)
    inp['news_features'] = jax.random.normal(ks[2], (B, NUM_NODES, NEWS_DIM), dtype=jnp.float32)
    # CNN params: Conv1d(1 -> CNN_C, kernel=3, same padding) + global mean pool
    inp['conv_w'] = jax.random.normal(ks[3], (CNN_C, 1, 3), dtype=jnp.float32) * s
    inp['conv_b'] = jnp.zeros((CNN_C,), jnp.float32)
    # news_processor: Linear(NEWS_DIM, 2*NEWS_P) -> ReLU -> Linear(2*NEWS_P, NEWS_P)
    inp['npw1'] = jax.random.normal(ks[4], (NEWS_DIM, NEWS_P * 2), dtype=jnp.float32) * s
    inp['npb1'] = jnp.zeros((NEWS_P * 2,), jnp.float32)
    inp['npw2'] = jax.random.normal(ks[5], (NEWS_P * 2, NEWS_P), dtype=jnp.float32) * s
    inp['npb2'] = jnp.zeros((NEWS_P,), jnp.float32)
    # GCN: two GCNConv layers
    inp['gw1'] = jax.random.normal(ks[6], (GCN_IN, G_HID), dtype=jnp.float32) * s
    inp['gb1'] = jnp.zeros((G_HID,), jnp.float32)
    inp['gw2'] = jax.random.normal(ks[7], (G_HID, G_OUT), dtype=jnp.float32) * s
    inp['gb2'] = jnp.zeros((G_OUT,), jnp.float32)
    # final MLP
    inp['mw1'] = jax.random.normal(ks[8], (G_OUT, MLP_H), dtype=jnp.float32) * s
    inp['mb1'] = jnp.zeros((MLP_H,), jnp.float32)
    inp['mw2'] = jax.random.normal(ks[9], (MLP_H, NCLS), dtype=jnp.float32) * s
    inp['mb2'] = jnp.zeros((NCLS,), jnp.float32)
    return inp


def _cnn(x, conv_w, conv_b):
    # x: [B, N, L] -> per-node 1D conv over time, ReLU, global mean pool -> [B, N, CNN_C]
    b, n, l = x.shape
    h = x.reshape(b * n, 1, l)
    h = jax.lax.conv_general_dilated(h, conv_w, window_strides=(1,), padding='SAME',
                                     dimension_numbers=('NCH', 'OIH', 'NCH'))
    h = jax.nn.relu(h + conv_b[None, :, None])
    h = jnp.mean(h, axis=-1)
    return h.reshape(b, n, CNN_C)


def _gcn_conv(x, src, dst, W, bias, n):
    # symmetric-normalized GCNConv (self-loops already included in src/dst)
    h = x @ W + bias
    deg = jnp.zeros((n,), jnp.float32).at[dst].add(1.0)
    dinv = 1.0 / jnp.sqrt(jnp.clip(deg, 1.0))
    norm = dinv[src] * dinv[dst]
    msg = h[src] * norm[:, None]
    return jnp.zeros((n, h.shape[1]), h.dtype).at[dst].add(msg)


def reference(price_data_x, edge_index, news_features, conv_w, conv_b,
              npw1, npb1, npw2, npb2, gw1, gb1, gw2, gb2, mw1, mb1, mw2, mb2):
    cnn_feat = _cnn(price_data_x, conv_w, conv_b)
    news = jax.nn.relu(news_features @ npw1 + npb1) @ npw2 + npb2  # dropout = identity (eval)
    fused = jnp.concatenate([cnn_feat, news], axis=-1)  # [B, N, GCN_IN]
    b, n, f = fused.shape
    flat = fused.reshape(b * n, f)
    # batch the edge_index with per-graph node offsets
    ei_batch = jnp.concatenate([edge_index + i * n for i in range(b)], axis=1)
    total_n = b * n
    loop = jnp.arange(total_n, dtype=ei_batch.dtype)
    src = jnp.concatenate([ei_batch[0], loop])
    dst = jnp.concatenate([ei_batch[1], loop])
    h = jax.nn.relu(_gcn_conv(flat, src, dst, gw1, gb1, total_n))
    h = _gcn_conv(h, src, dst, gw2, gb2, total_n)
    h = h.reshape(b, n, -1)
    out = jax.nn.relu(h @ mw1 + mb1) @ mw2 + mb2
    return out

if __name__ == "__main__":
    import jax
    _d = setup_inputs()
    print(jax.jit(kernel)(*tuple(_d.values())))

</pallas_src>

<mosaic_0001>
#map = affine_map<(d0, d1) -> (0, 0, 0)>
#map1 = affine_map<(d0, d1) -> (0, 0)>
#map2 = affine_map<(d0, d1) -> (0, 0, 0, 0)>
module attributes {stable_mosaic.version = 14 : i64} {
  func.func @sc_scatter(%arg0: i32, %arg1: i32, %arg2: memref<16x80x128xi32, #tpu.memory_space<hbm>>, %arg3: memref<16x80x128xi32, #tpu.memory_space<hbm>>, %arg4: memref<120x128xf32, #tpu.memory_space<hbm>>, %arg5: memref<10000x128xf32, #tpu.memory_space<hbm>>, %arg6: memref<10000x128xf32, #tpu.memory_space<hbm>>, %arg7: memref<10000x128xf32, #tpu.memory_space<hbm>>, %arg8: memref<10000x128xf32, #tpu.memory_space<hbm>>, %arg9: memref<4x2x10112x128xf32, #tpu.memory_space<hbm>>, %arg10: memref<64x128xi32, #tpu.memory_space<vmem>>, %arg11: memref<64x128xi32, #tpu.memory_space<vmem>>, %arg12: memref<2x128x128xf32, #tpu.memory_space<vmem>>, %arg13: memref<10112x128xf32, #tpu.memory_space<vmem_shared>>, %arg14: memref<120x128xf32, #tpu.memory_space<vmem_shared>>, %arg15: memref<!tpu.dma_semaphore, #tpu.memory_space<semaphore_mem>>, %arg16: memref<!tpu.dma_semaphore, #tpu.memory_space<semaphore_mem>>) attributes {dimension_semantics = [#tpu.dimension_semantics<core_parallel>, #tpu.dimension_semantics<subcore_parallel>], iteration_bounds = array<i64: 2, 16>, scalar_prefetch = 0 : i64, scratch_operands = 7 : i64, tpu.core_type = #tpu.core_type<sc_vector_subcore>, window_params = [{transform_indices = #map}, {transform_indices = #map}, {transform_indices = #map1}, {transform_indices = #map1}, {transform_indices = #map1}, {transform_indices = #map1}, {transform_indices = #map1}, {transform_indices = #map2}]} {
    %eq3A = arith.constant 0 : i32
    %eq3A_0 = arith.cmpi eq, %arg1, %eq3A : i32
    %convert_element_type3A = arith.extui %eq3A_0 : i1 to i32
    %cond3A = arith.constant 0 : i32
    %cond3A_1 = arith.cmpi ne, %convert_element_type3A, %cond3A : i32
    scf.if %cond3A_1 {
      "tpu.region"() ({
        %run_scoped3A = tpu.sem_alloc : memref<!tpu.dma_semaphore, #tpu.memory_space<semaphore_mem>>
        tpu.enqueue_dma source(%arg4 : memref<120x128xf32, #tpu.memory_space<hbm>>) target(%arg14 : memref<120x128xf32, #tpu.memory_space<vmem_shared>>) target_semaphore(%run_scoped3A : memref<!tpu.dma_semaphore, #tpu.memory_space<semaphore_mem>>)
        tpu.wait_dma2 semaphore(%run_scoped3A : memref<!tpu.dma_semaphore, #tpu.memory_space<semaphore_mem>>) src(%arg4 : memref<120x128xf32, #tpu.memory_space<hbm>>) dst(%arg14 : memref<120x128xf32, #tpu.memory_space<vmem_shared>>)
        tpu.yield
      }) : () -> ()
    } else {
    }
    %barrier3A = arith.constant 0 : index
    tpu.barrier barrier_id(%barrier3A)
    %eq3A_2 = arith.constant 0 : i32
    %eq3A_3 = arith.cmpi eq, %arg0, %eq3A_2 : i32
    %convert_element_type3A_4 = arith.extui %eq3A_3 : i1 to i32
    %cond3A_5 = arith.constant 0 : i32
    %cond3A_6 = arith.cmpi ne, %convert_element_type3A_4, %cond3A_5 : i32
    scf.if %cond3A_6 {
      "tpu.region"() ({
        %run_scoped3A_306 = tpu.sem_alloc : memref<!tpu.dma_semaphore, #tpu.memory_space<semaphore_mem>>
        %dma_start3A_307 = arith.constant 0 : i32
        %dma_start3A_308 = arith.constant 0 : i32
        %dma_start3A_309 = tpu.memref_slice %arg10[%dma_start3A_307, %dma_start3A_308] : memref<64x128xi32, #tpu.memory_space<vmem>> -> memref<64x128xi32, #tpu.memory_space<vmem>>
        %dma_start3A_310 = arith.constant 0 : i32
        %dma_start3A_311 = arith.constant 0 : i32
        %dma_start3A_312 = tpu.memref_slice %arg2[%arg1, %dma_start3A_310, %dma_start3A_311] : memref<16x80x128xi32, #tpu.memory_space<hbm>> -> memref<1x64x128xi32, #tpu.memory_space<hbm>>
        %dma_start3A_313 = tpu.memref_squeeze %dma_start3A_312 : memref<1x64x128xi32, #tpu.memory_space<hbm>> -> memref<64x128xi32, #tpu.memory_space<hbm>>
        %dma_start3A_314 = arith.constant 0 : i32
        %dma_start3A_315 = arith.constant 0 : i32
        %dma_start3A_316 = tpu.memref_slice %arg10[%dma_start3A_314, %dma_start3A_315] : memref<64x128xi32, #tpu.memory_space<vmem>> -> memref<64x128xi32, #tpu.memory_space<vmem>>
        %dma_start3A_317 = arith.constant 0 : i32
        %dma_start3A_318 = arith.constant 0 : i32
        %dma_start3A_319 = tpu.memref_slice %arg2[%arg1, %dma_start3A_317, %dma_start3A_318] : memref<16x80x128xi32, #tpu.memory_space<hbm>> -> memref<1x64x128xi32, #tpu.memory_space<hbm>>
        %dma_start3A_320 = tpu.memref_squeeze %dma_start3A_319 : memref<1x64x128xi32, #tpu.memory_space<hbm>> -> memref<64x128xi32, #tpu.memory_space<hbm>>
        tpu.enqueue_dma source(%dma_start3A_320 : memref<64x128xi32, #tpu.memory_space<hbm>>) target(%dma_start3A_316 : memref<64x128xi32, #tpu.memory_space<vmem>>) target_semaphore(%run_scoped3A_306 : memref<!tpu.dma_semaphore, #tpu.memory_space<semaphore_mem>>)
        %dma_wait3A_321 = arith.constant 0 : i32
        %dma_wait3A_322 = arith.constant 0 : i32
        %dma_wait3A_323 = tpu.memref_slice %arg10[%dma_wait3A_321, %dma_wait3A_322] : memref<64x128xi32, #tpu.memory_space<vmem>> -> memref<64x128xi32, #tpu.memory_space<vmem>>
        %dma_wait3A_324 = arith.constant 0 : i32
        %dma_wait3A_325 = arith.constant 0 : i32
        %dma_wait3A_326 = tpu.memref_slice %arg2[%arg1, %dma_wait3A_324, %dma_wait3A_325] : memref<16x80x128xi32, #tpu.memory_space<hbm>> -> memref<1x64x128xi32, #tpu.memory_space<hbm>>
        %dma_wait3A_327 = tpu.memref_squeeze %dma_wait3A_326 : memref<1x64x128xi32, #tpu.memory_space<hbm>> -> memref<64x128xi32, #tpu.memory_space<hbm>>
        %dma_wait3A_328 = arith.constant 0 : i32
        %dma_wait3A_329 = arith.constant 0 : i32
        %dma_wait3A_330 = tpu.memref_slice %arg10[%dma_wait3A_328, %dma_wait3A_329] : memref<64x128xi32, #tpu.memory_space<vmem>> -> memref<64x128xi32, #tpu.memory_space<vmem>>
        %dma_wait3A_331 = arith.constant 0 : i32
        %dma_wait3A_332 = arith.constant 0 : i32
        %dma_wait3A_333 = tpu.memref_slice %arg2[%arg1, %dma_wait3A_331, %dma_wait3A_332] : memref<16x80x128xi32, #tpu.memory_space<hbm>> -> memref<1x64x128xi32, #tpu.memory_space<hbm>>
        %dma_wait3A_334 = tpu.memref_squeeze %dma_wait3A_333 : memref<1x64x128xi32, #tpu.memory_space<hbm>> -> memref<64x128xi32, #tpu.memory_space<hbm>>
        tpu.wait_dma2 semaphore(%run_scoped3A_306 : memref<!tpu.dma_semaphore, #tpu.memory_space<semaphore_mem>>) src(%dma_wait3A_334 : memref<64x128xi32, #tpu.memory_space<hbm>>) dst(%dma_wait3A_330 : memref<64x128xi32, #tpu.memory_space<vmem>>)
        tpu.yield
      }) : () -> ()
      "tpu.region"() ({
        %run_scoped3A_306 = tpu.sem_alloc : memref<!tpu.dma_semaphore, #tpu.memory_space<semaphore_mem>>
        %dma_start3A_307 = arith.constant 0 : i32
        %dma_start3A_308 = arith.constant 0 : i32
        %dma_start3A_309 = tpu.memref_slice %arg11[%dma_start3A_307, %dma_start3A_308] : memref<64x128xi32, #tpu.memory_space<vmem>> -> memref<64x128xi32, #tpu.memory_space<vmem>>
        %dma_start3A_310 = arith.constant 0 : i32
        %dma_start3A_311 = arith.constant 0 : i32
        %dma_start3A_312 = tpu.memref_slice %arg3[%arg1, %dma_start3A_310, %dma_start3A_311] : memref<16x80x128xi32, #tpu.memory_space<hbm>> -> memref<1x64x128xi32, #tpu.memory_space<hbm>>
        %dma_start3A_313 = tpu.memref_squeeze %dma_start3A_312 : memref<1x64x128xi32, #tpu.memory_space<hbm>> -> memref<64x128xi32, #tpu.memory_space<hbm>>
        %dma_start3A_314 = arith.constant 0 : i32
        %dma_start3A_315 = arith.constant 0 : i32
        %dma_start3A_316 = tpu.memref_slice %arg11[%dma_start3A_314, %dma_start3A_315] : memref<64x128xi32, #tpu.memory_space<vmem>> -> memref<64x128xi32, #tpu.memory_space<vmem>>
        %dma_start3A_317 = arith.constant 0 : i32
        %dma_start3A_318 = arith.constant 0 : i32
        %dma_start3A_319 = tpu.memref_slice %arg3[%arg1, %dma_start3A_317, %dma_start3A_318] : memref<16x80x128xi32, #tpu.memory_space<hbm>> -> memref<1x64x128xi32, #tpu.memory_space<hbm>>
        %dma_start3A_320 = tpu.memref_squeeze %dma_start3A_319 : memref<1x64x128xi32, #tpu.memory_space<hbm>> -> memref<64x128xi32, #tpu.memory_space<hbm>>
        tpu.enqueue_dma source(%dma_start3A_320 : memref<64x128xi32, #tpu.memory_space<hbm>>) target(%dma_start3A_316 : memref<64x128xi32, #tpu.memory_space<vmem>>) target_semaphore(%run_scoped3A_306 : memref<!tpu.dma_semaphore, #tpu.memory_space<semaphore_mem>>)
        %dma_wait3A_321 = arith.constant 0 : i32
        %dma_wait3A_322 = arith.constant 0 : i32
        %dma_wait3A_323 = tpu.memref_slice %arg11[%dma_wait3A_321, %dma_wait3A_322] : memref<64x128xi32, #tpu.memory_space<vmem>> -> memref<64x128xi32, #tpu.memory_space<vmem>>
        %dma_wait3A_324 = arith.constant 0 : i32
        %dma_wait3A_325 = arith.constant 0 : i32
        %dma_wait3A_326 = tpu.memref_slice %arg3[%arg1, %dma_wait3A_324, %dma_wait3A_325] : memref<16x80x128xi32, #tpu.memory_space<hbm>> -> memref<1x64x128xi32, #tpu.memory_space<hbm>>
        %dma_wait3A_327 = tpu.memref_squeeze %dma_wait3A_326 : memref<1x64x128xi32, #tpu.memory_space<hbm>> -> memref<64x128xi32, #tpu.memory_space<hbm>>
        %dma_wait3A_328 = arith.constant 0 : i32
        %dma_wait3A_329 = arith.constant 0 : i32
        %dma_wait3A_330 = tpu.memref_slice %arg11[%dma_wait3A_328, %dma_wait3A_329] : memref<64x128xi32, #tpu.memory_space<vmem>> -> memref<64x128xi32, #tpu.memory_space<vmem>>
        %dma_wait3A_331 = arith.constant 0 : i32
        %dma_wait3A_332 = arith.constant 0 : i32
        %dma_wait3A_333 = tpu.memref_slice %arg3[%arg1, %dma_wait3A_331, %dma_wait3A_332] : memref<16x80x128xi32, #tpu.memory_space<hbm>> -> memref<1x64x128xi32, #tpu.memory_space<hbm>>
        %dma_wait3A_334 = tpu.memref_squeeze %dma_wait3A_333 : memref<1x64x128xi32, #tpu.memory_space<hbm>> -> memref<64x128xi32, #tpu.memory_space<hbm>>
        tpu.wait_dma2 semaphore(%run_scoped3A_306 : memref<!tpu.dma_semaphore, #tpu.memory_space<semaphore_mem>>) src(%dma_wait3A_334 : memref<64x128xi32, #tpu.memory_space<hbm>>) dst(%dma_wait3A_330 : memref<64x128xi32, #tpu.memory_space<vmem>>)
        tpu.yield
      }) : () -> ()
      %mul3A = arith.constant 632 : i32
      %mul3A_12 = arith.muli %arg1, %mul3A : i32
      %add3A = arith.constant 0 : i32
      %add3A_13 = arith.addi %mul3A_12, %add3A : i32
      "tpu.region"() ({
        %run_scoped3A_306 = tpu.sem_alloc : memref<!tpu.dma_semaphore, #tpu.memory_space<semaphore_mem>>
        %dma_start3A_307 = arith.constant 0 : i32
        %dma_start3A_308 = tpu.memref_slice %arg13[%add3A_13, %dma_start3A_307] : memref<10112x128xf32, #tpu.memory_space<vmem_shared>> -> memref<120x128xf32, #tpu.memory_space<vmem_shared>>
        tpu.enqueue_dma source(%arg14 : memref<120x128xf32, #tpu.memory_space<vmem_shared>>) target(%dma_start3A_308 : memref<120x128xf32, #tpu.memory_space<vmem_shared>>) target_semaphore(%run_scoped3A_306 : memref<!tpu.dma_semaphore, #tpu.memory_space<semaphore_mem>>)
        %dma_wait3A_309 = arith.constant 0 : i32
        %dma_wait3A_310 = tpu.memref_slice %arg13[%add3A_13, %dma_wait3A_309] : memref<10112x128xf32, #tpu.memory_space<vmem_shared>> -> memref<120x128xf32, #tpu.memory_space<vmem_shared>>
        tpu.wait_dma2 semaphore(%run_scoped3A_306 : memref<!tpu.dma_semaphore, #tpu.memory_space<semaphore_mem>>) src(%arg14 : memref<120x128xf32, #tpu.memory_space<vmem_shared>>) dst(%dma_wait3A_310 : memref<120x128xf32, #tpu.memory_space<vmem_shared>>)
        tpu.yield
      }) : () -> ()
      %add3A_14 = arith.constant 120 : i32
      %add3A_15 = arith.addi %mul3A_12, %add3A_14 : i32
      "tpu.region"() ({
        %run_scoped3A_306 = tpu.sem_alloc : memref<!tpu.dma_semaphore, #tpu.memory_space<semaphore_mem>>
        %dma_start3A_307 = arith.constant 0 : i32
        %dma_start3A_308 = tpu.memref_slice %arg13[%add3A_15, %dma_start3A_307] : memref<10112x128xf32, #tpu.memory_space<vmem_shared>> -> memref<120x128xf32, #tpu.memory_space<vmem_shared>>
        tpu.enqueue_dma source(%arg14 : memref<120x128xf32, #tpu.memory_space<vmem_shared>>) target(%dma_start3A_308 : memref<120x128xf32, #tpu.memory_space<vmem_shared>>) target_semaphore(%run_scoped3A_306 : memref<!tpu.dma_semaphore, #tpu.memory_space<semaphore_mem>>)
        %dma_wait3A_309 = arith.constant 0 : i32
        %dma_wait3A_310 = tpu.memref_slice %arg13[%add3A_15, %dma_wait3A_309] : memref<10112x128xf32, #tpu.memory_space<vmem_shared>> -> memref<120x128xf32, #tpu.memory_space<vmem_shared>>
        tpu.wait_dma2 semaphore(%run_scoped3A_306 : memref<!tpu.dma_semaphore, #tpu.memory_space<semaphore_mem>>) src(%arg14 : memref<120x128xf32, #tpu.memory_space<vmem_shared>>) dst(%dma_wait3A_310 : memref<120x128xf32, #tpu.memory_space<vmem_shared>>)
        tpu.yield
      }) : () -> ()
      %add3A_16 = arith.constant 240 : i32
      %add3A_17 = arith.addi %mul3A_12, %add3A_16 : i32
      "tpu.region"() ({
        %run_scoped3A_306 = tpu.sem_alloc : memref<!tpu.dma_semaphore, #tpu.memory_space<semaphore_mem>>
        %dma_start3A_307 = arith.constant 0 : i32
        %dma_start3A_308 = tpu.memref_slice %arg13[%add3A_17, %dma_start3A_307] : memref<10112x128xf32, #tpu.memory_space<vmem_shared>> -> memref<120x128xf32, #tpu.memory_space<vmem_shared>>
        tpu.enqueue_dma source(%arg14 : memref<120x128xf32, #tpu.memory_space<vmem_shared>>) target(%dma_start3A_308 : memref<120x128xf32, #tpu.memory_space<vmem_shared>>) target_semaphore(%run_scoped3A_306 : memref<!tpu.dma_semaphore, #tpu.memory_space<semaphore_mem>>)
        %dma_wait3A_309 = arith.constant 0 : i32
        %dma_wait3A_310 = tpu.memref_slice %arg13[%add3A_17, %dma_wait3A_309] : memref<10112x128xf32, #tpu.memory_space<vmem_shared>> -> memref<120x128xf32, #tpu.memory_space<vmem_shared>>
        tpu.wait_dma2 semaphore(%run_scoped3A_306 : memref<!tpu.dma_semaphore, #tpu.memory_space<semaphore_mem>>) src(%arg14 : memref<120x128xf32, #tpu.memory_space<vmem_shared>>) dst(%dma_wait3A_310 : memref<120x128xf32, #tpu.memory_space<vmem_shared>>)
        tpu.yield
      }) : () -> ()
      %add3A_18 = arith.constant 360 : i32
      %add3A_19 = arith.addi %mul3A_12, %add3A_18 : i32
      "tpu.region"() ({
        %run_scoped3A_306 = tpu.sem_alloc : memref<!tpu.dma_semaphore, #tpu.memory_space<semaphore_mem>>
        %dma_start3A_307 = arith.constant 0 : i32
        %dma_start3A_308 = tpu.memref_slice %arg13[%add3A_19, %dma_start3A_307] : memref<10112x128xf32, #tpu.memory_space<vmem_shared>> -> memref<120x128xf32, #tpu.memory_space<vmem_shared>>
        tpu.enqueue_dma source(%arg14 : memref<120x128xf32, #tpu.memory_space<vmem_shared>>) target(%dma_start3A_308 : memref<120x128xf32, #tpu.memory_space<vmem_shared>>) target_semaphore(%run_scoped3A_306 : memref<!tpu.dma_semaphore, #tpu.memory_space<semaphore_mem>>)
        %dma_wait3A_309 = arith.constant 0 : i32
        %dma_wait3A_310 = tpu.memref_slice %arg13[%add3A_19, %dma_wait3A_309] : memref<10112x128xf32, #tpu.memory_space<vmem_shared>> -> memref<120x128xf32, #tpu.memory_space<vmem_shared>>
        tpu.wait_dma2 semaphore(%run_scoped3A_306 : memref<!tpu.dma_semaphore, #tpu.memory_space<semaphore_mem>>) src(%arg14 : memref<120x128xf32, #tpu.memory_space<vmem_shared>>) dst(%dma_wait3A_310 : memref<120x128xf32, #tpu.memory_space<vmem_shared>>)
        tpu.yield
      }) : () -> ()
      %add3A_20 = arith.constant 480 : i32
      %add3A_21 = arith.addi %mul3A_12, %add3A_20 : i32
      "tpu.region"() ({
        %run_scoped3A_306 = tpu.sem_alloc : memref<!tpu.dma_semaphore, #tpu.memory_space<semaphore_mem>>
        %dma_start3A_307 = arith.constant 0 : i32
        %dma_start3A_308 = tpu.memref_slice %arg13[%add3A_21, %dma_start3A_307] : memref<10112x128xf32, #tpu.memory_space<vmem_shared>> -> memref<120x128xf32, #tpu.memory_space<vmem_shared>>
        tpu.enqueue_dma source(%arg14 : memref<120x128xf32, #tpu.memory_space<vmem_shared>>) target(%dma_start3A_308 : memref<120x128xf32, #tpu.memory_space<vmem_shared>>) target_semaphore(%run_scoped3A_306 : memref<!tpu.dma_semaphore, #tpu.memory_space<semaphore_mem>>)
        %dma_wait3A_309 = arith.constant 0 : i32
        %dma_wait3A_310 = tpu.memref_slice %arg13[%add3A_21, %dma_wait3A_309] : memref<10112x128xf32, #tpu.memory_space<vmem_shared>> -> memref<120x128xf32, #tpu.memory_space<vmem_shared>>
        tpu.wait_dma2 semaphore(%run_scoped3A_306 : memref<!tpu.dma_semaphore, #tpu.memory_space<semaphore_mem>>) src(%arg14 : memref<120x128xf32, #tpu.memory_space<vmem_shared>>) dst(%dma_wait3A_310 : memref<120x128xf32, #tpu.memory_space<vmem_shared>>)
        tpu.yield
      }) : () -> ()
      %add3A_22 = arith.constant 600 : i32
      %add3A_23 = arith.addi %mul3A_12, %add3A_22 : i32
      "tpu.region"() ({
        %run_scoped3A_306 = tpu.sem_alloc : memref<!tpu.dma_semaphore, #tpu.memory_space<semaphore_mem>>
        %dma_start3A_307 = arith.constant 0 : i32
        %dma_start3A_308 = tpu.memref_slice %arg13[%add3A_23, %dma_start3A_307] : memref<10112x128xf32, #tpu.memory_space<vmem_shared>> -> memref<32x128xf32, #tpu.memory_space<vmem_shared>>
        %dma_start3A_309 = arith.constant 0 : i32
        %dma_start3A_310 = arith.constant 0 : i32
        %dma_start3A_311 = tpu.memref_slice %arg14[%dma_start3A_309, %dma_start3A_310] : memref<120x128xf32, #tpu.memory_space<vmem_shared>> -> memref<32x128xf32, #tpu.memory_space<vmem_shared>>
        tpu.enqueue_dma source(%dma_start3A_311 : memref<32x128xf32, #tpu.memory_space<vmem_shared>>) target(%dma_start3A_308 : memref<32x128xf32, #tpu.memory_space<vmem_shared>>) target_semaphore(%run_scoped3A_306 : memref<!tpu.dma_semaphore, #tpu.memory_space<semaphore_mem>>)
        %dma_wait3A_312 = arith.constant 0 : i32
        %dma_wait3A_313 = tpu.memref_slice %arg13[%add3A_23, %dma_wait3A_312] : memref<10112x128xf32, #tpu.memory_space<vmem_shared>> -> memref<32x128xf32, #tpu.memory_space<vmem_shared>>
        %dma_wait3A_314 = arith.constant 0 : i32
        %dma_wait3A_315 = arith.constant 0 : i32
        %dma_wait3A_316 = tpu.memref_slice %arg14[%dma_wait3A_314, %dma_wait3A_315] : memref<120x128xf32, #tpu.memory_space<vmem_shared>> -> memref<32x128xf32, #tpu.memory_space<vmem_shared>>
        tpu.wait_dma2 semaphore(%run_scoped3A_306 : memref<!tpu.dma_semaphore, #tpu.memory_space<semaphore_mem>>) src(%dma_wait3A_316 : memref<32x128xf32, #tpu.memory_space<vmem_shared>>) dst(%dma_wait3A_313 : memref<32x128xf32, #tpu.memory_space<vmem_shared>>)
        tpu.yield
      }) : () -> ()
      %barrier3A_24 = arith.constant 0 : index
      tpu.barrier barrier_id(%barrier3A_24)
      %dma_start3A = arith.constant 0 : i32
      %dma_start3A_25 = arith.constant 0 : i32
      %dma_start3A_26 = arith.constant 0 : i32
      %dma_start3A_27 = arith.constant 0 : i32
      %dma_start3A_28 = tpu.memref_slice %arg12[%dma_start3A_25, %dma_start3A_26, %dma_start3A_27] : memref<2x128x128xf32, #tpu.memory_space<vmem>> -> memref<1x128x128xf32, #tpu.memory_space<vmem>>
      %dma_start3A_29 = tpu.memref_squeeze %dma_start3A_28 : memref<1x128x128xf32, #tpu.memory_space<vmem>> -> memref<128x128xf32, #tpu.memory_space<vmem>>
      %dma_start3A_30 = arith.constant 0 : i32
      %dma_start3A_31 = tpu.memref_slice %arg10[%dma_start3A, %dma_start3A_30] : memref<64x128xi32, #tpu.memory_space<vmem>> -> memref<1x128xi32, #tpu.memory_space<vmem>>
      %dma_start3A_32 = tpu.memref_squeeze %dma_start3A_31 : memref<1x128xi32, #tpu.memory_space<vmem>> -> memref<128xi32, #tpu.memory_space<vmem>>
      %dma_start3A_33 = arith.constant 0 : i32
      %dma_start3A_34 = arith.constant 0 : i32
      %dma_start3A_35 = tpu.memref_slice %arg5[%dma_start3A_33, %dma_start3A_34] : memref<10000x128xf32, #tpu.memory_space<hbm>> -> memref<10000x128xf32, #tpu.memory_space<hbm>>
      tpu.enqueue_indirect_dma source(%dma_start3A_35 : memref<10000x128xf32, #tpu.memory_space<hbm>>) target(%dma_start3A_29 : memref<128x128xf32, #tpu.memory_space<vmem>>) offsets(%dma_start3A_32 : memref<128xi32, #tpu.memory_space<vmem>>) semaphore(%arg15 : memref<!tpu.dma_semaphore, #tpu.memory_space<semaphore_mem>>)
      %dma_start3A_36 = arith.constant 1 : i32
      %dma_start3A_37 = arith.constant 1 : i32
      %dma_start3A_38 = arith.constant 0 : i32
      %dma_start3A_39 = arith.constant 0 : i32
      %dma_start3A_40 = tpu.memref_slice %arg12[%dma_start3A_37, %dma_start3A_38, %dma_start3A_39] : memref<2x128x128xf32, #tpu.memory_space<vmem>> -> memref<1x128x128xf32, #tpu.memory_space<vmem>>
      %dma_start3A_41 = tpu.memref_squeeze %dma_start3A_40 : memref<1x128x128xf32, #tpu.memory_space<vmem>> -> memref<128x128xf32, #tpu.memory_space<vmem>>
      %dma_start3A_42 = arith.constant 0 : i32
      %dma_start3A_43 = tpu.memref_slice %arg10[%dma_start3A_36, %dma_start3A_42] : memref<64x128xi32, #tpu.memory_space<vmem>> -> memref<1x128xi32, #tpu.memory_space<vmem>>
      %dma_start3A_44 = tpu.memref_squeeze %dma_start3A_43 : memref<1x128xi32, #tpu.memory_space<vmem>> -> memref<128xi32, #tpu.memory_space<vmem>>
      %dma_start3A_45 = arith.constant 0 : i32
      %dma_start3A_46 = arith.constant 0 : i32
      %dma_start3A_47 = tpu.memref_slice %arg5[%dma_start3A_45, %dma_start3A_46] : memref<10000x128xf32, #tpu.memory_space<hbm>> -> memref<10000x128xf32, #tpu.memory_space<hbm>>
      tpu.enqueue_indirect_dma source(%dma_start3A_47 : memref<10000x128xf32, #tpu.memory_space<hbm>>) target(%dma_start3A_41 : memref<128x128xf32, #tpu.memory_space<vmem>>) offsets(%dma_start3A_44 : memref<128xi32, #tpu.memory_space<vmem>>) semaphore(%arg15 : memref<!tpu.dma_semaphore, #tpu.memory_space<semaphore_mem>>)
      %scan3A = arith.constant 0 : i32
      %scan3A_48 = arith.constant 0 : i32
      %scan3A_49 = arith.constant 64 : i32
      %scan3A_50 = arith.addi %scan3A_48, %scan3A_49 : i32
      %scan3A_51 = arith.constant 1 : i32
      scf.for %scan3A_306 = %scan3A_48 to %scan3A_50 step %scan3A_51  : i32 {
        %and3A = arith.constant 1 : i32
        %and3A_307 = arith.andi %scan3A_306, %and3A : i32
        %dma_wait3A_308 = arith.constant 0 : i32
        %dma_wait3A_309 = arith.constant 0 : i32
        %dma_wait3A_310 = tpu.memref_slice %arg12[%and3A_307, %dma_wait3A_308, %dma_wait3A_309] : memref<2x128x128xf32, #tpu.memory_space<vmem>> -> memref<1x128x128xf32, #tpu.memory_space<vmem>>
        %dma_wait3A_311 = tpu.memref_squeeze %dma_wait3A_310 : memref<1x128x128xf32, #tpu.memory_space<vmem>> -> memref<128x128xf32, #tpu.memory_space<vmem>>
        %dma_wait3A_312 = arith.constant 0 : i32
        %dma_wait3A_313 = tpu.memref_slice %arg10[%scan3A_306, %dma_wait3A_312] : memref<64x128xi32, #tpu.memory_space<vmem>> -> memref<1x128xi32, #tpu.memory_space<vmem>>
        %dma_wait3A_314 = tpu.memref_squeeze %dma_wait3A_313 : memref<1x128xi32, #tpu.memory_space<vmem>> -> memref<128xi32, #tpu.memory_space<vmem>>
        %dma_wait3A_315 = arith.constant 0 : i32
        %dma_wait3A_316 = arith.constant 0 : i32
        %dma_wait3A_317 = tpu.memref_slice %arg5[%dma_wait3A_315, %dma_wait3A_316] : memref<10000x128xf32, #tpu.memory_space<hbm>> -> memref<10000x128xf32, #tpu.memory_space<hbm>>
        tpu.wait_indirect_dma semaphore(%arg15 : memref<!tpu.dma_semaphore, #tpu.memory_space<semaphore_mem>>) src(%dma_wait3A_317 : memref<10000x128xf32, #tpu.memory_space<hbm>>) dst(%dma_wait3A_311 : memref<128x128xf32, #tpu.memory_space<vmem>>)
        %dma_start3A_318 = arith.constant 0 : i32
        %dma_start3A_319 = arith.constant 0 : i32
        %dma_start3A_320 = tpu.memref_slice %arg12[%and3A_307, %dma_start3A_318, %dma_start3A_319] : memref<2x128x128xf32, #tpu.memory_space<vmem>> -> memref<1x128x128xf32, #tpu.memory_space<vmem>>
        %dma_start3A_321 = tpu.memref_squeeze %dma_start3A_320 : memref<1x128x128xf32, #tpu.memory_space<vmem>> -> memref<128x128xf32, #tpu.memory_space<vmem>>
        %dma_start3A_322 = arith.constant 0 : i32
        %dma_start3A_323 = tpu.memref_slice %arg11[%scan3A_306, %dma_start3A_322] : memref<64x128xi32, #tpu.memory_space<vmem>> -> memref<1x128xi32, #tpu.memory_space<vmem>>
        %dma_start3A_324 = tpu.memref_squeeze %dma_start3A_323 : memref<1x128xi32, #tpu.memory_space<vmem>> -> memref<128xi32, #tpu.memory_space<vmem>>
        %dma_start3A_325 = arith.constant 0 : i32
        %dma_start3A_326 = arith.constant 0 : i32
        %dma_start3A_327 = tpu.memref_slice %arg13[%dma_start3A_325, %dma_start3A_326] : memref<10112x128xf32, #tpu.memory_space<vmem_shared>> -> memref<10112x128xf32, #tpu.memory_space<vmem_shared>>
        tpu.enqueue_indirect_dma source(%dma_start3A_321 : memref<128x128xf32, #tpu.memory_space<vmem>>) target(%dma_start3A_327 : memref<10112x128xf32, #tpu.memory_space<vmem_shared>>) offsets(%dma_start3A_324 : memref<128xi32, #tpu.memory_space<vmem>>) semaphore(%arg16 : memref<!tpu.dma_semaphore, #tpu.memory_space<semaphore_mem>>) {add = true}
        %add3A_328 = arith.constant 2 : i32
        %add3A_329 = arith.addi %scan3A_306, %add3A_328 : i32
        %lt3A = arith.constant 64 : i32
        %lt3A_330 = arith.cmpi slt, %add3A_329, %lt3A : i32
        %convert_element_type3A_331 = arith.extui %lt3A_330 : i1 to i32
        %cond3A_332 = arith.constant 0 : i32
        %cond3A_333 = arith.cmpi ne, %convert_element_type3A_331, %cond3A_332 : i32
        scf.if %cond3A_333 {
          %dma_wait3A_334 = arith.constant 0 : i32
          %dma_wait3A_335 = arith.constant 0 : i32
          %dma_wait3A_336 = tpu.memref_slice %arg12[%and3A_307, %dma_wait3A_334, %dma_wait3A_335] : memref<2x128x128xf32, #tpu.memory_space<vmem>> -> memref<1x128x128xf32, #tpu.memory_space<vmem>>
          %dma_wait3A_337 = tpu.memref_squeeze %dma_wait3A_336 : memref<1x128x128xf32, #tpu.memory_space<vmem>> -> memref<128x128xf32, #tpu.memory_space<vmem>>
          %dma_wait3A_338 = arith.constant 0 : i32
          %dma_wait3A_339 = tpu.memref_slice %arg11[%scan3A_306, %dma_wait3A_338] : memref<64x128xi32, #tpu.memory_space<vmem>> -> memref<1x128xi32, #tpu.memory_space<vmem>>
          %dma_wait3A_340 = tpu.memref_squeeze %dma_wait3A_339 : memref<1x128xi32, #tpu.memory_space<vmem>> -> memref<128xi32, #tpu.memory_space<vmem>>
          %dma_wait3A_341 = arith.constant 0 : i32
          %dma_wait3A_342 = arith.constant 0 : i32
          %dma_wait3A_343 = tpu.memref_slice %arg13[%dma_wait3A_341, %dma_wait3A_342] : memref<10112x128xf32, #tpu.memory_space<vmem_shared>> -> memref<10112x128xf32, #tpu.memory_space<vmem_shared>>
          tpu.wait_indirect_dma semaphore(%arg16 : memref<!tpu.dma_semaphore, #tpu.memory_space<semaphore_mem>>) src(%dma_wait3A_337 : memref<128x128xf32, #tpu.memory_space<vmem>>) dst(%dma_wait3A_343 : memref<10112x128xf32, #tpu.memory_space<vmem_shared>>)
          %add3A_344 = arith.constant 2 : i32
          %add3A_345 = arith.addi %scan3A_306, %add3A_344 : i32
          %dma_start3A_346 = arith.constant 0 : i32
          %dma_start3A_347 = arith.constant 0 : i32
          %dma_start3A_348 = tpu.memref_slice %arg12[%and3A_307, %dma_start3A_346, %dma_start3A_347] : memref<2x128x128xf32, #tpu.memory_space<vmem>> -> memref<1x128x128xf32, #tpu.memory_space<vmem>>
          %dma_start3A_349 = tpu.memref_squeeze %dma_start3A_348 : memref<1x128x128xf32, #tpu.memory_space<vmem>> -> memref<128x128xf32, #tpu.memory_space<vmem>>
          %dma_start3A_350 = arith.constant 0 : i32
          %dma_start3A_351 = tpu.memref_slice %arg10[%add3A_345, %dma_start3A_350] : memref<64x128xi32, #tpu.memory_space<vmem>> -> memref<1x128xi32, #tpu.memory_space<vmem>>
          %dma_start3A_352 = tpu.memref_squeeze %dma_start3A_351 : memref<1x128xi32, #tpu.memory_space<vmem>> -> memref<128xi32, #tpu.memory_space<vmem>>
          %dma_start3A_353 = arith.constant 0 : i32
          %dma_start3A_354 = arith.constant 0 : i32
          %dma_start3A_355 = tpu.memref_slice %arg5[%dma_start3A_353, %dma_start3A_354] : memref<10000x128xf32, #tpu.memory_space<hbm>> -> memref<10000x128xf32, #tpu.memory_space<hbm>>
          tpu.enqueue_indirect_dma source(%dma_start3A_355 : memref<10000x128xf32, #tpu.memory_space<hbm>>) target(%dma_start3A_349 : memref<128x128xf32, #tpu.memory_space<vmem>>) offsets(%dma_start3A_352 : memref<128xi32, #tpu.memory_space<vmem>>) semaphore(%arg15 : memref<!tpu.dma_semaphore, #tpu.memory_space<semaphore_mem>>)
        } else {
        }
      }
      %scan3A_52 = arith.constant 64 : i32
      %dma_wait3A = arith.constant 0 : i32
      %dma_wait3A_53 = arith.constant 0 : i32
      %dma_wait3A_54 = arith.constant 0 : i32
      %dma_wait3A_55 = arith.constant 0 : i32
      %dma_wait3A_56 = tpu.memref_slice %arg12[%dma_wait3A, %dma_wait3A_54, %dma_wait3A_55] : memref<2x128x128xf32, #tpu.memory_space<vmem>> -> memref<1x128x128xf32, #tpu.memory_space<vmem>>
      %dma_wait3A_57 = tpu.memref_squeeze %dma_wait3A_56 : memref<1x128x128xf32, #tpu.memory_space<vmem>> -> memref<128x128xf32, #tpu.memory_space<vmem>>
      %dma_wait3A_58 = arith.constant 0 : i32
      %dma_wait3A_59 = tpu.memref_slice %arg11[%dma_wait3A_53, %dma_wait3A_58] : memref<64x128xi32, #tpu.memory_space<vmem>> -> memref<1x128xi32, #tpu.memory_space<vmem>>
      %dma_wait3A_60 = tpu.memref_squeeze %dma_wait3A_59 : memref<1x128xi32, #tpu.memory_space<vmem>> -> memref<128xi32, #tpu.memory_space<vmem>>
      %dma_wait3A_61 = arith.constant 0 : i32
      %dma_wait3A_62 = arith.constant 0 : i32
      %dma_wait3A_63 = tpu.memref_slice %arg13[%dma_wait3A_61, %dma_wait3A_62] : memref<10112x128xf32, #tpu.memory_space<vmem_shared>> -> memref<10112x128xf32, #tpu.memory_space<vmem_shared>>
      tpu.wait_indirect_dma semaphore(%arg16 : memref<!tpu.dma_semaphore, #tpu.memory_space<semaphore_mem>>) src(%dma_wait3A_57 : memref<128x128xf32, #tpu.memory_space<vmem>>) dst(%dma_wait3A_63 : memref<10112x128xf32, #tpu.memory_space<vmem_shared>>)
      %dma_wait3A_64 = arith.constant 1 : i32
      %dma_wait3A_65 = arith.constant 1 : i32
      %dma_wait3A_66 = arith.constant 0 : i32
      %dma_wait3A_67 = arith.constant 0 : i32
      %dma_wait3A_68 = tpu.memref_slice %arg12[%dma_wait3A_64, %dma_wait3A_66, %dma_wait3A_67] : memref<2x128x128xf32, #tpu.memory_space<vmem>> -> memref<1x128x128xf32, #tpu.memory_space<vmem>>
      %dma_wait3A_69 = tpu.memref_squeeze %dma_wait3A_68 : memref<1x128x128xf32, #tpu.memory_space<vmem>> -> memref<128x128xf32, #tpu.memory_space<vmem>>
      %dma_wait3A_70 = arith.constant 0 : i32
      %dma_wait3A_71 = tpu.memref_slice %arg11[%dma_wait3A_65, %dma_wait3A_70] : memref<64x128xi32, #tpu.memory_space<vmem>> -> memref<1x128xi32, #tpu.memory_space<vmem>>
      %dma_wait3A_72 = tpu.memref_squeeze %dma_wait3A_71 : memref<1x128xi32, #tpu.memory_space<vmem>> -> memref<128xi32, #tpu.memory_space<vmem>>
      %dma_wait3A_73 = arith.constant 0 : i32
      %dma_wait3A_74 = arith.constant 0 : i32
      %dma_wait3A_75 = tpu.memref_slice %arg13[%dma_wait3A_73, %dma_wait3A_74] : memref<10112x128xf32, #tpu.memory_space<vmem_shared>> -> memref<10112x128xf32, #tpu.memory_space<vmem_shared>>
      tpu.wait_indirect_dma semaphore(%arg16 : memref<!tpu.dma_semaphore, #tpu.memory_space<semaphore_mem>>) src(%dma_wait3A_69 : memref<128x128xf32, #tpu.memory_space<vmem>>) dst(%dma_wait3A_75 : memref<10112x128xf32, #tpu.memory_space<vmem_shared>>)
      %barrier3A_76 = arith.constant 0 : index
      tpu.barrier barrier_id(%barrier3A_76)
      %mul3A_77 = arith.constant 632 : i32
      %mul3A_78 = arith.muli %arg1, %mul3A_77 : i32
      %mul3A_79 = arith.constant 632 : i32
      %mul3A_80 = arith.muli %arg1, %mul3A_79 : i32
      %run_scoped3A = arith.constant 0 : i32
      "tpu.region"() ({
        %run_scoped3A_306 = tpu.sem_alloc : memref<!tpu.dma_semaphore, #tpu.memory_space<semaphore_mem>>
        %dma_start3A_307 = arith.constant 0 : i32
        %dma_start3A_308 = tpu.memref_slice %arg9[%run_scoped3A, %arg0, %mul3A_80, %dma_start3A_307] : memref<4x2x10112x128xf32, #tpu.memory_space<hbm>> -> memref<1x1x632x128xf32, #tpu.memory_space<hbm>>
        %dma_start3A_309 = tpu.memref_squeeze %dma_start3A_308 : memref<1x1x632x128xf32, #tpu.memory_space<hbm>> -> memref<632x128xf32, #tpu.memory_space<hbm>>
        %dma_start3A_310 = arith.constant 0 : i32
        %dma_start3A_311 = tpu.memref_slice %arg13[%mul3A_78, %dma_start3A_310] : memref<10112x128xf32, #tpu.memory_space<vmem_shared>> -> memref<632x128xf32, #tpu.memory_space<vmem_shared>>
        tpu.enqueue_dma source(%dma_start3A_311 : memref<632x128xf32, #tpu.memory_space<vmem_shared>>) target(%dma_start3A_309 : memref<632x128xf32, #tpu.memory_space<hbm>>) target_semaphore(%run_scoped3A_306 : memref<!tpu.dma_semaphore, #tpu.memory_space<semaphore_mem>>)
        %dma_wait3A_312 = arith.constant 0 : i32
        %dma_wait3A_313 = tpu.memref_slice %arg9[%run_scoped3A, %arg0, %mul3A_80, %dma_wait3A_312] : memref<4x2x10112x128xf32, #tpu.memory_space<hbm>> -> memref<1x1x632x128xf32, #tpu.memory_space<hbm>>
        %dma_wait3A_314 = tpu.memref_squeeze %dma_wait3A_313 : memref<1x1x632x128xf32, #tpu.memory_space<hbm>> -> memref<632x128xf32, #tpu.memory_space<hbm>>
        %dma_wait3A_315 = arith.constant 0 : i32
        %dma_wait3A_316 = tpu.memref_slice %arg13[%mul3A_78, %dma_wait3A_315] : memref<10112x128xf32, #tpu.memory_space<vmem_shared>> -> memref<632x128xf32, #tpu.memory_space<vmem_shared>>
        tpu.wait_dma2 semaphore(%run_scoped3A_306 : memref<!tpu.dma_semaphore, #tpu.memory_space<semaphore_mem>>) src(%dma_wait3A_316 : memref<632x128xf32, #tpu.memory_space<vmem_shared>>) dst(%dma_wait3A_314 : memref<632x128xf32, #tpu.memory_space<hbm>>)
        tpu.yield
      }) : () -> ()
      %mul3A_81 = arith.constant 632 : i32
      %mul3A_82 = arith.muli %arg1, %mul3A_81 : i32
      %add3A_83 = arith.constant 0 : i32
      %add3A_84 = arith.addi %mul3A_82, %add3A_83 : i32
      "tpu.region"() ({
        %run_scoped3A_306 = tpu.sem_alloc : memref<!tpu.dma_semaphore, #tpu.memory_space<semaphore_mem>>
        %dma_start3A_307 = arith.constant 0 : i32
        %dma_start3A_308 = tpu.memref_slice %arg13[%add3A_84, %dma_start3A_307] : memref<10112x128xf32, #tpu.memory_space<vmem_shared>> -> memref<120x128xf32, #tpu.memory_space<vmem_shared>>
        tpu.enqueue_dma source(%arg14 : memref<120x128xf32, #tpu.memory_space<vmem_shared>>) target(%dma_start3A_308 : memref<120x128xf32, #tpu.memory_space<vmem_shared>>) target_semaphore(%run_scoped3A_306 : memref<!tpu.dma_semaphore, #tpu.memory_space<semaphore_mem>>)
        %dma_wait3A_309 = arith.constant 0 : i32
        %dma_wait3A_310 = tpu.memref_slice %arg13[%add3A_84, %dma_wait3A_309] : memref<10112x128xf32, #tpu.memory_space<vmem_shared>> -> memref<120x128xf32, #tpu.memory_space<vmem_shared>>
        tpu.wait_dma2 semaphore(%run_scoped3A_306 : memref<!tpu.dma_semaphore, #tpu.memory_space<semaphore_mem>>) src(%arg14 : memref<120x128xf32, #tpu.memory_space<vmem_shared>>) dst(%dma_wait3A_310 : memref<120x128xf32, #tpu.memory_space<vmem_shared>>)
        tpu.yield
      }) : () -> ()
      %add3A_85 = arith.constant 120 : i32
      %add3A_86 = arith.addi %mul3A_82, %add3A_85 : i32
      "tpu.region"() ({
        %run_scoped3A_306 = tpu.sem_alloc : memref<!tpu.dma_semaphore, #tpu.memory_space<semaphore_mem>>
        %dma_start3A_307 = arith.constant 0 : i32
        %dma_start3A_308 = tpu.memref_slice %arg13[%add3A_86, %dma_start3A_307] : memref<10112x128xf32, #tpu.memory_space<vmem_shared>> -> memref<120x128xf32, #tpu.memory_space<vmem_shared>>
        tpu.enqueue_dma source(%arg14 : memref<120x128xf32, #tpu.memory_space<vmem_shared>>) target(%dma_start3A_308 : memref<120x128xf32, #tpu.memory_space<vmem_shared>>) target_semaphore(%run_scoped3A_306 : memref<!tpu.dma_semaphore, #tpu.memory_space<semaphore_mem>>)
        %dma_wait3A_309 = arith.constant 0 : i32
        %dma_wait3A_310 = tpu.memref_slice %arg13[%add3A_86, %dma_wait3A_309] : memref<10112x128xf32, #tpu.memory_space<vmem_shared>> -> memref<120x128xf32, #tpu.memory_space<vmem_shared>>
        tpu.wait_dma2 semaphore(%run_scoped3A_306 : memref<!tpu.dma_semaphore, #tpu.memory_space<semaphore_mem>>) src(%arg14 : memref<120x128xf32, #tpu.memory_space<vmem_shared>>) dst(%dma_wait3A_310 : memref<120x128xf32, #tpu.memory_space<vmem_shared>>)
        tpu.yield
      }) : () -> ()
      %add3A_87 = arith.constant 240 : i32
      %add3A_88 = arith.addi %mul3A_82, %add3A_87 : i32
      "tpu.region"() ({
        %run_scoped3A_306 = tpu.sem_alloc : memref<!tpu.dma_semaphore, #tpu.memory_space<semaphore_mem>>
        %dma_start3A_307 = arith.constant 0 : i32
        %dma_start3A_308 = tpu.memref_slice %arg13[%add3A_88, %dma_start3A_307] : memref<10112x128xf32, #tpu.memory_space<vmem_shared>> -> memref<120x128xf32, #tpu.memory_space<vmem_shared>>
        tpu.enqueue_dma source(%arg14 : memref<120x128xf32, #tpu.memory_space<vmem_shared>>) target(%dma_start3A_308 : memref<120x128xf32, #tpu.memory_space<vmem_shared>>) target_semaphore(%run_scoped3A_306 : memref<!tpu.dma_semaphore, #tpu.memory_space<semaphore_mem>>)
        %dma_wait3A_309 = arith.constant 0 : i32
        %dma_wait3A_310 = tpu.memref_slice %arg13[%add3A_88, %dma_wait3A_309] : memref<10112x128xf32, #tpu.memory_space<vmem_shared>> -> memref<120x128xf32, #tpu.memory_space<vmem_shared>>
        tpu.wait_dma2 semaphore(%run_scoped3A_306 : memref<!tpu.dma_semaphore, #tpu.memory_space<semaphore_mem>>) src(%arg14 : memref<120x128xf32, #tpu.memory_space<vmem_shared>>) dst(%dma_wait3A_310 : memref<120x128xf32, #tpu.memory_space<vmem_shared>>)
        tpu.yield
      }) : () -> ()
      %add3A_89 = arith.constant 360 : i32
      %add3A_90 = arith.addi %mul3A_82, %add3A_89 : i32
      "tpu.region"() ({
        %run_scoped3A_306 = tpu.sem_alloc : memref<!tpu.dma_semaphore, #tpu.memory_space<semaphore_mem>>
        %dma_start3A_307 = arith.constant 0 : i32
        %dma_start3A_308 = tpu.memref_slice %arg13[%add3A_90, %dma_start3A_307] : memref<10112x128xf32, #tpu.memory_space<vmem_shared>> -> memref<120x128xf32, #tpu.memory_space<vmem_shared>>
        tpu.enqueue_dma source(%arg14 : memref<120x128xf32, #tpu.memory_space<vmem_shared>>) target(%dma_start3A_308 : memref<120x128xf32, #tpu.memory_space<vmem_shared>>) target_semaphore(%run_scoped3A_306 : memref<!tpu.dma_semaphore, #tpu.memory_space<semaphore_mem>>)
        %dma_wait3A_309 = arith.constant 0 : i32
        %dma_wait3A_310 = tpu.memref_slice %arg13[%add3A_90, %dma_wait3A_309] : memref<10112x128xf32, #tpu.memory_space<vmem_shared>> -> memref<120x128xf32, #tpu.memory_space<vmem_shared>>
        tpu.wait_dma2 semaphore(%run_scoped3A_306 : memref<!tpu.dma_semaphore, #tpu.memory_space<semaphore_mem>>) src(%arg14 : memref<120x128xf32, #tpu.memory_space<vmem_shared>>) dst(%dma_wait3A_310 : memref<120x128xf32, #tpu.memory_space<vmem_shared>>)
        tpu.yield
      }) : () -> ()
      %add3A_91 = arith.constant 480 : i32
      %add3A_92 = arith.addi %mul3A_82, %add3A_91 : i32
      "tpu.region"() ({
        %run_scoped3A_306 = tpu.sem_alloc : memref<!tpu.dma_semaphore, #tpu.memory_space<semaphore_mem>>
        %dma_start3A_307 = arith.constant 0 : i32
        %dma_start3A_308 = tpu.memref_slice %arg13[%add3A_92, %dma_start3A_307] : memref<10112x128xf32, #tpu.memory_space<vmem_shared>> -> memref<120x128xf32, #tpu.memory_space<vmem_shared>>
        tpu.enqueue_dma source(%arg14 : memref<120x128xf32, #tpu.memory_space<vmem_shared>>) target(%dma_start3A_308 : memref<120x128xf32, #tpu.memory_space<vmem_shared>>) target_semaphore(%run_scoped3A_306 : memref<!tpu.dma_semaphore, #tpu.memory_space<semaphore_mem>>)
        %dma_wait3A_309 = arith.constant 0 : i32
        %dma_wait3A_310 = tpu.memref_slice %arg13[%add3A_92, %dma_wait3A_309] : memref<10112x128xf32, #tpu.memory_space<vmem_shared>> -> memref<120x128xf32, #tpu.memory_space<vmem_shared>>
        tpu.wait_dma2 semaphore(%run_scoped3A_306 : memref<!tpu.dma_semaphore, #tpu.memory_space<semaphore_mem>>) src(%arg14 : memref<120x128xf32, #tpu.memory_space<vmem_shared>>) dst(%dma_wait3A_310 : memref<120x128xf32, #tpu.memory_space<vmem_shared>>)
        tpu.yield
      }) : () -> ()
      %add3A_93 = arith.constant 600 : i32
      %add3A_94 = arith.addi %mul3A_82, %add3A_93 : i32
      "tpu.region"() ({
        %run_scoped3A_306 = tpu.sem_alloc : memref<!tpu.dma_semaphore, #tpu.memory_space<semaphore_mem>>
        %dma_start3A_307 = arith.constant 0 : i32
        %dma_start3A_308 = tpu.memref_slice %arg13[%add3A_94, %dma_start3A_307] : memref<10112x128xf32, #tpu.memory_space<vmem_shared>> -> memref<32x128xf32, #tpu.memory_space<vmem_shared>>
        %dma_start3A_309 = arith.constant 0 : i32
        %dma_start3A_310 = arith.constant 0 : i32
        %dma_start3A_311 = tpu.memref_slice %arg14[%dma_start3A_309, %dma_start3A_310] : memref<120x128xf32, #tpu.memory_space<vmem_shared>> -> memref<32x128xf32, #tpu.memory_space<vmem_shared>>
        tpu.enqueue_dma source(%dma_start3A_311 : memref<32x128xf32, #tpu.memory_space<vmem_shared>>) target(%dma_start3A_308 : memref<32x128xf32, #tpu.memory_space<vmem_shared>>) target_semaphore(%run_scoped3A_306 : memref<!tpu.dma_semaphore, #tpu.memory_space<semaphore_mem>>)
        %dma_wait3A_312 = arith.constant 0 : i32
        %dma_wait3A_313 = tpu.memref_slice %arg13[%add3A_94, %dma_wait3A_312] : memref<10112x128xf32, #tpu.memory_space<vmem_shared>> -> memref<32x128xf32, #tpu.memory_space<vmem_shared>>
        %dma_wait3A_314 = arith.constant 0 : i32
        %dma_wait3A_315 = arith.constant 0 : i32
        %dma_wait3A_316 = tpu.memref_slice %arg14[%dma_wait3A_314, %dma_wait3A_315] : memref<120x128xf32, #tpu.memory_space<vmem_shared>> -> memref<32x128xf32, #tpu.memory_space<vmem_shared>>
        tpu.wait_dma2 semaphore(%run_scoped3A_306 : memref<!tpu.dma_semaphore, #tpu.memory_space<semaphore_mem>>) src(%dma_wait3A_316 : memref<32x128xf32, #tpu.memory_space<vmem_shared>>) dst(%dma_wait3A_313 : memref<32x128xf32, #tpu.memory_space<vmem_shared>>)
        tpu.yield
      }) : () -> ()
      %barrier3A_95 = arith.constant 0 : index
      tpu.barrier barrier_id(%barrier3A_95)
      %dma_start3A_96 = arith.constant 0 : i32
      %dma_start3A_97 = arith.constant 0 : i32
      %dma_start3A_98 = arith.constant 0 : i32
      %dma_start3A_99 = arith.constant 0 : i32
      %dma_start3A_100 = tpu.memref_slice %arg12[%dma_start3A_97, %dma_start3A_98, %dma_start3A_99] : memref<2x128x128xf32, #tpu.memory_space<vmem>> -> memref<1x128x128xf32, #tpu.memory_space<vmem>>
      %dma_start3A_101 = tpu.memref_squeeze %dma_start3A_100 : memref<1x128x128xf32, #tpu.memory_space<vmem>> -> memref<128x128xf32, #tpu.memory_space<vmem>>
      %dma_start3A_102 = arith.constant 0 : i32
      %dma_start3A_103 = tpu.memref_slice %arg10[%dma_start3A_96, %dma_start3A_102] : memref<64x128xi32, #tpu.memory_space<vmem>> -> memref<1x128xi32, #tpu.memory_space<vmem>>
      %dma_start3A_104 = tpu.memref_squeeze %dma_start3A_103 : memref<1x128xi32, #tpu.memory_space<vmem>> -> memref<128xi32, #tpu.memory_space<vmem>>
      %dma_start3A_105 = arith.constant 0 : i32
      %dma_start3A_106 = arith.constant 0 : i32
      %dma_start3A_107 = tpu.memref_slice %arg6[%dma_start3A_105, %dma_start3A_106] : memref<10000x128xf32, #tpu.memory_space<hbm>> -> memref<10000x128xf32, #tpu.memory_space<hbm>>
      tpu.enqueue_indirect_dma source(%dma_start3A_107 : memref<10000x128xf32, #tpu.memory_space<hbm>>) target(%dma_start3A_101 : memref<128x128xf32, #tpu.memory_space<vmem>>) offsets(%dma_start3A_104 : memref<128xi32, #tpu.memory_space<vmem>>) semaphore(%arg15 : memref<!tpu.dma_semaphore, #tpu.memory_space<semaphore_mem>>)
      %dma_start3A_108 = arith.constant 1 : i32
      %dma_start3A_109 = arith.constant 1 : i32
      %dma_start3A_110 = arith.constant 0 : i32
      %dma_start3A_111 = arith.constant 0 : i32
      %dma_start3A_112 = tpu.memref_slice %arg12[%dma_start3A_109, %dma_start3A_110, %dma_start3A_111] : memref<2x128x128xf32, #tpu.memory_space<vmem>> -> memref<1x128x128xf32, #tpu.memory_space<vmem>>
      %dma_start3A_113 = tpu.memref_squeeze %dma_start3A_112 : memref<1x128x128xf32, #tpu.memory_space<vmem>> -> memref<128x128xf32, #tpu.memory_space<vmem>>
      %dma_start3A_114 = arith.constant 0 : i32
      %dma_start3A_115 = tpu.memref_slice %arg10[%dma_start3A_108, %dma_start3A_114] : memref<64x128xi32, #tpu.memory_space<vmem>> -> memref<1x128xi32, #tpu.memory_space<vmem>>
      %dma_start3A_116 = tpu.memref_squeeze %dma_start3A_115 : memref<1x128xi32, #tpu.memory_space<vmem>> -> memref<128xi32, #tpu.memory_space<vmem>>
      %dma_start3A_117 = arith.constant 0 : i32
      %dma_start3A_118 = arith.constant 0 : i32
      %dma_start3A_119 = tpu.memref_slice %arg6[%dma_start3A_117, %dma_start3A_118] : memref<10000x128xf32, #tpu.memory_space<hbm>> -> memref<10000x128xf32, #tpu.memory_space<hbm>>
      tpu.enqueue_indirect_dma source(%dma_start3A_119 : memref<10000x128xf32, #tpu.memory_space<hbm>>) target(%dma_start3A_113 : memref<128x128xf32, #tpu.memory_space<vmem>>) offsets(%dma_start3A_116 : memref<128xi32, #tpu.memory_space<vmem>>) semaphore(%arg15 : memref<!tpu.dma_semaphore, #tpu.memory_space<semaphore_mem>>)
      %scan3A_120 = arith.constant 0 : i32
      %scan3A_121 = arith.constant 0 : i32
      %scan3A_122 = arith.constant 64 : i32
      %scan3A_123 = arith.addi %scan3A_121, %scan3A_122 : i32
      %scan3A_124 = arith.constant 1 : i32
      scf.for %scan3A_306 = %scan3A_121 to %scan3A_123 step %scan3A_124  : i32 {
        %and3A = arith.constant 1 : i32
        %and3A_307 = arith.andi %scan3A_306, %and3A : i32
        %dma_wait3A_308 = arith.constant 0 : i32
        %dma_wait3A_309 = arith.constant 0 : i32
        %dma_wait3A_310 = tpu.memref_slice %arg12[%and3A_307, %dma_wait3A_308, %dma_wait3A_309] : memref<2x128x128xf32, #tpu.memory_space<vmem>> -> memref<1x128x128xf32, #tpu.memory_space<vmem>>
        %dma_wait3A_311 = tpu.memref_squeeze %dma_wait3A_310 : memref<1x128x128xf32, #tpu.memory_space<vmem>> -> memref<128x128xf32, #tpu.memory_space<vmem>>
        %dma_wait3A_312 = arith.constant 0 : i32
        %dma_wait3A_313 = tpu.memref_slice %arg10[%scan3A_306, %dma_wait3A_312] : memref<64x128xi32, #tpu.memory_space<vmem>> -> memref<1x128xi32, #tpu.memory_space<vmem>>
        %dma_wait3A_314 = tpu.memref_squeeze %dma_wait3A_313 : memref<1x128xi32, #tpu.memory_space<vmem>> -> memref<128xi32, #tpu.memory_space<vmem>>
        %dma_wait3A_315 = arith.constant 0 : i32
        %dma_wait3A_316 = arith.constant 0 : i32
        %dma_wait3A_317 = tpu.memref_slice %arg6[%dma_wait3A_315, %dma_wait3A_316] : memref<10000x128xf32, #tpu.memory_space<hbm>> -> memref<10000x128xf32, #tpu.memory_space<hbm>>
        tpu.wait_indirect_dma semaphore(%arg15 : memref<!tpu.dma_semaphore, #tpu.memory_space<semaphore_mem>>) src(%dma_wait3A_317 : memref<10000x128xf32, #tpu.memory_space<hbm>>) dst(%dma_wait3A_311 : memref<128x128xf32, #tpu.memory_space<vmem>>)
        %dma_start3A_318 = arith.constant 0 : i32
        %dma_start3A_319 = arith.constant 0 : i32
        %dma_start3A_320 = tpu.memref_slice %arg12[%and3A_307, %dma_start3A_318, %dma_start3A_319] : memref<2x128x128xf32, #tpu.memory_space<vmem>> -> memref<1x128x128xf32, #tpu.memory_space<vmem>>
        %dma_start3A_321 = tpu.memref_squeeze %dma_start3A_320 : memref<1x128x128xf32, #tpu.memory_space<vmem>> -> memref<128x128xf32, #tpu.memory_space<vmem>>
        %dma_start3A_322 = arith.constant 0 : i32
        %dma_start3A_323 = tpu.memref_slice %arg11[%scan3A_306, %dma_start3A_322] : memref<64x128xi32, #tpu.memory_space<vmem>> -> memref<1x128xi32, #tpu.memory_space<vmem>>
        %dma_start3A_324 = tpu.memref_squeeze %dma_start3A_323 : memref<1x128xi32, #tpu.memory_space<vmem>> -> memref<128xi32, #tpu.memory_space<vmem>>
        %dma_start3A_325 = arith.constant 0 : i32
        %dma_start3A_326 = arith.constant 0 : i32
        %dma_start3A_327 = tpu.memref_slice %arg13[%dma_start3A_325, %dma_start3A_326] : memref<10112x128xf32, #tpu.memory_space<vmem_shared>> -> memref<10112x128xf32, #tpu.memory_space<vmem_shared>>
        tpu.enqueue_indirect_dma source(%dma_start3A_321 : memref<128x128xf32, #tpu.memory_space<vmem>>) target(%dma_start3A_327 : memref<10112x128xf32, #tpu.memory_space<vmem_shared>>) offsets(%dma_start3A_324 : memref<128xi32, #tpu.memory_space<vmem>>) semaphore(%arg16 : memref<!tpu.dma_semaphore, #tpu.memory_space<semaphore_mem>>) {add = true}
        %add3A_328 = arith.constant 2 : i32
        %add3A_329 = arith.addi %scan3A_306, %add3A_328 : i32
        %lt3A = arith.constant 64 : i32
        %lt3A_330 = arith.cmpi slt, %add3A_329, %lt3A : i32
        %convert_element_type3A_331 = arith.extui %lt3A_330 : i1 to i32
        %cond3A_332 = arith.constant 0 : i32
        %cond3A_333 = arith.cmpi ne, %convert_element_type3A_331, %cond3A_332 : i32
        scf.if %cond3A_333 {
          %dma_wait3A_334 = arith.constant 0 : i32
          %dma_wait3A_335 = arith.constant 0 : i32
          %dma_wait3A_336 = tpu.memref_slice %arg12[%and3A_307, %dma_wait3A_334, %dma_wait3A_335] : memref<2x128x128xf32, #tpu.memory_space<vmem>> -> memref<1x128x128xf32, #tpu.memory_space<vmem>>
          %dma_wait3A_337 = tpu.memref_squeeze %dma_wait3A_336 : memref<1x128x128xf32, #tpu.memory_space<vmem>> -> memref<128x128xf32, #tpu.memory_space<vmem>>
          %dma_wait3A_338 = arith.constant 0 : i32
          %dma_wait3A_339 = tpu.memref_slice %arg11[%scan3A_306, %dma_wait3A_338] : memref<64x128xi32, #tpu.memory_space<vmem>> -> memref<1x128xi32, #tpu.memory_space<vmem>>
          %dma_wait3A_340 = tpu.memref_squeeze %dma_wait3A_339 : memref<1x128xi32, #tpu.memory_space<vmem>> -> memref<128xi32, #tpu.memory_space<vmem>>
          %dma_wait3A_341 = arith.constant 0 : i32
          %dma_wait3A_342 = arith.constant 0 : i32
          %dma_wait3A_343 = tpu.memref_slice %arg13[%dma_wait3A_341, %dma_wait3A_342] : memref<10112x128xf32, #tpu.memory_space<vmem_shared>> -> memref<10112x128xf32, #tpu.memory_space<vmem_shared>>
          tpu.wait_indirect_dma semaphore(%arg16 : memref<!tpu.dma_semaphore, #tpu.memory_space<semaphore_mem>>) src(%dma_wait3A_337 : memref<128x128xf32, #tpu.memory_space<vmem>>) dst(%dma_wait3A_343 : memref<10112x128xf32, #tpu.memory_space<vmem_shared>>)
          %add3A_344 = arith.constant 2 : i32
          %add3A_345 = arith.addi %scan3A_306, %add3A_344 : i32
          %dma_start3A_346 = arith.constant 0 : i32
          %dma_start3A_347 = arith.constant 0 : i32
          %dma_start3A_348 = tpu.memref_slice %arg12[%and3A_307, %dma_start3A_346, %dma_start3A_347] : memref<2x128x128xf32, #tpu.memory_space<vmem>> -> memref<1x128x128xf32, #tpu.memory_space<vmem>>
          %dma_start3A_349 = tpu.memref_squeeze %dma_start3A_348 : memref<1x128x128xf32, #tpu.memory_space<vmem>> -> memref<128x128xf32, #tpu.memory_space<vmem>>
          %dma_start3A_350 = arith.constant 0 : i32
          %dma_start3A_351 = tpu.memref_slice %arg10[%add3A_345, %dma_start3A_350] : memref<64x128xi32, #tpu.memory_space<vmem>> -> memref<1x128xi32, #tpu.memory_space<vmem>>
          %dma_start3A_352 = tpu.memref_squeeze %dma_start3A_351 : memref<1x128xi32, #tpu.memory_space<vmem>> -> memref<128xi32, #tpu.memory_space<vmem>>
          %dma_start3A_353 = arith.constant 0 : i32
          %dma_start3A_354 = arith.constant 0 : i32
          %dma_start3A_355 = tpu.memref_slice %arg6[%dma_start3A_353, %dma_start3A_354] : memref<10000x128xf32, #tpu.memory_space<hbm>> -> memref<10000x128xf32, #tpu.memory_space<hbm>>
          tpu.enqueue_indirect_dma source(%dma_start3A_355 : memref<10000x128xf32, #tpu.memory_space<hbm>>) target(%dma_start3A_349 : memref<128x128xf32, #tpu.memory_space<vmem>>) offsets(%dma_start3A_352 : memref<128xi32, #tpu.memory_space<vmem>>) semaphore(%arg15 : memref<!tpu.dma_semaphore, #tpu.memory_space<semaphore_mem>>)
        } else {
        }
      }
      %scan3A_125 = arith.constant 64 : i32
      %dma_wait3A_126 = arith.constant 0 : i32
      %dma_wait3A_127 = arith.constant 0 : i32
      %dma_wait3A_128 = arith.constant 0 : i32
      %dma_wait3A_129 = arith.constant 0 : i32
      %dma_wait3A_130 = tpu.memref_slice %arg12[%dma_wait3A_126, %dma_wait3A_128, %dma_wait3A_129] : memref<2x128x128xf32, #tpu.memory_space<vmem>> -> memref<1x128x128xf32, #tpu.memory_space<vmem>>
      %dma_wait3A_131 = tpu.memref_squeeze %dma_wait3A_130 : memref<1x128x128xf32, #tpu.memory_space<vmem>> -> memref<128x128xf32, #tpu.memory_space<vmem>>
      %dma_wait3A_132 = arith.constant 0 : i32
      %dma_wait3A_133 = tpu.memref_slice %arg11[%dma_wait3A_127, %dma_wait3A_132] : memref<64x128xi32, #tpu.memory_space<vmem>> -> memref<1x128xi32, #tpu.memory_space<vmem>>
      %dma_wait3A_134 = tpu.memref_squeeze %dma_wait3A_133 : memref<1x128xi32, #tpu.memory_space<vmem>> -> memref<128xi32, #tpu.memory_space<vmem>>
      %dma_wait3A_135 = arith.constant 0 : i32
      %dma_wait3A_136 = arith.constant 0 : i32
      %dma_wait3A_137 = tpu.memref_slice %arg13[%dma_wait3A_135, %dma_wait3A_136] : memref<10112x128xf32, #tpu.memory_space<vmem_shared>> -> memref<10112x128xf32, #tpu.memory_space<vmem_shared>>
      tpu.wait_indirect_dma semaphore(%arg16 : memref<!tpu.dma_semaphore, #tpu.memory_space<semaphore_mem>>) src(%dma_wait3A_131 : memref<128x128xf32, #tpu.memory_space<vmem>>) dst(%dma_wait3A_137 : memref<10112x128xf32, #tpu.memory_space<vmem_shared>>)
      %dma_wait3A_138 = arith.constant 1 : i32
      %dma_wait3A_139 = arith.constant 1 : i32
      %dma_wait3A_140 = arith.constant 0 : i32
      %dma_wait3A_141 = arith.constant 0 : i32
      %dma_wait3A_142 = tpu.memref_slice %arg12[%dma_wait3A_138, %dma_wait3A_140, %dma_wait3A_141] : memref<2x128x128xf32, #tpu.memory_space<vmem>> -> memref<1x128x128xf32, #tpu.memory_space<vmem>>
      %dma_wait3A_143 = tpu.memref_squeeze %dma_wait3A_142 : memref<1x128x128xf32, #tpu.memory_space<vmem>> -> memref<128x128xf32, #tpu.memory_space<vmem>>
      %dma_wait3A_144 = arith.constant 0 : i32
      %dma_wait3A_145 = tpu.memref_slice %arg11[%dma_wait3A_139, %dma_wait3A_144] : memref<64x128xi32, #tpu.memory_space<vmem>> -> memref<1x128xi32, #tpu.memory_space<vmem>>
      %dma_wait3A_146 = tpu.memref_squeeze %dma_wait3A_145 : memref<1x128xi32, #tpu.memory_space<vmem>> -> memref<128xi32, #tpu.memory_space<vmem>>
      %dma_wait3A_147 = arith.constant 0 : i32
      %dma_wait3A_148 = arith.constant 0 : i32
      %dma_wait3A_149 = tpu.memref_slice %arg13[%dma_wait3A_147, %dma_wait3A_148] : memref<10112x128xf32, #tpu.memory_space<vmem_shared>> -> memref<10112x128xf32, #tpu.memory_space<vmem_shared>>
      tpu.wait_indirect_dma semaphore(%arg16 : memref<!tpu.dma_semaphore, #tpu.memory_space<semaphore_mem>>) src(%dma_wait3A_143 : memref<128x128xf32, #tpu.memory_space<vmem>>) dst(%dma_wait3A_149 : memref<10112x128xf32, #tpu.memory_space<vmem_shared>>)
      %barrier3A_150 = arith.constant 0 : index
      tpu.barrier barrier_id(%barrier3A_150)
      %mul3A_151 = arith.constant 632 : i32
      %mul3A_152 = arith.muli %arg1, %mul3A_151 : i32
      %mul3A_153 = arith.constant 632 : i32
      %mul3A_154 = arith.muli %arg1, %mul3A_153 : i32
      %run_scoped3A_155 = arith.constant 1 : i32
      "tpu.region"() ({
        %run_scoped3A_306 = tpu.sem_alloc : memref<!tpu.dma_semaphore, #tpu.memory_space<semaphore_mem>>
        %dma_start3A_307 = arith.constant 0 : i32
        %dma_start3A_308 = tpu.memref_slice %arg9[%run_scoped3A_155, %arg0, %mul3A_154, %dma_start3A_307] : memref<4x2x10112x128xf32, #tpu.memory_space<hbm>> -> memref<1x1x632x128xf32, #tpu.memory_space<hbm>>
        %dma_start3A_309 = tpu.memref_squeeze %dma_start3A_308 : memref<1x1x632x128xf32, #tpu.memory_space<hbm>> -> memref<632x128xf32, #tpu.memory_space<hbm>>
        %dma_start3A_310 = arith.constant 0 : i32
        %dma_start3A_311 = tpu.memref_slice %arg13[%mul3A_152, %dma_start3A_310] : memref<10112x128xf32, #tpu.memory_space<vmem_shared>> -> memref<632x128xf32, #tpu.memory_space<vmem_shared>>
        tpu.enqueue_dma source(%dma_start3A_311 : memref<632x128xf32, #tpu.memory_space<vmem_shared>>) target(%dma_start3A_309 : memref<632x128xf32, #tpu.memory_space<hbm>>) target_semaphore(%run_scoped3A_306 : memref<!tpu.dma_semaphore, #tpu.memory_space<semaphore_mem>>)
        %dma_wait3A_312 = arith.constant 0 : i32
        %dma_wait3A_313 = tpu.memref_slice %arg9[%run_scoped3A_155, %arg0, %mul3A_154, %dma_wait3A_312] : memref<4x2x10112x128xf32, #tpu.memory_space<hbm>> -> memref<1x1x632x128xf32, #tpu.memory_space<hbm>>
        %dma_wait3A_314 = tpu.memref_squeeze %dma_wait3A_313 : memref<1x1x632x128xf32, #tpu.memory_space<hbm>> -> memref<632x128xf32, #tpu.memory_space<hbm>>
        %dma_wait3A_315 = arith.constant 0 : i32
        %dma_wait3A_316 = tpu.memref_slice %arg13[%mul3A_152, %dma_wait3A_315] : memref<10112x128xf32, #tpu.memory_space<vmem_shared>> -> memref<632x128xf32, #tpu.memory_space<vmem_shared>>
        tpu.wait_dma2 semaphore(%run_scoped3A_306 : memref<!tpu.dma_semaphore, #tpu.memory_space<semaphore_mem>>) src(%dma_wait3A_316 : memref<632x128xf32, #tpu.memory_space<vmem_shared>>) dst(%dma_wait3A_314 : memref<632x128xf32, #tpu.memory_space<hbm>>)
        tpu.yield
      }) : () -> ()
      %mul3A_156 = arith.constant 632 : i32
      %mul3A_157 = arith.muli %arg1, %mul3A_156 : i32
      %add3A_158 = arith.constant 0 : i32
      %add3A_159 = arith.addi %mul3A_157, %add3A_158 : i32
      "tpu.region"() ({
        %run_scoped3A_306 = tpu.sem_alloc : memref<!tpu.dma_semaphore, #tpu.memory_space<semaphore_mem>>
        %dma_start3A_307 = arith.constant 0 : i32
        %dma_start3A_308 = tpu.memref_slice %arg13[%add3A_159, %dma_start3A_307] : memref<10112x128xf32, #tpu.memory_space<vmem_shared>> -> memref<120x128xf32, #tpu.memory_space<vmem_shared>>
        tpu.enqueue_dma source(%arg14 : memref<120x128xf32, #tpu.memory_space<vmem_shared>>) target(%dma_start3A_308 : memref<120x128xf32, #tpu.memory_space<vmem_shared>>) target_semaphore(%run_scoped3A_306 : memref<!tpu.dma_semaphore, #tpu.memory_space<semaphore_mem>>)
        %dma_wait3A_309 = arith.constant 0 : i32
        %dma_wait3A_310 = tpu.memref_slice %arg13[%add3A_159, %dma_wait3A_309] : memref<10112x128xf32, #tpu.memory_space<vmem_shared>> -> memref<120x128xf32, #tpu.memory_space<vmem_shared>>
        tpu.wait_dma2 semaphore(%run_scoped3A_306 : memref<!tpu.dma_semaphore, #tpu.memory_space<semaphore_mem>>) src(%arg14 : memref<120x128xf32, #tpu.memory_space<vmem_shared>>) dst(%dma_wait3A_310 : memref<120x128xf32, #tpu.memory_space<vmem_shared>>)
        tpu.yield
      }) : () -> ()
      %add3A_160 = arith.constant 120 : i32
      %add3A_161 = arith.addi %mul3A_157, %add3A_160 : i32
      "tpu.region"() ({
        %run_scoped3A_306 = tpu.sem_alloc : memref<!tpu.dma_semaphore, #tpu.memory_space<semaphore_mem>>
        %dma_start3A_307 = arith.constant 0 : i32
        %dma_start3A_308 = tpu.memref_slice %arg13[%add3A_161, %dma_start3A_307] : memref<10112x128xf32, #tpu.memory_space<vmem_shared>> -> memref<120x128xf32, #tpu.memory_space<vmem_shared>>
        tpu.enqueue_dma source(%arg14 : memref<120x128xf32, #tpu.memory_space<vmem_shared>>) target(%dma_start3A_308 : memref<120x128xf32, #tpu.memory_space<vmem_shared>>) target_semaphore(%run_scoped3A_306 : memref<!tpu.dma_semaphore, #tpu.memory_space<semaphore_mem>>)
        %dma_wait3A_309 = arith.constant 0 : i32
        %dma_wait3A_310 = tpu.memref_slice %arg13[%add3A_161, %dma_wait3A_309] : memref<10112x128xf32, #tpu.memory_space<vmem_shared>> -> memref<120x128xf32, #tpu.memory_space<vmem_shared>>
        tpu.wait_dma2 semaphore(%run_scoped3A_306 : memref<!tpu.dma_semaphore, #tpu.memory_space<semaphore_mem>>) src(%arg14 : memref<120x128xf32, #tpu.memory_space<vmem_shared>>) dst(%dma_wait3A_310 : memref<120x128xf32, #tpu.memory_space<vmem_shared>>)
        tpu.yield
      }) : () -> ()
      %add3A_162 = arith.constant 240 : i32
      %add3A_163 = arith.addi %mul3A_157, %add3A_162 : i32
      "tpu.region"() ({
        %run_scoped3A_306 = tpu.sem_alloc : memref<!tpu.dma_semaphore, #tpu.memory_space<semaphore_mem>>
        %dma_start3A_307 = arith.constant 0 : i32
        %dma_start3A_308 = tpu.memref_slice %arg13[%add3A_163, %dma_start3A_307] : memref<10112x128xf32, #tpu.memory_space<vmem_shared>> -> memref<120x128xf32, #tpu.memory_space<vmem_shared>>
        tpu.enqueue_dma source(%arg14 : memref<120x128xf32, #tpu.memory_space<vmem_shared>>) target(%dma_start3A_308 : memref<120x128xf32, #tpu.memory_space<vmem_shared>>) target_semaphore(%run_scoped3A_306 : memref<!tpu.dma_semaphore, #tpu.memory_space<semaphore_mem>>)
        %dma_wait3A_309 = arith.constant 0 : i32
        %dma_wait3A_310 = tpu.memref_slice %arg13[%add3A_163, %dma_wait3A_309] : memref<10112x128xf32, #tpu.memory_space<vmem_shared>> -> memref<120x128xf32, #tpu.memory_space<vmem_shared>>
        tpu.wait_dma2 semaphore(%run_scoped3A_306 : memref<!tpu.dma_semaphore, #tpu.memory_space<semaphore_mem>>) src(%arg14 : memref<120x128xf32, #tpu.memory_space<vmem_shared>>) dst(%dma_wait3A_310 : memref<120x128xf32, #tpu.memory_space<vmem_shared>>)
        tpu.yield
      }) : () -> ()
      %add3A_164 = arith.constant 360 : i32
      %add3A_165 = arith.addi %mul3A_157, %add3A_164 : i32
      "tpu.region"() ({
        %run_scoped3A_306 = tpu.sem_alloc : memref<!tpu.dma_semaphore, #tpu.memory_space<semaphore_mem>>
        %dma_start3A_307 = arith.constant 0 : i32
        %dma_start3A_308 = tpu.memref_slice %arg13[%add3A_165, %dma_start3A_307] : memref<10112x128xf32, #tpu.memory_space<vmem_shared>> -> memref<120x128xf32, #tpu.memory_space<vmem_shared>>
        tpu.enqueue_dma source(%arg14 : memref<120x128xf32, #tpu.memory_space<vmem_shared>>) target(%dma_start3A_308 : memref<120x128xf32, #tpu.memory_space<vmem_shared>>) target_semaphore(%run_scoped3A_306 : memref<!tpu.dma_semaphore, #tpu.memory_space<semaphore_mem>>)
        %dma_wait3A_309 = arith.constant 0 : i32
        %dma_wait3A_310 = tpu.memref_slice %arg13[%add3A_165, %dma_wait3A_309] : memref<10112x128xf32, #tpu.memory_space<vmem_shared>> -> memref<120x128xf32, #tpu.memory_space<vmem_shared>>
        tpu.wait_dma2 semaphore(%run_scoped3A_306 : memref<!tpu.dma_semaphore, #tpu.memory_space<semaphore_mem>>) src(%arg14 : memref<120x128xf32, #tpu.memory_space<vmem_shared>>) dst(%dma_wait3A_310 : memref<120x128xf32, #tpu.memory_space<vmem_shared>>)
        tpu.yield
      }) : () -> ()
      %add3A_166 = arith.constant 480 : i32
      %add3A_167 = arith.addi %mul3A_157, %add3A_166 : i32
      "tpu.region"() ({
        %run_scoped3A_306 = tpu.sem_alloc : memref<!tpu.dma_semaphore, #tpu.memory_space<semaphore_mem>>
        %dma_start3A_307 = arith.constant 0 : i32
        %dma_start3A_308 = tpu.memref_slice %arg13[%add3A_167, %dma_start3A_307] : memref<10112x128xf32, #tpu.memory_space<vmem_shared>> -> memref<120x128xf32, #tpu.memory_space<vmem_shared>>
        tpu.enqueue_dma source(%arg14 : memref<120x128xf32, #tpu.memory_space<vmem_shared>>) target(%dma_start3A_308 : memref<120x128xf32, #tpu.memory_space<vmem_shared>>) target_semaphore(%run_scoped3A_306 : memref<!tpu.dma_semaphore, #tpu.memory_space<semaphore_mem>>)
        %dma_wait3A_309 = arith.constant 0 : i32
        %dma_wait3A_310 = tpu.memref_slice %arg13[%add3A_167, %dma_wait3A_309] : memref<10112x128xf32, #tpu.memory_space<vmem_shared>> -> memref<120x128xf32, #tpu.memory_space<vmem_shared>>
        tpu.wait_dma2 semaphore(%run_scoped3A_306 : memref<!tpu.dma_semaphore, #tpu.memory_space<semaphore_mem>>) src(%arg14 : memref<120x128xf32, #tpu.memory_space<vmem_shared>>) dst(%dma_wait3A_310 : memref<120x128xf32, #tpu.memory_space<vmem_shared>>)
        tpu.yield
      }) : () -> ()
      %add3A_168 = arith.constant 600 : i32
      %add3A_169 = arith.addi %mul3A_157, %add3A_168 : i32
      "tpu.region"() ({
        %run_scoped3A_306 = tpu.sem_alloc : memref<!tpu.dma_semaphore, #tpu.memory_space<semaphore_mem>>
        %dma_start3A_307 = arith.constant 0 : i32
        %dma_start3A_308 = tpu.memref_slice %arg13[%add3A_169, %dma_start3A_307] : memref<10112x128xf32, #tpu.memory_space<vmem_shared>> -> memref<32x128xf32, #tpu.memory_space<vmem_shared>>
        %dma_start3A_309 = arith.constant 0 : i32
        %dma_start3A_310 = arith.constant 0 : i32
        %dma_start3A_311 = tpu.memref_slice %arg14[%dma_start3A_309, %dma_start3A_310] : memref<120x128xf32, #tpu.memory_space<vmem_shared>> -> memref<32x128xf32, #tpu.memory_space<vmem_shared>>
        tpu.enqueue_dma source(%dma_start3A_311 : memref<32x128xf32, #tpu.memory_space<vmem_shared>>) target(%dma_start3A_308 : memref<32x128xf32, #tpu.memory_space<vmem_shared>>) target_semaphore(%run_scoped3A_306 : memref<!tpu.dma_semaphore, #tpu.memory_space<semaphore_mem>>)
        %dma_wait3A_312 = arith.constant 0 : i32
        %dma_wait3A_313 = tpu.memref_slice %arg13[%add3A_169, %dma_wait3A_312] : memref<10112x128xf32, #tpu.memory_space<vmem_shared>> -> memref<32x128xf32, #tpu.memory_space<vmem_shared>>
        %dma_wait3A_314 = arith.constant 0 : i32
        %dma_wait3A_315 = arith.constant 0 : i32
        %dma_wait3A_316 = tpu.memref_slice %arg14[%dma_wait3A_314, %dma_wait3A_315] : memref<120x128xf32, #tpu.memory_space<vmem_shared>> -> memref<32x128xf32, #tpu.memory_space<vmem_shared>>
        tpu.wait_dma2 semaphore(%run_scoped3A_306 : memref<!tpu.dma_semaphore, #tpu.memory_space<semaphore_mem>>) src(%dma_wait3A_316 : memref<32x128xf32, #tpu.memory_space<vmem_shared>>) dst(%dma_wait3A_313 : memref<32x128xf32, #tpu.memory_space<vmem_shared>>)
        tpu.yield
      }) : () -> ()
      %barrier3A_170 = arith.constant 0 : index
      tpu.barrier barrier_id(%barrier3A_170)
      %dma_start3A_171 = arith.constant 0 : i32
      %dma_start3A_172 = arith.constant 0 : i32
      %dma_start3A_173 = arith.constant 0 : i32
      %dma_start3A_174 = arith.constant 0 : i32
      %dma_start3A_175 = tpu.memref_slice %arg12[%dma_start3A_172, %dma_start3A_173, %dma_start3A_174] : memref<2x128x128xf32, #tpu.memory_space<vmem>> -> memref<1x128x128xf32, #tpu.memory_space<vmem>>
      %dma_start3A_176 = tpu.memref_squeeze %dma_start3A_175 : memref<1x128x128xf32, #tpu.memory_space<vmem>> -> memref<128x128xf32, #tpu.memory_space<vmem>>
      %dma_start3A_177 = arith.constant 0 : i32
      %dma_start3A_178 = tpu.memref_slice %arg10[%dma_start3A_171, %dma_start3A_177] : memref<64x128xi32, #tpu.memory_space<vmem>> -> memref<1x128xi32, #tpu.memory_space<vmem>>
      %dma_start3A_179 = tpu.memref_squeeze %dma_start3A_178 : memref<1x128xi32, #tpu.memory_space<vmem>> -> memref<128xi32, #tpu.memory_space<vmem>>
      %dma_start3A_180 = arith.constant 0 : i32
      %dma_start3A_181 = arith.constant 0 : i32
      %dma_start3A_182 = tpu.memref_slice %arg7[%dma_start3A_180, %dma_start3A_181] : memref<10000x128xf32, #tpu.memory_space<hbm>> -> memref<10000x128xf32, #tpu.memory_space<hbm>>
      tpu.enqueue_indirect_dma source(%dma_start3A_182 : memref<10000x128xf32, #tpu.memory_space<hbm>>) target(%dma_start3A_176 : memref<128x128xf32, #tpu.memory_space<vmem>>) offsets(%dma_start3A_179 : memref<128xi32, #tpu.memory_space<vmem>>) semaphore(%arg15 : memref<!tpu.dma_semaphore, #tpu.memory_space<semaphore_mem>>)
      %dma_start3A_183 = arith.constant 1 : i32
      %dma_start3A_184 = arith.constant 1 : i32
      %dma_start3A_185 = arith.constant 0 : i32
      %dma_start3A_186 = arith.constant 0 : i32
      %dma_start3A_187 = tpu.memref_slice %arg12[%dma_start3A_184, %dma_start3A_185, %dma_start3A_186] : memref<2x128x128xf32, #tpu.memory_space<vmem>> -> memref<1x128x128xf32, #tpu.memory_space<vmem>>
      %dma_start3A_188 = tpu.memref_squeeze %dma_start3A_187 : memref<1x128x128xf32, #tpu.memory_space<vmem>> -> memref<128x128xf32, #tpu.memory_space<vmem>>
      %dma_start3A_189 = arith.constant 0 : i32
      %dma_start3A_190 = tpu.memref_slice %arg10[%dma_start3A_183, %dma_start3A_189] : memref<64x128xi32, #tpu.memory_space<vmem>> -> memref<1x128xi32, #tpu.memory_space<vmem>>
      %dma_start3A_191 = tpu.memref_squeeze %dma_start3A_190 : memref<1x128xi32, #tpu.memory_space<vmem>> -> memref<128xi32, #tpu.memory_space<vmem>>
      %dma_start3A_192 = arith.constant 0 : i32
      %dma_start3A_193 = arith.constant 0 : i32
      %dma_start3A_194 = tpu.memref_slice %arg7[%dma_start3A_192, %dma_start3A_193] : memref<10000x128xf32, #tpu.memory_space<hbm>> -> memref<10000x128xf32, #tpu.memory_space<hbm>>
      tpu.enqueue_indirect_dma source(%dma_start3A_194 : memref<10000x128xf32, #tpu.memory_space<hbm>>) target(%dma_start3A_188 : memref<128x128xf32, #tpu.memory_space<vmem>>) offsets(%dma_start3A_191 : memref<128xi32, #tpu.memory_space<vmem>>) semaphore(%arg15 : memref<!tpu.dma_semaphore, #tpu.memory_space<semaphore_mem>>)
      %scan3A_195 = arith.constant 0 : i32
      %scan3A_196 = arith.constant 0 : i32
      %scan3A_197 = arith.constant 64 : i32
      %scan3A_198 = arith.addi %scan3A_196, %scan3A_197 : i32
      %scan3A_199 = arith.constant 1 : i32
      scf.for %scan3A_306 = %scan3A_196 to %scan3A_198 step %scan3A_199  : i32 {
        %and3A = arith.constant 1 : i32
        %and3A_307 = arith.andi %scan3A_306, %and3A : i32
        %dma_wait3A_308 = arith.constant 0 : i32
        %dma_wait3A_309 = arith.constant 0 : i32
        %dma_wait3A_310 = tpu.memref_slice %arg12[%and3A_307, %dma_wait3A_308, %dma_wait3A_309] : memref<2x128x128xf32, #tpu.memory_space<vmem>> -> memref<1x128x128xf32, #tpu.memory_space<vmem>>
        %dma_wait3A_311 = tpu.memref_squeeze %dma_wait3A_310 : memref<1x128x128xf32, #tpu.memory_space<vmem>> -> memref<128x128xf32, #tpu.memory_space<vmem>>
        %dma_wait3A_312 = arith.constant 0 : i32
        %dma_wait3A_313 = tpu.memref_slice %arg10[%scan3A_306, %dma_wait3A_312] : memref<64x128xi32, #tpu.memory_space<vmem>> -> memref<1x128xi32, #tpu.memory_space<vmem>>
        %dma_wait3A_314 = tpu.memref_squeeze %dma_wait3A_313 : memref<1x128xi32, #tpu.memory_space<vmem>> -> memref<128xi32, #tpu.memory_space<vmem>>
        %dma_wait3A_315 = arith.constant 0 : i32
        %dma_wait3A_316 = arith.constant 0 : i32
        %dma_wait3A_317 = tpu.memref_slice %arg7[%dma_wait3A_315, %dma_wait3A_316] : memref<10000x128xf32, #tpu.memory_space<hbm>> -> memref<10000x128xf32, #tpu.memory_space<hbm>>
        tpu.wait_indirect_dma semaphore(%arg15 : memref<!tpu.dma_semaphore, #tpu.memory_space<semaphore_mem>>) src(%dma_wait3A_317 : memref<10000x128xf32, #tpu.memory_space<hbm>>) dst(%dma_wait3A_311 : memref<128x128xf32, #tpu.memory_space<vmem>>)
        %dma_start3A_318 = arith.constant 0 : i32
        %dma_start3A_319 = arith.constant 0 : i32
        %dma_start3A_320 = tpu.memref_slice %arg12[%and3A_307, %dma_start3A_318, %dma_start3A_319] : memref<2x128x128xf32, #tpu.memory_space<vmem>> -> memref<1x128x128xf32, #tpu.memory_space<vmem>>
        %dma_start3A_321 = tpu.memref_squeeze %dma_start3A_320 : memref<1x128x128xf32, #tpu.memory_space<vmem>> -> memref<128x128xf32, #tpu.memory_space<vmem>>
        %dma_start3A_322 = arith.constant 0 : i32
        %dma_start3A_323 = tpu.memref_slice %arg11[%scan3A_306, %dma_start3A_322] : memref<64x128xi32, #tpu.memory_space<vmem>> -> memref<1x128xi32, #tpu.memory_space<vmem>>
        %dma_start3A_324 = tpu.memref_squeeze %dma_start3A_323 : memref<1x128xi32, #tpu.memory_space<vmem>> -> memref<128xi32, #tpu.memory_space<vmem>>
        %dma_start3A_325 = arith.constant 0 : i32
        %dma_start3A_326 = arith.constant 0 : i32
        %dma_start3A_327 = tpu.memref_slice %arg13[%dma_start3A_325, %dma_start3A_326] : memref<10112x128xf32, #tpu.memory_space<vmem_shared>> -> memref<10112x128xf32, #tpu.memory_space<vmem_shared>>
        tpu.enqueue_indirect_dma source(%dma_start3A_321 : memref<128x128xf32, #tpu.memory_space<vmem>>) target(%dma_start3A_327 : memref<10112x128xf32, #tpu.memory_space<vmem_shared>>) offsets(%dma_start3A_324 : memref<128xi32, #tpu.memory_space<vmem>>) semaphore(%arg16 : memref<!tpu.dma_semaphore, #tpu.memory_space<semaphore_mem>>) {add = true}
        %add3A_328 = arith.constant 2 : i32
        %add3A_329 = arith.addi %scan3A_306, %add3A_328 : i32
        %lt3A = arith.constant 64 : i32
        %lt3A_330 = arith.cmpi slt, %add3A_329, %lt3A : i32
        %convert_element_type3A_331 = arith.extui %lt3A_330 : i1 to i32
        %cond3A_332 = arith.constant 0 : i32
        %cond3A_333 = arith.cmpi ne, %convert_element_type3A_331, %cond3A_332 : i32
        scf.if %cond3A_333 {
          %dma_wait3A_334 = arith.constant 0 : i32
          %dma_wait3A_335 = arith.constant 0 : i32
          %dma_wait3A_336 = tpu.memref_slice %arg12[%and3A_307, %dma_wait3A_334, %dma_wait3A_335] : memref<2x128x128xf32, #tpu.memory_space<vmem>> -> memref<1x128x128xf32, #tpu.memory_space<vmem>>
          %dma_wait3A_337 = tpu.memref_squeeze %dma_wait3A_336 : memref<1x128x128xf32, #tpu.memory_space<vmem>> -> memref<128x128xf32, #tpu.memory_space<vmem>>
          %dma_wait3A_338 = arith.constant 0 : i32
          %dma_wait3A_339 = tpu.memref_slice %arg11[%scan3A_306, %dma_wait3A_338] : memref<64x128xi32, #tpu.memory_space<vmem>> -> memref<1x128xi32, #tpu.memory_space<vmem>>
          %dma_wait3A_340 = tpu.memref_squeeze %dma_wait3A_339 : memref<1x128xi32, #tpu.memory_space<vmem>> -> memref<128xi32, #tpu.memory_space<vmem>>
          %dma_wait3A_341 = arith.constant 0 : i32
          %dma_wait3A_342 = arith.constant 0 : i32
          %dma_wait3A_343 = tpu.memref_slice %arg13[%dma_wait3A_341, %dma_wait3A_342] : memref<10112x128xf32, #tpu.memory_space<vmem_shared>> -> memref<10112x128xf32, #tpu.memory_space<vmem_shared>>
          tpu.wait_indirect_dma semaphore(%arg16 : memref<!tpu.dma_semaphore, #tpu.memory_space<semaphore_mem>>) src(%dma_wait3A_337 : memref<128x128xf32, #tpu.memory_space<vmem>>) dst(%dma_wait3A_343 : memref<10112x128xf32, #tpu.memory_space<vmem_shared>>)
          %add3A_344 = arith.constant 2 : i32
          %add3A_345 = arith.addi %scan3A_306, %add3A_344 : i32
          %dma_start3A_346 = arith.constant 0 : i32
          %dma_start3A_347 = arith.constant 0 : i32
          %dma_start3A_348 = tpu.memref_slice %arg12[%and3A_307, %dma_start3A_346, %dma_start3A_347] : memref<2x128x128xf32, #tpu.memory_space<vmem>> -> memref<1x128x128xf32, #tpu.memory_space<vmem>>
          %dma_start3A_349 = tpu.memref_squeeze %dma_start3A_348 : memref<1x128x128xf32, #tpu.memory_space<vmem>> -> memref<128x128xf32, #tpu.memory_space<vmem>>
          %dma_start3A_350 = arith.constant 0 : i32
          %dma_start3A_351 = tpu.memref_slice %arg10[%add3A_345, %dma_start3A_350] : memref<64x128xi32, #tpu.memory_space<vmem>> -> memref<1x128xi32, #tpu.memory_space<vmem>>
          %dma_start3A_352 = tpu.memref_squeeze %dma_start3A_351 : memref<1x128xi32, #tpu.memory_space<vmem>> -> memref<128xi32, #tpu.memory_space<vmem>>
          %dma_start3A_353 = arith.constant 0 : i32
          %dma_start3A_354 = arith.constant 0 : i32
          %dma_start3A_355 = tpu.memref_slice %arg7[%dma_start3A_353, %dma_start3A_354] : memref<10000x128xf32, #tpu.memory_space<hbm>> -> memref<10000x128xf32, #tpu.memory_space<hbm>>
          tpu.enqueue_indirect_dma source(%dma_start3A_355 : memref<10000x128xf32, #tpu.memory_space<hbm>>) target(%dma_start3A_349 : memref<128x128xf32, #tpu.memory_space<vmem>>) offsets(%dma_start3A_352 : memref<128xi32, #tpu.memory_space<vmem>>) semaphore(%arg15 : memref<!tpu.dma_semaphore, #tpu.memory_space<semaphore_mem>>)
        } else {
        }
      }
      %scan3A_200 = arith.constant 64 : i32
      %dma_wait3A_201 = arith.constant 0 : i32
      %dma_wait3A_202 = arith.constant 0 : i32
      %dma_wait3A_203 = arith.constant 0 : i32
      %dma_wait3A_204 = arith.constant 0 : i32
      %dma_wait3A_205 = tpu.memref_slice %arg12[%dma_wait3A_201, %dma_wait3A_203, %dma_wait3A_204] : memref<2x128x128xf32, #tpu.memory_space<vmem>> -> memref<1x128x128xf32, #tpu.memory_space<vmem>>
      %dma_wait3A_206 = tpu.memref_squeeze %dma_wait3A_205 : memref<1x128x128xf32, #tpu.memory_space<vmem>> -> memref<128x128xf32, #tpu.memory_space<vmem>>
      %dma_wait3A_207 = arith.constant 0 : i32
      %dma_wait3A_208 = tpu.memref_slice %arg11[%dma_wait3A_202, %dma_wait3A_207] : memref<64x128xi32, #tpu.memory_space<vmem>> -> memref<1x128xi32, #tpu.memory_space<vmem>>
      %dma_wait3A_209 = tpu.memref_squeeze %dma_wait3A_208 : memref<1x128xi32, #tpu.memory_space<vmem>> -> memref<128xi32, #tpu.memory_space<vmem>>
      %dma_wait3A_210 = arith.constant 0 : i32
      %dma_wait3A_211 = arith.constant 0 : i32
      %dma_wait3A_212 = tpu.memref_slice %arg13[%dma_wait3A_210, %dma_wait3A_211] : memref<10112x128xf32, #tpu.memory_space<vmem_shared>> -> memref<10112x128xf32, #tpu.memory_space<vmem_shared>>
      tpu.wait_indirect_dma semaphore(%arg16 : memref<!tpu.dma_semaphore, #tpu.memory_space<semaphore_mem>>) src(%dma_wait3A_206 : memref<128x128xf32, #tpu.memory_space<vmem>>) dst(%dma_wait3A_212 : memref<10112x128xf32, #tpu.memory_space<vmem_shared>>)
      %dma_wait3A_213 = arith.constant 1 : i32
      %dma_wait3A_214 = arith.constant 1 : i32
      %dma_wait3A_215 = arith.constant 0 : i32
      %dma_wait3A_216 = arith.constant 0 : i32
      %dma_wait3A_217 = tpu.memref_slice %arg12[%dma_wait3A_213, %dma_wait3A_215, %dma_wait3A_216] : memref<2x128x128xf32, #tpu.memory_space<vmem>> -> memref<1x128x128xf32, #tpu.memory_space<vmem>>
      %dma_wait3A_218 = tpu.memref_squeeze %dma_wait3A_217 : memref<1x128x128xf32, #tpu.memory_space<vmem>> -> memref<128x128xf32, #tpu.memory_space<vmem>>
      %dma_wait3A_219 = arith.constant 0 : i32
      %dma_wait3A_220 = tpu.memref_slice %arg11[%dma_wait3A_214, %dma_wait3A_219] : memref<64x128xi32, #tpu.memory_space<vmem>> -> memref<1x128xi32, #tpu.memory_space<vmem>>
      %dma_wait3A_221 = tpu.memref_squeeze %dma_wait3A_220 : memref<1x128xi32, #tpu.memory_space<vmem>> -> memref<128xi32, #tpu.memory_space<vmem>>
      %dma_wait3A_222 = arith.constant 0 : i32
      %dma_wait3A_223 = arith.constant 0 : i32
      %dma_wait3A_224 = tpu.memref_slice %arg13[%dma_wait3A_222, %dma_wait3A_223] : memref<10112x128xf32, #tpu.memory_space<vmem_shared>> -> memref<10112x128xf32, #tpu.memory_space<vmem_shared>>
      tpu.wait_indirect_dma semaphore(%arg16 : memref<!tpu.dma_semaphore, #tpu.memory_space<semaphore_mem>>) src(%dma_wait3A_218 : memref<128x128xf32, #tpu.memory_space<vmem>>) dst(%dma_wait3A_224 : memref<10112x128xf32, #tpu.memory_space<vmem_shared>>)
      %barrier3A_225 = arith.constant 0 : index
      tpu.barrier barrier_id(%barrier3A_225)
      %mul3A_226 = arith.constant 632 : i32
      %mul3A_227 = arith.muli %arg1, %mul3A_226 : i32
      %mul3A_228 = arith.constant 632 : i32
      %mul3A_229 = arith.muli %arg1, %mul3A_228 : i32
      %run_scoped3A_230 = arith.constant 2 : i32
      "tpu.region"() ({
        %run_scoped3A_306 = tpu.sem_alloc : memref<!tpu.dma_semaphore, #tpu.memory_space<semaphore_mem>>
        %dma_start3A_307 = arith.constant 0 : i32
        %dma_start3A_308 = tpu.memref_slice %arg9[%run_scoped3A_230, %arg0, %mul3A_229, %dma_start3A_307] : memref<4x2x10112x128xf32, #tpu.memory_space<hbm>> -> memref<1x1x632x128xf32, #tpu.memory_space<hbm>>
        %dma_start3A_309 = tpu.memref_squeeze %dma_start3A_308 : memref<1x1x632x128xf32, #tpu.memory_space<hbm>> -> memref<632x128xf32, #tpu.memory_space<hbm>>
        %dma_start3A_310 = arith.constant 0 : i32
        %dma_start3A_311 = tpu.memref_slice %arg13[%mul3A_227, %dma_start3A_310] : memref<10112x128xf32, #tpu.memory_space<vmem_shared>> -> memref<632x128xf32, #tpu.memory_space<vmem_shared>>
        tpu.enqueue_dma source(%dma_start3A_311 : memref<632x128xf32, #tpu.memory_space<vmem_shared>>) target(%dma_start3A_309 : memref<632x128xf32, #tpu.memory_space<hbm>>) target_semaphore(%run_scoped3A_306 : memref<!tpu.dma_semaphore, #tpu.memory_space<semaphore_mem>>)
        %dma_wait3A_312 = arith.constant 0 : i32
        %dma_wait3A_313 = tpu.memref_slice %arg9[%run_scoped3A_230, %arg0, %mul3A_229, %dma_wait3A_312] : memref<4x2x10112x128xf32, #tpu.memory_space<hbm>> -> memref<1x1x632x128xf32, #tpu.memory_space<hbm>>
        %dma_wait3A_314 = tpu.memref_squeeze %dma_wait3A_313 : memref<1x1x632x128xf32, #tpu.memory_space<hbm>> -> memref<632x128xf32, #tpu.memory_space<hbm>>
        %dma_wait3A_315 = arith.constant 0 : i32
        %dma_wait3A_316 = tpu.memref_slice %arg13[%mul3A_227, %dma_wait3A_315] : memref<10112x128xf32, #tpu.memory_space<vmem_shared>> -> memref<632x128xf32, #tpu.memory_space<vmem_shared>>
        tpu.wait_dma2 semaphore(%run_scoped3A_306 : memref<!tpu.dma_semaphore, #tpu.memory_space<semaphore_mem>>) src(%dma_wait3A_316 : memref<632x128xf32, #tpu.memory_space<vmem_shared>>) dst(%dma_wait3A_314 : memref<632x128xf32, #tpu.memory_space<hbm>>)
        tpu.yield
      }) : () -> ()
      %mul3A_231 = arith.constant 632 : i32
      %mul3A_232 = arith.muli %arg1, %mul3A_231 : i32
      %add3A_233 = arith.constant 0 : i32
      %add3A_234 = arith.addi %mul3A_232, %add3A_233 : i32
      "tpu.region"() ({
        %run_scoped3A_306 = tpu.sem_alloc : memref<!tpu.dma_semaphore, #tpu.memory_space<semaphore_mem>>
        %dma_start3A_307 = arith.constant 0 : i32
        %dma_start3A_308 = tpu.memref_slice %arg13[%add3A_234, %dma_start3A_307] : memref<10112x128xf32, #tpu.memory_space<vmem_shared>> -> memref<120x128xf32, #tpu.memory_space<vmem_shared>>
        tpu.enqueue_dma source(%arg14 : memref<120x128xf32, #tpu.memory_space<vmem_shared>>) target(%dma_start3A_308 : memref<120x128xf32, #tpu.memory_space<vmem_shared>>) target_semaphore(%run_scoped3A_306 : memref<!tpu.dma_semaphore, #tpu.memory_space<semaphore_mem>>)
        %dma_wait3A_309 = arith.constant 0 : i32
        %dma_wait3A_310 = tpu.memref_slice %arg13[%add3A_234, %dma_wait3A_309] : memref<10112x128xf32, #tpu.memory_space<vmem_shared>> -> memref<120x128xf32, #tpu.memory_space<vmem_shared>>
        tpu.wait_dma2 semaphore(%run_scoped3A_306 : memref<!tpu.dma_semaphore, #tpu.memory_space<semaphore_mem>>) src(%arg14 : memref<120x128xf32, #tpu.memory_space<vmem_shared>>) dst(%dma_wait3A_310 : memref<120x128xf32, #tpu.memory_space<vmem_shared>>)
        tpu.yield
      }) : () -> ()
      %add3A_235 = arith.constant 120 : i32
      %add3A_236 = arith.addi %mul3A_232, %add3A_235 : i32
      "tpu.region"() ({
        %run_scoped3A_306 = tpu.sem_alloc : memref<!tpu.dma_semaphore, #tpu.memory_space<semaphore_mem>>
        %dma_start3A_307 = arith.constant 0 : i32
        %dma_start3A_308 = tpu.memref_slice %arg13[%add3A_236, %dma_start3A_307] : memref<10112x128xf32, #tpu.memory_space<vmem_shared>> -> memref<120x128xf32, #tpu.memory_space<vmem_shared>>
        tpu.enqueue_dma source(%arg14 : memref<120x128xf32, #tpu.memory_space<vmem_shared>>) target(%dma_start3A_308 : memref<120x128xf32, #tpu.memory_space<vmem_shared>>) target_semaphore(%run_scoped3A_306 : memref<!tpu.dma_semaphore, #tpu.memory_space<semaphore_mem>>)
        %dma_wait3A_309 = arith.constant 0 : i32
        %dma_wait3A_310 = tpu.memref_slice %arg13[%add3A_236, %dma_wait3A_309] : memref<10112x128xf32, #tpu.memory_space<vmem_shared>> -> memref<120x128xf32, #tpu.memory_space<vmem_shared>>
        tpu.wait_dma2 semaphore(%run_scoped3A_306 : memref<!tpu.dma_semaphore, #tpu.memory_space<semaphore_mem>>) src(%arg14 : memref<120x128xf32, #tpu.memory_space<vmem_shared>>) dst(%dma_wait3A_310 : memref<120x128xf32, #tpu.memory_space<vmem_shared>>)
        tpu.yield
      }) : () -> ()
      %add3A_237 = arith.constant 240 : i32
      %add3A_238 = arith.addi %mul3A_232, %add3A_237 : i32
      "tpu.region"() ({
        %run_scoped3A_306 = tpu.sem_alloc : memref<!tpu.dma_semaphore, #tpu.memory_space<semaphore_mem>>
        %dma_start3A_307 = arith.constant 0 : i32
        %dma_start3A_308 = tpu.memref_slice %arg13[%add3A_238, %dma_start3A_307] : memref<10112x128xf32, #tpu.memory_space<vmem_shared>> -> memref<120x128xf32, #tpu.memory_space<vmem_shared>>
        tpu.enqueue_dma source(%arg14 : memref<120x128xf32, #tpu.memory_space<vmem_shared>>) target(%dma_start3A_308 : memref<120x128xf32, #tpu.memory_space<vmem_shared>>) target_semaphore(%run_scoped3A_306 : memref<!tpu.dma_semaphore, #tpu.memory_space<semaphore_mem>>)
        %dma_wait3A_309 = arith.constant 0 : i32
        %dma_wait3A_310 = tpu.memref_slice %arg13[%add3A_238, %dma_wait3A_309] : memref<10112x128xf32, #tpu.memory_space<vmem_shared>> -> memref<120x128xf32, #tpu.memory_space<vmem_shared>>
        tpu.wait_dma2 semaphore(%run_scoped3A_306 : memref<!tpu.dma_semaphore, #tpu.memory_space<semaphore_mem>>) src(%arg14 : memref<120x128xf32, #tpu.memory_space<vmem_shared>>) dst(%dma_wait3A_310 : memref<120x128xf32, #tpu.memory_space<vmem_shared>>)
        tpu.yield
      }) : () -> ()
      %add3A_239 = arith.constant 360 : i32
      %add3A_240 = arith.addi %mul3A_232, %add3A_239 : i32
      "tpu.region"() ({
        %run_scoped3A_306 = tpu.sem_alloc : memref<!tpu.dma_semaphore, #tpu.memory_space<semaphore_mem>>
        %dma_start3A_307 = arith.constant 0 : i32
        %dma_start3A_308 = tpu.memref_slice %arg13[%add3A_240, %dma_start3A_307] : memref<10112x128xf32, #tpu.memory_space<vmem_shared>> -> memref<120x128xf32, #tpu.memory_space<vmem_shared>>
        tpu.enqueue_dma source(%arg14 : memref<120x128xf32, #tpu.memory_space<vmem_shared>>) target(%dma_start3A_308 : memref<120x128xf32, #tpu.memory_space<vmem_shared>>) target_semaphore(%run_scoped3A_306 : memref<!tpu.dma_semaphore, #tpu.memory_space<semaphore_mem>>)
        %dma_wait3A_309 = arith.constant 0 : i32
        %dma_wait3A_310 = tpu.memref_slice %arg13[%add3A_240, %dma_wait3A_309] : memref<10112x128xf32, #tpu.memory_space<vmem_shared>> -> memref<120x128xf32, #tpu.memory_space<vmem_shared>>
        tpu.wait_dma2 semaphore(%run_scoped3A_306 : memref<!tpu.dma_semaphore, #tpu.memory_space<semaphore_mem>>) src(%arg14 : memref<120x128xf32, #tpu.memory_space<vmem_shared>>) dst(%dma_wait3A_310 : memref<120x128xf32, #tpu.memory_space<vmem_shared>>)
        tpu.yield
      }) : () -> ()
      %add3A_241 = arith.constant 480 : i32
      %add3A_242 = arith.addi %mul3A_232, %add3A_241 : i32
      "tpu.region"() ({
        %run_scoped3A_306 = tpu.sem_alloc : memref<!tpu.dma_semaphore, #tpu.memory_space<semaphore_mem>>
        %dma_start3A_307 = arith.constant 0 : i32
        %dma_start3A_308 = tpu.memref_slice %arg13[%add3A_242, %dma_start3A_307] : memref<10112x128xf32, #tpu.memory_space<vmem_shared>> -> memref<120x128xf32, #tpu.memory_space<vmem_shared>>
        tpu.enqueue_dma source(%arg14 : memref<120x128xf32, #tpu.memory_space<vmem_shared>>) target(%dma_start3A_308 : memref<120x128xf32, #tpu.memory_space<vmem_shared>>) target_semaphore(%run_scoped3A_306 : memref<!tpu.dma_semaphore, #tpu.memory_space<semaphore_mem>>)
        %dma_wait3A_309 = arith.constant 0 : i32
        %dma_wait3A_310 = tpu.memref_slice %arg13[%add3A_242, %dma_wait3A_309] : memref<10112x128xf32, #tpu.memory_space<vmem_shared>> -> memref<120x128xf32, #tpu.memory_space<vmem_shared>>
        tpu.wait_dma2 semaphore(%run_scoped3A_306 : memref<!tpu.dma_semaphore, #tpu.memory_space<semaphore_mem>>) src(%arg14 : memref<120x128xf32, #tpu.memory_space<vmem_shared>>) dst(%dma_wait3A_310 : memref<120x128xf32, #tpu.memory_space<vmem_shared>>)
        tpu.yield
      }) : () -> ()
      %add3A_243 = arith.constant 600 : i32
      %add3A_244 = arith.addi %mul3A_232, %add3A_243 : i32
      "tpu.region"() ({
        %run_scoped3A_306 = tpu.sem_alloc : memref<!tpu.dma_semaphore, #tpu.memory_space<semaphore_mem>>
        %dma_start3A_307 = arith.constant 0 : i32
        %dma_start3A_308 = tpu.memref_slice %arg13[%add3A_244, %dma_start3A_307] : memref<10112x128xf32, #tpu.memory_space<vmem_shared>> -> memref<32x128xf32, #tpu.memory_space<vmem_shared>>
        %dma_start3A_309 = arith.constant 0 : i32
        %dma_start3A_310 = arith.constant 0 : i32
        %dma_start3A_311 = tpu.memref_slice %arg14[%dma_start3A_309, %dma_start3A_310] : memref<120x128xf32, #tpu.memory_space<vmem_shared>> -> memref<32x128xf32, #tpu.memory_space<vmem_shared>>
        tpu.enqueue_dma source(%dma_start3A_311 : memref<32x128xf32, #tpu.memory_space<vmem_shared>>) target(%dma_start3A_308 : memref<32x128xf32, #tpu.memory_space<vmem_shared>>) target_semaphore(%run_scoped3A_306 : memref<!tpu.dma_semaphore, #tpu.memory_space<semaphore_mem>>)
        %dma_wait3A_312 = arith.constant 0 : i32
        %dma_wait3A_313 = tpu.memref_slice %arg13[%add3A_244, %dma_wait3A_312] : memref<10112x128xf32, #tpu.memory_space<vmem_shared>> -> memref<32x128xf32, #tpu.memory_space<vmem_shared>>
        %dma_wait3A_314 = arith.constant 0 : i32
        %dma_wait3A_315 = arith.constant 0 : i32
        %dma_wait3A_316 = tpu.memref_slice %arg14[%dma_wait3A_314, %dma_wait3A_315] : memref<120x128xf32, #tpu.memory_space<vmem_shared>> -> memref<32x128xf32, #tpu.memory_space<vmem_shared>>
        tpu.wait_dma2 semaphore(%run_scoped3A_306 : memref<!tpu.dma_semaphore, #tpu.memory_space<semaphore_mem>>) src(%dma_wait3A_316 : memref<32x128xf32, #tpu.memory_space<vmem_shared>>) dst(%dma_wait3A_313 : memref<32x128xf32, #tpu.memory_space<vmem_shared>>)
        tpu.yield
      }) : () -> ()
      %barrier3A_245 = arith.constant 0 : index
      tpu.barrier barrier_id(%barrier3A_245)
      %dma_start3A_246 = arith.constant 0 : i32
      %dma_start3A_247 = arith.constant 0 : i32
      %dma_start3A_248 = arith.constant 0 : i32
      %dma_start3A_249 = arith.constant 0 : i32
      %dma_start3A_250 = tpu.memref_slice %arg12[%dma_start3A_247, %dma_start3A_248, %dma_start3A_249] : memref<2x128x128xf32, #tpu.memory_space<vmem>> -> memref<1x128x128xf32, #tpu.memory_space<vmem>>
      %dma_start3A_251 = tpu.memref_squeeze %dma_start3A_250 : memref<1x128x128xf32, #tpu.memory_space<vmem>> -> memref<128x128xf32, #tpu.memory_space<vmem>>
      %dma_start3A_252 = arith.constant 0 : i32
      %dma_start3A_253 = tpu.memref_slice %arg10[%dma_start3A_246, %dma_start3A_252] : memref<64x128xi32, #tpu.memory_space<vmem>> -> memref<1x128xi32, #tpu.memory_space<vmem>>
      %dma_start3A_254 = tpu.memref_squeeze %dma_start3A_253 : memref<1x128xi32, #tpu.memory_space<vmem>> -> memref<128xi32, #tpu.memory_space<vmem>>
      %dma_start3A_255 = arith.constant 0 : i32
      %dma_start3A_256 = arith.constant 0 : i32
      %dma_start3A_257 = tpu.memref_slice %arg8[%dma_start3A_255, %dma_start3A_256] : memref<10000x128xf32, #tpu.memory_space<hbm>> -> memref<10000x128xf32, #tpu.memory_space<hbm>>
      tpu.enqueue_indirect_dma source(%dma_start3A_257 : memref<10000x128xf32, #tpu.memory_space<hbm>>) target(%dma_start3A_251 : memref<128x128xf32, #tpu.memory_space<vmem>>) offsets(%dma_start3A_254 : memref<128xi32, #tpu.memory_space<vmem>>) semaphore(%arg15 : memref<!tpu.dma_semaphore, #tpu.memory_space<semaphore_mem>>)
      %dma_start3A_258 = arith.constant 1 : i32
      %dma_start3A_259 = arith.constant 1 : i32
      %dma_start3A_260 = arith.constant 0 : i32
      %dma_start3A_261 = arith.constant 0 : i32
      %dma_start3A_262 = tpu.memref_slice %arg12[%dma_start3A_259, %dma_start3A_260, %dma_start3A_261] : memref<2x128x128xf32, #tpu.memory_space<vmem>> -> memref<1x128x128xf32, #tpu.memory_space<vmem>>
      %dma_start3A_263 = tpu.memref_squeeze %dma_start3A_262 : memref<1x128x128xf32, #tpu.memory_space<vmem>> -> memref<128x128xf32, #tpu.memory_space<vmem>>
      %dma_start3A_264 = arith.constant 0 : i32
      %dma_start3A_265 = tpu.memref_slice %arg10[%dma_start3A_258, %dma_start3A_264] : memref<64x128xi32, #tpu.memory_space<vmem>> -> memref<1x128xi32, #tpu.memory_space<vmem>>
      %dma_start3A_266 = tpu.memref_squeeze %dma_start3A_265 : memref<1x128xi32, #tpu.memory_space<vmem>> -> memref<128xi32, #tpu.memory_space<vmem>>
      %dma_start3A_267 = arith.constant 0 : i32
      %dma_start3A_268 = arith.constant 0 : i32
      %dma_start3A_269 = tpu.memref_slice %arg8[%dma_start3A_267, %dma_start3A_268] : memref<10000x128xf32, #tpu.memory_space<hbm>> -> memref<10000x128xf32, #tpu.memory_space<hbm>>
      tpu.enqueue_indirect_dma source(%dma_start3A_269 : memref<10000x128xf32, #tpu.memory_space<hbm>>) target(%dma_start3A_263 : memref<128x128xf32, #tpu.memory_space<vmem>>) offsets(%dma_start3A_266 : memref<128xi32, #tpu.memory_space<vmem>>) semaphore(%arg15 : memref<!tpu.dma_semaphore, #tpu.memory_space<semaphore_mem>>)
      %scan3A_270 = arith.constant 0 : i32
      %scan3A_271 = arith.constant 0 : i32
      %scan3A_272 = arith.constant 64 : i32
      %scan3A_273 = arith.addi %scan3A_271, %scan3A_272 : i32
      %scan3A_274 = arith.constant 1 : i32
      scf.for %scan3A_306 = %scan3A_271 to %scan3A_273 step %scan3A_274  : i32 {
        %and3A = arith.constant 1 : i32
        %and3A_307 = arith.andi %scan3A_306, %and3A : i32
        %dma_wait3A_308 = arith.constant 0 : i32
        %dma_wait3A_309 = arith.constant 0 : i32
        %dma_wait3A_310 = tpu.memref_slice %arg12[%and3A_307, %dma_wait3A_308, %dma_wait3A_309] : memref<2x128x128xf32, #tpu.memory_space<vmem>> -> memref<1x128x128xf32, #tpu.memory_space<vmem>>
        %dma_wait3A_311 = tpu.memref_squeeze %dma_wait3A_310 : memref<1x128x128xf32, #tpu.memory_space<vmem>> -> memref<128x128xf32, #tpu.memory_space<vmem>>
        %dma_wait3A_312 = arith.constant 0 : i32
        %dma_wait3A_313 = tpu.memref_slice %arg10[%scan3A_306, %dma_wait3A_312] : memref<64x128xi32, #tpu.memory_space<vmem>> -> memref<1x128xi32, #tpu.memory_space<vmem>>
        %dma_wait3A_314 = tpu.memref_squeeze %dma_wait3A_313 : memref<1x128xi32, #tpu.memory_space<vmem>> -> memref<128xi32, #tpu.memory_space<vmem>>
        %dma_wait3A_315 = arith.constant 0 : i32
        %dma_wait3A_316 = arith.constant 0 : i32
        %dma_wait3A_317 = tpu.memref_slice %arg8[%dma_wait3A_315, %dma_wait3A_316] : memref<10000x128xf32, #tpu.memory_space<hbm>> -> memref<10000x128xf32, #tpu.memory_space<hbm>>
        tpu.wait_indirect_dma semaphore(%arg15 : memref<!tpu.dma_semaphore, #tpu.memory_space<semaphore_mem>>) src(%dma_wait3A_317 : memref<10000x128xf32, #tpu.memory_space<hbm>>) dst(%dma_wait3A_311 : memref<128x128xf32, #tpu.memory_space<vmem>>)
        %dma_start3A_318 = arith.constant 0 : i32
        %dma_start3A_319 = arith.constant 0 : i32
        %dma_start3A_320 = tpu.memref_slice %arg12[%and3A_307, %dma_start3A_318, %dma_start3A_319] : memref<2x128x128xf32, #tpu.memory_space<vmem>> -> memref<1x128x128xf32, #tpu.memory_space<vmem>>
        %dma_start3A_321 = tpu.memref_squeeze %dma_start3A_320 : memref<1x128x128xf32, #tpu.memory_space<vmem>> -> memref<128x128xf32, #tpu.memory_space<vmem>>
        %dma_start3A_322 = arith.constant 0 : i32
        %dma_start3A_323 = tpu.memref_slice %arg11[%scan3A_306, %dma_start3A_322] : memref<64x128xi32, #tpu.memory_space<vmem>> -> memref<1x128xi32, #tpu.memory_space<vmem>>
        %dma_start3A_324 = tpu.memref_squeeze %dma_start3A_323 : memref<1x128xi32, #tpu.memory_space<vmem>> -> memref<128xi32, #tpu.memory_space<vmem>>
        %dma_start3A_325 = arith.constant 0 : i32
        %dma_start3A_326 = arith.constant 0 : i32
        %dma_start3A_327 = tpu.memref_slice %arg13[%dma_start3A_325, %dma_start3A_326] : memref<10112x128xf32, #tpu.memory_space<vmem_shared>> -> memref<10112x128xf32, #tpu.memory_space<vmem_shared>>
        tpu.enqueue_indirect_dma source(%dma_start3A_321 : memref<128x128xf32, #tpu.memory_space<vmem>>) target(%dma_start3A_327 : memref<10112x128xf32, #tpu.memory_space<vmem_shared>>) offsets(%dma_start3A_324 : memref<128xi32, #tpu.memory_space<vmem>>) semaphore(%arg16 : memref<!tpu.dma_semaphore, #tpu.memory_space<semaphore_mem>>) {add = true}
        %add3A_328 = arith.constant 2 : i32
        %add3A_329 = arith.addi %scan3A_306, %add3A_328 : i32
        %lt3A = arith.constant 64 : i32
        %lt3A_330 = arith.cmpi slt, %add3A_329, %lt3A : i32
        %convert_element_type3A_331 = arith.extui %lt3A_330 : i1 to i32
        %cond3A_332 = arith.constant 0 : i32
        %cond3A_333 = arith.cmpi ne, %convert_element_type3A_331, %cond3A_332 : i32
        scf.if %cond3A_333 {
          %dma_wait3A_334 = arith.constant 0 : i32
          %dma_wait3A_335 = arith.constant 0 : i32
          %dma_wait3A_336 = tpu.memref_slice %arg12[%and3A_307, %dma_wait3A_334, %dma_wait3A_335] : memref<2x128x128xf32, #tpu.memory_space<vmem>> -> memref<1x128x128xf32, #tpu.memory_space<vmem>>
          %dma_wait3A_337 = tpu.memref_squeeze %dma_wait3A_336 : memref<1x128x128xf32, #tpu.memory_space<vmem>> -> memref<128x128xf32, #tpu.memory_space<vmem>>
          %dma_wait3A_338 = arith.constant 0 : i32
          %dma_wait3A_339 = tpu.memref_slice %arg11[%scan3A_306, %dma_wait3A_338] : memref<64x128xi32, #tpu.memory_space<vmem>> -> memref<1x128xi32, #tpu.memory_space<vmem>>
          %dma_wait3A_340 = tpu.memref_squeeze %dma_wait3A_339 : memref<1x128xi32, #tpu.memory_space<vmem>> -> memref<128xi32, #tpu.memory_space<vmem>>
          %dma_wait3A_341 = arith.constant 0 : i32
          %dma_wait3A_342 = arith.constant 0 : i32
          %dma_wait3A_343 = tpu.memref_slice %arg13[%dma_wait3A_341, %dma_wait3A_342] : memref<10112x128xf32, #tpu.memory_space<vmem_shared>> -> memref<10112x128xf32, #tpu.memory_space<vmem_shared>>
          tpu.wait_indirect_dma semaphore(%arg16 : memref<!tpu.dma_semaphore, #tpu.memory_space<semaphore_mem>>) src(%dma_wait3A_337 : memref<128x128xf32, #tpu.memory_space<vmem>>) dst(%dma_wait3A_343 : memref<10112x128xf32, #tpu.memory_space<vmem_shared>>)
          %add3A_344 = arith.constant 2 : i32
          %add3A_345 = arith.addi %scan3A_306, %add3A_344 : i32
          %dma_start3A_346 = arith.constant 0 : i32
          %dma_start3A_347 = arith.constant 0 : i32
          %dma_start3A_348 = tpu.memref_slice %arg12[%and3A_307, %dma_start3A_346, %dma_start3A_347] : memref<2x128x128xf32, #tpu.memory_space<vmem>> -> memref<1x128x128xf32, #tpu.memory_space<vmem>>
          %dma_start3A_349 = tpu.memref_squeeze %dma_start3A_348 : memref<1x128x128xf32, #tpu.memory_space<vmem>> -> memref<128x128xf32, #tpu.memory_space<vmem>>
          %dma_start3A_350 = arith.constant 0 : i32
          %dma_start3A_351 = tpu.memref_slice %arg10[%add3A_345, %dma_start3A_350] : memref<64x128xi32, #tpu.memory_space<vmem>> -> memref<1x128xi32, #tpu.memory_space<vmem>>
          %dma_start3A_352 = tpu.memref_squeeze %dma_start3A_351 : memref<1x128xi32, #tpu.memory_space<vmem>> -> memref<128xi32, #tpu.memory_space<vmem>>
          %dma_start3A_353 = arith.constant 0 : i32
          %dma_start3A_354 = arith.constant 0 : i32
          %dma_start3A_355 = tpu.memref_slice %arg8[%dma_start3A_353, %dma_start3A_354] : memref<10000x128xf32, #tpu.memory_space<hbm>> -> memref<10000x128xf32, #tpu.memory_space<hbm>>
          tpu.enqueue_indirect_dma source(%dma_start3A_355 : memref<10000x128xf32, #tpu.memory_space<hbm>>) target(%dma_start3A_349 : memref<128x128xf32, #tpu.memory_space<vmem>>) offsets(%dma_start3A_352 : memref<128xi32, #tpu.memory_space<vmem>>) semaphore(%arg15 : memref<!tpu.dma_semaphore, #tpu.memory_space<semaphore_mem>>)
        } else {
        }
      }
      %scan3A_275 = arith.constant 64 : i32
      %dma_wait3A_276 = arith.constant 0 : i32
      %dma_wait3A_277 = arith.constant 0 : i32
      %dma_wait3A_278 = arith.constant 0 : i32
      %dma_wait3A_279 = arith.constant 0 : i32
      %dma_wait3A_280 = tpu.memref_slice %arg12[%dma_wait3A_276, %dma_wait3A_278, %dma_wait3A_279] : memref<2x128x128xf32, #tpu.memory_space<vmem>> -> memref<1x128x128xf32, #tpu.memory_space<vmem>>
      %dma_wait3A_281 = tpu.memref_squeeze %dma_wait3A_280 : memref<1x128x128xf32, #tpu.memory_space<vmem>> -> memref<128x128xf32, #tpu.memory_space<vmem>>
      %dma_wait3A_282 = arith.constant 0 : i32
      %dma_wait3A_283 = tpu.memref_slice %arg11[%dma_wait3A_277, %dma_wait3A_282] : memref<64x128xi32, #tpu.memory_space<vmem>> -> memref<1x128xi32, #tpu.memory_space<vmem>>
      %dma_wait3A_284 = tpu.memref_squeeze %dma_wait3A_283 : memref<1x128xi32, #tpu.memory_space<vmem>> -> memref<128xi32, #tpu.memory_space<vmem>>
      %dma_wait3A_285 = arith.constant 0 : i32
      %dma_wait3A_286 = arith.constant 0 : i32
      %dma_wait3A_287 = tpu.memref_slice %arg13[%dma_wait3A_285, %dma_wait3A_286] : memref<10112x128xf32, #tpu.memory_space<vmem_shared>> -> memref<10112x128xf32, #tpu.memory_space<vmem_shared>>
      tpu.wait_indirect_dma semaphore(%arg16 : memref<!tpu.dma_semaphore, #tpu.memory_space<semaphore_mem>>) src(%dma_wait3A_281 : memref<128x128xf32, #tpu.memory_space<vmem>>) dst(%dma_wait3A_287 : memref<10112x128xf32, #tpu.memory_space<vmem_shared>>)
      %dma_wait3A_288 = arith.constant 1 : i32
      %dma_wait3A_289 = arith.constant 1 : i32
      %dma_wait3A_290 = arith.constant 0 : i32
      %dma_wait3A_291 = arith.constant 0 : i32
      %dma_wait3A_292 = tpu.memref_slice %arg12[%dma_wait3A_288, %dma_wait3A_290, %dma_wait3A_291] : memref<2x128x128xf32, #tpu.memory_space<vmem>> -> memref<1x128x128xf32, #tpu.memory_space<vmem>>
      %dma_wait3A_293 = tpu.memref_squeeze %dma_wait3A_292 : memref<1x128x128xf32, #tpu.memory_space<vmem>> -> memref<128x128xf32, #tpu.memory_space<vmem>>
      %dma_wait3A_294 = arith.constant 0 : i32
      %dma_wait3A_295 = tpu.memref_slice %arg11[%dma_wait3A_289, %dma_wait3A_294] : memref<64x128xi32, #tpu.memory_space<vmem>> -> memref<1x128xi32, #tpu.memory_space<vmem>>
      %dma_wait3A_296 = tpu.memref_squeeze %dma_wait3A_295 : memref<1x128xi32, #tpu.memory_space<vmem>> -> memref<128xi32, #tpu.memory_space<vmem>>
      %dma_wait3A_297 = arith.constant 0 : i32
      %dma_wait3A_298 = arith.constant 0 : i32
      %dma_wait3A_299 = tpu.memref_slice %arg13[%dma_wait3A_297, %dma_wait3A_298] : memref<10112x128xf32, #tpu.memory_space<vmem_shared>> -> memref<10112x128xf32, #tpu.memory_space<vmem_shared>>
      tpu.wait_indirect_dma semaphore(%arg16 : memref<!tpu.dma_semaphore, #tpu.memory_space<semaphore_mem>>) src(%dma_wait3A_293 : memref<128x128xf32, #tpu.memory_space<vmem>>) dst(%dma_wait3A_299 : memref<10112x128xf32, #tpu.memory_space<vmem_shared>>)
      %barrier3A_300 = arith.constant 0 : index
      tpu.barrier barrier_id(%barrier3A_300)
      %mul3A_301 = arith.constant 632 : i32
      %mul3A_302 = arith.muli %arg1, %mul3A_301 : i32
      %mul3A_303 = arith.constant 632 : i32
      %mul3A_304 = arith.muli %arg1, %mul3A_303 : i32
      %run_scoped3A_305 = arith.constant 3 : i32
      "tpu.region"() ({
        %run_scoped3A_306 = tpu.sem_alloc : memref<!tpu.dma_semaphore, #tpu.memory_space<semaphore_mem>>
        %dma_start3A_307 = arith.constant 0 : i32
        %dma_start3A_308 = tpu.memref_slice %arg9[%run_scoped3A_305, %arg0, %mul3A_304, %dma_start3A_307] : memref<4x2x10112x128xf32, #tpu.memory_space<hbm>> -> memref<1x1x632x128xf32, #tpu.memory_space<hbm>>
        %dma_start3A_309 = tpu.memref_squeeze %dma_start3A_308 : memref<1x1x632x128xf32, #tpu.memory_space<hbm>> -> memref<632x128xf32, #tpu.memory_space<hbm>>
        %dma_start3A_310 = arith.constant 0 : i32
        %dma_start3A_311 = tpu.memref_slice %arg13[%mul3A_302, %dma_start3A_310] : memref<10112x128xf32, #tpu.memory_space<vmem_shared>> -> memref<632x128xf32, #tpu.memory_space<vmem_shared>>
        tpu.enqueue_dma source(%dma_start3A_311 : memref<632x128xf32, #tpu.memory_space<vmem_shared>>) target(%dma_start3A_309 : memref<632x128xf32, #tpu.memory_space<hbm>>) target_semaphore(%run_scoped3A_306 : memref<!tpu.dma_semaphore, #tpu.memory_space<semaphore_mem>>)
        %dma_wait3A_312 = arith.constant 0 : i32
        %dma_wait3A_313 = tpu.memref_slice %arg9[%run_scoped3A_305, %arg0, %mul3A_304, %dma_wait3A_312] : memref<4x2x10112x128xf32, #tpu.memory_space<hbm>> -> memref<1x1x632x128xf32, #tpu.memory_space<hbm>>
        %dma_wait3A_314 = tpu.memref_squeeze %dma_wait3A_313 : memref<1x1x632x128xf32, #tpu.memory_space<hbm>> -> memref<632x128xf32, #tpu.memory_space<hbm>>
        %dma_wait3A_315 = arith.constant 0 : i32
        %dma_wait3A_316 = tpu.memref_slice %arg13[%mul3A_302, %dma_wait3A_315] : memref<10112x128xf32, #tpu.memory_space<vmem_shared>> -> memref<632x128xf32, #tpu.memory_space<vmem_shared>>
        tpu.wait_dma2 semaphore(%run_scoped3A_306 : memref<!tpu.dma_semaphore, #tpu.memory_space<semaphore_mem>>) src(%dma_wait3A_316 : memref<632x128xf32, #tpu.memory_space<vmem_shared>>) dst(%dma_wait3A_314 : memref<632x128xf32, #tpu.memory_space<hbm>>)
        tpu.yield
      }) : () -> ()
    } else {
    }
    %eq3A_7 = arith.constant 1 : i32
    %eq3A_8 = arith.cmpi eq, %arg0, %eq3A_7 : i32
    %convert_element_type3A_9 = arith.extui %eq3A_8 : i1 to i32
    %cond3A_10 = arith.constant 0 : i32
    %cond3A_11 = arith.cmpi ne, %convert_element_type3A_9, %cond3A_10 : i32
    scf.if %cond3A_11 {
      "tpu.region"() ({
        %run_scoped3A_306 = tpu.sem_alloc : memref<!tpu.dma_semaphore, #tpu.memory_space<semaphore_mem>>
        %dma_start3A_307 = arith.constant 0 : i32
        %dma_start3A_308 = arith.constant 0 : i32
        %dma_start3A_309 = tpu.memref_slice %arg10[%dma_start3A_307, %dma_start3A_308] : memref<64x128xi32, #tpu.memory_space<vmem>> -> memref<16x128xi32, #tpu.memory_space<vmem>>
        %dma_start3A_310 = arith.constant 64 : i32
        %dma_start3A_311 = arith.constant 0 : i32
        %dma_start3A_312 = tpu.memref_slice %arg2[%arg1, %dma_start3A_310, %dma_start3A_311] : memref<16x80x128xi32, #tpu.memory_space<hbm>> -> memref<1x16x128xi32, #tpu.memory_space<hbm>>
        %dma_start3A_313 = tpu.memref_squeeze %dma_start3A_312 : memref<1x16x128xi32, #tpu.memory_space<hbm>> -> memref<16x128xi32, #tpu.memory_space<hbm>>
        %dma_start3A_314 = arith.constant 0 : i32
        %dma_start3A_315 = arith.constant 0 : i32
        %dma_start3A_316 = tpu.memref_slice %arg10[%dma_start3A_314, %dma_start3A_315] : memref<64x128xi32, #tpu.memory_space<vmem>> -> memref<16x128xi32, #tpu.memory_space<vmem>>
        %dma_start3A_317 = arith.constant 64 : i32
        %dma_start3A_318 = arith.constant 0 : i32
        %dma_start3A_319 = tpu.memref_slice %arg2[%arg1, %dma_start3A_317, %dma_start3A_318] : memref<16x80x128xi32, #tpu.memory_space<hbm>> -> memref<1x16x128xi32, #tpu.memory_space<hbm>>
        %dma_start3A_320 = tpu.memref_squeeze %dma_start3A_319 : memref<1x16x128xi32, #tpu.memory_space<hbm>> -> memref<16x128xi32, #tpu.memory_space<hbm>>
        tpu.enqueue_dma source(%dma_start3A_320 : memref<16x128xi32, #tpu.memory_space<hbm>>) target(%dma_start3A_316 : memref<16x128xi32, #tpu.memory_space<vmem>>) target_semaphore(%run_scoped3A_306 : memref<!tpu.dma_semaphore, #tpu.memory_space<semaphore_mem>>)
        %dma_wait3A_321 = arith.constant 0 : i32
        %dma_wait3A_322 = arith.constant 0 : i32
        %dma_wait3A_323 = tpu.memref_slice %arg10[%dma_wait3A_321, %dma_wait3A_322] : memref<64x128xi32, #tpu.memory_space<vmem>> -> memref<16x128xi32, #tpu.memory_space<vmem>>
        %dma_wait3A_324 = arith.constant 64 : i32
        %dma_wait3A_325 = arith.constant 0 : i32
        %dma_wait3A_326 = tpu.memref_slice %arg2[%arg1, %dma_wait3A_324, %dma_wait3A_325] : memref<16x80x128xi32, #tpu.memory_space<hbm>> -> memref<1x16x128xi32, #tpu.memory_space<hbm>>
        %dma_wait3A_327 = tpu.memref_squeeze %dma_wait3A_326 : memref<1x16x128xi32, #tpu.memory_space<hbm>> -> memref<16x128xi32, #tpu.memory_space<hbm>>
        %dma_wait3A_328 = arith.constant 0 : i32
        %dma_wait3A_329 = arith.constant 0 : i32
        %dma_wait3A_330 = tpu.memref_slice %arg10[%dma_wait3A_328, %dma_wait3A_329] : memref<64x128xi32, #tpu.memory_space<vmem>> -> memref<16x128xi32, #tpu.memory_space<vmem>>
        %dma_wait3A_331 = arith.constant 64 : i32
        %dma_wait3A_332 = arith.constant 0 : i32
        %dma_wait3A_333 = tpu.memref_slice %arg2[%arg1, %dma_wait3A_331, %dma_wait3A_332] : memref<16x80x128xi32, #tpu.memory_space<hbm>> -> memref<1x16x128xi32, #tpu.memory_space<hbm>>
        %dma_wait3A_334 = tpu.memref_squeeze %dma_wait3A_333 : memref<1x16x128xi32, #tpu.memory_space<hbm>> -> memref<16x128xi32, #tpu.memory_space<hbm>>
        tpu.wait_dma2 semaphore(%run_scoped3A_306 : memref<!tpu.dma_semaphore, #tpu.memory_space<semaphore_mem>>) src(%dma_wait3A_334 : memref<16x128xi32, #tpu.memory_space<hbm>>) dst(%dma_wait3A_330 : memref<16x128xi32, #tpu.memory_space<vmem>>)
        tpu.yield
      }) : () -> ()
      "tpu.region"() ({
        %run_scoped3A_306 = tpu.sem_alloc : memref<!tpu.dma_semaphore, #tpu.memory_space<semaphore_mem>>
        %dma_start3A_307 = arith.constant 0 : i32
        %dma_start3A_308 = arith.constant 0 : i32
        %dma_start3A_309 = tpu.memref_slice %arg11[%dma_start3A_307, %dma_start3A_308] : memref<64x128xi32, #tpu.memory_space<vmem>> -> memref<16x128xi32, #tpu.memory_space<vmem>>
        %dma_start3A_310 = arith.constant 64 : i32
        %dma_start3A_311 = arith.constant 0 : i32
        %dma_start3A_312 = tpu.memref_slice %arg3[%arg1, %dma_start3A_310, %dma_start3A_311] : memref<16x80x128xi32, #tpu.memory_space<hbm>> -> memref<1x16x128xi32, #tpu.memory_space<hbm>>
        %dma_start3A_313 = tpu.memref_squeeze %dma_start3A_312 : memref<1x16x128xi32, #tpu.memory_space<hbm>> -> memref<16x128xi32, #tpu.memory_space<hbm>>
        %dma_start3A_314 = arith.constant 0 : i32
        %dma_start3A_315 = arith.constant 0 : i32
        %dma_start3A_316 = tpu.memref_slice %arg11[%dma_start3A_314, %dma_start3A_315] : memref<64x128xi32, #tpu.memory_space<vmem>> -> memref<16x128xi32, #tpu.memory_space<vmem>>
        %dma_start3A_317 = arith.constant 64 : i32
        %dma_start3A_318 = arith.constant 0 : i32
        %dma_start3A_319 = tpu.memref_slice %arg3[%arg1, %dma_start3A_317, %dma_start3A_318] : memref<16x80x128xi32, #tpu.memory_space<hbm>> -> memref<1x16x128xi32, #tpu.memory_space<hbm>>
        %dma_start3A_320 = tpu.memref_squeeze %dma_start3A_319 : memref<1x16x128xi32, #tpu.memory_space<hbm>> -> memref<16x128xi32, #tpu.memory_space<hbm>>
        tpu.enqueue_dma source(%dma_start3A_320 : memref<16x128xi32, #tpu.memory_space<hbm>>) target(%dma_start3A_316 : memref<16x128xi32, #tpu.memory_space<vmem>>) target_semaphore(%run_scoped3A_306 : memref<!tpu.dma_semaphore, #tpu.memory_space<semaphore_mem>>)
        %dma_wait3A_321 = arith.constant 0 : i32
        %dma_wait3A_322 = arith.constant 0 : i32
        %dma_wait3A_323 = tpu.memref_slice %arg11[%dma_wait3A_321, %dma_wait3A_322] : memref<64x128xi32, #tpu.memory_space<vmem>> -> memref<16x128xi32, #tpu.memory_space<vmem>>
        %dma_wait3A_324 = arith.constant 64 : i32
        %dma_wait3A_325 = arith.constant 0 : i32
        %dma_wait3A_326 = tpu.memref_slice %arg3[%arg1, %dma_wait3A_324, %dma_wait3A_325] : memref<16x80x128xi32, #tpu.memory_space<hbm>> -> memref<1x16x128xi32, #tpu.memory_space<hbm>>
        %dma_wait3A_327 = tpu.memref_squeeze %dma_wait3A_326 : memref<1x16x128xi32, #tpu.memory_space<hbm>> -> memref<16x128xi32, #tpu.memory_space<hbm>>
        %dma_wait3A_328 = arith.constant 0 : i32
        %dma_wait3A_329 = arith.constant 0 : i32
        %dma_wait3A_330 = tpu.memref_slice %arg11[%dma_wait3A_328, %dma_wait3A_329] : memref<64x128xi32, #tpu.memory_space<vmem>> -> memref<16x128xi32, #tpu.memory_space<vmem>>
        %dma_wait3A_331 = arith.constant 64 : i32
        %dma_wait3A_332 = arith.constant 0 : i32
        %dma_wait3A_333 = tpu.memref_slice %arg3[%arg1, %dma_wait3A_331, %dma_wait3A_332] : memref<16x80x128xi32, #tpu.memory_space<hbm>> -> memref<1x16x128xi32, #tpu.memory_space<hbm>>
        %dma_wait3A_334 = tpu.memref_squeeze %dma_wait3A_333 : memref<1x16x128xi32, #tpu.memory_space<hbm>> -> memref<16x128xi32, #tpu.memory_space<hbm>>
        tpu.wait_dma2 semaphore(%run_scoped3A_306 : memref<!tpu.dma_semaphore, #tpu.memory_space<semaphore_mem>>) src(%dma_wait3A_334 : memref<16x128xi32, #tpu.memory_space<hbm>>) dst(%dma_wait3A_330 : memref<16x128xi32, #tpu.memory_space<vmem>>)
        tpu.yield
      }) : () -> ()
      %mul3A = arith.constant 632 : i32
      %mul3A_12 = arith.muli %arg1, %mul3A : i32
      %add3A = arith.constant 0 : i32
      %add3A_13 = arith.addi %mul3A_12, %add3A : i32
      "tpu.region"() ({
        %run_scoped3A_306 = tpu.sem_alloc : memref<!tpu.dma_semaphore, #tpu.memory_space<semaphore_mem>>
        %dma_start3A_307 = arith.constant 0 : i32
        %dma_start3A_308 = tpu.memref_slice %arg13[%add3A_13, %dma_start3A_307] : memref<10112x128xf32, #tpu.memory_space<vmem_shared>> -> memref<120x128xf32, #tpu.memory_space<vmem_shared>>
        tpu.enqueue_dma source(%arg14 : memref<120x128xf32, #tpu.memory_space<vmem_shared>>) target(%dma_start3A_308 : memref<120x128xf32, #tpu.memory_space<vmem_shared>>) target_semaphore(%run_scoped3A_306 : memref<!tpu.dma_semaphore, #tpu.memory_space<semaphore_mem>>)
        %dma_wait3A_309 = arith.constant 0 : i32
        %dma_wait3A_310 = tpu.memref_slice %arg13[%add3A_13, %dma_wait3A_309] : memref<10112x128xf32, #tpu.memory_space<vmem_shared>> -> memref<120x128xf32, #tpu.memory_space<vmem_shared>>
        tpu.wait_dma2 semaphore(%run_scoped3A_306 : memref<!tpu.dma_semaphore, #tpu.memory_space<semaphore_mem>>) src(%arg14 : memref<120x128xf32, #tpu.memory_space<vmem_shared>>) dst(%dma_wait3A_310 : memref<120x128xf32, #tpu.memory_space<vmem_shared>>)
        tpu.yield
      }) : () -> ()
      %add3A_14 = arith.constant 120 : i32
      %add3A_15 = arith.addi %mul3A_12, %add3A_14 : i32
      "tpu.region"() ({
        %run_scoped3A_306 = tpu.sem_alloc : memref<!tpu.dma_semaphore, #tpu.memory_space<semaphore_mem>>
        %dma_start3A_307 = arith.constant 0 : i32
        %dma_start3A_308 = tpu.memref_slice %arg13[%add3A_15, %dma_start3A_307] : memref<10112x128xf32, #tpu.memory_space<vmem_shared>> -> memref<120x128xf32, #tpu.memory_space<vmem_shared>>
        tpu.enqueue_dma source(%arg14 : memref<120x128xf32, #tpu.memory_space<vmem_shared>>) target(%dma_start3A_308 : memref<120x128xf32, #tpu.memory_space<vmem_shared>>) target_semaphore(%run_scoped3A_306 : memref<!tpu.dma_semaphore, #tpu.memory_space<semaphore_mem>>)
        %dma_wait3A_309 = arith.constant 0 : i32
        %dma_wait3A_310 = tpu.memref_slice %arg13[%add3A_15, %dma_wait3A_309] : memref<10112x128xf32, #tpu.memory_space<vmem_shared>> -> memref<120x128xf32, #tpu.memory_space<vmem_shared>>
        tpu.wait_dma2 semaphore(%run_scoped3A_306 : memref<!tpu.dma_semaphore, #tpu.memory_space<semaphore_mem>>) src(%arg14 : memref<120x128xf32, #tpu.memory_space<vmem_shared>>) dst(%dma_wait3A_310 : memref<120x128xf32, #tpu.memory_space<vmem_shared>>)
        tpu.yield
      }) : () -> ()
      %add3A_16 = arith.constant 240 : i32
      %add3A_17 = arith.addi %mul3A_12, %add3A_16 : i32
      "tpu.region"() ({
        %run_scoped3A_306 = tpu.sem_alloc : memref<!tpu.dma_semaphore, #tpu.memory_space<semaphore_mem>>
        %dma_start3A_307 = arith.constant 0 : i32
        %dma_start3A_308 = tpu.memref_slice %arg13[%add3A_17, %dma_start3A_307] : memref<10112x128xf32, #tpu.memory_space<vmem_shared>> -> memref<120x128xf32, #tpu.memory_space<vmem_shared>>
        tpu.enqueue_dma source(%arg14 : memref<120x128xf32, #tpu.memory_space<vmem_shared>>) target(%dma_start3A_308 : memref<120x128xf32, #tpu.memory_space<vmem_shared>>) target_semaphore(%run_scoped3A_306 : memref<!tpu.dma_semaphore, #tpu.memory_space<semaphore_mem>>)
        %dma_wait3A_309 = arith.constant 0 : i32
        %dma_wait3A_310 = tpu.memref_slice %arg13[%add3A_17, %dma_wait3A_309] : memref<10112x128xf32, #tpu.memory_space<vmem_shared>> -> memref<120x128xf32, #tpu.memory_space<vmem_shared>>
        tpu.wait_dma2 semaphore(%run_scoped3A_306 : memref<!tpu.dma_semaphore, #tpu.memory_space<semaphore_mem>>) src(%arg14 : memref<120x128xf32, #tpu.memory_space<vmem_shared>>) dst(%dma_wait3A_310 : memref<120x128xf32, #tpu.memory_space<vmem_shared>>)
        tpu.yield
      }) : () -> ()
      %add3A_18 = arith.constant 360 : i32
      %add3A_19 = arith.addi %mul3A_12, %add3A_18 : i32
      "tpu.region"() ({
        %run_scoped3A_306 = tpu.sem_alloc : memref<!tpu.dma_semaphore, #tpu.memory_space<semaphore_mem>>
        %dma_start3A_307 = arith.constant 0 : i32
        %dma_start3A_308 = tpu.memref_slice %arg13[%add3A_19, %dma_start3A_307] : memref<10112x128xf32, #tpu.memory_space<vmem_shared>> -> memref<120x128xf32, #tpu.memory_space<vmem_shared>>
        tpu.enqueue_dma source(%arg14 : memref<120x128xf32, #tpu.memory_space<vmem_shared>>) target(%dma_start3A_308 : memref<120x128xf32, #tpu.memory_space<vmem_shared>>) target_semaphore(%run_scoped3A_306 : memref<!tpu.dma_semaphore, #tpu.memory_space<semaphore_mem>>)
        %dma_wait3A_309 = arith.constant 0 : i32
        %dma_wait3A_310 = tpu.memref_slice %arg13[%add3A_19, %dma_wait3A_309] : memref<10112x128xf32, #tpu.memory_space<vmem_shared>> -> memref<120x128xf32, #tpu.memory_space<vmem_shared>>
        tpu.wait_dma2 semaphore(%run_scoped3A_306 : memref<!tpu.dma_semaphore, #tpu.memory_space<semaphore_mem>>) src(%arg14 : memref<120x128xf32, #tpu.memory_space<vmem_shared>>) dst(%dma_wait3A_310 : memref<120x128xf32, #tpu.memory_space<vmem_shared>>)
        tpu.yield
      }) : () -> ()
      %add3A_20 = arith.constant 480 : i32
      %add3A_21 = arith.addi %mul3A_12, %add3A_20 : i32
      "tpu.region"() ({
        %run_scoped3A_306 = tpu.sem_alloc : memref<!tpu.dma_semaphore, #tpu.memory_space<semaphore_mem>>
        %dma_start3A_307 = arith.constant 0 : i32
        %dma_start3A_308 = tpu.memref_slice %arg13[%add3A_21, %dma_start3A_307] : memref<10112x128xf32, #tpu.memory_space<vmem_shared>> -> memref<120x128xf32, #tpu.memory_space<vmem_shared>>
        tpu.enqueue_dma source(%arg14 : memref<120x128xf32, #tpu.memory_space<vmem_shared>>) target(%dma_start3A_308 : memref<120x128xf32, #tpu.memory_space<vmem_shared>>) target_semaphore(%run_scoped3A_306 : memref<!tpu.dma_semaphore, #tpu.memory_space<semaphore_mem>>)
        %dma_wait3A_309 = arith.constant 0 : i32
        %dma_wait3A_310 = tpu.memref_slice %arg13[%add3A_21, %dma_wait3A_309] : memref<10112x128xf32, #tpu.memory_space<vmem_shared>> -> memref<120x128xf32, #tpu.memory_space<vmem_shared>>
        tpu.wait_dma2 semaphore(%run_scoped3A_306 : memref<!tpu.dma_semaphore, #tpu.memory_space<semaphore_mem>>) src(%arg14 : memref<120x128xf32, #tpu.memory_space<vmem_shared>>) dst(%dma_wait3A_310 : memref<120x128xf32, #tpu.memory_space<vmem_shared>>)
        tpu.yield
      }) : () -> ()
      %add3A_22 = arith.constant 600 : i32
      %add3A_23 = arith.addi %mul3A_12, %add3A_22 : i32
      "tpu.region"() ({
        %run_scoped3A_306 = tpu.sem_alloc : memref<!tpu.dma_semaphore, #tpu.memory_space<semaphore_mem>>
        %dma_start3A_307 = arith.constant 0 : i32
        %dma_start3A_308 = tpu.memref_slice %arg13[%add3A_23, %dma_start3A_307] : memref<10112x128xf32, #tpu.memory_space<vmem_shared>> -> memref<32x128xf32, #tpu.memory_space<vmem_shared>>
        %dma_start3A_309 = arith.constant 0 : i32
        %dma_start3A_310 = arith.constant 0 : i32
        %dma_start3A_311 = tpu.memref_slice %arg14[%dma_start3A_309, %dma_start3A_310] : memref<120x128xf32, #tpu.memory_space<vmem_shared>> -> memref<32x128xf32, #tpu.memory_space<vmem_shared>>
        tpu.enqueue_dma source(%dma_start3A_311 : memref<32x128xf32, #tpu.memory_space<vmem_shared>>) target(%dma_start3A_308 : memref<32x128xf32, #tpu.memory_space<vmem_shared>>) target_semaphore(%run_scoped3A_306 : memref<!tpu.dma_semaphore, #tpu.memory_space<semaphore_mem>>)
        %dma_wait3A_312 = arith.constant 0 : i32
        %dma_wait3A_313 = tpu.memref_slice %arg13[%add3A_23, %dma_wait3A_312] : memref<10112x128xf32, #tpu.memory_space<vmem_shared>> -> memref<32x128xf32, #tpu.memory_space<vmem_shared>>
        %dma_wait3A_314 = arith.constant 0 : i32
        %dma_wait3A_315 = arith.constant 0 : i32
        %dma_wait3A_316 = tpu.memref_slice %arg14[%dma_wait3A_314, %dma_wait3A_315] : memref<120x128xf32, #tpu.memory_space<vmem_shared>> -> memref<32x128xf32, #tpu.memory_space<vmem_shared>>
        tpu.wait_dma2 semaphore(%run_scoped3A_306 : memref<!tpu.dma_semaphore, #tpu.memory_space<semaphore_mem>>) src(%dma_wait3A_316 : memref<32x128xf32, #tpu.memory_space<vmem_shared>>) dst(%dma_wait3A_313 : memref<32x128xf32, #tpu.memory_space<vmem_shared>>)
        tpu.yield
      }) : () -> ()
      %barrier3A_24 = arith.constant 0 : index
      tpu.barrier barrier_id(%barrier3A_24)
      %dma_start3A = arith.constant 0 : i32
      %dma_start3A_25 = arith.constant 0 : i32
      %dma_start3A_26 = arith.constant 0 : i32
      %dma_start3A_27 = arith.constant 0 : i32
      %dma_start3A_28 = tpu.memref_slice %arg12[%dma_start3A_25, %dma_start3A_26, %dma_start3A_27] : memref<2x128x128xf32, #tpu.memory_space<vmem>> -> memref<1x128x128xf32, #tpu.memory_space<vmem>>
      %dma_start3A_29 = tpu.memref_squeeze %dma_start3A_28 : memref<1x128x128xf32, #tpu.memory_space<vmem>> -> memref<128x128xf32, #tpu.memory_space<vmem>>
      %dma_start3A_30 = arith.constant 0 : i32
      %dma_start3A_31 = tpu.memref_slice %arg10[%dma_start3A, %dma_start3A_30] : memref<64x128xi32, #tpu.memory_space<vmem>> -> memref<1x128xi32, #tpu.memory_space<vmem>>
      %dma_start3A_32 = tpu.memref_squeeze %dma_start3A_31 : memref<1x128xi32, #tpu.memory_space<vmem>> -> memref<128xi32, #tpu.memory_space<vmem>>
      %dma_start3A_33 = arith.constant 0 : i32
      %dma_start3A_34 = arith.constant 0 : i32
      %dma_start3A_35 = tpu.memref_slice %arg5[%dma_start3A_33, %dma_start3A_34] : memref<10000x128xf32, #tpu.memory_space<hbm>> -> memref<10000x128xf32, #tpu.memory_space<hbm>>
      tpu.enqueue_indirect_dma source(%dma_start3A_35 : memref<10000x128xf32, #tpu.memory_space<hbm>>) target(%dma_start3A_29 : memref<128x128xf32, #tpu.memory_space<vmem>>) offsets(%dma_start3A_32 : memref<128xi32, #tpu.memory_space<vmem>>) semaphore(%arg15 : memref<!tpu.dma_semaphore, #tpu.memory_space<semaphore_mem>>)
      %dma_start3A_36 = arith.constant 1 : i32
      %dma_start3A_37 = arith.constant 1 : i32
      %dma_start3A_38 = arith.constant 0 : i32
      %dma_start3A_39 = arith.constant 0 : i32
      %dma_start3A_40 = tpu.memref_slice %arg12[%dma_start3A_37, %dma_start3A_38, %dma_start3A_39] : memref<2x128x128xf32, #tpu.memory_space<vmem>> -> memref<1x128x128xf32, #tpu.memory_space<vmem>>
      %dma_start3A_41 = tpu.memref_squeeze %dma_start3A_40 : memref<1x128x128xf32, #tpu.memory_space<vmem>> -> memref<128x128xf32, #tpu.memory_space<vmem>>
      %dma_start3A_42 = arith.constant 0 : i32
      %dma_start3A_43 = tpu.memref_slice %arg10[%dma_start3A_36, %dma_start3A_42] : memref<64x128xi32, #tpu.memory_space<vmem>> -> memref<1x128xi32, #tpu.memory_space<vmem>>
      %dma_start3A_44 = tpu.memref_squeeze %dma_start3A_43 : memref<1x128xi32, #tpu.memory_space<vmem>> -> memref<128xi32, #tpu.memory_space<vmem>>
      %dma_start3A_45 = arith.constant 0 : i32
      %dma_start3A_46 = arith.constant 0 : i32
      %dma_start3A_47 = tpu.memref_slice %arg5[%dma_start3A_45, %dma_start3A_46] : memref<10000x128xf32, #tpu.memory_space<hbm>> -> memref<10000x128xf32, #tpu.memory_space<hbm>>
      tpu.enqueue_indirect_dma source(%dma_start3A_47 : memref<10000x128xf32, #tpu.memory_space<hbm>>) target(%dma_start3A_41 : memref<128x128xf32, #tpu.memory_space<vmem>>) offsets(%dma_start3A_44 : memref<128xi32, #tpu.memory_space<vmem>>) semaphore(%arg15 : memref<!tpu.dma_semaphore, #tpu.memory_space<semaphore_mem>>)
      %scan3A = arith.constant 0 : i32
      %scan3A_48 = arith.constant 0 : i32
      %scan3A_49 = arith.constant 16 : i32
      %scan3A_50 = arith.addi %scan3A_48, %scan3A_49 : i32
      %scan3A_51 = arith.constant 1 : i32
      scf.for %scan3A_306 = %scan3A_48 to %scan3A_50 step %scan3A_51  : i32 {
        %and3A = arith.constant 1 : i32
        %and3A_307 = arith.andi %scan3A_306, %and3A : i32
        %dma_wait3A_308 = arith.constant 0 : i32
        %dma_wait3A_309 = arith.constant 0 : i32
        %dma_wait3A_310 = tpu.memref_slice %arg12[%and3A_307, %dma_wait3A_308, %dma_wait3A_309] : memref<2x128x128xf32, #tpu.memory_space<vmem>> -> memref<1x128x128xf32, #tpu.memory_space<vmem>>
        %dma_wait3A_311 = tpu.memref_squeeze %dma_wait3A_310 : memref<1x128x128xf32, #tpu.memory_space<vmem>> -> memref<128x128xf32, #tpu.memory_space<vmem>>
        %dma_wait3A_312 = arith.constant 0 : i32
        %dma_wait3A_313 = tpu.memref_slice %arg10[%scan3A_306, %dma_wait3A_312] : memref<64x128xi32, #tpu.memory_space<vmem>> -> memref<1x128xi32, #tpu.memory_space<vmem>>
        %dma_wait3A_314 = tpu.memref_squeeze %dma_wait3A_313 : memref<1x128xi32, #tpu.memory_space<vmem>> -> memref<128xi32, #tpu.memory_space<vmem>>
        %dma_wait3A_315 = arith.constant 0 : i32
        %dma_wait3A_316 = arith.constant 0 : i32
        %dma_wait3A_317 = tpu.memref_slice %arg5[%dma_wait3A_315, %dma_wait3A_316] : memref<10000x128xf32, #tpu.memory_space<hbm>> -> memref<10000x128xf32, #tpu.memory_space<hbm>>
        tpu.wait_indirect_dma semaphore(%arg15 : memref<!tpu.dma_semaphore, #tpu.memory_space<semaphore_mem>>) src(%dma_wait3A_317 : memref<10000x128xf32, #tpu.memory_space<hbm>>) dst(%dma_wait3A_311 : memref<128x128xf32, #tpu.memory_space<vmem>>)
        %dma_start3A_318 = arith.constant 0 : i32
        %dma_start3A_319 = arith.constant 0 : i32
        %dma_start3A_320 = tpu.memref_slice %arg12[%and3A_307, %dma_start3A_318, %dma_start3A_319] : memref<2x128x128xf32, #tpu.memory_space<vmem>> -> memref<1x128x128xf32, #tpu.memory_space<vmem>>
        %dma_start3A_321 = tpu.memref_squeeze %dma_start3A_320 : memref<1x128x128xf32, #tpu.memory_space<vmem>> -> memref<128x128xf32, #tpu.memory_space<vmem>>
        %dma_start3A_322 = arith.constant 0 : i32
        %dma_start3A_323 = tpu.memref_slice %arg11[%scan3A_306, %dma_start3A_322] : memref<64x128xi32, #tpu.memory_space<vmem>> -> memref<1x128xi32, #tpu.memory_space<vmem>>
        %dma_start3A_324 = tpu.memref_squeeze %dma_start3A_323 : memref<1x128xi32, #tpu.memory_space<vmem>> -> memref<128xi32, #tpu.memory_space<vmem>>
        %dma_start3A_325 = arith.constant 0 : i32
        %dma_start3A_326 = arith.constant 0 : i32
        %dma_start3A_327 = tpu.memref_slice %arg13[%dma_start3A_325, %dma_start3A_326] : memref<10112x128xf32, #tpu.memory_space<vmem_shared>> -> memref<10112x128xf32, #tpu.memory_space<vmem_shared>>
        tpu.enqueue_indirect_dma source(%dma_start3A_321 : memref<128x128xf32, #tpu.memory_space<vmem>>) target(%dma_start3A_327 : memref<10112x128xf32, #tpu.memory_space<vmem_shared>>) offsets(%dma_start3A_324 : memref<128xi32, #tpu.memory_space<vmem>>) semaphore(%arg16 : memref<!tpu.dma_semaphore, #tpu.memory_space<semaphore_mem>>) {add = true}
        %add3A_328 = arith.constant 2 : i32
        %add3A_329 = arith.addi %scan3A_306, %add3A_328 : i32
        %lt3A = arith.constant 16 : i32
        %lt3A_330 = arith.cmpi slt, %add3A_329, %lt3A : i32
        %convert_element_type3A_331 = arith.extui %lt3A_330 : i1 to i32
        %cond3A_332 = arith.constant 0 : i32
        %cond3A_333 = arith.cmpi ne, %convert_element_type3A_331, %cond3A_332 : i32
        scf.if %cond3A_333 {
          %dma_wait3A_334 = arith.constant 0 : i32
          %dma_wait3A_335 = arith.constant 0 : i32
          %dma_wait3A_336 = tpu.memref_slice %arg12[%and3A_307, %dma_wait3A_334, %dma_wait3A_335] : memref<2x128x128xf32, #tpu.memory_space<vmem>> -> memref<1x128x128xf32, #tpu.memory_space<vmem>>
          %dma_wait3A_337 = tpu.memref_squeeze %dma_wait3A_336 : memref<1x128x128xf32, #tpu.memory_space<vmem>> -> memref<128x128xf32, #tpu.memory_space<vmem>>
          %dma_wait3A_338 = arith.constant 0 : i32
          %dma_wait3A_339 = tpu.memref_slice %arg11[%scan3A_306, %dma_wait3A_338] : memref<64x128xi32, #tpu.memory_space<vmem>> -> memref<1x128xi32, #tpu.memory_space<vmem>>
          %dma_wait3A_340 = tpu.memref_squeeze %dma_wait3A_339 : memref<1x128xi32, #tpu.memory_space<vmem>> -> memref<128xi32, #tpu.memory_space<vmem>>
          %dma_wait3A_341 = arith.constant 0 : i32
          %dma_wait3A_342 = arith.constant 0 : i32
          %dma_wait3A_343 = tpu.memref_slice %arg13[%dma_wait3A_341, %dma_wait3A_342] : memref<10112x128xf32, #tpu.memory_space<vmem_shared>> -> memref<10112x128xf32, #tpu.memory_space<vmem_shared>>
          tpu.wait_indirect_dma semaphore(%arg16 : memref<!tpu.dma_semaphore, #tpu.memory_space<semaphore_mem>>) src(%dma_wait3A_337 : memref<128x128xf32, #tpu.memory_space<vmem>>) dst(%dma_wait3A_343 : memref<10112x128xf32, #tpu.memory_space<vmem_shared>>)
          %add3A_344 = arith.constant 2 : i32
          %add3A_345 = arith.addi %scan3A_306, %add3A_344 : i32
          %dma_start3A_346 = arith.constant 0 : i32
          %dma_start3A_347 = arith.constant 0 : i32
          %dma_start3A_348 = tpu.memref_slice %arg12[%and3A_307, %dma_start3A_346, %dma_start3A_347] : memref<2x128x128xf32, #tpu.memory_space<vmem>> -> memref<1x128x128xf32, #tpu.memory_space<vmem>>
          %dma_start3A_349 = tpu.memref_squeeze %dma_start3A_348 : memref<1x128x128xf32, #tpu.memory_space<vmem>> -> memref<128x128xf32, #tpu.memory_space<vmem>>
          %dma_start3A_350 = arith.constant 0 : i32
          %dma_start3A_351 = tpu.memref_slice %arg10[%add3A_345, %dma_start3A_350] : memref<64x128xi32, #tpu.memory_space<vmem>> -> memref<1x128xi32, #tpu.memory_space<vmem>>
          %dma_start3A_352 = tpu.memref_squeeze %dma_start3A_351 : memref<1x128xi32, #tpu.memory_space<vmem>> -> memref<128xi32, #tpu.memory_space<vmem>>
          %dma_start3A_353 = arith.constant 0 : i32
          %dma_start3A_354 = arith.constant 0 : i32
          %dma_start3A_355 = tpu.memref_slice %arg5[%dma_start3A_353, %dma_start3A_354] : memref<10000x128xf32, #tpu.memory_space<hbm>> -> memref<10000x128xf32, #tpu.memory_space<hbm>>
          tpu.enqueue_indirect_dma source(%dma_start3A_355 : memref<10000x128xf32, #tpu.memory_space<hbm>>) target(%dma_start3A_349 : memref<128x128xf32, #tpu.memory_space<vmem>>) offsets(%dma_start3A_352 : memref<128xi32, #tpu.memory_space<vmem>>) semaphore(%arg15 : memref<!tpu.dma_semaphore, #tpu.memory_space<semaphore_mem>>)
        } else {
        }
      }
      %scan3A_52 = arith.constant 16 : i32
      %dma_wait3A = arith.constant 0 : i32
      %dma_wait3A_53 = arith.constant 0 : i32
      %dma_wait3A_54 = arith.constant 0 : i32
      %dma_wait3A_55 = arith.constant 0 : i32
      %dma_wait3A_56 = tpu.memref_slice %arg12[%dma_wait3A, %dma_wait3A_54, %dma_wait3A_55] : memref<2x128x128xf32, #tpu.memory_space<vmem>> -> memref<1x128x128xf32, #tpu.memory_space<vmem>>
      %dma_wait3A_57 = tpu.memref_squeeze %dma_wait3A_56 : memref<1x128x128xf32, #tpu.memory_space<vmem>> -> memref<128x128xf32, #tpu.memory_space<vmem>>
      %dma_wait3A_58 = arith.constant 0 : i32
      %dma_wait3A_59 = tpu.memref_slice %arg11[%dma_wait3A_53, %dma_wait3A_58] : memref<64x128xi32, #tpu.memory_space<vmem>> -> memref<1x128xi32, #tpu.memory_space<vmem>>
      %dma_wait3A_60 = tpu.memref_squeeze %dma_wait3A_59 : memref<1x128xi32, #tpu.memory_space<vmem>> -> memref<128xi32, #tpu.memory_space<vmem>>
      %dma_wait3A_61 = arith.constant 0 : i32
      %dma_wait3A_62 = arith.constant 0 : i32
      %dma_wait3A_63 = tpu.memref_slice %arg13[%dma_wait3A_61, %dma_wait3A_62] : memref<10112x128xf32, #tpu.memory_space<vmem_shared>> -> memref<10112x128xf32, #tpu.memory_space<vmem_shared>>
      tpu.wait_indirect_dma semaphore(%arg16 : memref<!tpu.dma_semaphore, #tpu.memory_space<semaphore_mem>>) src(%dma_wait3A_57 : memref<128x128xf32, #tpu.memory_space<vmem>>) dst(%dma_wait3A_63 : memref<10112x128xf32, #tpu.memory_space<vmem_shared>>)
      %dma_wait3A_64 = arith.constant 1 : i32
      %dma_wait3A_65 = arith.constant 1 : i32
      %dma_wait3A_66 = arith.constant 0 : i32
      %dma_wait3A_67 = arith.constant 0 : i32
      %dma_wait3A_68 = tpu.memref_slice %arg12[%dma_wait3A_64, %dma_wait3A_66, %dma_wait3A_67] : memref<2x128x128xf32, #tpu.memory_space<vmem>> -> memref<1x128x128xf32, #tpu.memory_space<vmem>>
      %dma_wait3A_69 = tpu.memref_squeeze %dma_wait3A_68 : memref<1x128x128xf32, #tpu.memory_space<vmem>> -> memref<128x128xf32, #tpu.memory_space<vmem>>
      %dma_wait3A_70 = arith.constant 0 : i32
      %dma_wait3A_71 = tpu.memref_slice %arg11[%dma_wait3A_65, %dma_wait3A_70] : memref<64x128xi32, #tpu.memory_space<vmem>> -> memref<1x128xi32, #tpu.memory_space<vmem>>
      %dma_wait3A_72 = tpu.memref_squeeze %dma_wait3A_71 : memref<1x128xi32, #tpu.memory_space<vmem>> -> memref<128xi32, #tpu.memory_space<vmem>>
      %dma_wait3A_73 = arith.constant 0 : i32
      %dma_wait3A_74 = arith.constant 0 : i32
      %dma_wait3A_75 = tpu.memref_slice %arg13[%dma_wait3A_73, %dma_wait3A_74] : memref<10112x128xf32, #tpu.memory_space<vmem_shared>> -> memref<10112x128xf32, #tpu.memory_space<vmem_shared>>
      tpu.wait_indirect_dma semaphore(%arg16 : memref<!tpu.dma_semaphore, #tpu.memory_space<semaphore_mem>>) src(%dma_wait3A_69 : memref<128x128xf32, #tpu.memory_space<vmem>>) dst(%dma_wait3A_75 : memref<10112x128xf32, #tpu.memory_space<vmem_shared>>)
      %barrier3A_76 = arith.constant 0 : index
      tpu.barrier barrier_id(%barrier3A_76)
      %mul3A_77 = arith.constant 632 : i32
      %mul3A_78 = arith.muli %arg1, %mul3A_77 : i32
      %mul3A_79 = arith.constant 632 : i32
      %mul3A_80 = arith.muli %arg1, %mul3A_79 : i32
      %run_scoped3A = arith.constant 0 : i32
      "tpu.region"() ({
        %run_scoped3A_306 = tpu.sem_alloc : memref<!tpu.dma_semaphore, #tpu.memory_space<semaphore_mem>>
        %dma_start3A_307 = arith.constant 0 : i32
        %dma_start3A_308 = tpu.memref_slice %arg9[%run_scoped3A, %arg0, %mul3A_80, %dma_start3A_307] : memref<4x2x10112x128xf32, #tpu.memory_space<hbm>> -> memref<1x1x632x128xf32, #tpu.memory_space<hbm>>
        %dma_start3A_309 = tpu.memref_squeeze %dma_start3A_308 : memref<1x1x632x128xf32, #tpu.memory_space<hbm>> -> memref<632x128xf32, #tpu.memory_space<hbm>>
        %dma_start3A_310 = arith.constant 0 : i32
        %dma_start3A_311 = tpu.memref_slice %arg13[%mul3A_78, %dma_start3A_310] : memref<10112x128xf32, #tpu.memory_space<vmem_shared>> -> memref<632x128xf32, #tpu.memory_space<vmem_shared>>
        tpu.enqueue_dma source(%dma_start3A_311 : memref<632x128xf32, #tpu.memory_space<vmem_shared>>) target(%dma_start3A_309 : memref<632x128xf32, #tpu.memory_space<hbm>>) target_semaphore(%run_scoped3A_306 : memref<!tpu.dma_semaphore, #tpu.memory_space<semaphore_mem>>)
        %dma_wait3A_312 = arith.constant 0 : i32
        %dma_wait3A_313 = tpu.memref_slice %arg9[%run_scoped3A, %arg0, %mul3A_80, %dma_wait3A_312] : memref<4x2x10112x128xf32, #tpu.memory_space<hbm>> -> memref<1x1x632x128xf32, #tpu.memory_space<hbm>>
        %dma_wait3A_314 = tpu.memref_squeeze %dma_wait3A_313 : memref<1x1x632x128xf32, #tpu.memory_space<hbm>> -> memref<632x128xf32, #tpu.memory_space<hbm>>
        %dma_wait3A_315 = arith.constant 0 : i32
        %dma_wait3A_316 = tpu.memref_slice %arg13[%mul3A_78, %dma_wait3A_315] : memref<10112x128xf32, #tpu.memory_space<vmem_shared>> -> memref<632x128xf32, #tpu.memory_space<vmem_shared>>
        tpu.wait_dma2 semaphore(%run_scoped3A_306 : memref<!tpu.dma_semaphore, #tpu.memory_space<semaphore_mem>>) src(%dma_wait3A_316 : memref<632x128xf32, #tpu.memory_space<vmem_shared>>) dst(%dma_wait3A_314 : memref<632x128xf32, #tpu.memory_space<hbm>>)
        tpu.yield
      }) : () -> ()
      %mul3A_81 = arith.constant 632 : i32
      %mul3A_82 = arith.muli %arg1, %mul3A_81 : i32
      %add3A_83 = arith.constant 0 : i32
      %add3A_84 = arith.addi %mul3A_82, %add3A_83 : i32
      "tpu.region"() ({
        %run_scoped3A_306 = tpu.sem_alloc : memref<!tpu.dma_semaphore, #tpu.memory_space<semaphore_mem>>
        %dma_start3A_307 = arith.constant 0 : i32
        %dma_start3A_308 = tpu.memref_slice %arg13[%add3A_84, %dma_start3A_307] : memref<10112x128xf32, #tpu.memory_space<vmem_shared>> -> memref<120x128xf32, #tpu.memory_space<vmem_shared>>
        tpu.enqueue_dma source(%arg14 : memref<120x128xf32, #tpu.memory_space<vmem_shared>>) target(%dma_start3A_308 : memref<120x128xf32, #tpu.memory_space<vmem_shared>>) target_semaphore(%run_scoped3A_306 : memref<!tpu.dma_semaphore, #tpu.memory_space<semaphore_mem>>)
        %dma_wait3A_309 = arith.constant 0 : i32
        %dma_wait3A_310 = tpu.memref_slice %arg13[%add3A_84, %dma_wait3A_309] : memref<10112x128xf32, #tpu.memory_space<vmem_shared>> -> memref<120x128xf32, #tpu.memory_space<vmem_shared>>
        tpu.wait_dma2 semaphore(%run_scoped3A_306 : memref<!tpu.dma_semaphore, #tpu.memory_space<semaphore_mem>>) src(%arg14 : memref<120x128xf32, #tpu.memory_space<vmem_shared>>) dst(%dma_wait3A_310 : memref<120x128xf32, #tpu.memory_space<vmem_shared>>)
        tpu.yield
      }) : () -> ()
      %add3A_85 = arith.constant 120 : i32
      %add3A_86 = arith.addi %mul3A_82, %add3A_85 : i32
      "tpu.region"() ({
        %run_scoped3A_306 = tpu.sem_alloc : memref<!tpu.dma_semaphore, #tpu.memory_space<semaphore_mem>>
        %dma_start3A_307 = arith.constant 0 : i32
        %dma_start3A_308 = tpu.memref_slice %arg13[%add3A_86, %dma_start3A_307] : memref<10112x128xf32, #tpu.memory_space<vmem_shared>> -> memref<120x128xf32, #tpu.memory_space<vmem_shared>>
        tpu.enqueue_dma source(%arg14 : memref<120x128xf32, #tpu.memory_space<vmem_shared>>) target(%dma_start3A_308 : memref<120x128xf32, #tpu.memory_space<vmem_shared>>) target_semaphore(%run_scoped3A_306 : memref<!tpu.dma_semaphore, #tpu.memory_space<semaphore_mem>>)
        %dma_wait3A_309 = arith.constant 0 : i32
        %dma_wait3A_310 = tpu.memref_slice %arg13[%add3A_86, %dma_wait3A_309] : memref<10112x128xf32, #tpu.memory_space<vmem_shared>> -> memref<120x128xf32, #tpu.memory_space<vmem_shared>>
        tpu.wait_dma2 semaphore(%run_scoped3A_306 : memref<!tpu.dma_semaphore, #tpu.memory_space<semaphore_mem>>) src(%arg14 : memref<120x128xf32, #tpu.memory_space<vmem_shared>>) dst(%dma_wait3A_310 : memref<120x128xf32, #tpu.memory_space<vmem_shared>>)
        tpu.yield
      }) : () -> ()
      %add3A_87 = arith.constant 240 : i32
      %add3A_88 = arith.addi %mul3A_82, %add3A_87 : i32
      "tpu.region"() ({
        %run_scoped3A_306 = tpu.sem_alloc : memref<!tpu.dma_semaphore, #tpu.memory_space<semaphore_mem>>
        %dma_start3A_307 = arith.constant 0 : i32
        %dma_start3A_308 = tpu.memref_slice %arg13[%add3A_88, %dma_start3A_307] : memref<10112x128xf32, #tpu.memory_space<vmem_shared>> -> memref<120x128xf32, #tpu.memory_space<vmem_shared>>
        tpu.enqueue_dma source(%arg14 : memref<120x128xf32, #tpu.memory_space<vmem_shared>>) target(%dma_start3A_308 : memref<120x128xf32, #tpu.memory_space<vmem_shared>>) target_semaphore(%run_scoped3A_306 : memref<!tpu.dma_semaphore, #tpu.memory_space<semaphore_mem>>)
        %dma_wait3A_309 = arith.constant 0 : i32
        %dma_wait3A_310 = tpu.memref_slice %arg13[%add3A_88, %dma_wait3A_309] : memref<10112x128xf32, #tpu.memory_space<vmem_shared>> -> memref<120x128xf32, #tpu.memory_space<vmem_shared>>
        tpu.wait_dma2 semaphore(%run_scoped3A_306 : memref<!tpu.dma_semaphore, #tpu.memory_space<semaphore_mem>>) src(%arg14 : memref<120x128xf32, #tpu.memory_space<vmem_shared>>) dst(%dma_wait3A_310 : memref<120x128xf32, #tpu.memory_space<vmem_shared>>)
        tpu.yield
      }) : () -> ()
      %add3A_89 = arith.constant 360 : i32
      %add3A_90 = arith.addi %mul3A_82, %add3A_89 : i32
      "tpu.region"() ({
        %run_scoped3A_306 = tpu.sem_alloc : memref<!tpu.dma_semaphore, #tpu.memory_space<semaphore_mem>>
        %dma_start3A_307 = arith.constant 0 : i32
        %dma_start3A_308 = tpu.memref_slice %arg13[%add3A_90, %dma_start3A_307] : memref<10112x128xf32, #tpu.memory_space<vmem_shared>> -> memref<120x128xf32, #tpu.memory_space<vmem_shared>>
        tpu.enqueue_dma source(%arg14 : memref<120x128xf32, #tpu.memory_space<vmem_shared>>) target(%dma_start3A_308 : memref<120x128xf32, #tpu.memory_space<vmem_shared>>) target_semaphore(%run_scoped3A_306 : memref<!tpu.dma_semaphore, #tpu.memory_space<semaphore_mem>>)
        %dma_wait3A_309 = arith.constant 0 : i32
        %dma_wait3A_310 = tpu.memref_slice %arg13[%add3A_90, %dma_wait3A_309] : memref<10112x128xf32, #tpu.memory_space<vmem_shared>> -> memref<120x128xf32, #tpu.memory_space<vmem_shared>>
        tpu.wait_dma2 semaphore(%run_scoped3A_306 : memref<!tpu.dma_semaphore, #tpu.memory_space<semaphore_mem>>) src(%arg14 : memref<120x128xf32, #tpu.memory_space<vmem_shared>>) dst(%dma_wait3A_310 : memref<120x128xf32, #tpu.memory_space<vmem_shared>>)
        tpu.yield
      }) : () -> ()
      %add3A_91 = arith.constant 480 : i32
      %add3A_92 = arith.addi %mul3A_82, %add3A_91 : i32
      "tpu.region"() ({
        %run_scoped3A_306 = tpu.sem_alloc : memref<!tpu.dma_semaphore, #tpu.memory_space<semaphore_mem>>
        %dma_start3A_307 = arith.constant 0 : i32
        %dma_start3A_308 = tpu.memref_slice %arg13[%add3A_92, %dma_start3A_307] : memref<10112x128xf32, #tpu.memory_space<vmem_shared>> -> memref<120x128xf32, #tpu.memory_space<vmem_shared>>
        tpu.enqueue_dma source(%arg14 : memref<120x128xf32, #tpu.memory_space<vmem_shared>>) target(%dma_start3A_308 : memref<120x128xf32, #tpu.memory_space<vmem_shared>>) target_semaphore(%run_scoped3A_306 : memref<!tpu.dma_semaphore, #tpu.memory_space<semaphore_mem>>)
        %dma_wait3A_309 = arith.constant 0 : i32
        %dma_wait3A_310 = tpu.memref_slice %arg13[%add3A_92, %dma_wait3A_309] : memref<10112x128xf32, #tpu.memory_space<vmem_shared>> -> memref<120x128xf32, #tpu.memory_space<vmem_shared>>
        tpu.wait_dma2 semaphore(%run_scoped3A_306 : memref<!tpu.dma_semaphore, #tpu.memory_space<semaphore_mem>>) src(%arg14 : memref<120x128xf32, #tpu.memory_space<vmem_shared>>) dst(%dma_wait3A_310 : memref<120x128xf32, #tpu.memory_space<vmem_shared>>)
        tpu.yield
      }) : () -> ()
      %add3A_93 = arith.constant 600 : i32
      %add3A_94 = arith.addi %mul3A_82, %add3A_93 : i32
      "tpu.region"() ({
        %run_scoped3A_306 = tpu.sem_alloc : memref<!tpu.dma_semaphore, #tpu.memory_space<semaphore_mem>>
        %dma_start3A_307 = arith.constant 0 : i32
        %dma_start3A_308 = tpu.memref_slice %arg13[%add3A_94, %dma_start3A_307] : memref<10112x128xf32, #tpu.memory_space<vmem_shared>> -> memref<32x128xf32, #tpu.memory_space<vmem_shared>>
        %dma_start3A_309 = arith.constant 0 : i32
        %dma_start3A_310 = arith.constant 0 : i32
        %dma_start3A_311 = tpu.memref_slice %arg14[%dma_start3A_309, %dma_start3A_310] : memref<120x128xf32, #tpu.memory_space<vmem_shared>> -> memref<32x128xf32, #tpu.memory_space<vmem_shared>>
        tpu.enqueue_dma source(%dma_start3A_311 : memref<32x128xf32, #tpu.memory_space<vmem_shared>>) target(%dma_start3A_308 : memref<32x128xf32, #tpu.memory_space<vmem_shared>>) target_semaphore(%run_scoped3A_306 : memref<!tpu.dma_semaphore, #tpu.memory_space<semaphore_mem>>)
        %dma_wait3A_312 = arith.constant 0 : i32
        %dma_wait3A_313 = tpu.memref_slice %arg13[%add3A_94, %dma_wait3A_312] : memref<10112x128xf32, #tpu.memory_space<vmem_shared>> -> memref<32x128xf32, #tpu.memory_space<vmem_shared>>
        %dma_wait3A_314 = arith.constant 0 : i32
        %dma_wait3A_315 = arith.constant 0 : i32
        %dma_wait3A_316 = tpu.memref_slice %arg14[%dma_wait3A_314, %dma_wait3A_315] : memref<120x128xf32, #tpu.memory_space<vmem_shared>> -> memref<32x128xf32, #tpu.memory_space<vmem_shared>>
        tpu.wait_dma2 semaphore(%run_scoped3A_306 : memref<!tpu.dma_semaphore, #tpu.memory_space<semaphore_mem>>) src(%dma_wait3A_316 : memref<32x128xf32, #tpu.memory_space<vmem_shared>>) dst(%dma_wait3A_313 : memref<32x128xf32, #tpu.memory_space<vmem_shared>>)
        tpu.yield
      }) : () -> ()
      %barrier3A_95 = arith.constant 0 : index
      tpu.barrier barrier_id(%barrier3A_95)
      %dma_start3A_96 = arith.constant 0 : i32
      %dma_start3A_97 = arith.constant 0 : i32
      %dma_start3A_98 = arith.constant 0 : i32
      %dma_start3A_99 = arith.constant 0 : i32
      %dma_start3A_100 = tpu.memref_slice %arg12[%dma_start3A_97, %dma_start3A_98, %dma_start3A_99] : memref<2x128x128xf32, #tpu.memory_space<vmem>> -> memref<1x128x128xf32, #tpu.memory_space<vmem>>
      %dma_start3A_101 = tpu.memref_squeeze %dma_start3A_100 : memref<1x128x128xf32, #tpu.memory_space<vmem>> -> memref<128x128xf32, #tpu.memory_space<vmem>>
      %dma_start3A_102 = arith.constant 0 : i32
      %dma_start3A_103 = tpu.memref_slice %arg10[%dma_start3A_96, %dma_start3A_102] : memref<64x128xi32, #tpu.memory_space<vmem>> -> memref<1x128xi32, #tpu.memory_space<vmem>>
      %dma_start3A_104 = tpu.memref_squeeze %dma_start3A_103 : memref<1x128xi32, #tpu.memory_space<vmem>> -> memref<128xi32, #tpu.memory_space<vmem>>
      %dma_start3A_105 = arith.constant 0 : i32
      %dma_start3A_106 = arith.constant 0 : i32
      %dma_start3A_107 = tpu.memref_slice %arg6[%dma_start3A_105, %dma_start3A_106] : memref<10000x128xf32, #tpu.memory_space<hbm>> -> memref<10000x128xf32, #tpu.memory_space<hbm>>
      tpu.enqueue_indirect_dma source(%dma_start3A_107 : memref<10000x128xf32, #tpu.memory_space<hbm>>) target(%dma_start3A_101 : memref<128x128xf32, #tpu.memory_space<vmem>>) offsets(%dma_start3A_104 : memref<128xi32, #tpu.memory_space<vmem>>) semaphore(%arg15 : memref<!tpu.dma_semaphore, #tpu.memory_space<semaphore_mem>>)
      %dma_start3A_108 = arith.constant 1 : i32
      %dma_start3A_109 = arith.constant 1 : i32
      %dma_start3A_110 = arith.constant 0 : i32
      %dma_start3A_111 = arith.constant 0 : i32
      %dma_start3A_112 = tpu.memref_slice %arg12[%dma_start3A_109, %dma_start3A_110, %dma_start3A_111] : memref<2x128x128xf32, #tpu.memory_space<vmem>> -> memref<1x128x128xf32, #tpu.memory_space<vmem>>
      %dma_start3A_113 = tpu.memref_squeeze %dma_start3A_112 : memref<1x128x128xf32, #tpu.memory_space<vmem>> -> memref<128x128xf32, #tpu.memory_space<vmem>>
      %dma_start3A_114 = arith.constant 0 : i32
      %dma_start3A_115 = tpu.memref_slice %arg10[%dma_start3A_108, %dma_start3A_114] : memref<64x128xi32, #tpu.memory_space<vmem>> -> memref<1x128xi32, #tpu.memory_space<vmem>>
      %dma_start3A_116 = tpu.memref_squeeze %dma_start3A_115 : memref<1x128xi32, #tpu.memory_space<vmem>> -> memref<128xi32, #tpu.memory_space<vmem>>
      %dma_start3A_117 = arith.constant 0 : i32
      %dma_start3A_118 = arith.constant 0 : i32
      %dma_start3A_119 = tpu.memref_slice %arg6[%dma_start3A_117, %dma_start3A_118] : memref<10000x128xf32, #tpu.memory_space<hbm>> -> memref<10000x128xf32, #tpu.memory_space<hbm>>
      tpu.enqueue_indirect_dma source(%dma_start3A_119 : memref<10000x128xf32, #tpu.memory_space<hbm>>) target(%dma_start3A_113 : memref<128x128xf32, #tpu.memory_space<vmem>>) offsets(%dma_start3A_116 : memref<128xi32, #tpu.memory_space<vmem>>) semaphore(%arg15 : memref<!tpu.dma_semaphore, #tpu.memory_space<semaphore_mem>>)
      %scan3A_120 = arith.constant 0 : i32
      %scan3A_121 = arith.constant 0 : i32
      %scan3A_122 = arith.constant 16 : i32
      %scan3A_123 = arith.addi %scan3A_121, %scan3A_122 : i32
      %scan3A_124 = arith.constant 1 : i32
      scf.for %scan3A_306 = %scan3A_121 to %scan3A_123 step %scan3A_124  : i32 {
        %and3A = arith.constant 1 : i32
        %and3A_307 = arith.andi %scan3A_306, %and3A : i32
        %dma_wait3A_308 = arith.constant 0 : i32
        %dma_wait3A_309 = arith.constant 0 : i32
        %dma_wait3A_310 = tpu.memref_slice %arg12[%and3A_307, %dma_wait3A_308, %dma_wait3A_309] : memref<2x128x128xf32, #tpu.memory_space<vmem>> -> memref<1x128x128xf32, #tpu.memory_space<vmem>>
        %dma_wait3A_311 = tpu.memref_squeeze %dma_wait3A_310 : memref<1x128x128xf32, #tpu.memory_space<vmem>> -> memref<128x128xf32, #tpu.memory_space<vmem>>
        %dma_wait3A_312 = arith.constant 0 : i32
        %dma_wait3A_313 = tpu.memref_slice %arg10[%scan3A_306, %dma_wait3A_312] : memref<64x128xi32, #tpu.memory_space<vmem>> -> memref<1x128xi32, #tpu.memory_space<vmem>>
        %dma_wait3A_314 = tpu.memref_squeeze %dma_wait3A_313 : memref<1x128xi32, #tpu.memory_space<vmem>> -> memref<128xi32, #tpu.memory_space<vmem>>
        %dma_wait3A_315 = arith.constant 0 : i32
        %dma_wait3A_316 = arith.constant 0 : i32
        %dma_wait3A_317 = tpu.memref_slice %arg6[%dma_wait3A_315, %dma_wait3A_316] : memref<10000x128xf32, #tpu.memory_space<hbm>> -> memref<10000x128xf32, #tpu.memory_space<hbm>>
        tpu.wait_indirect_dma semaphore(%arg15 : memref<!tpu.dma_semaphore, #tpu.memory_space<semaphore_mem>>) src(%dma_wait3A_317 : memref<10000x128xf32, #tpu.memory_space<hbm>>) dst(%dma_wait3A_311 : memref<128x128xf32, #tpu.memory_space<vmem>>)
        %dma_start3A_318 = arith.constant 0 : i32
        %dma_start3A_319 = arith.constant 0 : i32
        %dma_start3A_320 = tpu.memref_slice %arg12[%and3A_307, %dma_start3A_318, %dma_start3A_319] : memref<2x128x128xf32, #tpu.memory_space<vmem>> -> memref<1x128x128xf32, #tpu.memory_space<vmem>>
        %dma_start3A_321 = tpu.memref_squeeze %dma_start3A_320 : memref<1x128x128xf32, #tpu.memory_space<vmem>> -> memref<128x128xf32, #tpu.memory_space<vmem>>
        %dma_start3A_322 = arith.constant 0 : i32
        %dma_start3A_323 = tpu.memref_slice %arg11[%scan3A_306, %dma_start3A_322] : memref<64x128xi32, #tpu.memory_space<vmem>> -> memref<1x128xi32, #tpu.memory_space<vmem>>
        %dma_start3A_324 = tpu.memref_squeeze %dma_start3A_323 : memref<1x128xi32, #tpu.memory_space<vmem>> -> memref<128xi32, #tpu.memory_space<vmem>>
        %dma_start3A_325 = arith.constant 0 : i32
        %dma_start3A_326 = arith.constant 0 : i32
        %dma_start3A_327 = tpu.memref_slice %arg13[%dma_start3A_325, %dma_start3A_326] : memref<10112x128xf32, #tpu.memory_space<vmem_shared>> -> memref<10112x128xf32, #tpu.memory_space<vmem_shared>>
        tpu.enqueue_indirect_dma source(%dma_start3A_321 : memref<128x128xf32, #tpu.memory_space<vmem>>) target(%dma_start3A_327 : memref<10112x128xf32, #tpu.memory_space<vmem_shared>>) offsets(%dma_start3A_324 : memref<128xi32, #tpu.memory_space<vmem>>) semaphore(%arg16 : memref<!tpu.dma_semaphore, #tpu.memory_space<semaphore_mem>>) {add = true}
        %add3A_328 = arith.constant 2 : i32
        %add3A_329 = arith.addi %scan3A_306, %add3A_328 : i32
        %lt3A = arith.constant 16 : i32
        %lt3A_330 = arith.cmpi slt, %add3A_329, %lt3A : i32
        %convert_element_type3A_331 = arith.extui %lt3A_330 : i1 to i32
        %cond3A_332 = arith.constant 0 : i32
        %cond3A_333 = arith.cmpi ne, %convert_element_type3A_331, %cond3A_332 : i32
        scf.if %cond3A_333 {
          %dma_wait3A_334 = arith.constant 0 : i32
          %dma_wait3A_335 = arith.constant 0 : i32
          %dma_wait3A_336 = tpu.memref_slice %arg12[%and3A_307, %dma_wait3A_334, %dma_wait3A_335] : memref<2x128x128xf32, #tpu.memory_space<vmem>> -> memref<1x128x128xf32, #tpu.memory_space<vmem>>
          %dma_wait3A_337 = tpu.memref_squeeze %dma_wait3A_336 : memref<1x128x128xf32, #tpu.memory_space<vmem>> -> memref<128x128xf32, #tpu.memory_space<vmem>>
          %dma_wait3A_338 = arith.constant 0 : i32
          %dma_wait3A_339 = tpu.memref_slice %arg11[%scan3A_306, %dma_wait3A_338] : memref<64x128xi32, #tpu.memory_space<vmem>> -> memref<1x128xi32, #tpu.memory_space<vmem>>
          %dma_wait3A_340 = tpu.memref_squeeze %dma_wait3A_339 : memref<1x128xi32, #tpu.memory_space<vmem>> -> memref<128xi32, #tpu.memory_space<vmem>>
          %dma_wait3A_341 = arith.constant 0 : i32
          %dma_wait3A_342 = arith.constant 0 : i32
          %dma_wait3A_343 = tpu.memref_slice %arg13[%dma_wait3A_341, %dma_wait3A_342] : memref<10112x128xf32, #tpu.memory_space<vmem_shared>> -> memref<10112x128xf32, #tpu.memory_space<vmem_shared>>
          tpu.wait_indirect_dma semaphore(%arg16 : memref<!tpu.dma_semaphore, #tpu.memory_space<semaphore_mem>>) src(%dma_wait3A_337 : memref<128x128xf32, #tpu.memory_space<vmem>>) dst(%dma_wait3A_343 : memref<10112x128xf32, #tpu.memory_space<vmem_shared>>)
          %add3A_344 = arith.constant 2 : i32
          %add3A_345 = arith.addi %scan3A_306, %add3A_344 : i32
          %dma_start3A_346 = arith.constant 0 : i32
          %dma_start3A_347 = arith.constant 0 : i32
          %dma_start3A_348 = tpu.memref_slice %arg12[%and3A_307, %dma_start3A_346, %dma_start3A_347] : memref<2x128x128xf32, #tpu.memory_space<vmem>> -> memref<1x128x128xf32, #tpu.memory_space<vmem>>
          %dma_start3A_349 = tpu.memref_squeeze %dma_start3A_348 : memref<1x128x128xf32, #tpu.memory_space<vmem>> -> memref<128x128xf32, #tpu.memory_space<vmem>>
          %dma_start3A_350 = arith.constant 0 : i32
          %dma_start3A_351 = tpu.memref_slice %arg10[%add3A_345, %dma_start3A_350] : memref<64x128xi32, #tpu.memory_space<vmem>> -> memref<1x128xi32, #tpu.memory_space<vmem>>
          %dma_start3A_352 = tpu.memref_squeeze %dma_start3A_351 : memref<1x128xi32, #tpu.memory_space<vmem>> -> memref<128xi32, #tpu.memory_space<vmem>>
          %dma_start3A_353 = arith.constant 0 : i32
          %dma_start3A_354 = arith.constant 0 : i32
          %dma_start3A_355 = tpu.memref_slice %arg6[%dma_start3A_353, %dma_start3A_354] : memref<10000x128xf32, #tpu.memory_space<hbm>> -> memref<10000x128xf32, #tpu.memory_space<hbm>>
          tpu.enqueue_indirect_dma source(%dma_start3A_355 : memref<10000x128xf32, #tpu.memory_space<hbm>>) target(%dma_start3A_349 : memref<128x128xf32, #tpu.memory_space<vmem>>) offsets(%dma_start3A_352 : memref<128xi32, #tpu.memory_space<vmem>>) semaphore(%arg15 : memref<!tpu.dma_semaphore, #tpu.memory_space<semaphore_mem>>)
        } else {
        }
      }
      %scan3A_125 = arith.constant 16 : i32
      %dma_wait3A_126 = arith.constant 0 : i32
      %dma_wait3A_127 = arith.constant 0 : i32
      %dma_wait3A_128 = arith.constant 0 : i32
      %dma_wait3A_129 = arith.constant 0 : i32
      %dma_wait3A_130 = tpu.memref_slice %arg12[%dma_wait3A_126, %dma_wait3A_128, %dma_wait3A_129] : memref<2x128x128xf32, #tpu.memory_space<vmem>> -> memref<1x128x128xf32, #tpu.memory_space<vmem>>
      %dma_wait3A_131 = tpu.memref_squeeze %dma_wait3A_130 : memref<1x128x128xf32, #tpu.memory_space<vmem>> -> memref<128x128xf32, #tpu.memory_space<vmem>>
      %dma_wait3A_132 = arith.constant 0 : i32
      %dma_wait3A_133 = tpu.memref_slice %arg11[%dma_wait3A_127, %dma_wait3A_132] : memref<64x128xi32, #tpu.memory_space<vmem>> -> memref<1x128xi32, #tpu.memory_space<vmem>>
      %dma_wait3A_134 = tpu.memref_squeeze %dma_wait3A_133 : memref<1x128xi32, #tpu.memory_space<vmem>> -> memref<128xi32, #tpu.memory_space<vmem>>
      %dma_wait3A_135 = arith.constant 0 : i32
      %dma_wait3A_136 = arith.constant 0 : i32
      %dma_wait3A_137 = tpu.memref_slice %arg13[%dma_wait3A_135, %dma_wait3A_136] : memref<10112x128xf32, #tpu.memory_space<vmem_shared>> -> memref<10112x128xf32, #tpu.memory_space<vmem_shared>>
      tpu.wait_indirect_dma semaphore(%arg16 : memref<!tpu.dma_semaphore, #tpu.memory_space<semaphore_mem>>) src(%dma_wait3A_131 : memref<128x128xf32, #tpu.memory_space<vmem>>) dst(%dma_wait3A_137 : memref<10112x128xf32, #tpu.memory_space<vmem_shared>>)
      %dma_wait3A_138 = arith.constant 1 : i32
      %dma_wait3A_139 = arith.constant 1 : i32
      %dma_wait3A_140 = arith.constant 0 : i32
      %dma_wait3A_141 = arith.constant 0 : i32
      %dma_wait3A_142 = tpu.memref_slice %arg12[%dma_wait3A_138, %dma_wait3A_140, %dma_wait3A_141] : memref<2x128x128xf32, #tpu.memory_space<vmem>> -> memref<1x128x128xf32, #tpu.memory_space<vmem>>
      %dma_wait3A_143 = tpu.memref_squeeze %dma_wait3A_142 : memref<1x128x128xf32, #tpu.memory_space<vmem>> -> memref<128x128xf32, #tpu.memory_space<vmem>>
      %dma_wait3A_144 = arith.constant 0 : i32
      %dma_wait3A_145 = tpu.memref_slice %arg11[%dma_wait3A_139, %dma_wait3A_144] : memref<64x128xi32, #tpu.memory_space<vmem>> -> memref<1x128xi32, #tpu.memory_space<vmem>>
      %dma_wait3A_146 = tpu.memref_squeeze %dma_wait3A_145 : memref<1x128xi32, #tpu.memory_space<vmem>> -> memref<128xi32, #tpu.memory_space<vmem>>
      %dma_wait3A_147 = arith.constant 0 : i32
      %dma_wait3A_148 = arith.constant 0 : i32
      %dma_wait3A_149 = tpu.memref_slice %arg13[%dma_wait3A_147, %dma_wait3A_148] : memref<10112x128xf32, #tpu.memory_space<vmem_shared>> -> memref<10112x128xf32, #tpu.memory_space<vmem_shared>>
      tpu.wait_indirect_dma semaphore(%arg16 : memref<!tpu.dma_semaphore, #tpu.memory_space<semaphore_mem>>) src(%dma_wait3A_143 : memref<128x128xf32, #tpu.memory_space<vmem>>) dst(%dma_wait3A_149 : memref<10112x128xf32, #tpu.memory_space<vmem_shared>>)
      %barrier3A_150 = arith.constant 0 : index
      tpu.barrier barrier_id(%barrier3A_150)
      %mul3A_151 = arith.constant 632 : i32
      %mul3A_152 = arith.muli %arg1, %mul3A_151 : i32
      %mul3A_153 = arith.constant 632 : i32
      %mul3A_154 = arith.muli %arg1, %mul3A_153 : i32
      %run_scoped3A_155 = arith.constant 1 : i32
      "tpu.region"() ({
        %run_scoped3A_306 = tpu.sem_alloc : memref<!tpu.dma_semaphore, #tpu.memory_space<semaphore_mem>>
        %dma_start3A_307 = arith.constant 0 : i32
        %dma_start3A_308 = tpu.memref_slice %arg9[%run_scoped3A_155, %arg0, %mul3A_154, %dma_start3A_307] : memref<4x2x10112x128xf32, #tpu.memory_space<hbm>> -> memref<1x1x632x128xf32, #tpu.memory_space<hbm>>
        %dma_start3A_309 = tpu.memref_squeeze %dma_start3A_308 : memref<1x1x632x128xf32, #tpu.memory_space<hbm>> -> memref<632x128xf32, #tpu.memory_space<hbm>>
        %dma_start3A_310 = arith.constant 0 : i32
        %dma_start3A_311 = tpu.memref_slice %arg13[%mul3A_152, %dma_start3A_310] : memref<10112x128xf32, #tpu.memory_space<vmem_shared>> -> memref<632x128xf32, #tpu.memory_space<vmem_shared>>
        tpu.enqueue_dma source(%dma_start3A_311 : memref<632x128xf32, #tpu.memory_space<vmem_shared>>) target(%dma_start3A_309 : memref<632x128xf32, #tpu.memory_space<hbm>>) target_semaphore(%run_scoped3A_306 : memref<!tpu.dma_semaphore, #tpu.memory_space<semaphore_mem>>)
        %dma_wait3A_312 = arith.constant 0 : i32
        %dma_wait3A_313 = tpu.memref_slice %arg9[%run_scoped3A_155, %arg0, %mul3A_154, %dma_wait3A_312] : memref<4x2x10112x128xf32, #tpu.memory_space<hbm>> -> memref<1x1x632x128xf32, #tpu.memory_space<hbm>>
        %dma_wait3A_314 = tpu.memref_squeeze %dma_wait3A_313 : memref<1x1x632x128xf32, #tpu.memory_space<hbm>> -> memref<632x128xf32, #tpu.memory_space<hbm>>
        %dma_wait3A_315 = arith.constant 0 : i32
        %dma_wait3A_316 = tpu.memref_slice %arg13[%mul3A_152, %dma_wait3A_315] : memref<10112x128xf32, #tpu.memory_space<vmem_shared>> -> memref<632x128xf32, #tpu.memory_space<vmem_shared>>
        tpu.wait_dma2 semaphore(%run_scoped3A_306 : memref<!tpu.dma_semaphore, #tpu.memory_space<semaphore_mem>>) src(%dma_wait3A_316 : memref<632x128xf32, #tpu.memory_space<vmem_shared>>) dst(%dma_wait3A_314 : memref<632x128xf32, #tpu.memory_space<hbm>>)
        tpu.yield
      }) : () -> ()
      %mul3A_156 = arith.constant 632 : i32
      %mul3A_157 = arith.muli %arg1, %mul3A_156 : i32
      %add3A_158 = arith.constant 0 : i32
      %add3A_159 = arith.addi %mul3A_157, %add3A_158 : i32
      "tpu.region"() ({
        %run_scoped3A_306 = tpu.sem_alloc : memref<!tpu.dma_semaphore, #tpu.memory_space<semaphore_mem>>
        %dma_start3A_307 = arith.constant 0 : i32
        %dma_start3A_308 = tpu.memref_slice %arg13[%add3A_159, %dma_start3A_307] : memref<10112x128xf32, #tpu.memory_space<vmem_shared>> -> memref<120x128xf32, #tpu.memory_space<vmem_shared>>
        tpu.enqueue_dma source(%arg14 : memref<120x128xf32, #tpu.memory_space<vmem_shared>>) target(%dma_start3A_308 : memref<120x128xf32, #tpu.memory_space<vmem_shared>>) target_semaphore(%run_scoped3A_306 : memref<!tpu.dma_semaphore, #tpu.memory_space<semaphore_mem>>)
        %dma_wait3A_309 = arith.constant 0 : i32
        %dma_wait3A_310 = tpu.memref_slice %arg13[%add3A_159, %dma_wait3A_309] : memref<10112x128xf32, #tpu.memory_space<vmem_shared>> -> memref<120x128xf32, #tpu.memory_space<vmem_shared>>
        tpu.wait_dma2 semaphore(%run_scoped3A_306 : memref<!tpu.dma_semaphore, #tpu.memory_space<semaphore_mem>>) src(%arg14 : memref<120x128xf32, #tpu.memory_space<vmem_shared>>) dst(%dma_wait3A_310 : memref<120x128xf32, #tpu.memory_space<vmem_shared>>)
        tpu.yield
      }) : () -> ()
      %add3A_160 = arith.constant 120 : i32
      %add3A_161 = arith.addi %mul3A_157, %add3A_160 : i32
      "tpu.region"() ({
        %run_scoped3A_306 = tpu.sem_alloc : memref<!tpu.dma_semaphore, #tpu.memory_space<semaphore_mem>>
        %dma_start3A_307 = arith.constant 0 : i32
        %dma_start3A_308 = tpu.memref_slice %arg13[%add3A_161, %dma_start3A_307] : memref<10112x128xf32, #tpu.memory_space<vmem_shared>> -> memref<120x128xf32, #tpu.memory_space<vmem_shared>>
        tpu.enqueue_dma source(%arg14 : memref<120x128xf32, #tpu.memory_space<vmem_shared>>) target(%dma_start3A_308 : memref<120x128xf32, #tpu.memory_space<vmem_shared>>) target_semaphore(%run_scoped3A_306 : memref<!tpu.dma_semaphore, #tpu.memory_space<semaphore_mem>>)
        %dma_wait3A_309 = arith.constant 0 : i32
        %dma_wait3A_310 = tpu.memref_slice %arg13[%add3A_161, %dma_wait3A_309] : memref<10112x128xf32, #tpu.memory_space<vmem_shared>> -> memref<120x128xf32, #tpu.memory_space<vmem_shared>>
        tpu.wait_dma2 semaphore(%run_scoped3A_306 : memref<!tpu.dma_semaphore, #tpu.memory_space<semaphore_mem>>) src(%arg14 : memref<120x128xf32, #tpu.memory_space<vmem_shared>>) dst(%dma_wait3A_310 : memref<120x128xf32, #tpu.memory_space<vmem_shared>>)
        tpu.yield
      }) : () -> ()
      %add3A_162 = arith.constant 240 : i32
      %add3A_163 = arith.addi %mul3A_157, %add3A_162 : i32
      "tpu.region"() ({
        %run_scoped3A_306 = tpu.sem_alloc : memref<!tpu.dma_semaphore, #tpu.memory_space<semaphore_mem>>
        %dma_start3A_307 = arith.constant 0 : i32
        %dma_start3A_308 = tpu.memref_slice %arg13[%add3A_163, %dma_start3A_307] : memref<10112x128xf32, #tpu.memory_space<vmem_shared>> -> memref<120x128xf32, #tpu.memory_space<vmem_shared>>
        tpu.enqueue_dma source(%arg14 : memref<120x128xf32, #tpu.memory_space<vmem_shared>>) target(%dma_start3A_308 : memref<120x128xf32, #tpu.memory_space<vmem_shared>>) target_semaphore(%run_scoped3A_306 : memref<!tpu.dma_semaphore, #tpu.memory_space<semaphore_mem>>)
        %dma_wait3A_309 = arith.constant 0 : i32
        %dma_wait3A_310 = tpu.memref_slice %arg13[%add3A_163, %dma_wait3A_309] : memref<10112x128xf32, #tpu.memory_space<vmem_shared>> -> memref<120x128xf32, #tpu.memory_space<vmem_shared>>
        tpu.wait_dma2 semaphore(%run_scoped3A_306 : memref<!tpu.dma_semaphore, #tpu.memory_space<semaphore_mem>>) src(%arg14 : memref<120x128xf32, #tpu.memory_space<vmem_shared>>) dst(%dma_wait3A_310 : memref<120x128xf32, #tpu.memory_space<vmem_shared>>)
        tpu.yield
      }) : () -> ()
      %add3A_164 = arith.constant 360 : i32
      %add3A_165 = arith.addi %mul3A_157, %add3A_164 : i32
      "tpu.region"() ({
        %run_scoped3A_306 = tpu.sem_alloc : memref<!tpu.dma_semaphore, #tpu.memory_space<semaphore_mem>>
        %dma_start3A_307 = arith.constant 0 : i32
        %dma_start3A_308 = tpu.memref_slice %arg13[%add3A_165, %dma_start3A_307] : memref<10112x128xf32, #tpu.memory_space<vmem_shared>> -> memref<120x128xf32, #tpu.memory_space<vmem_shared>>
        tpu.enqueue_dma source(%arg14 : memref<120x128xf32, #tpu.memory_space<vmem_shared>>) target(%dma_start3A_308 : memref<120x128xf32, #tpu.memory_space<vmem_shared>>) target_semaphore(%run_scoped3A_306 : memref<!tpu.dma_semaphore, #tpu.memory_space<semaphore_mem>>)
        %dma_wait3A_309 = arith.constant 0 : i32
        %dma_wait3A_310 = tpu.memref_slice %arg13[%add3A_165, %dma_wait3A_309] : memref<10112x128xf32, #tpu.memory_space<vmem_shared>> -> memref<120x128xf32, #tpu.memory_space<vmem_shared>>
        tpu.wait_dma2 semaphore(%run_scoped3A_306 : memref<!tpu.dma_semaphore, #tpu.memory_space<semaphore_mem>>) src(%arg14 : memref<120x128xf32, #tpu.memory_space<vmem_shared>>) dst(%dma_wait3A_310 : memref<120x128xf32, #tpu.memory_space<vmem_shared>>)
        tpu.yield
      }) : () -> ()
      %add3A_166 = arith.constant 480 : i32
      %add3A_167 = arith.addi %mul3A_157, %add3A_166 : i32
      "tpu.region"() ({
        %run_scoped3A_306 = tpu.sem_alloc : memref<!tpu.dma_semaphore, #tpu.memory_space<semaphore_mem>>
        %dma_start3A_307 = arith.constant 0 : i32
        %dma_start3A_308 = tpu.memref_slice %arg13[%add3A_167, %dma_start3A_307] : memref<10112x128xf32, #tpu.memory_space<vmem_shared>> -> memref<120x128xf32, #tpu.memory_space<vmem_shared>>
        tpu.enqueue_dma source(%arg14 : memref<120x128xf32, #tpu.memory_space<vmem_shared>>) target(%dma_start3A_308 : memref<120x128xf32, #tpu.memory_space<vmem_shared>>) target_semaphore(%run_scoped3A_306 : memref<!tpu.dma_semaphore, #tpu.memory_space<semaphore_mem>>)
        %dma_wait3A_309 = arith.constant 0 : i32
        %dma_wait3A_310 = tpu.memref_slice %arg13[%add3A_167, %dma_wait3A_309] : memref<10112x128xf32, #tpu.memory_space<vmem_shared>> -> memref<120x128xf32, #tpu.memory_space<vmem_shared>>
        tpu.wait_dma2 semaphore(%run_scoped3A_306 : memref<!tpu.dma_semaphore, #tpu.memory_space<semaphore_mem>>) src(%arg14 : memref<120x128xf32, #tpu.memory_space<vmem_shared>>) dst(%dma_wait3A_310 : memref<120x128xf32, #tpu.memory_space<vmem_shared>>)
        tpu.yield
      }) : () -> ()
      %add3A_168 = arith.constant 600 : i32
      %add3A_169 = arith.addi %mul3A_157, %add3A_168 : i32
      "tpu.region"() ({
        %run_scoped3A_306 = tpu.sem_alloc : memref<!tpu.dma_semaphore, #tpu.memory_space<semaphore_mem>>
        %dma_start3A_307 = arith.constant 0 : i32
        %dma_start3A_308 = tpu.memref_slice %arg13[%add3A_169, %dma_start3A_307] : memref<10112x128xf32, #tpu.memory_space<vmem_shared>> -> memref<32x128xf32, #tpu.memory_space<vmem_shared>>
        %dma_start3A_309 = arith.constant 0 : i32
        %dma_start3A_310 = arith.constant 0 : i32
        %dma_start3A_311 = tpu.memref_slice %arg14[%dma_start3A_309, %dma_start3A_310] : memref<120x128xf32, #tpu.memory_space<vmem_shared>> -> memref<32x128xf32, #tpu.memory_space<vmem_shared>>
        tpu.enqueue_dma source(%dma_start3A_311 : memref<32x128xf32, #tpu.memory_space<vmem_shared>>) target(%dma_start3A_308 : memref<32x128xf32, #tpu.memory_space<vmem_shared>>) target_semaphore(%run_scoped3A_306 : memref<!tpu.dma_semaphore, #tpu.memory_space<semaphore_mem>>)
        %dma_wait3A_312 = arith.constant 0 : i32
        %dma_wait3A_313 = tpu.memref_slice %arg13[%add3A_169, %dma_wait3A_312] : memref<10112x128xf32, #tpu.memory_space<vmem_shared>> -> memref<32x128xf32, #tpu.memory_space<vmem_shared>>
        %dma_wait3A_314 = arith.constant 0 : i32
        %dma_wait3A_315 = arith.constant 0 : i32
        %dma_wait3A_316 = tpu.memref_slice %arg14[%dma_wait3A_314, %dma_wait3A_315] : memref<120x128xf32, #tpu.memory_space<vmem_shared>> -> memref<32x128xf32, #tpu.memory_space<vmem_shared>>
        tpu.wait_dma2 semaphore(%run_scoped3A_306 : memref<!tpu.dma_semaphore, #tpu.memory_space<semaphore_mem>>) src(%dma_wait3A_316 : memref<32x128xf32, #tpu.memory_space<vmem_shared>>) dst(%dma_wait3A_313 : memref<32x128xf32, #tpu.memory_space<vmem_shared>>)
        tpu.yield
      }) : () -> ()
      %barrier3A_170 = arith.constant 0 : index
      tpu.barrier barrier_id(%barrier3A_170)
      %dma_start3A_171 = arith.constant 0 : i32
      %dma_start3A_172 = arith.constant 0 : i32
      %dma_start3A_173 = arith.constant 0 : i32
      %dma_start3A_174 = arith.constant 0 : i32
      %dma_start3A_175 = tpu.memref_slice %arg12[%dma_start3A_172, %dma_start3A_173, %dma_start3A_174] : memref<2x128x128xf32, #tpu.memory_space<vmem>> -> memref<1x128x128xf32, #tpu.memory_space<vmem>>
      %dma_start3A_176 = tpu.memref_squeeze %dma_start3A_175 : memref<1x128x128xf32, #tpu.memory_space<vmem>> -> memref<128x128xf32, #tpu.memory_space<vmem>>
      %dma_start3A_177 = arith.constant 0 : i32
      %dma_start3A_178 = tpu.memref_slice %arg10[%dma_start3A_171, %dma_start3A_177] : memref<64x128xi32, #tpu.memory_space<vmem>> -> memref<1x128xi32, #tpu.memory_space<vmem>>
      %dma_start3A_179 = tpu.memref_squeeze %dma_start3A_178 : memref<1x128xi32, #tpu.memory_space<vmem>> -> memref<128xi32, #tpu.memory_space<vmem>>
      %dma_start3A_180 = arith.constant 0 : i32
      %dma_start3A_181 = arith.constant 0 : i32
      %dma_start3A_182 = tpu.memref_slice %arg7[%dma_start3A_180, %dma_start3A_181] : memref<10000x128xf32, #tpu.memory_space<hbm>> -> memref<10000x128xf32, #tpu.memory_space<hbm>>
      tpu.enqueue_indirect_dma source(%dma_start3A_182 : memref<10000x128xf32, #tpu.memory_space<hbm>>) target(%dma_start3A_176 : memref<128x128xf32, #tpu.memory_space<vmem>>) offsets(%dma_start3A_179 : memref<128xi32, #tpu.memory_space<vmem>>) semaphore(%arg15 : memref<!tpu.dma_semaphore, #tpu.memory_space<semaphore_mem>>)
      %dma_start3A_183 = arith.constant 1 : i32
      %dma_start3A_184 = arith.constant 1 : i32
      %dma_start3A_185 = arith.constant 0 : i32
      %dma_start3A_186 = arith.constant 0 : i32
      %dma_start3A_187 = tpu.memref_slice %arg12[%dma_start3A_184, %dma_start3A_185, %dma_start3A_186] : memref<2x128x128xf32, #tpu.memory_space<vmem>> -> memref<1x128x128xf32, #tpu.memory_space<vmem>>
      %dma_start3A_188 = tpu.memref_squeeze %dma_start3A_187 : memref<1x128x128xf32, #tpu.memory_space<vmem>> -> memref<128x128xf32, #tpu.memory_space<vmem>>
      %dma_start3A_189 = arith.constant 0 : i32
      %dma_start3A_190 = tpu.memref_slice %arg10[%dma_start3A_183, %dma_start3A_189] : memref<64x128xi32, #tpu.memory_space<vmem>> -> memref<1x128xi32, #tpu.memory_space<vmem>>
      %dma_start3A_191 = tpu.memref_squeeze %dma_start3A_190 : memref<1x128xi32, #tpu.memory_space<vmem>> -> memref<128xi32, #tpu.memory_space<vmem>>
      %dma_start3A_192 = arith.constant 0 : i32
      %dma_start3A_193 = arith.constant 0 : i32
      %dma_start3A_194 = tpu.memref_slice %arg7[%dma_start3A_192, %dma_start3A_193] : memref<10000x128xf32, #tpu.memory_space<hbm>> -> memref<10000x128xf32, #tpu.memory_space<hbm>>
      tpu.enqueue_indirect_dma source(%dma_start3A_194 : memref<10000x128xf32, #tpu.memory_space<hbm>>) target(%dma_start3A_188 : memref<128x128xf32, #tpu.memory_space<vmem>>) offsets(%dma_start3A_191 : memref<128xi32, #tpu.memory_space<vmem>>) semaphore(%arg15 : memref<!tpu.dma_semaphore, #tpu.memory_space<semaphore_mem>>)
      %scan3A_195 = arith.constant 0 : i32
      %scan3A_196 = arith.constant 0 : i32
      %scan3A_197 = arith.constant 16 : i32
      %scan3A_198 = arith.addi %scan3A_196, %scan3A_197 : i32
      %scan3A_199 = arith.constant 1 : i32
      scf.for %scan3A_306 = %scan3A_196 to %scan3A_198 step %scan3A_199  : i32 {
        %and3A = arith.constant 1 : i32
        %and3A_307 = arith.andi %scan3A_306, %and3A : i32
        %dma_wait3A_308 = arith.constant 0 : i32
        %dma_wait3A_309 = arith.constant 0 : i32
        %dma_wait3A_310 = tpu.memref_slice %arg12[%and3A_307, %dma_wait3A_308, %dma_wait3A_309] : memref<2x128x128xf32, #tpu.memory_space<vmem>> -> memref<1x128x128xf32, #tpu.memory_space<vmem>>
        %dma_wait3A_311 = tpu.memref_squeeze %dma_wait3A_310 : memref<1x128x128xf32, #tpu.memory_space<vmem>> -> memref<128x128xf32, #tpu.memory_space<vmem>>
        %dma_wait3A_312 = arith.constant 0 : i32
        %dma_wait3A_313 = tpu.memref_slice %arg10[%scan3A_306, %dma_wait3A_312] : memref<64x128xi32, #tpu.memory_space<vmem>> -> memref<1x128xi32, #tpu.memory_space<vmem>>
        %dma_wait3A_314 = tpu.memref_squeeze %dma_wait3A_313 : memref<1x128xi32, #tpu.memory_space<vmem>> -> memref<128xi32, #tpu.memory_space<vmem>>
        %dma_wait3A_315 = arith.constant 0 : i32
        %dma_wait3A_316 = arith.constant 0 : i32
        %dma_wait3A_317 = tpu.memref_slice %arg7[%dma_wait3A_315, %dma_wait3A_316] : memref<10000x128xf32, #tpu.memory_space<hbm>> -> memref<10000x128xf32, #tpu.memory_space<hbm>>
        tpu.wait_indirect_dma semaphore(%arg15 : memref<!tpu.dma_semaphore, #tpu.memory_space<semaphore_mem>>) src(%dma_wait3A_317 : memref<10000x128xf32, #tpu.memory_space<hbm>>) dst(%dma_wait3A_311 : memref<128x128xf32, #tpu.memory_space<vmem>>)
        %dma_start3A_318 = arith.constant 0 : i32
        %dma_start3A_319 = arith.constant 0 : i32
        %dma_start3A_320 = tpu.memref_slice %arg12[%and3A_307, %dma_start3A_318, %dma_start3A_319] : memref<2x128x128xf32, #tpu.memory_space<vmem>> -> memref<1x128x128xf32, #tpu.memory_space<vmem>>
        %dma_start3A_321 = tpu.memref_squeeze %dma_start3A_320 : memref<1x128x128xf32, #tpu.memory_space<vmem>> -> memref<128x128xf32, #tpu.memory_space<vmem>>
        %dma_start3A_322 = arith.constant 0 : i32
        %dma_start3A_323 = tpu.memref_slice %arg11[%scan3A_306, %dma_start3A_322] : memref<64x128xi32, #tpu.memory_space<vmem>> -> memref<1x128xi32, #tpu.memory_space<vmem>>
        %dma_start3A_324 = tpu.memref_squeeze %dma_start3A_323 : memref<1x128xi32, #tpu.memory_space<vmem>> -> memref<128xi32, #tpu.memory_space<vmem>>
        %dma_start3A_325 = arith.constant 0 : i32
        %dma_start3A_326 = arith.constant 0 : i32
        %dma_start3A_327 = tpu.memref_slice %arg13[%dma_start3A_325, %dma_start3A_326] : memref<10112x128xf32, #tpu.memory_space<vmem_shared>> -> memref<10112x128xf32, #tpu.memory_space<vmem_shared>>
        tpu.enqueue_indirect_dma source(%dma_start3A_321 : memref<128x128xf32, #tpu.memory_space<vmem>>) target(%dma_start3A_327 : memref<10112x128xf32, #tpu.memory_space<vmem_shared>>) offsets(%dma_start3A_324 : memref<128xi32, #tpu.memory_space<vmem>>) semaphore(%arg16 : memref<!tpu.dma_semaphore, #tpu.memory_space<semaphore_mem>>) {add = true}
        %add3A_328 = arith.constant 2 : i32
        %add3A_329 = arith.addi %scan3A_306, %add3A_328 : i32
        %lt3A = arith.constant 16 : i32
        %lt3A_330 = arith.cmpi slt, %add3A_329, %lt3A : i32
        %convert_element_type3A_331 = arith.extui %lt3A_330 : i1 to i32
        %cond3A_332 = arith.constant 0 : i32
        %cond3A_333 = arith.cmpi ne, %convert_element_type3A_331, %cond3A_332 : i32
        scf.if %cond3A_333 {
          %dma_wait3A_334 = arith.constant 0 : i32
          %dma_wait3A_335 = arith.constant 0 : i32
          %dma_wait3A_336 = tpu.memref_slice %arg12[%and3A_307, %dma_wait3A_334, %dma_wait3A_335] : memref<2x128x128xf32, #tpu.memory_space<vmem>> -> memref<1x128x128xf32, #tpu.memory_space<vmem>>
          %dma_wait3A_337 = tpu.memref_squeeze %dma_wait3A_336 : memref<1x128x128xf32, #tpu.memory_space<vmem>> -> memref<128x128xf32, #tpu.memory_space<vmem>>
          %dma_wait3A_338 = arith.constant 0 : i32
          %dma_wait3A_339 = tpu.memref_slice %arg11[%scan3A_306, %dma_wait3A_338] : memref<64x128xi32, #tpu.memory_space<vmem>> -> memref<1x128xi32, #tpu.memory_space<vmem>>
          %dma_wait3A_340 = tpu.memref_squeeze %dma_wait3A_339 : memref<1x128xi32, #tpu.memory_space<vmem>> -> memref<128xi32, #tpu.memory_space<vmem>>
          %dma_wait3A_341 = arith.constant 0 : i32
          %dma_wait3A_342 = arith.constant 0 : i32
          %dma_wait3A_343 = tpu.memref_slice %arg13[%dma_wait3A_341, %dma_wait3A_342] : memref<10112x128xf32, #tpu.memory_space<vmem_shared>> -> memref<10112x128xf32, #tpu.memory_space<vmem_shared>>
          tpu.wait_indirect_dma semaphore(%arg16 : memref<!tpu.dma_semaphore, #tpu.memory_space<semaphore_mem>>) src(%dma_wait3A_337 : memref<128x128xf32, #tpu.memory_space<vmem>>) dst(%dma_wait3A_343 : memref<10112x128xf32, #tpu.memory_space<vmem_shared>>)
          %add3A_344 = arith.constant 2 : i32
          %add3A_345 = arith.addi %scan3A_306, %add3A_344 : i32
          %dma_start3A_346 = arith.constant 0 : i32
          %dma_start3A_347 = arith.constant 0 : i32
          %dma_start3A_348 = tpu.memref_slice %arg12[%and3A_307, %dma_start3A_346, %dma_start3A_347] : memref<2x128x128xf32, #tpu.memory_space<vmem>> -> memref<1x128x128xf32, #tpu.memory_space<vmem>>
          %dma_start3A_349 = tpu.memref_squeeze %dma_start3A_348 : memref<1x128x128xf32, #tpu.memory_space<vmem>> -> memref<128x128xf32, #tpu.memory_space<vmem>>
          %dma_start3A_350 = arith.constant 0 : i32
          %dma_start3A_351 = tpu.memref_slice %arg10[%add3A_345, %dma_start3A_350] : memref<64x128xi32, #tpu.memory_space<vmem>> -> memref<1x128xi32, #tpu.memory_space<vmem>>
          %dma_start3A_352 = tpu.memref_squeeze %dma_start3A_351 : memref<1x128xi32, #tpu.memory_space<vmem>> -> memref<128xi32, #tpu.memory_space<vmem>>
          %dma_start3A_353 = arith.constant 0 : i32
          %dma_start3A_354 = arith.constant 0 : i32
          %dma_start3A_355 = tpu.memref_slice %arg7[%dma_start3A_353, %dma_start3A_354] : memref<10000x128xf32, #tpu.memory_space<hbm>> -> memref<10000x128xf32, #tpu.memory_space<hbm>>
          tpu.enqueue_indirect_dma source(%dma_start3A_355 : memref<10000x128xf32, #tpu.memory_space<hbm>>) target(%dma_start3A_349 : memref<128x128xf32, #tpu.memory_space<vmem>>) offsets(%dma_start3A_352 : memref<128xi32, #tpu.memory_space<vmem>>) semaphore(%arg15 : memref<!tpu.dma_semaphore, #tpu.memory_space<semaphore_mem>>)
        } else {
        }
      }
      %scan3A_200 = arith.constant 16 : i32
      %dma_wait3A_201 = arith.constant 0 : i32
      %dma_wait3A_202 = arith.constant 0 : i32
      %dma_wait3A_203 = arith.constant 0 : i32
      %dma_wait3A_204 = arith.constant 0 : i32
      %dma_wait3A_205 = tpu.memref_slice %arg12[%dma_wait3A_201, %dma_wait3A_203, %dma_wait3A_204] : memref<2x128x128xf32, #tpu.memory_space<vmem>> -> memref<1x128x128xf32, #tpu.memory_space<vmem>>
      %dma_wait3A_206 = tpu.memref_squeeze %dma_wait3A_205 : memref<1x128x128xf32, #tpu.memory_space<vmem>> -> memref<128x128xf32, #tpu.memory_space<vmem>>
      %dma_wait3A_207 = arith.constant 0 : i32
      %dma_wait3A_208 = tpu.memref_slice %arg11[%dma_wait3A_202, %dma_wait3A_207] : memref<64x128xi32, #tpu.memory_space<vmem>> -> memref<1x128xi32, #tpu.memory_space<vmem>>
      %dma_wait3A_209 = tpu.memref_squeeze %dma_wait3A_208 : memref<1x128xi32, #tpu.memory_space<vmem>> -> memref<128xi32, #tpu.memory_space<vmem>>
      %dma_wait3A_210 = arith.constant 0 : i32
      %dma_wait3A_211 = arith.constant 0 : i32
      %dma_wait3A_212 = tpu.memref_slice %arg13[%dma_wait3A_210, %dma_wait3A_211] : memref<10112x128xf32, #tpu.memory_space<vmem_shared>> -> memref<10112x128xf32, #tpu.memory_space<vmem_shared>>
      tpu.wait_indirect_dma semaphore(%arg16 : memref<!tpu.dma_semaphore, #tpu.memory_space<semaphore_mem>>) src(%dma_wait3A_206 : memref<128x128xf32, #tpu.memory_space<vmem>>) dst(%dma_wait3A_212 : memref<10112x128xf32, #tpu.memory_space<vmem_shared>>)
      %dma_wait3A_213 = arith.constant 1 : i32
      %dma_wait3A_214 = arith.constant 1 : i32
      %dma_wait3A_215 = arith.constant 0 : i32
      %dma_wait3A_216 = arith.constant 0 : i32
      %dma_wait3A_217 = tpu.memref_slice %arg12[%dma_wait3A_213, %dma_wait3A_215, %dma_wait3A_216] : memref<2x128x128xf32, #tpu.memory_space<vmem>> -> memref<1x128x128xf32, #tpu.memory_space<vmem>>
      %dma_wait3A_218 = tpu.memref_squeeze %dma_wait3A_217 : memref<1x128x128xf32, #tpu.memory_space<vmem>> -> memref<128x128xf32, #tpu.memory_space<vmem>>
      %dma_wait3A_219 = arith.constant 0 : i32
      %dma_wait3A_220 = tpu.memref_slice %arg11[%dma_wait3A_214, %dma_wait3A_219] : memref<64x128xi32, #tpu.memory_space<vmem>> -> memref<1x128xi32, #tpu.memory_space<vmem>>
      %dma_wait3A_221 = tpu.memref_squeeze %dma_wait3A_220 : memref<1x128xi32, #tpu.memory_space<vmem>> -> memref<128xi32, #tpu.memory_space<vmem>>
      %dma_wait3A_222 = arith.constant 0 : i32
      %dma_wait3A_223 = arith.constant 0 : i32
      %dma_wait3A_224 = tpu.memref_slice %arg13[%dma_wait3A_222, %dma_wait3A_223] : memref<10112x128xf32, #tpu.memory_space<vmem_shared>> -> memref<10112x128xf32, #tpu.memory_space<vmem_shared>>
      tpu.wait_indirect_dma semaphore(%arg16 : memref<!tpu.dma_semaphore, #tpu.memory_space<semaphore_mem>>) src(%dma_wait3A_218 : memref<128x128xf32, #tpu.memory_space<vmem>>) dst(%dma_wait3A_224 : memref<10112x128xf32, #tpu.memory_space<vmem_shared>>)
      %barrier3A_225 = arith.constant 0 : index
      tpu.barrier barrier_id(%barrier3A_225)
      %mul3A_226 = arith.constant 632 : i32
      %mul3A_227 = arith.muli %arg1, %mul3A_226 : i32
      %mul3A_228 = arith.constant 632 : i32
      %mul3A_229 = arith.muli %arg1, %mul3A_228 : i32
      %run_scoped3A_230 = arith.constant 2 : i32
      "tpu.region"() ({
        %run_scoped3A_306 = tpu.sem_alloc : memref<!tpu.dma_semaphore, #tpu.memory_space<semaphore_mem>>
        %dma_start3A_307 = arith.constant 0 : i32
        %dma_start3A_308 = tpu.memref_slice %arg9[%run_scoped3A_230, %arg0, %mul3A_229, %dma_start3A_307] : memref<4x2x10112x128xf32, #tpu.memory_space<hbm>> -> memref<1x1x632x128xf32, #tpu.memory_space<hbm>>
        %dma_start3A_309 = tpu.memref_squeeze %dma_start3A_308 : memref<1x1x632x128xf32, #tpu.memory_space<hbm>> -> memref<632x128xf32, #tpu.memory_space<hbm>>
        %dma_start3A_310 = arith.constant 0 : i32
        %dma_start3A_311 = tpu.memref_slice %arg13[%mul3A_227, %dma_start3A_310] : memref<10112x128xf32, #tpu.memory_space<vmem_shared>> -> memref<632x128xf32, #tpu.memory_space<vmem_shared>>
        tpu.enqueue_dma source(%dma_start3A_311 : memref<632x128xf32, #tpu.memory_space<vmem_shared>>) target(%dma_start3A_309 : memref<632x128xf32, #tpu.memory_space<hbm>>) target_semaphore(%run_scoped3A_306 : memref<!tpu.dma_semaphore, #tpu.memory_space<semaphore_mem>>)
        %dma_wait3A_312 = arith.constant 0 : i32
        %dma_wait3A_313 = tpu.memref_slice %arg9[%run_scoped3A_230, %arg0, %mul3A_229, %dma_wait3A_312] : memref<4x2x10112x128xf32, #tpu.memory_space<hbm>> -> memref<1x1x632x128xf32, #tpu.memory_space<hbm>>
        %dma_wait3A_314 = tpu.memref_squeeze %dma_wait3A_313 : memref<1x1x632x128xf32, #tpu.memory_space<hbm>> -> memref<632x128xf32, #tpu.memory_space<hbm>>
        %dma_wait3A_315 = arith.constant 0 : i32
        %dma_wait3A_316 = tpu.memref_slice %arg13[%mul3A_227, %dma_wait3A_315] : memref<10112x128xf32, #tpu.memory_space<vmem_shared>> -> memref<632x128xf32, #tpu.memory_space<vmem_shared>>
        tpu.wait_dma2 semaphore(%run_scoped3A_306 : memref<!tpu.dma_semaphore, #tpu.memory_space<semaphore_mem>>) src(%dma_wait3A_316 : memref<632x128xf32, #tpu.memory_space<vmem_shared>>) dst(%dma_wait3A_314 : memref<632x128xf32, #tpu.memory_space<hbm>>)
        tpu.yield
      }) : () -> ()
      %mul3A_231 = arith.constant 632 : i32
      %mul3A_232 = arith.muli %arg1, %mul3A_231 : i32
      %add3A_233 = arith.constant 0 : i32
      %add3A_234 = arith.addi %mul3A_232, %add3A_233 : i32
      "tpu.region"() ({
        %run_scoped3A_306 = tpu.sem_alloc : memref<!tpu.dma_semaphore, #tpu.memory_space<semaphore_mem>>
        %dma_start3A_307 = arith.constant 0 : i32
        %dma_start3A_308 = tpu.memref_slice %arg13[%add3A_234, %dma_start3A_307] : memref<10112x128xf32, #tpu.memory_space<vmem_shared>> -> memref<120x128xf32, #tpu.memory_space<vmem_shared>>
        tpu.enqueue_dma source(%arg14 : memref<120x128xf32, #tpu.memory_space<vmem_shared>>) target(%dma_start3A_308 : memref<120x128xf32, #tpu.memory_space<vmem_shared>>) target_semaphore(%run_scoped3A_306 : memref<!tpu.dma_semaphore, #tpu.memory_space<semaphore_mem>>)
        %dma_wait3A_309 = arith.constant 0 : i32
        %dma_wait3A_310 = tpu.memref_slice %arg13[%add3A_234, %dma_wait3A_309] : memref<10112x128xf32, #tpu.memory_space<vmem_shared>> -> memref<120x128xf32, #tpu.memory_space<vmem_shared>>
        tpu.wait_dma2 semaphore(%run_scoped3A_306 : memref<!tpu.dma_semaphore, #tpu.memory_space<semaphore_mem>>) src(%arg14 : memref<120x128xf32, #tpu.memory_space<vmem_shared>>) dst(%dma_wait3A_310 : memref<120x128xf32, #tpu.memory_space<vmem_shared>>)
        tpu.yield
      }) : () -> ()
      %add3A_235 = arith.constant 120 : i32
      %add3A_236 = arith.addi %mul3A_232, %add3A_235 : i32
      "tpu.region"() ({
        %run_scoped3A_306 = tpu.sem_alloc : memref<!tpu.dma_semaphore, #tpu.memory_space<semaphore_mem>>
        %dma_start3A_307 = arith.constant 0 : i32
        %dma_start3A_308 = tpu.memref_slice %arg13[%add3A_236, %dma_start3A_307] : memref<10112x128xf32, #tpu.memory_space<vmem_shared>> -> memref<120x128xf32, #tpu.memory_space<vmem_shared>>
        tpu.enqueue_dma source(%arg14 : memref<120x128xf32, #tpu.memory_space<vmem_shared>>) target(%dma_start3A_308 : memref<120x128xf32, #tpu.memory_space<vmem_shared>>) target_semaphore(%run_scoped3A_306 : memref<!tpu.dma_semaphore, #tpu.memory_space<semaphore_mem>>)
        %dma_wait3A_309 = arith.constant 0 : i32
        %dma_wait3A_310 = tpu.memref_slice %arg13[%add3A_236, %dma_wait3A_309] : memref<10112x128xf32, #tpu.memory_space<vmem_shared>> -> memref<120x128xf32, #tpu.memory_space<vmem_shared>>
        tpu.wait_dma2 semaphore(%run_scoped3A_306 : memref<!tpu.dma_semaphore, #tpu.memory_space<semaphore_mem>>) src(%arg14 : memref<120x128xf32, #tpu.memory_space<vmem_shared>>) dst(%dma_wait3A_310 : memref<120x128xf32, #tpu.memory_space<vmem_shared>>)
        tpu.yield
      }) : () -> ()
      %add3A_237 = arith.constant 240 : i32
      %add3A_238 = arith.addi %mul3A_232, %add3A_237 : i32
      "tpu.region"() ({
        %run_scoped3A_306 = tpu.sem_alloc : memref<!tpu.dma_semaphore, #tpu.memory_space<semaphore_mem>>
        %dma_start3A_307 = arith.constant 0 : i32
        %dma_start3A_308 = tpu.memref_slice %arg13[%add3A_238, %dma_start3A_307] : memref<10112x128xf32, #tpu.memory_space<vmem_shared>> -> memref<120x128xf32, #tpu.memory_space<vmem_shared>>
        tpu.enqueue_dma source(%arg14 : memref<120x128xf32, #tpu.memory_space<vmem_shared>>) target(%dma_start3A_308 : memref<120x128xf32, #tpu.memory_space<vmem_shared>>) target_semaphore(%run_scoped3A_306 : memref<!tpu.dma_semaphore, #tpu.memory_space<semaphore_mem>>)
        %dma_wait3A_309 = arith.constant 0 : i32
        %dma_wait3A_310 = tpu.memref_slice %arg13[%add3A_238, %dma_wait3A_309] : memref<10112x128xf32, #tpu.memory_space<vmem_shared>> -> memref<120x128xf32, #tpu.memory_space<vmem_shared>>
        tpu.wait_dma2 semaphore(%run_scoped3A_306 : memref<!tpu.dma_semaphore, #tpu.memory_space<semaphore_mem>>) src(%arg14 : memref<120x128xf32, #tpu.memory_space<vmem_shared>>) dst(%dma_wait3A_310 : memref<120x128xf32, #tpu.memory_space<vmem_shared>>)
        tpu.yield
      }) : () -> ()
      %add3A_239 = arith.constant 360 : i32
      %add3A_240 = arith.addi %mul3A_232, %add3A_239 : i32
      "tpu.region"() ({
        %run_scoped3A_306 = tpu.sem_alloc : memref<!tpu.dma_semaphore, #tpu.memory_space<semaphore_mem>>
        %dma_start3A_307 = arith.constant 0 : i32
        %dma_start3A_308 = tpu.memref_slice %arg13[%add3A_240, %dma_start3A_307] : memref<10112x128xf32, #tpu.memory_space<vmem_shared>> -> memref<120x128xf32, #tpu.memory_space<vmem_shared>>
        tpu.enqueue_dma source(%arg14 : memref<120x128xf32, #tpu.memory_space<vmem_shared>>) target(%dma_start3A_308 : memref<120x128xf32, #tpu.memory_space<vmem_shared>>) target_semaphore(%run_scoped3A_306 : memref<!tpu.dma_semaphore, #tpu.memory_space<semaphore_mem>>)
        %dma_wait3A_309 = arith.constant 0 : i32
        %dma_wait3A_310 = tpu.memref_slice %arg13[%add3A_240, %dma_wait3A_309] : memref<10112x128xf32, #tpu.memory_space<vmem_shared>> -> memref<120x128xf32, #tpu.memory_space<vmem_shared>>
        tpu.wait_dma2 semaphore(%run_scoped3A_306 : memref<!tpu.dma_semaphore, #tpu.memory_space<semaphore_mem>>) src(%arg14 : memref<120x128xf32, #tpu.memory_space<vmem_shared>>) dst(%dma_wait3A_310 : memref<120x128xf32, #tpu.memory_space<vmem_shared>>)
        tpu.yield
      }) : () -> ()
      %add3A_241 = arith.constant 480 : i32
      %add3A_242 = arith.addi %mul3A_232, %add3A_241 : i32
      "tpu.region"() ({
        %run_scoped3A_306 = tpu.sem_alloc : memref<!tpu.dma_semaphore, #tpu.memory_space<semaphore_mem>>
        %dma_start3A_307 = arith.constant 0 : i32
        %dma_start3A_308 = tpu.memref_slice %arg13[%add3A_242, %dma_start3A_307] : memref<10112x128xf32, #tpu.memory_space<vmem_shared>> -> memref<120x128xf32, #tpu.memory_space<vmem_shared>>
        tpu.enqueue_dma source(%arg14 : memref<120x128xf32, #tpu.memory_space<vmem_shared>>) target(%dma_start3A_308 : memref<120x128xf32, #tpu.memory_space<vmem_shared>>) target_semaphore(%run_scoped3A_306 : memref<!tpu.dma_semaphore, #tpu.memory_space<semaphore_mem>>)
        %dma_wait3A_309 = arith.constant 0 : i32
        %dma_wait3A_310 = tpu.memref_slice %arg13[%add3A_242, %dma_wait3A_309] : memref<10112x128xf32, #tpu.memory_space<vmem_shared>> -> memref<120x128xf32, #tpu.memory_space<vmem_shared>>
        tpu.wait_dma2 semaphore(%run_scoped3A_306 : memref<!tpu.dma_semaphore, #tpu.memory_space<semaphore_mem>>) src(%arg14 : memref<120x128xf32, #tpu.memory_space<vmem_shared>>) dst(%dma_wait3A_310 : memref<120x128xf32, #tpu.memory_space<vmem_shared>>)
        tpu.yield
      }) : () -> ()
      %add3A_243 = arith.constant 600 : i32
      %add3A_244 = arith.addi %mul3A_232, %add3A_243 : i32
      "tpu.region"() ({
        %run_scoped3A_306 = tpu.sem_alloc : memref<!tpu.dma_semaphore, #tpu.memory_space<semaphore_mem>>
        %dma_start3A_307 = arith.constant 0 : i32
        %dma_start3A_308 = tpu.memref_slice %arg13[%add3A_244, %dma_start3A_307] : memref<10112x128xf32, #tpu.memory_space<vmem_shared>> -> memref<32x128xf32, #tpu.memory_space<vmem_shared>>
        %dma_start3A_309 = arith.constant 0 : i32
        %dma_start3A_310 = arith.constant 0 : i32
        %dma_start3A_311 = tpu.memref_slice %arg14[%dma_start3A_309, %dma_start3A_310] : memref<120x128xf32, #tpu.memory_space<vmem_shared>> -> memref<32x128xf32, #tpu.memory_space<vmem_shared>>
        tpu.enqueue_dma source(%dma_start3A_311 : memref<32x128xf32, #tpu.memory_space<vmem_shared>>) target(%dma_start3A_308 : memref<32x128xf32, #tpu.memory_space<vmem_shared>>) target_semaphore(%run_scoped3A_306 : memref<!tpu.dma_semaphore, #tpu.memory_space<semaphore_mem>>)
        %dma_wait3A_312 = arith.constant 0 : i32
        %dma_wait3A_313 = tpu.memref_slice %arg13[%add3A_244, %dma_wait3A_312] : memref<10112x128xf32, #tpu.memory_space<vmem_shared>> -> memref<32x128xf32, #tpu.memory_space<vmem_shared>>
        %dma_wait3A_314 = arith.constant 0 : i32
        %dma_wait3A_315 = arith.constant 0 : i32
        %dma_wait3A_316 = tpu.memref_slice %arg14[%dma_wait3A_314, %dma_wait3A_315] : memref<120x128xf32, #tpu.memory_space<vmem_shared>> -> memref<32x128xf32, #tpu.memory_space<vmem_shared>>
        tpu.wait_dma2 semaphore(%run_scoped3A_306 : memref<!tpu.dma_semaphore, #tpu.memory_space<semaphore_mem>>) src(%dma_wait3A_316 : memref<32x128xf32, #tpu.memory_space<vmem_shared>>) dst(%dma_wait3A_313 : memref<32x128xf32, #tpu.memory_space<vmem_shared>>)
        tpu.yield
      }) : () -> ()
      %barrier3A_245 = arith.constant 0 : index
      tpu.barrier barrier_id(%barrier3A_245)
      %dma_start3A_246 = arith.constant 0 : i32
      %dma_start3A_247 = arith.constant 0 : i32
      %dma_start3A_248 = arith.constant 0 : i32
      %dma_start3A_249 = arith.constant 0 : i32
      %dma_start3A_250 = tpu.memref_slice %arg12[%dma_start3A_247, %dma_start3A_248, %dma_start3A_249] : memref<2x128x128xf32, #tpu.memory_space<vmem>> -> memref<1x128x128xf32, #tpu.memory_space<vmem>>
      %dma_start3A_251 = tpu.memref_squeeze %dma_start3A_250 : memref<1x128x128xf32, #tpu.memory_space<vmem>> -> memref<128x128xf32, #tpu.memory_space<vmem>>
      %dma_start3A_252 = arith.constant 0 : i32
      %dma_start3A_253 = tpu.memref_slice %arg10[%dma_start3A_246, %dma_start3A_252] : memref<64x128xi32, #tpu.memory_space<vmem>> -> memref<1x128xi32, #tpu.memory_space<vmem>>
      %dma_start3A_254 = tpu.memref_squeeze %dma_start3A_253 : memref<1x128xi32, #tpu.memory_space<vmem>> -> memref<128xi32, #tpu.memory_space<vmem>>
      %dma_start3A_255 = arith.constant 0 : i32
      %dma_start3A_256 = arith.constant 0 : i32
      %dma_start3A_257 = tpu.memref_slice %arg8[%dma_start3A_255, %dma_start3A_256] : memref<10000x128xf32, #tpu.memory_space<hbm>> -> memref<10000x128xf32, #tpu.memory_space<hbm>>
      tpu.enqueue_indirect_dma source(%dma_start3A_257 : memref<10000x128xf32, #tpu.memory_space<hbm>>) target(%dma_start3A_251 : memref<128x128xf32, #tpu.memory_space<vmem>>) offsets(%dma_start3A_254 : memref<128xi32, #tpu.memory_space<vmem>>) semaphore(%arg15 : memref<!tpu.dma_semaphore, #tpu.memory_space<semaphore_mem>>)
      %dma_start3A_258 = arith.constant 1 : i32
      %dma_start3A_259 = arith.constant 1 : i32
      %dma_start3A_260 = arith.constant 0 : i32
      %dma_start3A_261 = arith.constant 0 : i32
      %dma_start3A_262 = tpu.memref_slice %arg12[%dma_start3A_259, %dma_start3A_260, %dma_start3A_261] : memref<2x128x128xf32, #tpu.memory_space<vmem>> -> memref<1x128x128xf32, #tpu.memory_space<vmem>>
      %dma_start3A_263 = tpu.memref_squeeze %dma_start3A_262 : memref<1x128x128xf32, #tpu.memory_space<vmem>> -> memref<128x128xf32, #tpu.memory_space<vmem>>
      %dma_start3A_264 = arith.constant 0 : i32
      %dma_start3A_265 = tpu.memref_slice %arg10[%dma_start3A_258, %dma_start3A_264] : memref<64x128xi32, #tpu.memory_space<vmem>> -> memref<1x128xi32, #tpu.memory_space<vmem>>
      %dma_start3A_266 = tpu.memref_squeeze %dma_start3A_265 : memref<1x128xi32, #tpu.memory_space<vmem>> -> memref<128xi32, #tpu.memory_space<vmem>>
      %dma_start3A_267 = arith.constant 0 : i32
      %dma_start3A_268 = arith.constant 0 : i32
      %dma_start3A_269 = tpu.memref_slice %arg8[%dma_start3A_267, %dma_start3A_268] : memref<10000x128xf32, #tpu.memory_space<hbm>> -> memref<10000x128xf32, #tpu.memory_space<hbm>>
      tpu.enqueue_indirect_dma source(%dma_start3A_269 : memref<10000x128xf32, #tpu.memory_space<hbm>>) target(%dma_start3A_263 : memref<128x128xf32, #tpu.memory_space<vmem>>) offsets(%dma_start3A_266 : memref<128xi32, #tpu.memory_space<vmem>>) semaphore(%arg15 : memref<!tpu.dma_semaphore, #tpu.memory_space<semaphore_mem>>)
      %scan3A_270 = arith.constant 0 : i32
      %scan3A_271 = arith.constant 0 : i32
      %scan3A_272 = arith.constant 16 : i32
      %scan3A_273 = arith.addi %scan3A_271, %scan3A_272 : i32
      %scan3A_274 = arith.constant 1 : i32
      scf.for %scan3A_306 = %scan3A_271 to %scan3A_273 step %scan3A_274  : i32 {
        %and3A = arith.constant 1 : i32
        %and3A_307 = arith.andi %scan3A_306, %and3A : i32
        %dma_wait3A_308 = arith.constant 0 : i32
        %dma_wait3A_309 = arith.constant 0 : i32
        %dma_wait3A_310 = tpu.memref_slice %arg12[%and3A_307, %dma_wait3A_308, %dma_wait3A_309] : memref<2x128x128xf32, #tpu.memory_space<vmem>> -> memref<1x128x128xf32, #tpu.memory_space<vmem>>
        %dma_wait3A_311 = tpu.memref_squeeze %dma_wait3A_310 : memref<1x128x128xf32, #tpu.memory_space<vmem>> -> memref<128x128xf32, #tpu.memory_space<vmem>>
        %dma_wait3A_312 = arith.constant 0 : i32
        %dma_wait3A_313 = tpu.memref_slice %arg10[%scan3A_306, %dma_wait3A_312] : memref<64x128xi32, #tpu.memory_space<vmem>> -> memref<1x128xi32, #tpu.memory_space<vmem>>
        %dma_wait3A_314 = tpu.memref_squeeze %dma_wait3A_313 : memref<1x128xi32, #tpu.memory_space<vmem>> -> memref<128xi32, #tpu.memory_space<vmem>>
        %dma_wait3A_315 = arith.constant 0 : i32
        %dma_wait3A_316 = arith.constant 0 : i32
        %dma_wait3A_317 = tpu.memref_slice %arg8[%dma_wait3A_315, %dma_wait3A_316] : memref<10000x128xf32, #tpu.memory_space<hbm>> -> memref<10000x128xf32, #tpu.memory_space<hbm>>
        tpu.wait_indirect_dma semaphore(%arg15 : memref<!tpu.dma_semaphore, #tpu.memory_space<semaphore_mem>>) src(%dma_wait3A_317 : memref<10000x128xf32, #tpu.memory_space<hbm>>) dst(%dma_wait3A_311 : memref<128x128xf32, #tpu.memory_space<vmem>>)
        %dma_start3A_318 = arith.constant 0 : i32
        %dma_start3A_319 = arith.constant 0 : i32
        %dma_start3A_320 = tpu.memref_slice %arg12[%and3A_307, %dma_start3A_318, %dma_start3A_319] : memref<2x128x128xf32, #tpu.memory_space<vmem>> -> memref<1x128x128xf32, #tpu.memory_space<vmem>>
        %dma_start3A_321 = tpu.memref_squeeze %dma_start3A_320 : memref<1x128x128xf32, #tpu.memory_space<vmem>> -> memref<128x128xf32, #tpu.memory_space<vmem>>
        %dma_start3A_322 = arith.constant 0 : i32
        %dma_start3A_323 = tpu.memref_slice %arg11[%scan3A_306, %dma_start3A_322] : memref<64x128xi32, #tpu.memory_space<vmem>> -> memref<1x128xi32, #tpu.memory_space<vmem>>
        %dma_start3A_324 = tpu.memref_squeeze %dma_start3A_323 : memref<1x128xi32, #tpu.memory_space<vmem>> -> memref<128xi32, #tpu.memory_space<vmem>>
        %dma_start3A_325 = arith.constant 0 : i32
        %dma_start3A_326 = arith.constant 0 : i32
        %dma_start3A_327 = tpu.memref_slice %arg13[%dma_start3A_325, %dma_start3A_326] : memref<10112x128xf32, #tpu.memory_space<vmem_shared>> -> memref<10112x128xf32, #tpu.memory_space<vmem_shared>>
        tpu.enqueue_indirect_dma source(%dma_start3A_321 : memref<128x128xf32, #tpu.memory_space<vmem>>) target(%dma_start3A_327 : memref<10112x128xf32, #tpu.memory_space<vmem_shared>>) offsets(%dma_start3A_324 : memref<128xi32, #tpu.memory_space<vmem>>) semaphore(%arg16 : memref<!tpu.dma_semaphore, #tpu.memory_space<semaphore_mem>>) {add = true}
        %add3A_328 = arith.constant 2 : i32
        %add3A_329 = arith.addi %scan3A_306, %add3A_328 : i32
        %lt3A = arith.constant 16 : i32
        %lt3A_330 = arith.cmpi slt, %add3A_329, %lt3A : i32
        %convert_element_type3A_331 = arith.extui %lt3A_330 : i1 to i32
        %cond3A_332 = arith.constant 0 : i32
        %cond3A_333 = arith.cmpi ne, %convert_element_type3A_331, %cond3A_332 : i32
        scf.if %cond3A_333 {
          %dma_wait3A_334 = arith.constant 0 : i32
          %dma_wait3A_335 = arith.constant 0 : i32
          %dma_wait3A_336 = tpu.memref_slice %arg12[%and3A_307, %dma_wait3A_334, %dma_wait3A_335] : memref<2x128x128xf32, #tpu.memory_space<vmem>> -> memref<1x128x128xf32, #tpu.memory_space<vmem>>
          %dma_wait3A_337 = tpu.memref_squeeze %dma_wait3A_336 : memref<1x128x128xf32, #tpu.memory_space<vmem>> -> memref<128x128xf32, #tpu.memory_space<vmem>>
          %dma_wait3A_338 = arith.constant 0 : i32
          %dma_wait3A_339 = tpu.memref_slice %arg11[%scan3A_306, %dma_wait3A_338] : memref<64x128xi32, #tpu.memory_space<vmem>> -> memref<1x128xi32, #tpu.memory_space<vmem>>
          %dma_wait3A_340 = tpu.memref_squeeze %dma_wait3A_339 : memref<1x128xi32, #tpu.memory_space<vmem>> -> memref<128xi32, #tpu.memory_space<vmem>>
          %dma_wait3A_341 = arith.constant 0 : i32
          %dma_wait3A_342 = arith.constant 0 : i32
          %dma_wait3A_343 = tpu.memref_slice %arg13[%dma_wait3A_341, %dma_wait3A_342] : memref<10112x128xf32, #tpu.memory_space<vmem_shared>> -> memref<10112x128xf32, #tpu.memory_space<vmem_shared>>
          tpu.wait_indirect_dma semaphore(%arg16 : memref<!tpu.dma_semaphore, #tpu.memory_space<semaphore_mem>>) src(%dma_wait3A_337 : memref<128x128xf32, #tpu.memory_space<vmem>>) dst(%dma_wait3A_343 : memref<10112x128xf32, #tpu.memory_space<vmem_shared>>)
          %add3A_344 = arith.constant 2 : i32
          %add3A_345 = arith.addi %scan3A_306, %add3A_344 : i32
          %dma_start3A_346 = arith.constant 0 : i32
          %dma_start3A_347 = arith.constant 0 : i32
          %dma_start3A_348 = tpu.memref_slice %arg12[%and3A_307, %dma_start3A_346, %dma_start3A_347] : memref<2x128x128xf32, #tpu.memory_space<vmem>> -> memref<1x128x128xf32, #tpu.memory_space<vmem>>
          %dma_start3A_349 = tpu.memref_squeeze %dma_start3A_348 : memref<1x128x128xf32, #tpu.memory_space<vmem>> -> memref<128x128xf32, #tpu.memory_space<vmem>>
          %dma_start3A_350 = arith.constant 0 : i32
          %dma_start3A_351 = tpu.memref_slice %arg10[%add3A_345, %dma_start3A_350] : memref<64x128xi32, #tpu.memory_space<vmem>> -> memref<1x128xi32, #tpu.memory_space<vmem>>
          %dma_start3A_352 = tpu.memref_squeeze %dma_start3A_351 : memref<1x128xi32, #tpu.memory_space<vmem>> -> memref<128xi32, #tpu.memory_space<vmem>>
          %dma_start3A_353 = arith.constant 0 : i32
          %dma_start3A_354 = arith.constant 0 : i32
          %dma_start3A_355 = tpu.memref_slice %arg8[%dma_start3A_353, %dma_start3A_354] : memref<10000x128xf32, #tpu.memory_space<hbm>> -> memref<10000x128xf32, #tpu.memory_space<hbm>>
          tpu.enqueue_indirect_dma source(%dma_start3A_355 : memref<10000x128xf32, #tpu.memory_space<hbm>>) target(%dma_start3A_349 : memref<128x128xf32, #tpu.memory_space<vmem>>) offsets(%dma_start3A_352 : memref<128xi32, #tpu.memory_space<vmem>>) semaphore(%arg15 : memref<!tpu.dma_semaphore, #tpu.memory_space<semaphore_mem>>)
        } else {
        }
      }
      %scan3A_275 = arith.constant 16 : i32
      %dma_wait3A_276 = arith.constant 0 : i32
      %dma_wait3A_277 = arith.constant 0 : i32
      %dma_wait3A_278 = arith.constant 0 : i32
      %dma_wait3A_279 = arith.constant 0 : i32
      %dma_wait3A_280 = tpu.memref_slice %arg12[%dma_wait3A_276, %dma_wait3A_278, %dma_wait3A_279] : memref<2x128x128xf32, #tpu.memory_space<vmem>> -> memref<1x128x128xf32, #tpu.memory_space<vmem>>
      %dma_wait3A_281 = tpu.memref_squeeze %dma_wait3A_280 : memref<1x128x128xf32, #tpu.memory_space<vmem>> -> memref<128x128xf32, #tpu.memory_space<vmem>>
      %dma_wait3A_282 = arith.constant 0 : i32
      %dma_wait3A_283 = tpu.memref_slice %arg11[%dma_wait3A_277, %dma_wait3A_282] : memref<64x128xi32, #tpu.memory_space<vmem>> -> memref<1x128xi32, #tpu.memory_space<vmem>>
      %dma_wait3A_284 = tpu.memref_squeeze %dma_wait3A_283 : memref<1x128xi32, #tpu.memory_space<vmem>> -> memref<128xi32, #tpu.memory_space<vmem>>
      %dma_wait3A_285 = arith.constant 0 : i32
      %dma_wait3A_286 = arith.constant 0 : i32
      %dma_wait3A_287 = tpu.memref_slice %arg13[%dma_wait3A_285, %dma_wait3A_286] : memref<10112x128xf32, #tpu.memory_space<vmem_shared>> -> memref<10112x128xf32, #tpu.memory_space<vmem_shared>>
      tpu.wait_indirect_dma semaphore(%arg16 : memref<!tpu.dma_semaphore, #tpu.memory_space<semaphore_mem>>) src(%dma_wait3A_281 : memref<128x128xf32, #tpu.memory_space<vmem>>) dst(%dma_wait3A_287 : memref<10112x128xf32, #tpu.memory_space<vmem_shared>>)
      %dma_wait3A_288 = arith.constant 1 : i32
      %dma_wait3A_289 = arith.constant 1 : i32
      %dma_wait3A_290 = arith.constant 0 : i32
      %dma_wait3A_291 = arith.constant 0 : i32
      %dma_wait3A_292 = tpu.memref_slice %arg12[%dma_wait3A_288, %dma_wait3A_290, %dma_wait3A_291] : memref<2x128x128xf32, #tpu.memory_space<vmem>> -> memref<1x128x128xf32, #tpu.memory_space<vmem>>
      %dma_wait3A_293 = tpu.memref_squeeze %dma_wait3A_292 : memref<1x128x128xf32, #tpu.memory_space<vmem>> -> memref<128x128xf32, #tpu.memory_space<vmem>>
      %dma_wait3A_294 = arith.constant 0 : i32
      %dma_wait3A_295 = tpu.memref_slice %arg11[%dma_wait3A_289, %dma_wait3A_294] : memref<64x128xi32, #tpu.memory_space<vmem>> -> memref<1x128xi32, #tpu.memory_space<vmem>>
      %dma_wait3A_296 = tpu.memref_squeeze %dma_wait3A_295 : memref<1x128xi32, #tpu.memory_space<vmem>> -> memref<128xi32, #tpu.memory_space<vmem>>
      %dma_wait3A_297 = arith.constant 0 : i32
      %dma_wait3A_298 = arith.constant 0 : i32
      %dma_wait3A_299 = tpu.memref_slice %arg13[%dma_wait3A_297, %dma_wait3A_298] : memref<10112x128xf32, #tpu.memory_space<vmem_shared>> -> memref<10112x128xf32, #tpu.memory_space<vmem_shared>>
      tpu.wait_indirect_dma semaphore(%arg16 : memref<!tpu.dma_semaphore, #tpu.memory_space<semaphore_mem>>) src(%dma_wait3A_293 : memref<128x128xf32, #tpu.memory_space<vmem>>) dst(%dma_wait3A_299 : memref<10112x128xf32, #tpu.memory_space<vmem_shared>>)
      %barrier3A_300 = arith.constant 0 : index
      tpu.barrier barrier_id(%barrier3A_300)
      %mul3A_301 = arith.constant 632 : i32
      %mul3A_302 = arith.muli %arg1, %mul3A_301 : i32
      %mul3A_303 = arith.constant 632 : i32
      %mul3A_304 = arith.muli %arg1, %mul3A_303 : i32
      %run_scoped3A_305 = arith.constant 3 : i32
      "tpu.region"() ({
        %run_scoped3A_306 = tpu.sem_alloc : memref<!tpu.dma_semaphore, #tpu.memory_space<semaphore_mem>>
        %dma_start3A_307 = arith.constant 0 : i32
        %dma_start3A_308 = tpu.memref_slice %arg9[%run_scoped3A_305, %arg0, %mul3A_304, %dma_start3A_307] : memref<4x2x10112x128xf32, #tpu.memory_space<hbm>> -> memref<1x1x632x128xf32, #tpu.memory_space<hbm>>
        %dma_start3A_309 = tpu.memref_squeeze %dma_start3A_308 : memref<1x1x632x128xf32, #tpu.memory_space<hbm>> -> memref<632x128xf32, #tpu.memory_space<hbm>>
        %dma_start3A_310 = arith.constant 0 : i32
        %dma_start3A_311 = tpu.memref_slice %arg13[%mul3A_302, %dma_start3A_310] : memref<10112x128xf32, #tpu.memory_space<vmem_shared>> -> memref<632x128xf32, #tpu.memory_space<vmem_shared>>
        tpu.enqueue_dma source(%dma_start3A_311 : memref<632x128xf32, #tpu.memory_space<vmem_shared>>) target(%dma_start3A_309 : memref<632x128xf32, #tpu.memory_space<hbm>>) target_semaphore(%run_scoped3A_306 : memref<!tpu.dma_semaphore, #tpu.memory_space<semaphore_mem>>)
        %dma_wait3A_312 = arith.constant 0 : i32
        %dma_wait3A_313 = tpu.memref_slice %arg9[%run_scoped3A_305, %arg0, %mul3A_304, %dma_wait3A_312] : memref<4x2x10112x128xf32, #tpu.memory_space<hbm>> -> memref<1x1x632x128xf32, #tpu.memory_space<hbm>>
        %dma_wait3A_314 = tpu.memref_squeeze %dma_wait3A_313 : memref<1x1x632x128xf32, #tpu.memory_space<hbm>> -> memref<632x128xf32, #tpu.memory_space<hbm>>
        %dma_wait3A_315 = arith.constant 0 : i32
        %dma_wait3A_316 = tpu.memref_slice %arg13[%mul3A_302, %dma_wait3A_315] : memref<10112x128xf32, #tpu.memory_space<vmem_shared>> -> memref<632x128xf32, #tpu.memory_space<vmem_shared>>
        tpu.wait_dma2 semaphore(%run_scoped3A_306 : memref<!tpu.dma_semaphore, #tpu.memory_space<semaphore_mem>>) src(%dma_wait3A_316 : memref<632x128xf32, #tpu.memory_space<vmem_shared>>) dst(%dma_wait3A_314 : memref<632x128xf32, #tpu.memory_space<hbm>>)
        tpu.yield
      }) : () -> ()
    } else {
    }
    return
  }
}

#map = affine_map<(d0, d1) -> (0, 0, 0)>
#map1 = affine_map<(d0, d1) -> (0, 0)>
#map2 = affine_map<(d0, d1) -> (0, 0, 0, 0)>
module attributes {stable_mosaic.version = 14 : i64} {
  func.func @sc_scatter(%arg0: i32, %arg1: i32, %arg2: memref<16x80x128xi32, #tpu.memory_space<hbm>>, %arg3: memref<16x80x128xi32, #tpu.memory_space<hbm>>, %arg4: memref<120x128xf32, #tpu.memory_space<hbm>>, %arg5: memref<10000x128xf32, #tpu.memory_space<hbm>>, %arg6: memref<10000x128xf32, #tpu.memory_space<hbm>>, %arg7: memref<2x2x10112x128xf32, #tpu.memory_space<hbm>>, %arg8: memref<64x128xi32, #tpu.memory_space<vmem>>, %arg9: memref<64x128xi32, #tpu.memory_space<vmem>>, %arg10: memref<2x128x128xf32, #tpu.memory_space<vmem>>, %arg11: memref<10112x128xf32, #tpu.memory_space<vmem_shared>>, %arg12: memref<120x128xf32, #tpu.memory_space<vmem_shared>>, %arg13: memref<!tpu.dma_semaphore, #tpu.memory_space<semaphore_mem>>, %arg14: memref<!tpu.dma_semaphore, #tpu.memory_space<semaphore_mem>>) attributes {dimension_semantics = [#tpu.dimension_semantics<core_parallel>, #tpu.dimension_semantics<subcore_parallel>], iteration_bounds = array<i64: 2, 16>, scalar_prefetch = 0 : i64, scratch_operands = 7 : i64, tpu.core_type = #tpu.core_type<sc_vector_subcore>, window_params = [{transform_indices = #map}, {transform_indices = #map}, {transform_indices = #map1}, {transform_indices = #map1}, {transform_indices = #map1}, {transform_indices = #map2}]} {
    %eq3A = arith.constant 0 : i32
    %eq3A_0 = arith.cmpi eq, %arg1, %eq3A : i32
    %convert_element_type3A = arith.extui %eq3A_0 : i1 to i32
    %cond3A = arith.constant 0 : i32
    %cond3A_1 = arith.cmpi ne, %convert_element_type3A, %cond3A : i32
    scf.if %cond3A_1 {
      "tpu.region"() ({
        %run_scoped3A = tpu.sem_alloc : memref<!tpu.dma_semaphore, #tpu.memory_space<semaphore_mem>>
        tpu.enqueue_dma source(%arg4 : memref<120x128xf32, #tpu.memory_space<hbm>>) target(%arg12 : memref<120x128xf32, #tpu.memory_space<vmem_shared>>) target_semaphore(%run_scoped3A : memref<!tpu.dma_semaphore, #tpu.memory_space<semaphore_mem>>)
        tpu.wait_dma2 semaphore(%run_scoped3A : memref<!tpu.dma_semaphore, #tpu.memory_space<semaphore_mem>>) src(%arg4 : memref<120x128xf32, #tpu.memory_space<hbm>>) dst(%arg12 : memref<120x128xf32, #tpu.memory_space<vmem_shared>>)
        tpu.yield
      }) : () -> ()
    } else {
    }
    %barrier3A = arith.constant 0 : index
    tpu.barrier barrier_id(%barrier3A)
    %eq3A_2 = arith.constant 0 : i32
    %eq3A_3 = arith.cmpi eq, %arg0, %eq3A_2 : i32
    %convert_element_type3A_4 = arith.extui %eq3A_3 : i1 to i32
    %cond3A_5 = arith.constant 0 : i32
    %cond3A_6 = arith.cmpi ne, %convert_element_type3A_4, %cond3A_5 : i32
    scf.if %cond3A_6 {
      "tpu.region"() ({
        %run_scoped3A_156 = tpu.sem_alloc : memref<!tpu.dma_semaphore, #tpu.memory_space<semaphore_mem>>
        %dma_start3A_157 = arith.constant 0 : i32
        %dma_start3A_158 = arith.constant 0 : i32
        %dma_start3A_159 = tpu.memref_slice %arg8[%dma_start3A_157, %dma_start3A_158] : memref<64x128xi32, #tpu.memory_space<vmem>> -> memref<64x128xi32, #tpu.memory_space<vmem>>
        %dma_start3A_160 = arith.constant 0 : i32
        %dma_start3A_161 = arith.constant 0 : i32
        %dma_start3A_162 = tpu.memref_slice %arg2[%arg1, %dma_start3A_160, %dma_start3A_161] : memref<16x80x128xi32, #tpu.memory_space<hbm>> -> memref<1x64x128xi32, #tpu.memory_space<hbm>>
        %dma_start3A_163 = tpu.memref_squeeze %dma_start3A_162 : memref<1x64x128xi32, #tpu.memory_space<hbm>> -> memref<64x128xi32, #tpu.memory_space<hbm>>
        %dma_start3A_164 = arith.constant 0 : i32
        %dma_start3A_165 = arith.constant 0 : i32
        %dma_start3A_166 = tpu.memref_slice %arg8[%dma_start3A_164, %dma_start3A_165] : memref<64x128xi32, #tpu.memory_space<vmem>> -> memref<64x128xi32, #tpu.memory_space<vmem>>
        %dma_start3A_167 = arith.constant 0 : i32
        %dma_start3A_168 = arith.constant 0 : i32
        %dma_start3A_169 = tpu.memref_slice %arg2[%arg1, %dma_start3A_167, %dma_start3A_168] : memref<16x80x128xi32, #tpu.memory_space<hbm>> -> memref<1x64x128xi32, #tpu.memory_space<hbm>>
        %dma_start3A_170 = tpu.memref_squeeze %dma_start3A_169 : memref<1x64x128xi32, #tpu.memory_space<hbm>> -> memref<64x128xi32, #tpu.memory_space<hbm>>
        tpu.enqueue_dma source(%dma_start3A_170 : memref<64x128xi32, #tpu.memory_space<hbm>>) target(%dma_start3A_166 : memref<64x128xi32, #tpu.memory_space<vmem>>) target_semaphore(%run_scoped3A_156 : memref<!tpu.dma_semaphore, #tpu.memory_space<semaphore_mem>>)
        %dma_wait3A_171 = arith.constant 0 : i32
        %dma_wait3A_172 = arith.constant 0 : i32
        %dma_wait3A_173 = tpu.memref_slice %arg8[%dma_wait3A_171, %dma_wait3A_172] : memref<64x128xi32, #tpu.memory_space<vmem>> -> memref<64x128xi32, #tpu.memory_space<vmem>>
        %dma_wait3A_174 = arith.constant 0 : i32
        %dma_wait3A_175 = arith.constant 0 : i32
        %dma_wait3A_176 = tpu.memref_slice %arg2[%arg1, %dma_wait3A_174, %dma_wait3A_175] : memref<16x80x128xi32, #tpu.memory_space<hbm>> -> memref<1x64x128xi32, #tpu.memory_space<hbm>>
        %dma_wait3A_177 = tpu.memref_squeeze %dma_wait3A_176 : memref<1x64x128xi32, #tpu.memory_space<hbm>> -> memref<64x128xi32, #tpu.memory_space<hbm>>
        %dma_wait3A_178 = arith.constant 0 : i32
        %dma_wait3A_179 = arith.constant 0 : i32
        %dma_wait3A_180 = tpu.memref_slice %arg8[%dma_wait3A_178, %dma_wait3A_179] : memref<64x128xi32, #tpu.memory_space<vmem>> -> memref<64x128xi32, #tpu.memory_space<vmem>>
        %dma_wait3A_181 = arith.constant 0 : i32
        %dma_wait3A_182 = arith.constant 0 : i32
        %dma_wait3A_183 = tpu.memref_slice %arg2[%arg1, %dma_wait3A_181, %dma_wait3A_182] : memref<16x80x128xi32, #tpu.memory_space<hbm>> -> memref<1x64x128xi32, #tpu.memory_space<hbm>>
        %dma_wait3A_184 = tpu.memref_squeeze %dma_wait3A_183 : memref<1x64x128xi32, #tpu.memory_space<hbm>> -> memref<64x128xi32, #tpu.memory_space<hbm>>
        tpu.wait_dma2 semaphore(%run_scoped3A_156 : memref<!tpu.dma_semaphore, #tpu.memory_space<semaphore_mem>>) src(%dma_wait3A_184 : memref<64x128xi32, #tpu.memory_space<hbm>>) dst(%dma_wait3A_180 : memref<64x128xi32, #tpu.memory_space<vmem>>)
        tpu.yield
      }) : () -> ()
      "tpu.region"() ({
        %run_scoped3A_156 = tpu.sem_alloc : memref<!tpu.dma_semaphore, #tpu.memory_space<semaphore_mem>>
        %dma_start3A_157 = arith.constant 0 : i32
        %dma_start3A_158 = arith.constant 0 : i32
        %dma_start3A_159 = tpu.memref_slice %arg9[%dma_start3A_157, %dma_start3A_158] : memref<64x128xi32, #tpu.memory_space<vmem>> -> memref<64x128xi32, #tpu.memory_space<vmem>>
        %dma_start3A_160 = arith.constant 0 : i32
        %dma_start3A_161 = arith.constant 0 : i32
        %dma_start3A_162 = tpu.memref_slice %arg3[%arg1, %dma_start3A_160, %dma_start3A_161] : memref<16x80x128xi32, #tpu.memory_space<hbm>> -> memref<1x64x128xi32, #tpu.memory_space<hbm>>
        %dma_start3A_163 = tpu.memref_squeeze %dma_start3A_162 : memref<1x64x128xi32, #tpu.memory_space<hbm>> -> memref<64x128xi32, #tpu.memory_space<hbm>>
        %dma_start3A_164 = arith.constant 0 : i32
        %dma_start3A_165 = arith.constant 0 : i32
        %dma_start3A_166 = tpu.memref_slice %arg9[%dma_start3A_164, %dma_start3A_165] : memref<64x128xi32, #tpu.memory_space<vmem>> -> memref<64x128xi32, #tpu.memory_space<vmem>>
        %dma_start3A_167 = arith.constant 0 : i32
        %dma_start3A_168 = arith.constant 0 : i32
        %dma_start3A_169 = tpu.memref_slice %arg3[%arg1, %dma_start3A_167, %dma_start3A_168] : memref<16x80x128xi32, #tpu.memory_space<hbm>> -> memref<1x64x128xi32, #tpu.memory_space<hbm>>
        %dma_start3A_170 = tpu.memref_squeeze %dma_start3A_169 : memref<1x64x128xi32, #tpu.memory_space<hbm>> -> memref<64x128xi32, #tpu.memory_space<hbm>>
        tpu.enqueue_dma source(%dma_start3A_170 : memref<64x128xi32, #tpu.memory_space<hbm>>) target(%dma_start3A_166 : memref<64x128xi32, #tpu.memory_space<vmem>>) target_semaphore(%run_scoped3A_156 : memref<!tpu.dma_semaphore, #tpu.memory_space<semaphore_mem>>)
        %dma_wait3A_171 = arith.constant 0 : i32
        %dma_wait3A_172 = arith.constant 0 : i32
        %dma_wait3A_173 = tpu.memref_slice %arg9[%dma_wait3A_171, %dma_wait3A_172] : memref<64x128xi32, #tpu.memory_space<vmem>> -> memref<64x128xi32, #tpu.memory_space<vmem>>
        %dma_wait3A_174 = arith.constant 0 : i32
        %dma_wait3A_175 = arith.constant 0 : i32
        %dma_wait3A_176 = tpu.memref_slice %arg3[%arg1, %dma_wait3A_174, %dma_wait3A_175] : memref<16x80x128xi32, #tpu.memory_space<hbm>> -> memref<1x64x128xi32, #tpu.memory_space<hbm>>
        %dma_wait3A_177 = tpu.memref_squeeze %dma_wait3A_176 : memref<1x64x128xi32, #tpu.memory_space<hbm>> -> memref<64x128xi32, #tpu.memory_space<hbm>>
        %dma_wait3A_178 = arith.constant 0 : i32
        %dma_wait3A_179 = arith.constant 0 : i32
        %dma_wait3A_180 = tpu.memref_slice %arg9[%dma_wait3A_178, %dma_wait3A_179] : memref<64x128xi32, #tpu.memory_space<vmem>> -> memref<64x128xi32, #tpu.memory_space<vmem>>
        %dma_wait3A_181 = arith.constant 0 : i32
        %dma_wait3A_182 = arith.constant 0 : i32
        %dma_wait3A_183 = tpu.memref_slice %arg3[%arg1, %dma_wait3A_181, %dma_wait3A_182] : memref<16x80x128xi32, #tpu.memory_space<hbm>> -> memref<1x64x128xi32, #tpu.memory_space<hbm>>
        %dma_wait3A_184 = tpu.memref_squeeze %dma_wait3A_183 : memref<1x64x128xi32, #tpu.memory_space<hbm>> -> memref<64x128xi32, #tpu.memory_space<hbm>>
        tpu.wait_dma2 semaphore(%run_scoped3A_156 : memref<!tpu.dma_semaphore, #tpu.memory_space<semaphore_mem>>) src(%dma_wait3A_184 : memref<64x128xi32, #tpu.memory_space<hbm>>) dst(%dma_wait3A_180 : memref<64x128xi32, #tpu.memory_space<vmem>>)
        tpu.yield
      }) : () -> ()
      %mul3A = arith.constant 632 : i32
      %mul3A_12 = arith.muli %arg1, %mul3A : i32
      %add3A = arith.constant 0 : i32
      %add3A_13 = arith.addi %mul3A_12, %add3A : i32
      "tpu.region"() ({
        %run_scoped3A_156 = tpu.sem_alloc : memref<!tpu.dma_semaphore, #tpu.memory_space<semaphore_mem>>
        %dma_start3A_157 = arith.constant 0 : i32
        %dma_start3A_158 = tpu.memref_slice %arg11[%add3A_13, %dma_start3A_157] : memref<10112x128xf32, #tpu.memory_space<vmem_shared>> -> memref<120x128xf32, #tpu.memory_space<vmem_shared>>
        tpu.enqueue_dma source(%arg12 : memref<120x128xf32, #tpu.memory_space<vmem_shared>>) target(%dma_start3A_158 : memref<120x128xf32, #tpu.memory_space<vmem_shared>>) target_semaphore(%run_scoped3A_156 : memref<!tpu.dma_semaphore, #tpu.memory_space<semaphore_mem>>)
        %dma_wait3A_159 = arith.constant 0 : i32
        %dma_wait3A_160 = tpu.memref_slice %arg11[%add3A_13, %dma_wait3A_159] : memref<10112x128xf32, #tpu.memory_space<vmem_shared>> -> memref<120x128xf32, #tpu.memory_space<vmem_shared>>
        tpu.wait_dma2 semaphore(%run_scoped3A_156 : memref<!tpu.dma_semaphore, #tpu.memory_space<semaphore_mem>>) src(%arg12 : memref<120x128xf32, #tpu.memory_space<vmem_shared>>) dst(%dma_wait3A_160 : memref<120x128xf32, #tpu.memory_space<vmem_shared>>)
        tpu.yield
      }) : () -> ()
      %add3A_14 = arith.constant 120 : i32
      %add3A_15 = arith.addi %mul3A_12, %add3A_14 : i32
      "tpu.region"() ({
        %run_scoped3A_156 = tpu.sem_alloc : memref<!tpu.dma_semaphore, #tpu.memory_space<semaphore_mem>>
        %dma_start3A_157 = arith.constant 0 : i32
        %dma_start3A_158 = tpu.memref_slice %arg11[%add3A_15, %dma_start3A_157] : memref<10112x128xf32, #tpu.memory_space<vmem_shared>> -> memref<120x128xf32, #tpu.memory_space<vmem_shared>>
        tpu.enqueue_dma source(%arg12 : memref<120x128xf32, #tpu.memory_space<vmem_shared>>) target(%dma_start3A_158 : memref<120x128xf32, #tpu.memory_space<vmem_shared>>) target_semaphore(%run_scoped3A_156 : memref<!tpu.dma_semaphore, #tpu.memory_space<semaphore_mem>>)
        %dma_wait3A_159 = arith.constant 0 : i32
        %dma_wait3A_160 = tpu.memref_slice %arg11[%add3A_15, %dma_wait3A_159] : memref<10112x128xf32, #tpu.memory_space<vmem_shared>> -> memref<120x128xf32, #tpu.memory_space<vmem_shared>>
        tpu.wait_dma2 semaphore(%run_scoped3A_156 : memref<!tpu.dma_semaphore, #tpu.memory_space<semaphore_mem>>) src(%arg12 : memref<120x128xf32, #tpu.memory_space<vmem_shared>>) dst(%dma_wait3A_160 : memref<120x128xf32, #tpu.memory_space<vmem_shared>>)
        tpu.yield
      }) : () -> ()
      %add3A_16 = arith.constant 240 : i32
      %add3A_17 = arith.addi %mul3A_12, %add3A_16 : i32
      "tpu.region"() ({
        %run_scoped3A_156 = tpu.sem_alloc : memref<!tpu.dma_semaphore, #tpu.memory_space<semaphore_mem>>
        %dma_start3A_157 = arith.constant 0 : i32
        %dma_start3A_158 = tpu.memref_slice %arg11[%add3A_17, %dma_start3A_157] : memref<10112x128xf32, #tpu.memory_space<vmem_shared>> -> memref<120x128xf32, #tpu.memory_space<vmem_shared>>
        tpu.enqueue_dma source(%arg12 : memref<120x128xf32, #tpu.memory_space<vmem_shared>>) target(%dma_start3A_158 : memref<120x128xf32, #tpu.memory_space<vmem_shared>>) target_semaphore(%run_scoped3A_156 : memref<!tpu.dma_semaphore, #tpu.memory_space<semaphore_mem>>)
        %dma_wait3A_159 = arith.constant 0 : i32
        %dma_wait3A_160 = tpu.memref_slice %arg11[%add3A_17, %dma_wait3A_159] : memref<10112x128xf32, #tpu.memory_space<vmem_shared>> -> memref<120x128xf32, #tpu.memory_space<vmem_shared>>
        tpu.wait_dma2 semaphore(%run_scoped3A_156 : memref<!tpu.dma_semaphore, #tpu.memory_space<semaphore_mem>>) src(%arg12 : memref<120x128xf32, #tpu.memory_space<vmem_shared>>) dst(%dma_wait3A_160 : memref<120x128xf32, #tpu.memory_space<vmem_shared>>)
        tpu.yield
      }) : () -> ()
      %add3A_18 = arith.constant 360 : i32
      %add3A_19 = arith.addi %mul3A_12, %add3A_18 : i32
      "tpu.region"() ({
        %run_scoped3A_156 = tpu.sem_alloc : memref<!tpu.dma_semaphore, #tpu.memory_space<semaphore_mem>>
        %dma_start3A_157 = arith.constant 0 : i32
        %dma_start3A_158 = tpu.memref_slice %arg11[%add3A_19, %dma_start3A_157] : memref<10112x128xf32, #tpu.memory_space<vmem_shared>> -> memref<120x128xf32, #tpu.memory_space<vmem_shared>>
        tpu.enqueue_dma source(%arg12 : memref<120x128xf32, #tpu.memory_space<vmem_shared>>) target(%dma_start3A_158 : memref<120x128xf32, #tpu.memory_space<vmem_shared>>) target_semaphore(%run_scoped3A_156 : memref<!tpu.dma_semaphore, #tpu.memory_space<semaphore_mem>>)
        %dma_wait3A_159 = arith.constant 0 : i32
        %dma_wait3A_160 = tpu.memref_slice %arg11[%add3A_19, %dma_wait3A_159] : memref<10112x128xf32, #tpu.memory_space<vmem_shared>> -> memref<120x128xf32, #tpu.memory_space<vmem_shared>>
        tpu.wait_dma2 semaphore(%run_scoped3A_156 : memref<!tpu.dma_semaphore, #tpu.memory_space<semaphore_mem>>) src(%arg12 : memref<120x128xf32, #tpu.memory_space<vmem_shared>>) dst(%dma_wait3A_160 : memref<120x128xf32, #tpu.memory_space<vmem_shared>>)
        tpu.yield
      }) : () -> ()
      %add3A_20 = arith.constant 480 : i32
      %add3A_21 = arith.addi %mul3A_12, %add3A_20 : i32
      "tpu.region"() ({
        %run_scoped3A_156 = tpu.sem_alloc : memref<!tpu.dma_semaphore, #tpu.memory_space<semaphore_mem>>
        %dma_start3A_157 = arith.constant 0 : i32
        %dma_start3A_158 = tpu.memref_slice %arg11[%add3A_21, %dma_start3A_157] : memref<10112x128xf32, #tpu.memory_space<vmem_shared>> -> memref<120x128xf32, #tpu.memory_space<vmem_shared>>
        tpu.enqueue_dma source(%arg12 : memref<120x128xf32, #tpu.memory_space<vmem_shared>>) target(%dma_start3A_158 : memref<120x128xf32, #tpu.memory_space<vmem_shared>>) target_semaphore(%run_scoped3A_156 : memref<!tpu.dma_semaphore, #tpu.memory_space<semaphore_mem>>)
        %dma_wait3A_159 = arith.constant 0 : i32
        %dma_wait3A_160 = tpu.memref_slice %arg11[%add3A_21, %dma_wait3A_159] : memref<10112x128xf32, #tpu.memory_space<vmem_shared>> -> memref<120x128xf32, #tpu.memory_space<vmem_shared>>
        tpu.wait_dma2 semaphore(%run_scoped3A_156 : memref<!tpu.dma_semaphore, #tpu.memory_space<semaphore_mem>>) src(%arg12 : memref<120x128xf32, #tpu.memory_space<vmem_shared>>) dst(%dma_wait3A_160 : memref<120x128xf32, #tpu.memory_space<vmem_shared>>)
        tpu.yield
      }) : () -> ()
      %add3A_22 = arith.constant 600 : i32
      %add3A_23 = arith.addi %mul3A_12, %add3A_22 : i32
      "tpu.region"() ({
        %run_scoped3A_156 = tpu.sem_alloc : memref<!tpu.dma_semaphore, #tpu.memory_space<semaphore_mem>>
        %dma_start3A_157 = arith.constant 0 : i32
        %dma_start3A_158 = tpu.memref_slice %arg11[%add3A_23, %dma_start3A_157] : memref<10112x128xf32, #tpu.memory_space<vmem_shared>> -> memref<32x128xf32, #tpu.memory_space<vmem_shared>>
        %dma_start3A_159 = arith.constant 0 : i32
        %dma_start3A_160 = arith.constant 0 : i32
        %dma_start3A_161 = tpu.memref_slice %arg12[%dma_start3A_159, %dma_start3A_160] : memref<120x128xf32, #tpu.memory_space<vmem_shared>> -> memref<32x128xf32, #tpu.memory_space<vmem_shared>>
        tpu.enqueue_dma source(%dma_start3A_161 : memref<32x128xf32, #tpu.memory_space<vmem_shared>>) target(%dma_start3A_158 : memref<32x128xf32, #tpu.memory_space<vmem_shared>>) target_semaphore(%run_scoped3A_156 : memref<!tpu.dma_semaphore, #tpu.memory_space<semaphore_mem>>)
        %dma_wait3A_162 = arith.constant 0 : i32
        %dma_wait3A_163 = tpu.memref_slice %arg11[%add3A_23, %dma_wait3A_162] : memref<10112x128xf32, #tpu.memory_space<vmem_shared>> -> memref<32x128xf32, #tpu.memory_space<vmem_shared>>
        %dma_wait3A_164 = arith.constant 0 : i32
        %dma_wait3A_165 = arith.constant 0 : i32
        %dma_wait3A_166 = tpu.memref_slice %arg12[%dma_wait3A_164, %dma_wait3A_165] : memref<120x128xf32, #tpu.memory_space<vmem_shared>> -> memref<32x128xf32, #tpu.memory_space<vmem_shared>>
        tpu.wait_dma2 semaphore(%run_scoped3A_156 : memref<!tpu.dma_semaphore, #tpu.memory_space<semaphore_mem>>) src(%dma_wait3A_166 : memref<32x128xf32, #tpu.memory_space<vmem_shared>>) dst(%dma_wait3A_163 : memref<32x128xf32, #tpu.memory_space<vmem_shared>>)
        tpu.yield
      }) : () -> ()
      %barrier3A_24 = arith.constant 0 : index
      tpu.barrier barrier_id(%barrier3A_24)
      %dma_start3A = arith.constant 0 : i32
      %dma_start3A_25 = arith.constant 0 : i32
      %dma_start3A_26 = arith.constant 0 : i32
      %dma_start3A_27 = arith.constant 0 : i32
      %dma_start3A_28 = tpu.memref_slice %arg10[%dma_start3A_25, %dma_start3A_26, %dma_start3A_27] : memref<2x128x128xf32, #tpu.memory_space<vmem>> -> memref<1x128x128xf32, #tpu.memory_space<vmem>>
      %dma_start3A_29 = tpu.memref_squeeze %dma_start3A_28 : memref<1x128x128xf32, #tpu.memory_space<vmem>> -> memref<128x128xf32, #tpu.memory_space<vmem>>
      %dma_start3A_30 = arith.constant 0 : i32
      %dma_start3A_31 = tpu.memref_slice %arg8[%dma_start3A, %dma_start3A_30] : memref<64x128xi32, #tpu.memory_space<vmem>> -> memref<1x128xi32, #tpu.memory_space<vmem>>
      %dma_start3A_32 = tpu.memref_squeeze %dma_start3A_31 : memref<1x128xi32, #tpu.memory_space<vmem>> -> memref<128xi32, #tpu.memory_space<vmem>>
      %dma_start3A_33 = arith.constant 0 : i32
      %dma_start3A_34 = arith.constant 0 : i32
      %dma_start3A_35 = tpu.memref_slice %arg5[%dma_start3A_33, %dma_start3A_34] : memref<10000x128xf32, #tpu.memory_space<hbm>> -> memref<10000x128xf32, #tpu.memory_space<hbm>>
      tpu.enqueue_indirect_dma source(%dma_start3A_35 : memref<10000x128xf32, #tpu.memory_space<hbm>>) target(%dma_start3A_29 : memref<128x128xf32, #tpu.memory_space<vmem>>) offsets(%dma_start3A_32 : memref<128xi32, #tpu.memory_space<vmem>>) semaphore(%arg13 : memref<!tpu.dma_semaphore, #tpu.memory_space<semaphore_mem>>)
      %dma_start3A_36 = arith.constant 1 : i32
      %dma_start3A_37 = arith.constant 1 : i32
      %dma_start3A_38 = arith.constant 0 : i32
      %dma_start3A_39 = arith.constant 0 : i32
      %dma_start3A_40 = tpu.memref_slice %arg10[%dma_start3A_37, %dma_start3A_38, %dma_start3A_39] : memref<2x128x128xf32, #tpu.memory_space<vmem>> -> memref<1x128x128xf32, #tpu.memory_space<vmem>>
      %dma_start3A_41 = tpu.memref_squeeze %dma_start3A_40 : memref<1x128x128xf32, #tpu.memory_space<vmem>> -> memref<128x128xf32, #tpu.memory_space<vmem>>
      %dma_start3A_42 = arith.constant 0 : i32
      %dma_start3A_43 = tpu.memref_slice %arg8[%dma_start3A_36, %dma_start3A_42] : memref<64x128xi32, #tpu.memory_space<vmem>> -> memref<1x128xi32, #tpu.memory_space<vmem>>
      %dma_start3A_44 = tpu.memref_squeeze %dma_start3A_43 : memref<1x128xi32, #tpu.memory_space<vmem>> -> memref<128xi32, #tpu.memory_space<vmem>>
      %dma_start3A_45 = arith.constant 0 : i32
      %dma_start3A_46 = arith.constant 0 : i32
      %dma_start3A_47 = tpu.memref_slice %arg5[%dma_start3A_45, %dma_start3A_46] : memref<10000x128xf32, #tpu.memory_space<hbm>> -> memref<10000x128xf32, #tpu.memory_space<hbm>>
      tpu.enqueue_indirect_dma source(%dma_start3A_47 : memref<10000x128xf32, #tpu.memory_space<hbm>>) target(%dma_start3A_41 : memref<128x128xf32, #tpu.memory_space<vmem>>) offsets(%dma_start3A_44 : memref<128xi32, #tpu.memory_space<vmem>>) semaphore(%arg13 : memref<!tpu.dma_semaphore, #tpu.memory_space<semaphore_mem>>)
      %scan3A = arith.constant 0 : i32
      %scan3A_48 = arith.constant 0 : i32
      %scan3A_49 = arith.constant 64 : i32
      %scan3A_50 = arith.addi %scan3A_48, %scan3A_49 : i32
      %scan3A_51 = arith.constant 1 : i32
      scf.for %scan3A_156 = %scan3A_48 to %scan3A_50 step %scan3A_51  : i32 {
        %and3A = arith.constant 1 : i32
        %and3A_157 = arith.andi %scan3A_156, %and3A : i32
        %dma_wait3A_158 = arith.constant 0 : i32
        %dma_wait3A_159 = arith.constant 0 : i32
        %dma_wait3A_160 = tpu.memref_slice %arg10[%and3A_157, %dma_wait3A_158, %dma_wait3A_159] : memref<2x128x128xf32, #tpu.memory_space<vmem>> -> memref<1x128x128xf32, #tpu.memory_space<vmem>>
        %dma_wait3A_161 = tpu.memref_squeeze %dma_wait3A_160 : memref<1x128x128xf32, #tpu.memory_space<vmem>> -> memref<128x128xf32, #tpu.memory_space<vmem>>
        %dma_wait3A_162 = arith.constant 0 : i32
        %dma_wait3A_163 = tpu.memref_slice %arg8[%scan3A_156, %dma_wait3A_162] : memref<64x128xi32, #tpu.memory_space<vmem>> -> memref<1x128xi32, #tpu.memory_space<vmem>>
        %dma_wait3A_164 = tpu.memref_squeeze %dma_wait3A_163 : memref<1x128xi32, #tpu.memory_space<vmem>> -> memref<128xi32, #tpu.memory_space<vmem>>
        %dma_wait3A_165 = arith.constant 0 : i32
        %dma_wait3A_166 = arith.constant 0 : i32
        %dma_wait3A_167 = tpu.memref_slice %arg5[%dma_wait3A_165, %dma_wait3A_166] : memref<10000x128xf32, #tpu.memory_space<hbm>> -> memref<10000x128xf32, #tpu.memory_space<hbm>>
        tpu.wait_indirect_dma semaphore(%arg13 : memref<!tpu.dma_semaphore, #tpu.memory_space<semaphore_mem>>) src(%dma_wait3A_167 : memref<10000x128xf32, #tpu.memory_space<hbm>>) dst(%dma_wait3A_161 : memref<128x128xf32, #tpu.memory_space<vmem>>)
        %dma_start3A_168 = arith.constant 0 : i32
        %dma_start3A_169 = arith.constant 0 : i32
        %dma_start3A_170 = tpu.memref_slice %arg10[%and3A_157, %dma_start3A_168, %dma_start3A_169] : memref<2x128x128xf32, #tpu.memory_space<vmem>> -> memref<1x128x128xf32, #tpu.memory_space<vmem>>
        %dma_start3A_171 = tpu.memref_squeeze %dma_start3A_170 : memref<1x128x128xf32, #tpu.memory_space<vmem>> -> memref<128x128xf32, #tpu.memory_space<vmem>>
        %dma_start3A_172 = arith.constant 0 : i32
        %dma_start3A_173 = tpu.memref_slice %arg9[%scan3A_156, %dma_start3A_172] : memref<64x128xi32, #tpu.memory_space<vmem>> -> memref<1x128xi32, #tpu.memory_space<vmem>>
        %dma_start3A_174 = tpu.memref_squeeze %dma_start3A_173 : memref<1x128xi32, #tpu.memory_space<vmem>> -> memref<128xi32, #tpu.memory_space<vmem>>
        %dma_start3A_175 = arith.constant 0 : i32
        %dma_start3A_176 = arith.constant 0 : i32
        %dma_start3A_177 = tpu.memref_slice %arg11[%dma_start3A_175, %dma_start3A_176] : memref<10112x128xf32, #tpu.memory_space<vmem_shared>> -> memref<10112x128xf32, #tpu.memory_space<vmem_shared>>
        tpu.enqueue_indirect_dma source(%dma_start3A_171 : memref<128x128xf32, #tpu.memory_space<vmem>>) target(%dma_start3A_177 : memref<10112x128xf32, #tpu.memory_space<vmem_shared>>) offsets(%dma_start3A_174 : memref<128xi32, #tpu.memory_space<vmem>>) semaphore(%arg14 : memref<!tpu.dma_semaphore, #tpu.memory_space<semaphore_mem>>) {add = true}
        %add3A_178 = arith.constant 2 : i32
        %add3A_179 = arith.addi %scan3A_156, %add3A_178 : i32
        %lt3A = arith.constant 64 : i32
        %lt3A_180 = arith.cmpi slt, %add3A_179, %lt3A : i32
        %convert_element_type3A_181 = arith.extui %lt3A_180 : i1 to i32
        %cond3A_182 = arith.constant 0 : i32
        %cond3A_183 = arith.cmpi ne, %convert_element_type3A_181, %cond3A_182 : i32
        scf.if %cond3A_183 {
          %dma_wait3A_184 = arith.constant 0 : i32
          %dma_wait3A_185 = arith.constant 0 : i32
          %dma_wait3A_186 = tpu.memref_slice %arg10[%and3A_157, %dma_wait3A_184, %dma_wait3A_185] : memref<2x128x128xf32, #tpu.memory_space<vmem>> -> memref<1x128x128xf32, #tpu.memory_space<vmem>>
          %dma_wait3A_187 = tpu.memref_squeeze %dma_wait3A_186 : memref<1x128x128xf32, #tpu.memory_space<vmem>> -> memref<128x128xf32, #tpu.memory_space<vmem>>
          %dma_wait3A_188 = arith.constant 0 : i32
          %dma_wait3A_189 = tpu.memref_slice %arg9[%scan3A_156, %dma_wait3A_188] : memref<64x128xi32, #tpu.memory_space<vmem>> -> memref<1x128xi32, #tpu.memory_space<vmem>>
          %dma_wait3A_190 = tpu.memref_squeeze %dma_wait3A_189 : memref<1x128xi32, #tpu.memory_space<vmem>> -> memref<128xi32, #tpu.memory_space<vmem>>
          %dma_wait3A_191 = arith.constant 0 : i32
          %dma_wait3A_192 = arith.constant 0 : i32
          %dma_wait3A_193 = tpu.memref_slice %arg11[%dma_wait3A_191, %dma_wait3A_192] : memref<10112x128xf32, #tpu.memory_space<vmem_shared>> -> memref<10112x128xf32, #tpu.memory_space<vmem_shared>>
          tpu.wait_indirect_dma semaphore(%arg14 : memref<!tpu.dma_semaphore, #tpu.memory_space<semaphore_mem>>) src(%dma_wait3A_187 : memref<128x128xf32, #tpu.memory_space<vmem>>) dst(%dma_wait3A_193 : memref<10112x128xf32, #tpu.memory_space<vmem_shared>>)
          %add3A_194 = arith.constant 2 : i32
          %add3A_195 = arith.addi %scan3A_156, %add3A_194 : i32
          %dma_start3A_196 = arith.constant 0 : i32
          %dma_start3A_197 = arith.constant 0 : i32
          %dma_start3A_198 = tpu.memref_slice %arg10[%and3A_157, %dma_start3A_196, %dma_start3A_197] : memref<2x128x128xf32, #tpu.memory_space<vmem>> -> memref<1x128x128xf32, #tpu.memory_space<vmem>>
          %dma_start3A_199 = tpu.memref_squeeze %dma_start3A_198 : memref<1x128x128xf32, #tpu.memory_space<vmem>> -> memref<128x128xf32, #tpu.memory_space<vmem>>
          %dma_start3A_200 = arith.constant 0 : i32
          %dma_start3A_201 = tpu.memref_slice %arg8[%add3A_195, %dma_start3A_200] : memref<64x128xi32, #tpu.memory_space<vmem>> -> memref<1x128xi32, #tpu.memory_space<vmem>>
          %dma_start3A_202 = tpu.memref_squeeze %dma_start3A_201 : memref<1x128xi32, #tpu.memory_space<vmem>> -> memref<128xi32, #tpu.memory_space<vmem>>
          %dma_start3A_203 = arith.constant 0 : i32
          %dma_start3A_204 = arith.constant 0 : i32
          %dma_start3A_205 = tpu.memref_slice %arg5[%dma_start3A_203, %dma_start3A_204] : memref<10000x128xf32, #tpu.memory_space<hbm>> -> memref<10000x128xf32, #tpu.memory_space<hbm>>
          tpu.enqueue_indirect_dma source(%dma_start3A_205 : memref<10000x128xf32, #tpu.memory_space<hbm>>) target(%dma_start3A_199 : memref<128x128xf32, #tpu.memory_space<vmem>>) offsets(%dma_start3A_202 : memref<128xi32, #tpu.memory_space<vmem>>) semaphore(%arg13 : memref<!tpu.dma_semaphore, #tpu.memory_space<semaphore_mem>>)
        } else {
        }
      }
      %scan3A_52 = arith.constant 64 : i32
      %dma_wait3A = arith.constant 0 : i32
      %dma_wait3A_53 = arith.constant 0 : i32
      %dma_wait3A_54 = arith.constant 0 : i32
      %dma_wait3A_55 = arith.constant 0 : i32
      %dma_wait3A_56 = tpu.memref_slice %arg10[%dma_wait3A, %dma_wait3A_54, %dma_wait3A_55] : memref<2x128x128xf32, #tpu.memory_space<vmem>> -> memref<1x128x128xf32, #tpu.memory_space<vmem>>
      %dma_wait3A_57 = tpu.memref_squeeze %dma_wait3A_56 : memref<1x128x128xf32, #tpu.memory_space<vmem>> -> memref<128x128xf32, #tpu.memory_space<vmem>>
      %dma_wait3A_58 = arith.constant 0 : i32
      %dma_wait3A_59 = tpu.memref_slice %arg9[%dma_wait3A_53, %dma_wait3A_58] : memref<64x128xi32, #tpu.memory_space<vmem>> -> memref<1x128xi32, #tpu.memory_space<vmem>>
      %dma_wait3A_60 = tpu.memref_squeeze %dma_wait3A_59 : memref<1x128xi32, #tpu.memory_space<vmem>> -> memref<128xi32, #tpu.memory_space<vmem>>
      %dma_wait3A_61 = arith.constant 0 : i32
      %dma_wait3A_62 = arith.constant 0 : i32
      %dma_wait3A_63 = tpu.memref_slice %arg11[%dma_wait3A_61, %dma_wait3A_62] : memref<10112x128xf32, #tpu.memory_space<vmem_shared>> -> memref<10112x128xf32, #tpu.memory_space<vmem_shared>>
      tpu.wait_indirect_dma semaphore(%arg14 : memref<!tpu.dma_semaphore, #tpu.memory_space<semaphore_mem>>) src(%dma_wait3A_57 : memref<128x128xf32, #tpu.memory_space<vmem>>) dst(%dma_wait3A_63 : memref<10112x128xf32, #tpu.memory_space<vmem_shared>>)
      %dma_wait3A_64 = arith.constant 1 : i32
      %dma_wait3A_65 = arith.constant 1 : i32
      %dma_wait3A_66 = arith.constant 0 : i32
      %dma_wait3A_67 = arith.constant 0 : i32
      %dma_wait3A_68 = tpu.memref_slice %arg10[%dma_wait3A_64, %dma_wait3A_66, %dma_wait3A_67] : memref<2x128x128xf32, #tpu.memory_space<vmem>> -> memref<1x128x128xf32, #tpu.memory_space<vmem>>
      %dma_wait3A_69 = tpu.memref_squeeze %dma_wait3A_68 : memref<1x128x128xf32, #tpu.memory_space<vmem>> -> memref<128x128xf32, #tpu.memory_space<vmem>>
      %dma_wait3A_70 = arith.constant 0 : i32
      %dma_wait3A_71 = tpu.memref_slice %arg9[%dma_wait3A_65, %dma_wait3A_70] : memref<64x128xi32, #tpu.memory_space<vmem>> -> memref<1x128xi32, #tpu.memory_space<vmem>>
      %dma_wait3A_72 = tpu.memref_squeeze %dma_wait3A_71 : memref<1x128xi32, #tpu.memory_space<vmem>> -> memref<128xi32, #tpu.memory_space<vmem>>
      %dma_wait3A_73 = arith.constant 0 : i32
      %dma_wait3A_74 = arith.constant 0 : i32
      %dma_wait3A_75 = tpu.memref_slice %arg11[%dma_wait3A_73, %dma_wait3A_74] : memref<10112x128xf32, #tpu.memory_space<vmem_shared>> -> memref<10112x128xf32, #tpu.memory_space<vmem_shared>>
      tpu.wait_indirect_dma semaphore(%arg14 : memref<!tpu.dma_semaphore, #tpu.memory_space<semaphore_mem>>) src(%dma_wait3A_69 : memref<128x128xf32, #tpu.memory_space<vmem>>) dst(%dma_wait3A_75 : memref<10112x128xf32, #tpu.memory_space<vmem_shared>>)
      %barrier3A_76 = arith.constant 0 : index
      tpu.barrier barrier_id(%barrier3A_76)
      %mul3A_77 = arith.constant 632 : i32
      %mul3A_78 = arith.muli %arg1, %mul3A_77 : i32
      %mul3A_79 = arith.constant 632 : i32
      %mul3A_80 = arith.muli %arg1, %mul3A_79 : i32
      %run_scoped3A = arith.constant 0 : i32
      "tpu.region"() ({
        %run_scoped3A_156 = tpu.sem_alloc : memref<!tpu.dma_semaphore, #tpu.memory_space<semaphore_mem>>
        %dma_start3A_157 = arith.constant 0 : i32
        %dma_start3A_158 = tpu.memref_slice %arg7[%run_scoped3A, %arg0, %mul3A_80, %dma_start3A_157] : memref<2x2x10112x128xf32, #tpu.memory_space<hbm>> -> memref<1x1x632x128xf32, #tpu.memory_space<hbm>>
        %dma_start3A_159 = tpu.memref_squeeze %dma_start3A_158 : memref<1x1x632x128xf32, #tpu.memory_space<hbm>> -> memref<632x128xf32, #tpu.memory_space<hbm>>
        %dma_start3A_160 = arith.constant 0 : i32
        %dma_start3A_161 = tpu.memref_slice %arg11[%mul3A_78, %dma_start3A_160] : memref<10112x128xf32, #tpu.memory_space<vmem_shared>> -> memref<632x128xf32, #tpu.memory_space<vmem_shared>>
        tpu.enqueue_dma source(%dma_start3A_161 : memref<632x128xf32, #tpu.memory_space<vmem_shared>>) target(%dma_start3A_159 : memref<632x128xf32, #tpu.memory_space<hbm>>) target_semaphore(%run_scoped3A_156 : memref<!tpu.dma_semaphore, #tpu.memory_space<semaphore_mem>>)
        %dma_wait3A_162 = arith.constant 0 : i32
        %dma_wait3A_163 = tpu.memref_slice %arg7[%run_scoped3A, %arg0, %mul3A_80, %dma_wait3A_162] : memref<2x2x10112x128xf32, #tpu.memory_space<hbm>> -> memref<1x1x632x128xf32, #tpu.memory_space<hbm>>
        %dma_wait3A_164 = tpu.memref_squeeze %dma_wait3A_163 : memref<1x1x632x128xf32, #tpu.memory_space<hbm>> -> memref<632x128xf32, #tpu.memory_space<hbm>>
        %dma_wait3A_165 = arith.constant 0 : i32
        %dma_wait3A_166 = tpu.memref_slice %arg11[%mul3A_78, %dma_wait3A_165] : memref<10112x128xf32, #tpu.memory_space<vmem_shared>> -> memref<632x128xf32, #tpu.memory_space<vmem_shared>>
        tpu.wait_dma2 semaphore(%run_scoped3A_156 : memref<!tpu.dma_semaphore, #tpu.memory_space<semaphore_mem>>) src(%dma_wait3A_166 : memref<632x128xf32, #tpu.memory_space<vmem_shared>>) dst(%dma_wait3A_164 : memref<632x128xf32, #tpu.memory_space<hbm>>)
        tpu.yield
      }) : () -> ()
      %mul3A_81 = arith.constant 632 : i32
      %mul3A_82 = arith.muli %arg1, %mul3A_81 : i32
      %add3A_83 = arith.constant 0 : i32
      %add3A_84 = arith.addi %mul3A_82, %add3A_83 : i32
      "tpu.region"() ({
        %run_scoped3A_156 = tpu.sem_alloc : memref<!tpu.dma_semaphore, #tpu.memory_space<semaphore_mem>>
        %dma_start3A_157 = arith.constant 0 : i32
        %dma_start3A_158 = tpu.memref_slice %arg11[%add3A_84, %dma_start3A_157] : memref<10112x128xf32, #tpu.memory_space<vmem_shared>> -> memref<120x128xf32, #tpu.memory_space<vmem_shared>>
        tpu.enqueue_dma source(%arg12 : memref<120x128xf32, #tpu.memory_space<vmem_shared>>) target(%dma_start3A_158 : memref<120x128xf32, #tpu.memory_space<vmem_shared>>) target_semaphore(%run_scoped3A_156 : memref<!tpu.dma_semaphore, #tpu.memory_space<semaphore_mem>>)
        %dma_wait3A_159 = arith.constant 0 : i32
        %dma_wait3A_160 = tpu.memref_slice %arg11[%add3A_84, %dma_wait3A_159] : memref<10112x128xf32, #tpu.memory_space<vmem_shared>> -> memref<120x128xf32, #tpu.memory_space<vmem_shared>>
        tpu.wait_dma2 semaphore(%run_scoped3A_156 : memref<!tpu.dma_semaphore, #tpu.memory_space<semaphore_mem>>) src(%arg12 : memref<120x128xf32, #tpu.memory_space<vmem_shared>>) dst(%dma_wait3A_160 : memref<120x128xf32, #tpu.memory_space<vmem_shared>>)
        tpu.yield
      }) : () -> ()
      %add3A_85 = arith.constant 120 : i32
      %add3A_86 = arith.addi %mul3A_82, %add3A_85 : i32
      "tpu.region"() ({
        %run_scoped3A_156 = tpu.sem_alloc : memref<!tpu.dma_semaphore, #tpu.memory_space<semaphore_mem>>
        %dma_start3A_157 = arith.constant 0 : i32
        %dma_start3A_158 = tpu.memref_slice %arg11[%add3A_86, %dma_start3A_157] : memref<10112x128xf32, #tpu.memory_space<vmem_shared>> -> memref<120x128xf32, #tpu.memory_space<vmem_shared>>
        tpu.enqueue_dma source(%arg12 : memref<120x128xf32, #tpu.memory_space<vmem_shared>>) target(%dma_start3A_158 : memref<120x128xf32, #tpu.memory_space<vmem_shared>>) target_semaphore(%run_scoped3A_156 : memref<!tpu.dma_semaphore, #tpu.memory_space<semaphore_mem>>)
        %dma_wait3A_159 = arith.constant 0 : i32
        %dma_wait3A_160 = tpu.memref_slice %arg11[%add3A_86, %dma_wait3A_159] : memref<10112x128xf32, #tpu.memory_space<vmem_shared>> -> memref<120x128xf32, #tpu.memory_space<vmem_shared>>
        tpu.wait_dma2 semaphore(%run_scoped3A_156 : memref<!tpu.dma_semaphore, #tpu.memory_space<semaphore_mem>>) src(%arg12 : memref<120x128xf32, #tpu.memory_space<vmem_shared>>) dst(%dma_wait3A_160 : memref<120x128xf32, #tpu.memory_space<vmem_shared>>)
        tpu.yield
      }) : () -> ()
      %add3A_87 = arith.constant 240 : i32
      %add3A_88 = arith.addi %mul3A_82, %add3A_87 : i32
      "tpu.region"() ({
        %run_scoped3A_156 = tpu.sem_alloc : memref<!tpu.dma_semaphore, #tpu.memory_space<semaphore_mem>>
        %dma_start3A_157 = arith.constant 0 : i32
        %dma_start3A_158 = tpu.memref_slice %arg11[%add3A_88, %dma_start3A_157] : memref<10112x128xf32, #tpu.memory_space<vmem_shared>> -> memref<120x128xf32, #tpu.memory_space<vmem_shared>>
        tpu.enqueue_dma source(%arg12 : memref<120x128xf32, #tpu.memory_space<vmem_shared>>) target(%dma_start3A_158 : memref<120x128xf32, #tpu.memory_space<vmem_shared>>) target_semaphore(%run_scoped3A_156 : memref<!tpu.dma_semaphore, #tpu.memory_space<semaphore_mem>>)
        %dma_wait3A_159 = arith.constant 0 : i32
        %dma_wait3A_160 = tpu.memref_slice %arg11[%add3A_88, %dma_wait3A_159] : memref<10112x128xf32, #tpu.memory_space<vmem_shared>> -> memref<120x128xf32, #tpu.memory_space<vmem_shared>>
        tpu.wait_dma2 semaphore(%run_scoped3A_156 : memref<!tpu.dma_semaphore, #tpu.memory_space<semaphore_mem>>) src(%arg12 : memref<120x128xf32, #tpu.memory_space<vmem_shared>>) dst(%dma_wait3A_160 : memref<120x128xf32, #tpu.memory_space<vmem_shared>>)
        tpu.yield
      }) : () -> ()
      %add3A_89 = arith.constant 360 : i32
      %add3A_90 = arith.addi %mul3A_82, %add3A_89 : i32
      "tpu.region"() ({
        %run_scoped3A_156 = tpu.sem_alloc : memref<!tpu.dma_semaphore, #tpu.memory_space<semaphore_mem>>
        %dma_start3A_157 = arith.constant 0 : i32
        %dma_start3A_158 = tpu.memref_slice %arg11[%add3A_90, %dma_start3A_157] : memref<10112x128xf32, #tpu.memory_space<vmem_shared>> -> memref<120x128xf32, #tpu.memory_space<vmem_shared>>
        tpu.enqueue_dma source(%arg12 : memref<120x128xf32, #tpu.memory_space<vmem_shared>>) target(%dma_start3A_158 : memref<120x128xf32, #tpu.memory_space<vmem_shared>>) target_semaphore(%run_scoped3A_156 : memref<!tpu.dma_semaphore, #tpu.memory_space<semaphore_mem>>)
        %dma_wait3A_159 = arith.constant 0 : i32
        %dma_wait3A_160 = tpu.memref_slice %arg11[%add3A_90, %dma_wait3A_159] : memref<10112x128xf32, #tpu.memory_space<vmem_shared>> -> memref<120x128xf32, #tpu.memory_space<vmem_shared>>
        tpu.wait_dma2 semaphore(%run_scoped3A_156 : memref<!tpu.dma_semaphore, #tpu.memory_space<semaphore_mem>>) src(%arg12 : memref<120x128xf32, #tpu.memory_space<vmem_shared>>) dst(%dma_wait3A_160 : memref<120x128xf32, #tpu.memory_space<vmem_shared>>)
        tpu.yield
      }) : () -> ()
      %add3A_91 = arith.constant 480 : i32
      %add3A_92 = arith.addi %mul3A_82, %add3A_91 : i32
      "tpu.region"() ({
        %run_scoped3A_156 = tpu.sem_alloc : memref<!tpu.dma_semaphore, #tpu.memory_space<semaphore_mem>>
        %dma_start3A_157 = arith.constant 0 : i32
        %dma_start3A_158 = tpu.memref_slice %arg11[%add3A_92, %dma_start3A_157] : memref<10112x128xf32, #tpu.memory_space<vmem_shared>> -> memref<120x128xf32, #tpu.memory_space<vmem_shared>>
        tpu.enqueue_dma source(%arg12 : memref<120x128xf32, #tpu.memory_space<vmem_shared>>) target(%dma_start3A_158 : memref<120x128xf32, #tpu.memory_space<vmem_shared>>) target_semaphore(%run_scoped3A_156 : memref<!tpu.dma_semaphore, #tpu.memory_space<semaphore_mem>>)
        %dma_wait3A_159 = arith.constant 0 : i32
        %dma_wait3A_160 = tpu.memref_slice %arg11[%add3A_92, %dma_wait3A_159] : memref<10112x128xf32, #tpu.memory_space<vmem_shared>> -> memref<120x128xf32, #tpu.memory_space<vmem_shared>>
        tpu.wait_dma2 semaphore(%run_scoped3A_156 : memref<!tpu.dma_semaphore, #tpu.memory_space<semaphore_mem>>) src(%arg12 : memref<120x128xf32, #tpu.memory_space<vmem_shared>>) dst(%dma_wait3A_160 : memref<120x128xf32, #tpu.memory_space<vmem_shared>>)
        tpu.yield
      }) : () -> ()
      %add3A_93 = arith.constant 600 : i32
      %add3A_94 = arith.addi %mul3A_82, %add3A_93 : i32
      "tpu.region"() ({
        %run_scoped3A_156 = tpu.sem_alloc : memref<!tpu.dma_semaphore, #tpu.memory_space<semaphore_mem>>
        %dma_start3A_157 = arith.constant 0 : i32
        %dma_start3A_158 = tpu.memref_slice %arg11[%add3A_94, %dma_start3A_157] : memref<10112x128xf32, #tpu.memory_space<vmem_shared>> -> memref<32x128xf32, #tpu.memory_space<vmem_shared>>
        %dma_start3A_159 = arith.constant 0 : i32
        %dma_start3A_160 = arith.constant 0 : i32
        %dma_start3A_161 = tpu.memref_slice %arg12[%dma_start3A_159, %dma_start3A_160] : memref<120x128xf32, #tpu.memory_space<vmem_shared>> -> memref<32x128xf32, #tpu.memory_space<vmem_shared>>
        tpu.enqueue_dma source(%dma_start3A_161 : memref<32x128xf32, #tpu.memory_space<vmem_shared>>) target(%dma_start3A_158 : memref<32x128xf32, #tpu.memory_space<vmem_shared>>) target_semaphore(%run_scoped3A_156 : memref<!tpu.dma_semaphore, #tpu.memory_space<semaphore_mem>>)
        %dma_wait3A_162 = arith.constant 0 : i32
        %dma_wait3A_163 = tpu.memref_slice %arg11[%add3A_94, %dma_wait3A_162] : memref<10112x128xf32, #tpu.memory_space<vmem_shared>> -> memref<32x128xf32, #tpu.memory_space<vmem_shared>>
        %dma_wait3A_164 = arith.constant 0 : i32
        %dma_wait3A_165 = arith.constant 0 : i32
        %dma_wait3A_166 = tpu.memref_slice %arg12[%dma_wait3A_164, %dma_wait3A_165] : memref<120x128xf32, #tpu.memory_space<vmem_shared>> -> memref<32x128xf32, #tpu.memory_space<vmem_shared>>
        tpu.wait_dma2 semaphore(%run_scoped3A_156 : memref<!tpu.dma_semaphore, #tpu.memory_space<semaphore_mem>>) src(%dma_wait3A_166 : memref<32x128xf32, #tpu.memory_space<vmem_shared>>) dst(%dma_wait3A_163 : memref<32x128xf32, #tpu.memory_space<vmem_shared>>)
        tpu.yield
      }) : () -> ()
      %barrier3A_95 = arith.constant 0 : index
      tpu.barrier barrier_id(%barrier3A_95)
      %dma_start3A_96 = arith.constant 0 : i32
      %dma_start3A_97 = arith.constant 0 : i32
      %dma_start3A_98 = arith.constant 0 : i32
      %dma_start3A_99 = arith.constant 0 : i32
      %dma_start3A_100 = tpu.memref_slice %arg10[%dma_start3A_97, %dma_start3A_98, %dma_start3A_99] : memref<2x128x128xf32, #tpu.memory_space<vmem>> -> memref<1x128x128xf32, #tpu.memory_space<vmem>>
      %dma_start3A_101 = tpu.memref_squeeze %dma_start3A_100 : memref<1x128x128xf32, #tpu.memory_space<vmem>> -> memref<128x128xf32, #tpu.memory_space<vmem>>
      %dma_start3A_102 = arith.constant 0 : i32
      %dma_start3A_103 = tpu.memref_slice %arg8[%dma_start3A_96, %dma_start3A_102] : memref<64x128xi32, #tpu.memory_space<vmem>> -> memref<1x128xi32, #tpu.memory_space<vmem>>
      %dma_start3A_104 = tpu.memref_squeeze %dma_start3A_103 : memref<1x128xi32, #tpu.memory_space<vmem>> -> memref<128xi32, #tpu.memory_space<vmem>>
      %dma_start3A_105 = arith.constant 0 : i32
      %dma_start3A_106 = arith.constant 0 : i32
      %dma_start3A_107 = tpu.memref_slice %arg6[%dma_start3A_105, %dma_start3A_106] : memref<10000x128xf32, #tpu.memory_space<hbm>> -> memref<10000x128xf32, #tpu.memory_space<hbm>>
      tpu.enqueue_indirect_dma source(%dma_start3A_107 : memref<10000x128xf32, #tpu.memory_space<hbm>>) target(%dma_start3A_101 : memref<128x128xf32, #tpu.memory_space<vmem>>) offsets(%dma_start3A_104 : memref<128xi32, #tpu.memory_space<vmem>>) semaphore(%arg13 : memref<!tpu.dma_semaphore, #tpu.memory_space<semaphore_mem>>)
      %dma_start3A_108 = arith.constant 1 : i32
      %dma_start3A_109 = arith.constant 1 : i32
      %dma_start3A_110 = arith.constant 0 : i32
      %dma_start3A_111 = arith.constant 0 : i32
      %dma_start3A_112 = tpu.memref_slice %arg10[%dma_start3A_109, %dma_start3A_110, %dma_start3A_111] : memref<2x128x128xf32, #tpu.memory_space<vmem>> -> memref<1x128x128xf32, #tpu.memory_space<vmem>>
      %dma_start3A_113 = tpu.memref_squeeze %dma_start3A_112 : memref<1x128x128xf32, #tpu.memory_space<vmem>> -> memref<128x128xf32, #tpu.memory_space<vmem>>
      %dma_start3A_114 = arith.constant 0 : i32
      %dma_start3A_115 = tpu.memref_slice %arg8[%dma_start3A_108, %dma_start3A_114] : memref<64x128xi32, #tpu.memory_space<vmem>> -> memref<1x128xi32, #tpu.memory_space<vmem>>
      %dma_start3A_116 = tpu.memref_squeeze %dma_start3A_115 : memref<1x128xi32, #tpu.memory_space<vmem>> -> memref<128xi32, #tpu.memory_space<vmem>>
      %dma_start3A_117 = arith.constant 0 : i32
      %dma_start3A_118 = arith.constant 0 : i32
      %dma_start3A_119 = tpu.memref_slice %arg6[%dma_start3A_117, %dma_start3A_118] : memref<10000x128xf32, #tpu.memory_space<hbm>> -> memref<10000x128xf32, #tpu.memory_space<hbm>>
      tpu.enqueue_indirect_dma source(%dma_start3A_119 : memref<10000x128xf32, #tpu.memory_space<hbm>>) target(%dma_start3A_113 : memref<128x128xf32, #tpu.memory_space<vmem>>) offsets(%dma_start3A_116 : memref<128xi32, #tpu.memory_space<vmem>>) semaphore(%arg13 : memref<!tpu.dma_semaphore, #tpu.memory_space<semaphore_mem>>)
      %scan3A_120 = arith.constant 0 : i32
      %scan3A_121 = arith.constant 0 : i32
      %scan3A_122 = arith.constant 64 : i32
      %scan3A_123 = arith.addi %scan3A_121, %scan3A_122 : i32
      %scan3A_124 = arith.constant 1 : i32
      scf.for %scan3A_156 = %scan3A_121 to %scan3A_123 step %scan3A_124  : i32 {
        %and3A = arith.constant 1 : i32
        %and3A_157 = arith.andi %scan3A_156, %and3A : i32
        %dma_wait3A_158 = arith.constant 0 : i32
        %dma_wait3A_159 = arith.constant 0 : i32
        %dma_wait3A_160 = tpu.memref_slice %arg10[%and3A_157, %dma_wait3A_158, %dma_wait3A_159] : memref<2x128x128xf32, #tpu.memory_space<vmem>> -> memref<1x128x128xf32, #tpu.memory_space<vmem>>
        %dma_wait3A_161 = tpu.memref_squeeze %dma_wait3A_160 : memref<1x128x128xf32, #tpu.memory_space<vmem>> -> memref<128x128xf32, #tpu.memory_space<vmem>>
        %dma_wait3A_162 = arith.constant 0 : i32
        %dma_wait3A_163 = tpu.memref_slice %arg8[%scan3A_156, %dma_wait3A_162] : memref<64x128xi32, #tpu.memory_space<vmem>> -> memref<1x128xi32, #tpu.memory_space<vmem>>
        %dma_wait3A_164 = tpu.memref_squeeze %dma_wait3A_163 : memref<1x128xi32, #tpu.memory_space<vmem>> -> memref<128xi32, #tpu.memory_space<vmem>>
        %dma_wait3A_165 = arith.constant 0 : i32
        %dma_wait3A_166 = arith.constant 0 : i32
        %dma_wait3A_167 = tpu.memref_slice %arg6[%dma_wait3A_165, %dma_wait3A_166] : memref<10000x128xf32, #tpu.memory_space<hbm>> -> memref<10000x128xf32, #tpu.memory_space<hbm>>
        tpu.wait_indirect_dma semaphore(%arg13 : memref<!tpu.dma_semaphore, #tpu.memory_space<semaphore_mem>>) src(%dma_wait3A_167 : memref<10000x128xf32, #tpu.memory_space<hbm>>) dst(%dma_wait3A_161 : memref<128x128xf32, #tpu.memory_space<vmem>>)
        %dma_start3A_168 = arith.constant 0 : i32
        %dma_start3A_169 = arith.constant 0 : i32
        %dma_start3A_170 = tpu.memref_slice %arg10[%and3A_157, %dma_start3A_168, %dma_start3A_169] : memref<2x128x128xf32, #tpu.memory_space<vmem>> -> memref<1x128x128xf32, #tpu.memory_space<vmem>>
        %dma_start3A_171 = tpu.memref_squeeze %dma_start3A_170 : memref<1x128x128xf32, #tpu.memory_space<vmem>> -> memref<128x128xf32, #tpu.memory_space<vmem>>
        %dma_start3A_172 = arith.constant 0 : i32
        %dma_start3A_173 = tpu.memref_slice %arg9[%scan3A_156, %dma_start3A_172] : memref<64x128xi32, #tpu.memory_space<vmem>> -> memref<1x128xi32, #tpu.memory_space<vmem>>
        %dma_start3A_174 = tpu.memref_squeeze %dma_start3A_173 : memref<1x128xi32, #tpu.memory_space<vmem>> -> memref<128xi32, #tpu.memory_space<vmem>>
        %dma_start3A_175 = arith.constant 0 : i32
        %dma_start3A_176 = arith.constant 0 : i32
        %dma_start3A_177 = tpu.memref_slice %arg11[%dma_start3A_175, %dma_start3A_176] : memref<10112x128xf32, #tpu.memory_space<vmem_shared>> -> memref<10112x128xf32, #tpu.memory_space<vmem_shared>>
        tpu.enqueue_indirect_dma source(%dma_start3A_171 : memref<128x128xf32, #tpu.memory_space<vmem>>) target(%dma_start3A_177 : memref<10112x128xf32, #tpu.memory_space<vmem_shared>>) offsets(%dma_start3A_174 : memref<128xi32, #tpu.memory_space<vmem>>) semaphore(%arg14 : memref<!tpu.dma_semaphore, #tpu.memory_space<semaphore_mem>>) {add = true}
        %add3A_178 = arith.constant 2 : i32
        %add3A_179 = arith.addi %scan3A_156, %add3A_178 : i32
        %lt3A = arith.constant 64 : i32
        %lt3A_180 = arith.cmpi slt, %add3A_179, %lt3A : i32
        %convert_element_type3A_181 = arith.extui %lt3A_180 : i1 to i32
        %cond3A_182 = arith.constant 0 : i32
        %cond3A_183 = arith.cmpi ne, %convert_element_type3A_181, %cond3A_182 : i32
        scf.if %cond3A_183 {
          %dma_wait3A_184 = arith.constant 0 : i32
          %dma_wait3A_185 = arith.constant 0 : i32
          %dma_wait3A_186 = tpu.memref_slice %arg10[%and3A_157, %dma_wait3A_184, %dma_wait3A_185] : memref<2x128x128xf32, #tpu.memory_space<vmem>> -> memref<1x128x128xf32, #tpu.memory_space<vmem>>
          %dma_wait3A_187 = tpu.memref_squeeze %dma_wait3A_186 : memref<1x128x128xf32, #tpu.memory_space<vmem>> -> memref<128x128xf32, #tpu.memory_space<vmem>>
          %dma_wait3A_188 = arith.constant 0 : i32
          %dma_wait3A_189 = tpu.memref_slice %arg9[%scan3A_156, %dma_wait3A_188] : memref<64x128xi32, #tpu.memory_space<vmem>> -> memref<1x128xi32, #tpu.memory_space<vmem>>
          %dma_wait3A_190 = tpu.memref_squeeze %dma_wait3A_189 : memref<1x128xi32, #tpu.memory_space<vmem>> -> memref<128xi32, #tpu.memory_space<vmem>>
          %dma_wait3A_191 = arith.constant 0 : i32
          %dma_wait3A_192 = arith.constant 0 : i32
          %dma_wait3A_193 = tpu.memref_slice %arg11[%dma_wait3A_191, %dma_wait3A_192] : memref<10112x128xf32, #tpu.memory_space<vmem_shared>> -> memref<10112x128xf32, #tpu.memory_space<vmem_shared>>
          tpu.wait_indirect_dma semaphore(%arg14 : memref<!tpu.dma_semaphore, #tpu.memory_space<semaphore_mem>>) src(%dma_wait3A_187 : memref<128x128xf32, #tpu.memory_space<vmem>>) dst(%dma_wait3A_193 : memref<10112x128xf32, #tpu.memory_space<vmem_shared>>)
          %add3A_194 = arith.constant 2 : i32
          %add3A_195 = arith.addi %scan3A_156, %add3A_194 : i32
          %dma_start3A_196 = arith.constant 0 : i32
          %dma_start3A_197 = arith.constant 0 : i32
          %dma_start3A_198 = tpu.memref_slice %arg10[%and3A_157, %dma_start3A_196, %dma_start3A_197] : memref<2x128x128xf32, #tpu.memory_space<vmem>> -> memref<1x128x128xf32, #tpu.memory_space<vmem>>
          %dma_start3A_199 = tpu.memref_squeeze %dma_start3A_198 : memref<1x128x128xf32, #tpu.memory_space<vmem>> -> memref<128x128xf32, #tpu.memory_space<vmem>>
          %dma_start3A_200 = arith.constant 0 : i32
          %dma_start3A_201 = tpu.memref_slice %arg8[%add3A_195, %dma_start3A_200] : memref<64x128xi32, #tpu.memory_space<vmem>> -> memref<1x128xi32, #tpu.memory_space<vmem>>
          %dma_start3A_202 = tpu.memref_squeeze %dma_start3A_201 : memref<1x128xi32, #tpu.memory_space<vmem>> -> memref<128xi32, #tpu.memory_space<vmem>>
          %dma_start3A_203 = arith.constant 0 : i32
          %dma_start3A_204 = arith.constant 0 : i32
          %dma_start3A_205 = tpu.memref_slice %arg6[%dma_start3A_203, %dma_start3A_204] : memref<10000x128xf32, #tpu.memory_space<hbm>> -> memref<10000x128xf32, #tpu.memory_space<hbm>>
          tpu.enqueue_indirect_dma source(%dma_start3A_205 : memref<10000x128xf32, #tpu.memory_space<hbm>>) target(%dma_start3A_199 : memref<128x128xf32, #tpu.memory_space<vmem>>) offsets(%dma_start3A_202 : memref<128xi32, #tpu.memory_space<vmem>>) semaphore(%arg13 : memref<!tpu.dma_semaphore, #tpu.memory_space<semaphore_mem>>)
        } else {
        }
      }
      %scan3A_125 = arith.constant 64 : i32
      %dma_wait3A_126 = arith.constant 0 : i32
      %dma_wait3A_127 = arith.constant 0 : i32
      %dma_wait3A_128 = arith.constant 0 : i32
      %dma_wait3A_129 = arith.constant 0 : i32
      %dma_wait3A_130 = tpu.memref_slice %arg10[%dma_wait3A_126, %dma_wait3A_128, %dma_wait3A_129] : memref<2x128x128xf32, #tpu.memory_space<vmem>> -> memref<1x128x128xf32, #tpu.memory_space<vmem>>
      %dma_wait3A_131 = tpu.memref_squeeze %dma_wait3A_130 : memref<1x128x128xf32, #tpu.memory_space<vmem>> -> memref<128x128xf32, #tpu.memory_space<vmem>>
      %dma_wait3A_132 = arith.constant 0 : i32
      %dma_wait3A_133 = tpu.memref_slice %arg9[%dma_wait3A_127, %dma_wait3A_132] : memref<64x128xi32, #tpu.memory_space<vmem>> -> memref<1x128xi32, #tpu.memory_space<vmem>>
      %dma_wait3A_134 = tpu.memref_squeeze %dma_wait3A_133 : memref<1x128xi32, #tpu.memory_space<vmem>> -> memref<128xi32, #tpu.memory_space<vmem>>
      %dma_wait3A_135 = arith.constant 0 : i32
      %dma_wait3A_136 = arith.constant 0 : i32
      %dma_wait3A_137 = tpu.memref_slice %arg11[%dma_wait3A_135, %dma_wait3A_136] : memref<10112x128xf32, #tpu.memory_space<vmem_shared>> -> memref<10112x128xf32, #tpu.memory_space<vmem_shared>>
      tpu.wait_indirect_dma semaphore(%arg14 : memref<!tpu.dma_semaphore, #tpu.memory_space<semaphore_mem>>) src(%dma_wait3A_131 : memref<128x128xf32, #tpu.memory_space<vmem>>) dst(%dma_wait3A_137 : memref<10112x128xf32, #tpu.memory_space<vmem_shared>>)
      %dma_wait3A_138 = arith.constant 1 : i32
      %dma_wait3A_139 = arith.constant 1 : i32
      %dma_wait3A_140 = arith.constant 0 : i32
      %dma_wait3A_141 = arith.constant 0 : i32
      %dma_wait3A_142 = tpu.memref_slice %arg10[%dma_wait3A_138, %dma_wait3A_140, %dma_wait3A_141] : memref<2x128x128xf32, #tpu.memory_space<vmem>> -> memref<1x128x128xf32, #tpu.memory_space<vmem>>
      %dma_wait3A_143 = tpu.memref_squeeze %dma_wait3A_142 : memref<1x128x128xf32, #tpu.memory_space<vmem>> -> memref<128x128xf32, #tpu.memory_space<vmem>>
      %dma_wait3A_144 = arith.constant 0 : i32
      %dma_wait3A_145 = tpu.memref_slice %arg9[%dma_wait3A_139, %dma_wait3A_144] : memref<64x128xi32, #tpu.memory_space<vmem>> -> memref<1x128xi32, #tpu.memory_space<vmem>>
      %dma_wait3A_146 = tpu.memref_squeeze %dma_wait3A_145 : memref<1x128xi32, #tpu.memory_space<vmem>> -> memref<128xi32, #tpu.memory_space<vmem>>
      %dma_wait3A_147 = arith.constant 0 : i32
      %dma_wait3A_148 = arith.constant 0 : i32
      %dma_wait3A_149 = tpu.memref_slice %arg11[%dma_wait3A_147, %dma_wait3A_148] : memref<10112x128xf32, #tpu.memory_space<vmem_shared>> -> memref<10112x128xf32, #tpu.memory_space<vmem_shared>>
      tpu.wait_indirect_dma semaphore(%arg14 : memref<!tpu.dma_semaphore, #tpu.memory_space<semaphore_mem>>) src(%dma_wait3A_143 : memref<128x128xf32, #tpu.memory_space<vmem>>) dst(%dma_wait3A_149 : memref<10112x128xf32, #tpu.memory_space<vmem_shared>>)
      %barrier3A_150 = arith.constant 0 : index
      tpu.barrier barrier_id(%barrier3A_150)
      %mul3A_151 = arith.constant 632 : i32
      %mul3A_152 = arith.muli %arg1, %mul3A_151 : i32
      %mul3A_153 = arith.constant 632 : i32
      %mul3A_154 = arith.muli %arg1, %mul3A_153 : i32
      %run_scoped3A_155 = arith.constant 1 : i32
      "tpu.region"() ({
        %run_scoped3A_156 = tpu.sem_alloc : memref<!tpu.dma_semaphore, #tpu.memory_space<semaphore_mem>>
        %dma_start3A_157 = arith.constant 0 : i32
        %dma_start3A_158 = tpu.memref_slice %arg7[%run_scoped3A_155, %arg0, %mul3A_154, %dma_start3A_157] : memref<2x2x10112x128xf32, #tpu.memory_space<hbm>> -> memref<1x1x632x128xf32, #tpu.memory_space<hbm>>
        %dma_start3A_159 = tpu.memref_squeeze %dma_start3A_158 : memref<1x1x632x128xf32, #tpu.memory_space<hbm>> -> memref<632x128xf32, #tpu.memory_space<hbm>>
        %dma_start3A_160 = arith.constant 0 : i32
        %dma_start3A_161 = tpu.memref_slice %arg11[%mul3A_152, %dma_start3A_160] : memref<10112x128xf32, #tpu.memory_space<vmem_shared>> -> memref<632x128xf32, #tpu.memory_space<vmem_shared>>
        tpu.enqueue_dma source(%dma_start3A_161 : memref<632x128xf32, #tpu.memory_space<vmem_shared>>) target(%dma_start3A_159 : memref<632x128xf32, #tpu.memory_space<hbm>>) target_semaphore(%run_scoped3A_156 : memref<!tpu.dma_semaphore, #tpu.memory_space<semaphore_mem>>)
        %dma_wait3A_162 = arith.constant 0 : i32
        %dma_wait3A_163 = tpu.memref_slice %arg7[%run_scoped3A_155, %arg0, %mul3A_154, %dma_wait3A_162] : memref<2x2x10112x128xf32, #tpu.memory_space<hbm>> -> memref<1x1x632x128xf32, #tpu.memory_space<hbm>>
        %dma_wait3A_164 = tpu.memref_squeeze %dma_wait3A_163 : memref<1x1x632x128xf32, #tpu.memory_space<hbm>> -> memref<632x128xf32, #tpu.memory_space<hbm>>
        %dma_wait3A_165 = arith.constant 0 : i32
        %dma_wait3A_166 = tpu.memref_slice %arg11[%mul3A_152, %dma_wait3A_165] : memref<10112x128xf32, #tpu.memory_space<vmem_shared>> -> memref<632x128xf32, #tpu.memory_space<vmem_shared>>
        tpu.wait_dma2 semaphore(%run_scoped3A_156 : memref<!tpu.dma_semaphore, #tpu.memory_space<semaphore_mem>>) src(%dma_wait3A_166 : memref<632x128xf32, #tpu.memory_space<vmem_shared>>) dst(%dma_wait3A_164 : memref<632x128xf32, #tpu.memory_space<hbm>>)
        tpu.yield
      }) : () -> ()
    } else {
    }
    %eq3A_7 = arith.constant 1 : i32
    %eq3A_8 = arith.cmpi eq, %arg0, %eq3A_7 : i32
    %convert_element_type3A_9 = arith.extui %eq3A_8 : i1 to i32
    %cond3A_10 = arith.constant 0 : i32
    %cond3A_11 = arith.cmpi ne, %convert_element_type3A_9, %cond3A_10 : i32
    scf.if %cond3A_11 {
      "tpu.region"() ({
        %run_scoped3A_156 = tpu.sem_alloc : memref<!tpu.dma_semaphore, #tpu.memory_space<semaphore_mem>>
        %dma_start3A_157 = arith.constant 0 : i32
        %dma_start3A_158 = arith.constant 0 : i32
        %dma_start3A_159 = tpu.memref_slice %arg8[%dma_start3A_157, %dma_start3A_158] : memref<64x128xi32, #tpu.memory_space<vmem>> -> memref<16x128xi32, #tpu.memory_space<vmem>>
        %dma_start3A_160 = arith.constant 64 : i32
        %dma_start3A_161 = arith.constant 0 : i32
        %dma_start3A_162 = tpu.memref_slice %arg2[%arg1, %dma_start3A_160, %dma_start3A_161] : memref<16x80x128xi32, #tpu.memory_space<hbm>> -> memref<1x16x128xi32, #tpu.memory_space<hbm>>
        %dma_start3A_163 = tpu.memref_squeeze %dma_start3A_162 : memref<1x16x128xi32, #tpu.memory_space<hbm>> -> memref<16x128xi32, #tpu.memory_space<hbm>>
        %dma_start3A_164 = arith.constant 0 : i32
        %dma_start3A_165 = arith.constant 0 : i32
        %dma_start3A_166 = tpu.memref_slice %arg8[%dma_start3A_164, %dma_start3A_165] : memref<64x128xi32, #tpu.memory_space<vmem>> -> memref<16x128xi32, #tpu.memory_space<vmem>>
        %dma_start3A_167 = arith.constant 64 : i32
        %dma_start3A_168 = arith.constant 0 : i32
        %dma_start3A_169 = tpu.memref_slice %arg2[%arg1, %dma_start3A_167, %dma_start3A_168] : memref<16x80x128xi32, #tpu.memory_space<hbm>> -> memref<1x16x128xi32, #tpu.memory_space<hbm>>
        %dma_start3A_170 = tpu.memref_squeeze %dma_start3A_169 : memref<1x16x128xi32, #tpu.memory_space<hbm>> -> memref<16x128xi32, #tpu.memory_space<hbm>>
        tpu.enqueue_dma source(%dma_start3A_170 : memref<16x128xi32, #tpu.memory_space<hbm>>) target(%dma_start3A_166 : memref<16x128xi32, #tpu.memory_space<vmem>>) target_semaphore(%run_scoped3A_156 : memref<!tpu.dma_semaphore, #tpu.memory_space<semaphore_mem>>)
        %dma_wait3A_171 = arith.constant 0 : i32
        %dma_wait3A_172 = arith.constant 0 : i32
        %dma_wait3A_173 = tpu.memref_slice %arg8[%dma_wait3A_171, %dma_wait3A_172] : memref<64x128xi32, #tpu.memory_space<vmem>> -> memref<16x128xi32, #tpu.memory_space<vmem>>
        %dma_wait3A_174 = arith.constant 64 : i32
        %dma_wait3A_175 = arith.constant 0 : i32
        %dma_wait3A_176 = tpu.memref_slice %arg2[%arg1, %dma_wait3A_174, %dma_wait3A_175] : memref<16x80x128xi32, #tpu.memory_space<hbm>> -> memref<1x16x128xi32, #tpu.memory_space<hbm>>
        %dma_wait3A_177 = tpu.memref_squeeze %dma_wait3A_176 : memref<1x16x128xi32, #tpu.memory_space<hbm>> -> memref<16x128xi32, #tpu.memory_space<hbm>>
        %dma_wait3A_178 = arith.constant 0 : i32
        %dma_wait3A_179 = arith.constant 0 : i32
        %dma_wait3A_180 = tpu.memref_slice %arg8[%dma_wait3A_178, %dma_wait3A_179] : memref<64x128xi32, #tpu.memory_space<vmem>> -> memref<16x128xi32, #tpu.memory_space<vmem>>
        %dma_wait3A_181 = arith.constant 64 : i32
        %dma_wait3A_182 = arith.constant 0 : i32
        %dma_wait3A_183 = tpu.memref_slice %arg2[%arg1, %dma_wait3A_181, %dma_wait3A_182] : memref<16x80x128xi32, #tpu.memory_space<hbm>> -> memref<1x16x128xi32, #tpu.memory_space<hbm>>
        %dma_wait3A_184 = tpu.memref_squeeze %dma_wait3A_183 : memref<1x16x128xi32, #tpu.memory_space<hbm>> -> memref<16x128xi32, #tpu.memory_space<hbm>>
        tpu.wait_dma2 semaphore(%run_scoped3A_156 : memref<!tpu.dma_semaphore, #tpu.memory_space<semaphore_mem>>) src(%dma_wait3A_184 : memref<16x128xi32, #tpu.memory_space<hbm>>) dst(%dma_wait3A_180 : memref<16x128xi32, #tpu.memory_space<vmem>>)
        tpu.yield
      }) : () -> ()
      "tpu.region"() ({
        %run_scoped3A_156 = tpu.sem_alloc : memref<!tpu.dma_semaphore, #tpu.memory_space<semaphore_mem>>
        %dma_start3A_157 = arith.constant 0 : i32
        %dma_start3A_158 = arith.constant 0 : i32
        %dma_start3A_159 = tpu.memref_slice %arg9[%dma_start3A_157, %dma_start3A_158] : memref<64x128xi32, #tpu.memory_space<vmem>> -> memref<16x128xi32, #tpu.memory_space<vmem>>
        %dma_start3A_160 = arith.constant 64 : i32
        %dma_start3A_161 = arith.constant 0 : i32
        %dma_start3A_162 = tpu.memref_slice %arg3[%arg1, %dma_start3A_160, %dma_start3A_161] : memref<16x80x128xi32, #tpu.memory_space<hbm>> -> memref<1x16x128xi32, #tpu.memory_space<hbm>>
        %dma_start3A_163 = tpu.memref_squeeze %dma_start3A_162 : memref<1x16x128xi32, #tpu.memory_space<hbm>> -> memref<16x128xi32, #tpu.memory_space<hbm>>
        %dma_start3A_164 = arith.constant 0 : i32
        %dma_start3A_165 = arith.constant 0 : i32
        %dma_start3A_166 = tpu.memref_slice %arg9[%dma_start3A_164, %dma_start3A_165] : memref<64x128xi32, #tpu.memory_space<vmem>> -> memref<16x128xi32, #tpu.memory_space<vmem>>
        %dma_start3A_167 = arith.constant 64 : i32
        %dma_start3A_168 = arith.constant 0 : i32
        %dma_start3A_169 = tpu.memref_slice %arg3[%arg1, %dma_start3A_167, %dma_start3A_168] : memref<16x80x128xi32, #tpu.memory_space<hbm>> -> memref<1x16x128xi32, #tpu.memory_space<hbm>>
        %dma_start3A_170 = tpu.memref_squeeze %dma_start3A_169 : memref<1x16x128xi32, #tpu.memory_space<hbm>> -> memref<16x128xi32, #tpu.memory_space<hbm>>
        tpu.enqueue_dma source(%dma_start3A_170 : memref<16x128xi32, #tpu.memory_space<hbm>>) target(%dma_start3A_166 : memref<16x128xi32, #tpu.memory_space<vmem>>) target_semaphore(%run_scoped3A_156 : memref<!tpu.dma_semaphore, #tpu.memory_space<semaphore_mem>>)
        %dma_wait3A_171 = arith.constant 0 : i32
        %dma_wait3A_172 = arith.constant 0 : i32
        %dma_wait3A_173 = tpu.memref_slice %arg9[%dma_wait3A_171, %dma_wait3A_172] : memref<64x128xi32, #tpu.memory_space<vmem>> -> memref<16x128xi32, #tpu.memory_space<vmem>>
        %dma_wait3A_174 = arith.constant 64 : i32
        %dma_wait3A_175 = arith.constant 0 : i32
        %dma_wait3A_176 = tpu.memref_slice %arg3[%arg1, %dma_wait3A_174, %dma_wait3A_175] : memref<16x80x128xi32, #tpu.memory_space<hbm>> -> memref<1x16x128xi32, #tpu.memory_space<hbm>>
        %dma_wait3A_177 = tpu.memref_squeeze %dma_wait3A_176 : memref<1x16x128xi32, #tpu.memory_space<hbm>> -> memref<16x128xi32, #tpu.memory_space<hbm>>
        %dma_wait3A_178 = arith.constant 0 : i32
        %dma_wait3A_179 = arith.constant 0 : i32
        %dma_wait3A_180 = tpu.memref_slice %arg9[%dma_wait3A_178, %dma_wait3A_179] : memref<64x128xi32, #tpu.memory_space<vmem>> -> memref<16x128xi32, #tpu.memory_space<vmem>>
        %dma_wait3A_181 = arith.constant 64 : i32
        %dma_wait3A_182 = arith.constant 0 : i32
        %dma_wait3A_183 = tpu.memref_slice %arg3[%arg1, %dma_wait3A_181, %dma_wait3A_182] : memref<16x80x128xi32, #tpu.memory_space<hbm>> -> memref<1x16x128xi32, #tpu.memory_space<hbm>>
        %dma_wait3A_184 = tpu.memref_squeeze %dma_wait3A_183 : memref<1x16x128xi32, #tpu.memory_space<hbm>> -> memref<16x128xi32, #tpu.memory_space<hbm>>
        tpu.wait_dma2 semaphore(%run_scoped3A_156 : memref<!tpu.dma_semaphore, #tpu.memory_space<semaphore_mem>>) src(%dma_wait3A_184 : memref<16x128xi32, #tpu.memory_space<hbm>>) dst(%dma_wait3A_180 : memref<16x128xi32, #tpu.memory_space<vmem>>)
        tpu.yield
      }) : () -> ()
      %mul3A = arith.constant 632 : i32
      %mul3A_12 = arith.muli %arg1, %mul3A : i32
      %add3A = arith.constant 0 : i32
      %add3A_13 = arith.addi %mul3A_12, %add3A : i32
      "tpu.region"() ({
        %run_scoped3A_156 = tpu.sem_alloc : memref<!tpu.dma_semaphore, #tpu.memory_space<semaphore_mem>>
        %dma_start3A_157 = arith.constant 0 : i32
        %dma_start3A_158 = tpu.memref_slice %arg11[%add3A_13, %dma_start3A_157] : memref<10112x128xf32, #tpu.memory_space<vmem_shared>> -> memref<120x128xf32, #tpu.memory_space<vmem_shared>>
        tpu.enqueue_dma source(%arg12 : memref<120x128xf32, #tpu.memory_space<vmem_shared>>) target(%dma_start3A_158 : memref<120x128xf32, #tpu.memory_space<vmem_shared>>) target_semaphore(%run_scoped3A_156 : memref<!tpu.dma_semaphore, #tpu.memory_space<semaphore_mem>>)
        %dma_wait3A_159 = arith.constant 0 : i32
        %dma_wait3A_160 = tpu.memref_slice %arg11[%add3A_13, %dma_wait3A_159] : memref<10112x128xf32, #tpu.memory_space<vmem_shared>> -> memref<120x128xf32, #tpu.memory_space<vmem_shared>>
        tpu.wait_dma2 semaphore(%run_scoped3A_156 : memref<!tpu.dma_semaphore, #tpu.memory_space<semaphore_mem>>) src(%arg12 : memref<120x128xf32, #tpu.memory_space<vmem_shared>>) dst(%dma_wait3A_160 : memref<120x128xf32, #tpu.memory_space<vmem_shared>>)
        tpu.yield
      }) : () -> ()
      %add3A_14 = arith.constant 120 : i32
      %add3A_15 = arith.addi %mul3A_12, %add3A_14 : i32
      "tpu.region"() ({
        %run_scoped3A_156 = tpu.sem_alloc : memref<!tpu.dma_semaphore, #tpu.memory_space<semaphore_mem>>
        %dma_start3A_157 = arith.constant 0 : i32
        %dma_start3A_158 = tpu.memref_slice %arg11[%add3A_15, %dma_start3A_157] : memref<10112x128xf32, #tpu.memory_space<vmem_shared>> -> memref<120x128xf32, #tpu.memory_space<vmem_shared>>
        tpu.enqueue_dma source(%arg12 : memref<120x128xf32, #tpu.memory_space<vmem_shared>>) target(%dma_start3A_158 : memref<120x128xf32, #tpu.memory_space<vmem_shared>>) target_semaphore(%run_scoped3A_156 : memref<!tpu.dma_semaphore, #tpu.memory_space<semaphore_mem>>)
        %dma_wait3A_159 = arith.constant 0 : i32
        %dma_wait3A_160 = tpu.memref_slice %arg11[%add3A_15, %dma_wait3A_159] : memref<10112x128xf32, #tpu.memory_space<vmem_shared>> -> memref<120x128xf32, #tpu.memory_space<vmem_shared>>
        tpu.wait_dma2 semaphore(%run_scoped3A_156 : memref<!tpu.dma_semaphore, #tpu.memory_space<semaphore_mem>>) src(%arg12 : memref<120x128xf32, #tpu.memory_space<vmem_shared>>) dst(%dma_wait3A_160 : memref<120x128xf32, #tpu.memory_space<vmem_shared>>)
        tpu.yield
      }) : () -> ()
      %add3A_16 = arith.constant 240 : i32
      %add3A_17 = arith.addi %mul3A_12, %add3A_16 : i32
      "tpu.region"() ({
        %run_scoped3A_156 = tpu.sem_alloc : memref<!tpu.dma_semaphore, #tpu.memory_space<semaphore_mem>>
        %dma_start3A_157 = arith.constant 0 : i32
        %dma_start3A_158 = tpu.memref_slice %arg11[%add3A_17, %dma_start3A_157] : memref<10112x128xf32, #tpu.memory_space<vmem_shared>> -> memref<120x128xf32, #tpu.memory_space<vmem_shared>>
        tpu.enqueue_dma source(%arg12 : memref<120x128xf32, #tpu.memory_space<vmem_shared>>) target(%dma_start3A_158 : memref<120x128xf32, #tpu.memory_space<vmem_shared>>) target_semaphore(%run_scoped3A_156 : memref<!tpu.dma_semaphore, #tpu.memory_space<semaphore_mem>>)
        %dma_wait3A_159 = arith.constant 0 : i32
        %dma_wait3A_160 = tpu.memref_slice %arg11[%add3A_17, %dma_wait3A_159] : memref<10112x128xf32, #tpu.memory_space<vmem_shared>> -> memref<120x128xf32, #tpu.memory_space<vmem_shared>>
        tpu.wait_dma2 semaphore(%run_scoped3A_156 : memref<!tpu.dma_semaphore, #tpu.memory_space<semaphore_mem>>) src(%arg12 : memref<120x128xf32, #tpu.memory_space<vmem_shared>>) dst(%dma_wait3A_160 : memref<120x128xf32, #tpu.memory_space<vmem_shared>>)
        tpu.yield
      }) : () -> ()
      %add3A_18 = arith.constant 360 : i32
      %add3A_19 = arith.addi %mul3A_12, %add3A_18 : i32
      "tpu.region"() ({
        %run_scoped3A_156 = tpu.sem_alloc : memref<!tpu.dma_semaphore, #tpu.memory_space<semaphore_mem>>
        %dma_start3A_157 = arith.constant 0 : i32
        %dma_start3A_158 = tpu.memref_slice %arg11[%add3A_19, %dma_start3A_157] : memref<10112x128xf32, #tpu.memory_space<vmem_shared>> -> memref<120x128xf32, #tpu.memory_space<vmem_shared>>
        tpu.enqueue_dma source(%arg12 : memref<120x128xf32, #tpu.memory_space<vmem_shared>>) target(%dma_start3A_158 : memref<120x128xf32, #tpu.memory_space<vmem_shared>>) target_semaphore(%run_scoped3A_156 : memref<!tpu.dma_semaphore, #tpu.memory_space<semaphore_mem>>)
        %dma_wait3A_159 = arith.constant 0 : i32
        %dma_wait3A_160 = tpu.memref_slice %arg11[%add3A_19, %dma_wait3A_159] : memref<10112x128xf32, #tpu.memory_space<vmem_shared>> -> memref<120x128xf32, #tpu.memory_space<vmem_shared>>
        tpu.wait_dma2 semaphore(%run_scoped3A_156 : memref<!tpu.dma_semaphore, #tpu.memory_space<semaphore_mem>>) src(%arg12 : memref<120x128xf32, #tpu.memory_space<vmem_shared>>) dst(%dma_wait3A_160 : memref<120x128xf32, #tpu.memory_space<vmem_shared>>)
        tpu.yield
      }) : () -> ()
      %add3A_20 = arith.constant 480 : i32
      %add3A_21 = arith.addi %mul3A_12, %add3A_20 : i32
      "tpu.region"() ({
        %run_scoped3A_156 = tpu.sem_alloc : memref<!tpu.dma_semaphore, #tpu.memory_space<semaphore_mem>>
        %dma_start3A_157 = arith.constant 0 : i32
        %dma_start3A_158 = tpu.memref_slice %arg11[%add3A_21, %dma_start3A_157] : memref<10112x128xf32, #tpu.memory_space<vmem_shared>> -> memref<120x128xf32, #tpu.memory_space<vmem_shared>>
        tpu.enqueue_dma source(%arg12 : memref<120x128xf32, #tpu.memory_space<vmem_shared>>) target(%dma_start3A_158 : memref<120x128xf32, #tpu.memory_space<vmem_shared>>) target_semaphore(%run_scoped3A_156 : memref<!tpu.dma_semaphore, #tpu.memory_space<semaphore_mem>>)
        %dma_wait3A_159 = arith.constant 0 : i32
        %dma_wait3A_160 = tpu.memref_slice %arg11[%add3A_21, %dma_wait3A_159] : memref<10112x128xf32, #tpu.memory_space<vmem_shared>> -> memref<120x128xf32, #tpu.memory_space<vmem_shared>>
        tpu.wait_dma2 semaphore(%run_scoped3A_156 : memref<!tpu.dma_semaphore, #tpu.memory_space<semaphore_mem>>) src(%arg12 : memref<120x128xf32, #tpu.memory_space<vmem_shared>>) dst(%dma_wait3A_160 : memref<120x128xf32, #tpu.memory_space<vmem_shared>>)
        tpu.yield
      }) : () -> ()
      %add3A_22 = arith.constant 600 : i32
      %add3A_23 = arith.addi %mul3A_12, %add3A_22 : i32
      "tpu.region"() ({
        %run_scoped3A_156 = tpu.sem_alloc : memref<!tpu.dma_semaphore, #tpu.memory_space<semaphore_mem>>
        %dma_start3A_157 = arith.constant 0 : i32
        %dma_start3A_158 = tpu.memref_slice %arg11[%add3A_23, %dma_start3A_157] : memref<10112x128xf32, #tpu.memory_space<vmem_shared>> -> memref<32x128xf32, #tpu.memory_space<vmem_shared>>
        %dma_start3A_159 = arith.constant 0 : i32
        %dma_start3A_160 = arith.constant 0 : i32
        %dma_start3A_161 = tpu.memref_slice %arg12[%dma_start3A_159, %dma_start3A_160] : memref<120x128xf32, #tpu.memory_space<vmem_shared>> -> memref<32x128xf32, #tpu.memory_space<vmem_shared>>
        tpu.enqueue_dma source(%dma_start3A_161 : memref<32x128xf32, #tpu.memory_space<vmem_shared>>) target(%dma_start3A_158 : memref<32x128xf32, #tpu.memory_space<vmem_shared>>) target_semaphore(%run_scoped3A_156 : memref<!tpu.dma_semaphore, #tpu.memory_space<semaphore_mem>>)
        %dma_wait3A_162 = arith.constant 0 : i32
        %dma_wait3A_163 = tpu.memref_slice %arg11[%add3A_23, %dma_wait3A_162] : memref<10112x128xf32, #tpu.memory_space<vmem_shared>> -> memref<32x128xf32, #tpu.memory_space<vmem_shared>>
        %dma_wait3A_164 = arith.constant 0 : i32
        %dma_wait3A_165 = arith.constant 0 : i32
        %dma_wait3A_166 = tpu.memref_slice %arg12[%dma_wait3A_164, %dma_wait3A_165] : memref<120x128xf32, #tpu.memory_space<vmem_shared>> -> memref<32x128xf32, #tpu.memory_space<vmem_shared>>
        tpu.wait_dma2 semaphore(%run_scoped3A_156 : memref<!tpu.dma_semaphore, #tpu.memory_space<semaphore_mem>>) src(%dma_wait3A_166 : memref<32x128xf32, #tpu.memory_space<vmem_shared>>) dst(%dma_wait3A_163 : memref<32x128xf32, #tpu.memory_space<vmem_shared>>)
        tpu.yield
      }) : () -> ()
      %barrier3A_24 = arith.constant 0 : index
      tpu.barrier barrier_id(%barrier3A_24)
      %dma_start3A = arith.constant 0 : i32
      %dma_start3A_25 = arith.constant 0 : i32
      %dma_start3A_26 = arith.constant 0 : i32
      %dma_start3A_27 = arith.constant 0 : i32
      %dma_start3A_28 = tpu.memref_slice %arg10[%dma_start3A_25, %dma_start3A_26, %dma_start3A_27] : memref<2x128x128xf32, #tpu.memory_space<vmem>> -> memref<1x128x128xf32, #tpu.memory_space<vmem>>
      %dma_start3A_29 = tpu.memref_squeeze %dma_start3A_28 : memref<1x128x128xf32, #tpu.memory_space<vmem>> -> memref<128x128xf32, #tpu.memory_space<vmem>>
      %dma_start3A_30 = arith.constant 0 : i32
      %dma_start3A_31 = tpu.memref_slice %arg8[%dma_start3A, %dma_start3A_30] : memref<64x128xi32, #tpu.memory_space<vmem>> -> memref<1x128xi32, #tpu.memory_space<vmem>>
      %dma_start3A_32 = tpu.memref_squeeze %dma_start3A_31 : memref<1x128xi32, #tpu.memory_space<vmem>> -> memref<128xi32, #tpu.memory_space<vmem>>
      %dma_start3A_33 = arith.constant 0 : i32
      %dma_start3A_34 = arith.constant 0 : i32
      %dma_start3A_35 = tpu.memref_slice %arg5[%dma_start3A_33, %dma_start3A_34] : memref<10000x128xf32, #tpu.memory_space<hbm>> -> memref<10000x128xf32, #tpu.memory_space<hbm>>
      tpu.enqueue_indirect_dma source(%dma_start3A_35 : memref<10000x128xf32, #tpu.memory_space<hbm>>) target(%dma_start3A_29 : memref<128x128xf32, #tpu.memory_space<vmem>>) offsets(%dma_start3A_32 : memref<128xi32, #tpu.memory_space<vmem>>) semaphore(%arg13 : memref<!tpu.dma_semaphore, #tpu.memory_space<semaphore_mem>>)
      %dma_start3A_36 = arith.constant 1 : i32
      %dma_start3A_37 = arith.constant 1 : i32
      %dma_start3A_38 = arith.constant 0 : i32
      %dma_start3A_39 = arith.constant 0 : i32
      %dma_start3A_40 = tpu.memref_slice %arg10[%dma_start3A_37, %dma_start3A_38, %dma_start3A_39] : memref<2x128x128xf32, #tpu.memory_space<vmem>> -> memref<1x128x128xf32, #tpu.memory_space<vmem>>
      %dma_start3A_41 = tpu.memref_squeeze %dma_start3A_40 : memref<1x128x128xf32, #tpu.memory_space<vmem>> -> memref<128x128xf32, #tpu.memory_space<vmem>>
      %dma_start3A_42 = arith.constant 0 : i32
      %dma_start3A_43 = tpu.memref_slice %arg8[%dma_start3A_36, %dma_start3A_42] : memref<64x128xi32, #tpu.memory_space<vmem>> -> memref<1x128xi32, #tpu.memory_space<vmem>>
      %dma_start3A_44 = tpu.memref_squeeze %dma_start3A_43 : memref<1x128xi32, #tpu.memory_space<vmem>> -> memref<128xi32, #tpu.memory_space<vmem>>
      %dma_start3A_45 = arith.constant 0 : i32
      %dma_start3A_46 = arith.constant 0 : i32
      %dma_start3A_47 = tpu.memref_slice %arg5[%dma_start3A_45, %dma_start3A_46] : memref<10000x128xf32, #tpu.memory_space<hbm>> -> memref<10000x128xf32, #tpu.memory_space<hbm>>
      tpu.enqueue_indirect_dma source(%dma_start3A_47 : memref<10000x128xf32, #tpu.memory_space<hbm>>) target(%dma_start3A_41 : memref<128x128xf32, #tpu.memory_space<vmem>>) offsets(%dma_start3A_44 : memref<128xi32, #tpu.memory_space<vmem>>) semaphore(%arg13 : memref<!tpu.dma_semaphore, #tpu.memory_space<semaphore_mem>>)
      %scan3A = arith.constant 0 : i32
      %scan3A_48 = arith.constant 0 : i32
      %scan3A_49 = arith.constant 16 : i32
      %scan3A_50 = arith.addi %scan3A_48, %scan3A_49 : i32
      %scan3A_51 = arith.constant 1 : i32
      scf.for %scan3A_156 = %scan3A_48 to %scan3A_50 step %scan3A_51  : i32 {
        %and3A = arith.constant 1 : i32
        %and3A_157 = arith.andi %scan3A_156, %and3A : i32
        %dma_wait3A_158 = arith.constant 0 : i32
        %dma_wait3A_159 = arith.constant 0 : i32
        %dma_wait3A_160 = tpu.memref_slice %arg10[%and3A_157, %dma_wait3A_158, %dma_wait3A_159] : memref<2x128x128xf32, #tpu.memory_space<vmem>> -> memref<1x128x128xf32, #tpu.memory_space<vmem>>
        %dma_wait3A_161 = tpu.memref_squeeze %dma_wait3A_160 : memref<1x128x128xf32, #tpu.memory_space<vmem>> -> memref<128x128xf32, #tpu.memory_space<vmem>>
        %dma_wait3A_162 = arith.constant 0 : i32
        %dma_wait3A_163 = tpu.memref_slice %arg8[%scan3A_156, %dma_wait3A_162] : memref<64x128xi32, #tpu.memory_space<vmem>> -> memref<1x128xi32, #tpu.memory_space<vmem>>
        %dma_wait3A_164 = tpu.memref_squeeze %dma_wait3A_163 : memref<1x128xi32, #tpu.memory_space<vmem>> -> memref<128xi32, #tpu.memory_space<vmem>>
        %dma_wait3A_165 = arith.constant 0 : i32
        %dma_wait3A_166 = arith.constant 0 : i32
        %dma_wait3A_167 = tpu.memref_slice %arg5[%dma_wait3A_165, %dma_wait3A_166] : memref<10000x128xf32, #tpu.memory_space<hbm>> -> memref<10000x128xf32, #tpu.memory_space<hbm>>
        tpu.wait_indirect_dma semaphore(%arg13 : memref<!tpu.dma_semaphore, #tpu.memory_space<semaphore_mem>>) src(%dma_wait3A_167 : memref<10000x128xf32, #tpu.memory_space<hbm>>) dst(%dma_wait3A_161 : memref<128x128xf32, #tpu.memory_space<vmem>>)
        %dma_start3A_168 = arith.constant 0 : i32
        %dma_start3A_169 = arith.constant 0 : i32
        %dma_start3A_170 = tpu.memref_slice %arg10[%and3A_157, %dma_start3A_168, %dma_start3A_169] : memref<2x128x128xf32, #tpu.memory_space<vmem>> -> memref<1x128x128xf32, #tpu.memory_space<vmem>>
        %dma_start3A_171 = tpu.memref_squeeze %dma_start3A_170 : memref<1x128x128xf32, #tpu.memory_space<vmem>> -> memref<128x128xf32, #tpu.memory_space<vmem>>
        %dma_start3A_172 = arith.constant 0 : i32
        %dma_start3A_173 = tpu.memref_slice %arg9[%scan3A_156, %dma_start3A_172] : memref<64x128xi32, #tpu.memory_space<vmem>> -> memref<1x128xi32, #tpu.memory_space<vmem>>
        %dma_start3A_174 = tpu.memref_squeeze %dma_start3A_173 : memref<1x128xi32, #tpu.memory_space<vmem>> -> memref<128xi32, #tpu.memory_space<vmem>>
        %dma_start3A_175 = arith.constant 0 : i32
        %dma_start3A_176 = arith.constant 0 : i32
        %dma_start3A_177 = tpu.memref_slice %arg11[%dma_start3A_175, %dma_start3A_176] : memref<10112x128xf32, #tpu.memory_space<vmem_shared>> -> memref<10112x128xf32, #tpu.memory_space<vmem_shared>>
        tpu.enqueue_indirect_dma source(%dma_start3A_171 : memref<128x128xf32, #tpu.memory_space<vmem>>) target(%dma_start3A_177 : memref<10112x128xf32, #tpu.memory_space<vmem_shared>>) offsets(%dma_start3A_174 : memref<128xi32, #tpu.memory_space<vmem>>) semaphore(%arg14 : memref<!tpu.dma_semaphore, #tpu.memory_space<semaphore_mem>>) {add = true}
        %add3A_178 = arith.constant 2 : i32
        %add3A_179 = arith.addi %scan3A_156, %add3A_178 : i32
        %lt3A = arith.constant 16 : i32
        %lt3A_180 = arith.cmpi slt, %add3A_179, %lt3A : i32
        %convert_element_type3A_181 = arith.extui %lt3A_180 : i1 to i32
        %cond3A_182 = arith.constant 0 : i32
        %cond3A_183 = arith.cmpi ne, %convert_element_type3A_181, %cond3A_182 : i32
        scf.if %cond3A_183 {
          %dma_wait3A_184 = arith.constant 0 : i32
          %dma_wait3A_185 = arith.constant 0 : i32
          %dma_wait3A_186 = tpu.memref_slice %arg10[%and3A_157, %dma_wait3A_184, %dma_wait3A_185] : memref<2x128x128xf32, #tpu.memory_space<vmem>> -> memref<1x128x128xf32, #tpu.memory_space<vmem>>
          %dma_wait3A_187 = tpu.memref_squeeze %dma_wait3A_186 : memref<1x128x128xf32, #tpu.memory_space<vmem>> -> memref<128x128xf32, #tpu.memory_space<vmem>>
          %dma_wait3A_188 = arith.constant 0 : i32
          %dma_wait3A_189 = tpu.memref_slice %arg9[%scan3A_156, %dma_wait3A_188] : memref<64x128xi32, #tpu.memory_space<vmem>> -> memref<1x128xi32, #tpu.memory_space<vmem>>
          %dma_wait3A_190 = tpu.memref_squeeze %dma_wait3A_189 : memref<1x128xi32, #tpu.memory_space<vmem>> -> memref<128xi32, #tpu.memory_space<vmem>>
          %dma_wait3A_191 = arith.constant 0 : i32
          %dma_wait3A_192 = arith.constant 0 : i32
          %dma_wait3A_193 = tpu.memref_slice %arg11[%dma_wait3A_191, %dma_wait3A_192] : memref<10112x128xf32, #tpu.memory_space<vmem_shared>> -> memref<10112x128xf32, #tpu.memory_space<vmem_shared>>
          tpu.wait_indirect_dma semaphore(%arg14 : memref<!tpu.dma_semaphore, #tpu.memory_space<semaphore_mem>>) src(%dma_wait3A_187 : memref<128x128xf32, #tpu.memory_space<vmem>>) dst(%dma_wait3A_193 : memref<10112x128xf32, #tpu.memory_space<vmem_shared>>)
          %add3A_194 = arith.constant 2 : i32
          %add3A_195 = arith.addi %scan3A_156, %add3A_194 : i32
          %dma_start3A_196 = arith.constant 0 : i32
          %dma_start3A_197 = arith.constant 0 : i32
          %dma_start3A_198 = tpu.memref_slice %arg10[%and3A_157, %dma_start3A_196, %dma_start3A_197] : memref<2x128x128xf32, #tpu.memory_space<vmem>> -> memref<1x128x128xf32, #tpu.memory_space<vmem>>
          %dma_start3A_199 = tpu.memref_squeeze %dma_start3A_198 : memref<1x128x128xf32, #tpu.memory_space<vmem>> -> memref<128x128xf32, #tpu.memory_space<vmem>>
          %dma_start3A_200 = arith.constant 0 : i32
          %dma_start3A_201 = tpu.memref_slice %arg8[%add3A_195, %dma_start3A_200] : memref<64x128xi32, #tpu.memory_space<vmem>> -> memref<1x128xi32, #tpu.memory_space<vmem>>
          %dma_start3A_202 = tpu.memref_squeeze %dma_start3A_201 : memref<1x128xi32, #tpu.memory_space<vmem>> -> memref<128xi32, #tpu.memory_space<vmem>>
          %dma_start3A_203 = arith.constant 0 : i32
          %dma_start3A_204 = arith.constant 0 : i32
          %dma_start3A_205 = tpu.memref_slice %arg5[%dma_start3A_203, %dma_start3A_204] : memref<10000x128xf32, #tpu.memory_space<hbm>> -> memref<10000x128xf32, #tpu.memory_space<hbm>>
          tpu.enqueue_indirect_dma source(%dma_start3A_205 : memref<10000x128xf32, #tpu.memory_space<hbm>>) target(%dma_start3A_199 : memref<128x128xf32, #tpu.memory_space<vmem>>) offsets(%dma_start3A_202 : memref<128xi32, #tpu.memory_space<vmem>>) semaphore(%arg13 : memref<!tpu.dma_semaphore, #tpu.memory_space<semaphore_mem>>)
        } else {
        }
      }
      %scan3A_52 = arith.constant 16 : i32
      %dma_wait3A = arith.constant 0 : i32
      %dma_wait3A_53 = arith.constant 0 : i32
      %dma_wait3A_54 = arith.constant 0 : i32
      %dma_wait3A_55 = arith.constant 0 : i32
      %dma_wait3A_56 = tpu.memref_slice %arg10[%dma_wait3A, %dma_wait3A_54, %dma_wait3A_55] : memref<2x128x128xf32, #tpu.memory_space<vmem>> -> memref<1x128x128xf32, #tpu.memory_space<vmem>>
      %dma_wait3A_57 = tpu.memref_squeeze %dma_wait3A_56 : memref<1x128x128xf32, #tpu.memory_space<vmem>> -> memref<128x128xf32, #tpu.memory_space<vmem>>
      %dma_wait3A_58 = arith.constant 0 : i32
      %dma_wait3A_59 = tpu.memref_slice %arg9[%dma_wait3A_53, %dma_wait3A_58] : memref<64x128xi32, #tpu.memory_space<vmem>> -> memref<1x128xi32, #tpu.memory_space<vmem>>
      %dma_wait3A_60 = tpu.memref_squeeze %dma_wait3A_59 : memref<1x128xi32, #tpu.memory_space<vmem>> -> memref<128xi32, #tpu.memory_space<vmem>>
      %dma_wait3A_61 = arith.constant 0 : i32
      %dma_wait3A_62 = arith.constant 0 : i32
      %dma_wait3A_63 = tpu.memref_slice %arg11[%dma_wait3A_61, %dma_wait3A_62] : memref<10112x128xf32, #tpu.memory_space<vmem_shared>> -> memref<10112x128xf32, #tpu.memory_space<vmem_shared>>
      tpu.wait_indirect_dma semaphore(%arg14 : memref<!tpu.dma_semaphore, #tpu.memory_space<semaphore_mem>>) src(%dma_wait3A_57 : memref<128x128xf32, #tpu.memory_space<vmem>>) dst(%dma_wait3A_63 : memref<10112x128xf32, #tpu.memory_space<vmem_shared>>)
      %dma_wait3A_64 = arith.constant 1 : i32
      %dma_wait3A_65 = arith.constant 1 : i32
      %dma_wait3A_66 = arith.constant 0 : i32
      %dma_wait3A_67 = arith.constant 0 : i32
      %dma_wait3A_68 = tpu.memref_slice %arg10[%dma_wait3A_64, %dma_wait3A_66, %dma_wait3A_67] : memref<2x128x128xf32, #tpu.memory_space<vmem>> -> memref<1x128x128xf32, #tpu.memory_space<vmem>>
      %dma_wait3A_69 = tpu.memref_squeeze %dma_wait3A_68 : memref<1x128x128xf32, #tpu.memory_space<vmem>> -> memref<128x128xf32, #tpu.memory_space<vmem>>
      %dma_wait3A_70 = arith.constant 0 : i32
      %dma_wait3A_71 = tpu.memref_slice %arg9[%dma_wait3A_65, %dma_wait3A_70] : memref<64x128xi32, #tpu.memory_space<vmem>> -> memref<1x128xi32, #tpu.memory_space<vmem>>
      %dma_wait3A_72 = tpu.memref_squeeze %dma_wait3A_71 : memref<1x128xi32, #tpu.memory_space<vmem>> -> memref<128xi32, #tpu.memory_space<vmem>>
      %dma_wait3A_73 = arith.constant 0 : i32
      %dma_wait3A_74 = arith.constant 0 : i32
      %dma_wait3A_75 = tpu.memref_slice %arg11[%dma_wait3A_73, %dma_wait3A_74] : memref<10112x128xf32, #tpu.memory_space<vmem_shared>> -> memref<10112x128xf32, #tpu.memory_space<vmem_shared>>
      tpu.wait_indirect_dma semaphore(%arg14 : memref<!tpu.dma_semaphore, #tpu.memory_space<semaphore_mem>>) src(%dma_wait3A_69 : memref<128x128xf32, #tpu.memory_space<vmem>>) dst(%dma_wait3A_75 : memref<10112x128xf32, #tpu.memory_space<vmem_shared>>)
      %barrier3A_76 = arith.constant 0 : index
      tpu.barrier barrier_id(%barrier3A_76)
      %mul3A_77 = arith.constant 632 : i32
      %mul3A_78 = arith.muli %arg1, %mul3A_77 : i32
      %mul3A_79 = arith.constant 632 : i32
      %mul3A_80 = arith.muli %arg1, %mul3A_79 : i32
      %run_scoped3A = arith.constant 0 : i32
      "tpu.region"() ({
        %run_scoped3A_156 = tpu.sem_alloc : memref<!tpu.dma_semaphore, #tpu.memory_space<semaphore_mem>>
        %dma_start3A_157 = arith.constant 0 : i32
        %dma_start3A_158 = tpu.memref_slice %arg7[%run_scoped3A, %arg0, %mul3A_80, %dma_start3A_157] : memref<2x2x10112x128xf32, #tpu.memory_space<hbm>> -> memref<1x1x632x128xf32, #tpu.memory_space<hbm>>
        %dma_start3A_159 = tpu.memref_squeeze %dma_start3A_158 : memref<1x1x632x128xf32, #tpu.memory_space<hbm>> -> memref<632x128xf32, #tpu.memory_space<hbm>>
        %dma_start3A_160 = arith.constant 0 : i32
        %dma_start3A_161 = tpu.memref_slice %arg11[%mul3A_78, %dma_start3A_160] : memref<10112x128xf32, #tpu.memory_space<vmem_shared>> -> memref<632x128xf32, #tpu.memory_space<vmem_shared>>
        tpu.enqueue_dma source(%dma_start3A_161 : memref<632x128xf32, #tpu.memory_space<vmem_shared>>) target(%dma_start3A_159 : memref<632x128xf32, #tpu.memory_space<hbm>>) target_semaphore(%run_scoped3A_156 : memref<!tpu.dma_semaphore, #tpu.memory_space<semaphore_mem>>)
        %dma_wait3A_162 = arith.constant 0 : i32
        %dma_wait3A_163 = tpu.memref_slice %arg7[%run_scoped3A, %arg0, %mul3A_80, %dma_wait3A_162] : memref<2x2x10112x128xf32, #tpu.memory_space<hbm>> -> memref<1x1x632x128xf32, #tpu.memory_space<hbm>>
        %dma_wait3A_164 = tpu.memref_squeeze %dma_wait3A_163 : memref<1x1x632x128xf32, #tpu.memory_space<hbm>> -> memref<632x128xf32, #tpu.memory_space<hbm>>
        %dma_wait3A_165 = arith.constant 0 : i32
        %dma_wait3A_166 = tpu.memref_slice %arg11[%mul3A_78, %dma_wait3A_165] : memref<10112x128xf32, #tpu.memory_space<vmem_shared>> -> memref<632x128xf32, #tpu.memory_space<vmem_shared>>
        tpu.wait_dma2 semaphore(%run_scoped3A_156 : memref<!tpu.dma_semaphore, #tpu.memory_space<semaphore_mem>>) src(%dma_wait3A_166 : memref<632x128xf32, #tpu.memory_space<vmem_shared>>) dst(%dma_wait3A_164 : memref<632x128xf32, #tpu.memory_space<hbm>>)
        tpu.yield
      }) : () -> ()
      %mul3A_81 = arith.constant 632 : i32
      %mul3A_82 = arith.muli %arg1, %mul3A_81 : i32
      %add3A_83 = arith.constant 0 : i32
      %add3A_84 = arith.addi %mul3A_82, %add3A_83 : i32
      "tpu.region"() ({
        %run_scoped3A_156 = tpu.sem_alloc : memref<!tpu.dma_semaphore, #tpu.memory_space<semaphore_mem>>
        %dma_start3A_157 = arith.constant 0 : i32
        %dma_start3A_158 = tpu.memref_slice %arg11[%add3A_84, %dma_start3A_157] : memref<10112x128xf32, #tpu.memory_space<vmem_shared>> -> memref<120x128xf32, #tpu.memory_space<vmem_shared>>
        tpu.enqueue_dma source(%arg12 : memref<120x128xf32, #tpu.memory_space<vmem_shared>>) target(%dma_start3A_158 : memref<120x128xf32, #tpu.memory_space<vmem_shared>>) target_semaphore(%run_scoped3A_156 : memref<!tpu.dma_semaphore, #tpu.memory_space<semaphore_mem>>)
        %dma_wait3A_159 = arith.constant 0 : i32
        %dma_wait3A_160 = tpu.memref_slice %arg11[%add3A_84, %dma_wait3A_159] : memref<10112x128xf32, #tpu.memory_space<vmem_shared>> -> memref<120x128xf32, #tpu.memory_space<vmem_shared>>
        tpu.wait_dma2 semaphore(%run_scoped3A_156 : memref<!tpu.dma_semaphore, #tpu.memory_space<semaphore_mem>>) src(%arg12 : memref<120x128xf32, #tpu.memory_space<vmem_shared>>) dst(%dma_wait3A_160 : memref<120x128xf32, #tpu.memory_space<vmem_shared>>)
        tpu.yield
      }) : () -> ()
      %add3A_85 = arith.constant 120 : i32
      %add3A_86 = arith.addi %mul3A_82, %add3A_85 : i32
      "tpu.region"() ({
        %run_scoped3A_156 = tpu.sem_alloc : memref<!tpu.dma_semaphore, #tpu.memory_space<semaphore_mem>>
        %dma_start3A_157 = arith.constant 0 : i32
        %dma_start3A_158 = tpu.memref_slice %arg11[%add3A_86, %dma_start3A_157] : memref<10112x128xf32, #tpu.memory_space<vmem_shared>> -> memref<120x128xf32, #tpu.memory_space<vmem_shared>>
        tpu.enqueue_dma source(%arg12 : memref<120x128xf32, #tpu.memory_space<vmem_shared>>) target(%dma_start3A_158 : memref<120x128xf32, #tpu.memory_space<vmem_shared>>) target_semaphore(%run_scoped3A_156 : memref<!tpu.dma_semaphore, #tpu.memory_space<semaphore_mem>>)
        %dma_wait3A_159 = arith.constant 0 : i32
        %dma_wait3A_160 = tpu.memref_slice %arg11[%add3A_86, %dma_wait3A_159] : memref<10112x128xf32, #tpu.memory_space<vmem_shared>> -> memref<120x128xf32, #tpu.memory_space<vmem_shared>>
        tpu.wait_dma2 semaphore(%run_scoped3A_156 : memref<!tpu.dma_semaphore, #tpu.memory_space<semaphore_mem>>) src(%arg12 : memref<120x128xf32, #tpu.memory_space<vmem_shared>>) dst(%dma_wait3A_160 : memref<120x128xf32, #tpu.memory_space<vmem_shared>>)
        tpu.yield
      }) : () -> ()
      %add3A_87 = arith.constant 240 : i32
      %add3A_88 = arith.addi %mul3A_82, %add3A_87 : i32
      "tpu.region"() ({
        %run_scoped3A_156 = tpu.sem_alloc : memref<!tpu.dma_semaphore, #tpu.memory_space<semaphore_mem>>
        %dma_start3A_157 = arith.constant 0 : i32
        %dma_start3A_158 = tpu.memref_slice %arg11[%add3A_88, %dma_start3A_157] : memref<10112x128xf32, #tpu.memory_space<vmem_shared>> -> memref<120x128xf32, #tpu.memory_space<vmem_shared>>
        tpu.enqueue_dma source(%arg12 : memref<120x128xf32, #tpu.memory_space<vmem_shared>>) target(%dma_start3A_158 : memref<120x128xf32, #tpu.memory_space<vmem_shared>>) target_semaphore(%run_scoped3A_156 : memref<!tpu.dma_semaphore, #tpu.memory_space<semaphore_mem>>)
        %dma_wait3A_159 = arith.constant 0 : i32
        %dma_wait3A_160 = tpu.memref_slice %arg11[%add3A_88, %dma_wait3A_159] : memref<10112x128xf32, #tpu.memory_space<vmem_shared>> -> memref<120x128xf32, #tpu.memory_space<vmem_shared>>
        tpu.wait_dma2 semaphore(%run_scoped3A_156 : memref<!tpu.dma_semaphore, #tpu.memory_space<semaphore_mem>>) src(%arg12 : memref<120x128xf32, #tpu.memory_space<vmem_shared>>) dst(%dma_wait3A_160 : memref<120x128xf32, #tpu.memory_space<vmem_shared>>)
        tpu.yield
      }) : () -> ()
      %add3A_89 = arith.constant 360 : i32
      %add3A_90 = arith.addi %mul3A_82, %add3A_89 : i32
      "tpu.region"() ({
        %run_scoped3A_156 = tpu.sem_alloc : memref<!tpu.dma_semaphore, #tpu.memory_space<semaphore_mem>>
        %dma_start3A_157 = arith.constant 0 : i32
        %dma_start3A_158 = tpu.memref_slice %arg11[%add3A_90, %dma_start3A_157] : memref<10112x128xf32, #tpu.memory_space<vmem_shared>> -> memref<120x128xf32, #tpu.memory_space<vmem_shared>>
        tpu.enqueue_dma source(%arg12 : memref<120x128xf32, #tpu.memory_space<vmem_shared>>) target(%dma_start3A_158 : memref<120x128xf32, #tpu.memory_space<vmem_shared>>) target_semaphore(%run_scoped3A_156 : memref<!tpu.dma_semaphore, #tpu.memory_space<semaphore_mem>>)
        %dma_wait3A_159 = arith.constant 0 : i32
        %dma_wait3A_160 = tpu.memref_slice %arg11[%add3A_90, %dma_wait3A_159] : memref<10112x128xf32, #tpu.memory_space<vmem_shared>> -> memref<120x128xf32, #tpu.memory_space<vmem_shared>>
        tpu.wait_dma2 semaphore(%run_scoped3A_156 : memref<!tpu.dma_semaphore, #tpu.memory_space<semaphore_mem>>) src(%arg12 : memref<120x128xf32, #tpu.memory_space<vmem_shared>>) dst(%dma_wait3A_160 : memref<120x128xf32, #tpu.memory_space<vmem_shared>>)
        tpu.yield
      }) : () -> ()
      %add3A_91 = arith.constant 480 : i32
      %add3A_92 = arith.addi %mul3A_82, %add3A_91 : i32
      "tpu.region"() ({
        %run_scoped3A_156 = tpu.sem_alloc : memref<!tpu.dma_semaphore, #tpu.memory_space<semaphore_mem>>
        %dma_start3A_157 = arith.constant 0 : i32
        %dma_start3A_158 = tpu.memref_slice %arg11[%add3A_92, %dma_start3A_157] : memref<10112x128xf32, #tpu.memory_space<vmem_shared>> -> memref<120x128xf32, #tpu.memory_space<vmem_shared>>
        tpu.enqueue_dma source(%arg12 : memref<120x128xf32, #tpu.memory_space<vmem_shared>>) target(%dma_start3A_158 : memref<120x128xf32, #tpu.memory_space<vmem_shared>>) target_semaphore(%run_scoped3A_156 : memref<!tpu.dma_semaphore, #tpu.memory_space<semaphore_mem>>)
        %dma_wait3A_159 = arith.constant 0 : i32
        %dma_wait3A_160 = tpu.memref_slice %arg11[%add3A_92, %dma_wait3A_159] : memref<10112x128xf32, #tpu.memory_space<vmem_shared>> -> memref<120x128xf32, #tpu.memory_space<vmem_shared>>
        tpu.wait_dma2 semaphore(%run_scoped3A_156 : memref<!tpu.dma_semaphore, #tpu.memory_space<semaphore_mem>>) src(%arg12 : memref<120x128xf32, #tpu.memory_space<vmem_shared>>) dst(%dma_wait3A_160 : memref<120x128xf32, #tpu.memory_space<vmem_shared>>)
        tpu.yield
      }) : () -> ()
      %add3A_93 = arith.constant 600 : i32
      %add3A_94 = arith.addi %mul3A_82, %add3A_93 : i32
      "tpu.region"() ({
        %run_scoped3A_156 = tpu.sem_alloc : memref<!tpu.dma_semaphore, #tpu.memory_space<semaphore_mem>>
        %dma_start3A_157 = arith.constant 0 : i32
        %dma_start3A_158 = tpu.memref_slice %arg11[%add3A_94, %dma_start3A_157] : memref<10112x128xf32, #tpu.memory_space<vmem_shared>> -> memref<32x128xf32, #tpu.memory_space<vmem_shared>>
        %dma_start3A_159 = arith.constant 0 : i32
        %dma_start3A_160 = arith.constant 0 : i32
        %dma_start3A_161 = tpu.memref_slice %arg12[%dma_start3A_159, %dma_start3A_160] : memref<120x128xf32, #tpu.memory_space<vmem_shared>> -> memref<32x128xf32, #tpu.memory_space<vmem_shared>>
        tpu.enqueue_dma source(%dma_start3A_161 : memref<32x128xf32, #tpu.memory_space<vmem_shared>>) target(%dma_start3A_158 : memref<32x128xf32, #tpu.memory_space<vmem_shared>>) target_semaphore(%run_scoped3A_156 : memref<!tpu.dma_semaphore, #tpu.memory_space<semaphore_mem>>)
        %dma_wait3A_162 = arith.constant 0 : i32
        %dma_wait3A_163 = tpu.memref_slice %arg11[%add3A_94, %dma_wait3A_162] : memref<10112x128xf32, #tpu.memory_space<vmem_shared>> -> memref<32x128xf32, #tpu.memory_space<vmem_shared>>
        %dma_wait3A_164 = arith.constant 0 : i32
        %dma_wait3A_165 = arith.constant 0 : i32
        %dma_wait3A_166 = tpu.memref_slice %arg12[%dma_wait3A_164, %dma_wait3A_165] : memref<120x128xf32, #tpu.memory_space<vmem_shared>> -> memref<32x128xf32, #tpu.memory_space<vmem_shared>>
        tpu.wait_dma2 semaphore(%run_scoped3A_156 : memref<!tpu.dma_semaphore, #tpu.memory_space<semaphore_mem>>) src(%dma_wait3A_166 : memref<32x128xf32, #tpu.memory_space<vmem_shared>>) dst(%dma_wait3A_163 : memref<32x128xf32, #tpu.memory_space<vmem_shared>>)
        tpu.yield
      }) : () -> ()
      %barrier3A_95 = arith.constant 0 : index
      tpu.barrier barrier_id(%barrier3A_95)
      %dma_start3A_96 = arith.constant 0 : i32
      %dma_start3A_97 = arith.constant 0 : i32
      %dma_start3A_98 = arith.constant 0 : i32
      %dma_start3A_99 = arith.constant 0 : i32
      %dma_start3A_100 = tpu.memref_slice %arg10[%dma_start3A_97, %dma_start3A_98, %dma_start3A_99] : memref<2x128x128xf32, #tpu.memory_space<vmem>> -> memref<1x128x128xf32, #tpu.memory_space<vmem>>
      %dma_start3A_101 = tpu.memref_squeeze %dma_start3A_100 : memref<1x128x128xf32, #tpu.memory_space<vmem>> -> memref<128x128xf32, #tpu.memory_space<vmem>>
      %dma_start3A_102 = arith.constant 0 : i32
      %dma_start3A_103 = tpu.memref_slice %arg8[%dma_start3A_96, %dma_start3A_102] : memref<64x128xi32, #tpu.memory_space<vmem>> -> memref<1x128xi32, #tpu.memory_space<vmem>>
      %dma_start3A_104 = tpu.memref_squeeze %dma_start3A_103 : memref<1x128xi32, #tpu.memory_space<vmem>> -> memref<128xi32, #tpu.memory_space<vmem>>
      %dma_start3A_105 = arith.constant 0 : i32
      %dma_start3A_106 = arith.constant 0 : i32
      %dma_start3A_107 = tpu.memref_slice %arg6[%dma_start3A_105, %dma_start3A_106] : memref<10000x128xf32, #tpu.memory_space<hbm>> -> memref<10000x128xf32, #tpu.memory_space<hbm>>
      tpu.enqueue_indirect_dma source(%dma_start3A_107 : memref<10000x128xf32, #tpu.memory_space<hbm>>) target(%dma_start3A_101 : memref<128x128xf32, #tpu.memory_space<vmem>>) offsets(%dma_start3A_104 : memref<128xi32, #tpu.memory_space<vmem>>) semaphore(%arg13 : memref<!tpu.dma_semaphore, #tpu.memory_space<semaphore_mem>>)
      %dma_start3A_108 = arith.constant 1 : i32
      %dma_start3A_109 = arith.constant 1 : i32
      %dma_start3A_110 = arith.constant 0 : i32
      %dma_start3A_111 = arith.constant 0 : i32
      %dma_start3A_112 = tpu.memref_slice %arg10[%dma_start3A_109, %dma_start3A_110, %dma_start3A_111] : memref<2x128x128xf32, #tpu.memory_space<vmem>> -> memref<1x128x128xf32, #tpu.memory_space<vmem>>
      %dma_start3A_113 = tpu.memref_squeeze %dma_start3A_112 : memref<1x128x128xf32, #tpu.memory_space<vmem>> -> memref<128x128xf32, #tpu.memory_space<vmem>>
      %dma_start3A_114 = arith.constant 0 : i32
      %dma_start3A_115 = tpu.memref_slice %arg8[%dma_start3A_108, %dma_start3A_114] : memref<64x128xi32, #tpu.memory_space<vmem>> -> memref<1x128xi32, #tpu.memory_space<vmem>>
      %dma_start3A_116 = tpu.memref_squeeze %dma_start3A_115 : memref<1x128xi32, #tpu.memory_space<vmem>> -> memref<128xi32, #tpu.memory_space<vmem>>
      %dma_start3A_117 = arith.constant 0 : i32
      %dma_start3A_118 = arith.constant 0 : i32
      %dma_start3A_119 = tpu.memref_slice %arg6[%dma_start3A_117, %dma_start3A_118] : memref<10000x128xf32, #tpu.memory_space<hbm>> -> memref<10000x128xf32, #tpu.memory_space<hbm>>
      tpu.enqueue_indirect_dma source(%dma_start3A_119 : memref<10000x128xf32, #tpu.memory_space<hbm>>) target(%dma_start3A_113 : memref<128x128xf32, #tpu.memory_space<vmem>>) offsets(%dma_start3A_116 : memref<128xi32, #tpu.memory_space<vmem>>) semaphore(%arg13 : memref<!tpu.dma_semaphore, #tpu.memory_space<semaphore_mem>>)
      %scan3A_120 = arith.constant 0 : i32
      %scan3A_121 = arith.constant 0 : i32
      %scan3A_122 = arith.constant 16 : i32
      %scan3A_123 = arith.addi %scan3A_121, %scan3A_122 : i32
      %scan3A_124 = arith.constant 1 : i32
      scf.for %scan3A_156 = %scan3A_121 to %scan3A_123 step %scan3A_124  : i32 {
        %and3A = arith.constant 1 : i32
        %and3A_157 = arith.andi %scan3A_156, %and3A : i32
        %dma_wait3A_158 = arith.constant 0 : i32
        %dma_wait3A_159 = arith.constant 0 : i32
        %dma_wait3A_160 = tpu.memref_slice %arg10[%and3A_157, %dma_wait3A_158, %dma_wait3A_159] : memref<2x128x128xf32, #tpu.memory_space<vmem>> -> memref<1x128x128xf32, #tpu.memory_space<vmem>>
        %dma_wait3A_161 = tpu.memref_squeeze %dma_wait3A_160 : memref<1x128x128xf32, #tpu.memory_space<vmem>> -> memref<128x128xf32, #tpu.memory_space<vmem>>
        %dma_wait3A_162 = arith.constant 0 : i32
        %dma_wait3A_163 = tpu.memref_slice %arg8[%scan3A_156, %dma_wait3A_162] : memref<64x128xi32, #tpu.memory_space<vmem>> -> memref<1x128xi32, #tpu.memory_space<vmem>>
        %dma_wait3A_164 = tpu.memref_squeeze %dma_wait3A_163 : memref<1x128xi32, #tpu.memory_space<vmem>> -> memref<128xi32, #tpu.memory_space<vmem>>
        %dma_wait3A_165 = arith.constant 0 : i32
        %dma_wait3A_166 = arith.constant 0 : i32
        %dma_wait3A_167 = tpu.memref_slice %arg6[%dma_wait3A_165, %dma_wait3A_166] : memref<10000x128xf32, #tpu.memory_space<hbm>> -> memref<10000x128xf32, #tpu.memory_space<hbm>>
        tpu.wait_indirect_dma semaphore(%arg13 : memref<!tpu.dma_semaphore, #tpu.memory_space<semaphore_mem>>) src(%dma_wait3A_167 : memref<10000x128xf32, #tpu.memory_space<hbm>>) dst(%dma_wait3A_161 : memref<128x128xf32, #tpu.memory_space<vmem>>)
        %dma_start3A_168 = arith.constant 0 : i32
        %dma_start3A_169 = arith.constant 0 : i32
        %dma_start3A_170 = tpu.memref_slice %arg10[%and3A_157, %dma_start3A_168, %dma_start3A_169] : memref<2x128x128xf32, #tpu.memory_space<vmem>> -> memref<1x128x128xf32, #tpu.memory_space<vmem>>
        %dma_start3A_171 = tpu.memref_squeeze %dma_start3A_170 : memref<1x128x128xf32, #tpu.memory_space<vmem>> -> memref<128x128xf32, #tpu.memory_space<vmem>>
        %dma_start3A_172 = arith.constant 0 : i32
        %dma_start3A_173 = tpu.memref_slice %arg9[%scan3A_156, %dma_start3A_172] : memref<64x128xi32, #tpu.memory_space<vmem>> -> memref<1x128xi32, #tpu.memory_space<vmem>>
        %dma_start3A_174 = tpu.memref_squeeze %dma_start3A_173 : memref<1x128xi32, #tpu.memory_space<vmem>> -> memref<128xi32, #tpu.memory_space<vmem>>
        %dma_start3A_175 = arith.constant 0 : i32
        %dma_start3A_176 = arith.constant 0 : i32
        %dma_start3A_177 = tpu.memref_slice %arg11[%dma_start3A_175, %dma_start3A_176] : memref<10112x128xf32, #tpu.memory_space<vmem_shared>> -> memref<10112x128xf32, #tpu.memory_space<vmem_shared>>
        tpu.enqueue_indirect_dma source(%dma_start3A_171 : memref<128x128xf32, #tpu.memory_space<vmem>>) target(%dma_start3A_177 : memref<10112x128xf32, #tpu.memory_space<vmem_shared>>) offsets(%dma_start3A_174 : memref<128xi32, #tpu.memory_space<vmem>>) semaphore(%arg14 : memref<!tpu.dma_semaphore, #tpu.memory_space<semaphore_mem>>) {add = true}
        %add3A_178 = arith.constant 2 : i32
        %add3A_179 = arith.addi %scan3A_156, %add3A_178 : i32
        %lt3A = arith.constant 16 : i32
        %lt3A_180 = arith.cmpi slt, %add3A_179, %lt3A : i32
        %convert_element_type3A_181 = arith.extui %lt3A_180 : i1 to i32
        %cond3A_182 = arith.constant 0 : i32
        %cond3A_183 = arith.cmpi ne, %convert_element_type3A_181, %cond3A_182 : i32
        scf.if %cond3A_183 {
          %dma_wait3A_184 = arith.constant 0 : i32
          %dma_wait3A_185 = arith.constant 0 : i32
          %dma_wait3A_186 = tpu.memref_slice %arg10[%and3A_157, %dma_wait3A_184, %dma_wait3A_185] : memref<2x128x128xf32, #tpu.memory_space<vmem>> -> memref<1x128x128xf32, #tpu.memory_space<vmem>>
          %dma_wait3A_187 = tpu.memref_squeeze %dma_wait3A_186 : memref<1x128x128xf32, #tpu.memory_space<vmem>> -> memref<128x128xf32, #tpu.memory_space<vmem>>
          %dma_wait3A_188 = arith.constant 0 : i32
          %dma_wait3A_189 = tpu.memref_slice %arg9[%scan3A_156, %dma_wait3A_188] : memref<64x128xi32, #tpu.memory_space<vmem>> -> memref<1x128xi32, #tpu.memory_space<vmem>>
          %dma_wait3A_190 = tpu.memref_squeeze %dma_wait3A_189 : memref<1x128xi32, #tpu.memory_space<vmem>> -> memref<128xi32, #tpu.memory_space<vmem>>
          %dma_wait3A_191 = arith.constant 0 : i32
          %dma_wait3A_192 = arith.constant 0 : i32
          %dma_wait3A_193 = tpu.memref_slice %arg11[%dma_wait3A_191, %dma_wait3A_192] : memref<10112x128xf32, #tpu.memory_space<vmem_shared>> -> memref<10112x128xf32, #tpu.memory_space<vmem_shared>>
          tpu.wait_indirect_dma semaphore(%arg14 : memref<!tpu.dma_semaphore, #tpu.memory_space<semaphore_mem>>) src(%dma_wait3A_187 : memref<128x128xf32, #tpu.memory_space<vmem>>) dst(%dma_wait3A_193 : memref<10112x128xf32, #tpu.memory_space<vmem_shared>>)
          %add3A_194 = arith.constant 2 : i32
          %add3A_195 = arith.addi %scan3A_156, %add3A_194 : i32
          %dma_start3A_196 = arith.constant 0 : i32
          %dma_start3A_197 = arith.constant 0 : i32
          %dma_start3A_198 = tpu.memref_slice %arg10[%and3A_157, %dma_start3A_196, %dma_start3A_197] : memref<2x128x128xf32, #tpu.memory_space<vmem>> -> memref<1x128x128xf32, #tpu.memory_space<vmem>>
          %dma_start3A_199 = tpu.memref_squeeze %dma_start3A_198 : memref<1x128x128xf32, #tpu.memory_space<vmem>> -> memref<128x128xf32, #tpu.memory_space<vmem>>
          %dma_start3A_200 = arith.constant 0 : i32
          %dma_start3A_201 = tpu.memref_slice %arg8[%add3A_195, %dma_start3A_200] : memref<64x128xi32, #tpu.memory_space<vmem>> -> memref<1x128xi32, #tpu.memory_space<vmem>>
          %dma_start3A_202 = tpu.memref_squeeze %dma_start3A_201 : memref<1x128xi32, #tpu.memory_space<vmem>> -> memref<128xi32, #tpu.memory_space<vmem>>
          %dma_start3A_203 = arith.constant 0 : i32
          %dma_start3A_204 = arith.constant 0 : i32
          %dma_start3A_205 = tpu.memref_slice %arg6[%dma_start3A_203, %dma_start3A_204] : memref<10000x128xf32, #tpu.memory_space<hbm>> -> memref<10000x128xf32, #tpu.memory_space<hbm>>
          tpu.enqueue_indirect_dma source(%dma_start3A_205 : memref<10000x128xf32, #tpu.memory_space<hbm>>) target(%dma_start3A_199 : memref<128x128xf32, #tpu.memory_space<vmem>>) offsets(%dma_start3A_202 : memref<128xi32, #tpu.memory_space<vmem>>) semaphore(%arg13 : memref<!tpu.dma_semaphore, #tpu.memory_space<semaphore_mem>>)
        } else {
        }
      }
      %scan3A_125 = arith.constant 16 : i32
      %dma_wait3A_126 = arith.constant 0 : i32
      %dma_wait3A_127 = arith.constant 0 : i32
      %dma_wait3A_128 = arith.constant 0 : i32
      %dma_wait3A_129 = arith.constant 0 : i32
      %dma_wait3A_130 = tpu.memref_slice %arg10[%dma_wait3A_126, %dma_wait3A_128, %dma_wait3A_129] : memref<2x128x128xf32, #tpu.memory_space<vmem>> -> memref<1x128x128xf32, #tpu.memory_space<vmem>>
      %dma_wait3A_131 = tpu.memref_squeeze %dma_wait3A_130 : memref<1x128x128xf32, #tpu.memory_space<vmem>> -> memref<128x128xf32, #tpu.memory_space<vmem>>
      %dma_wait3A_132 = arith.constant 0 : i32
      %dma_wait3A_133 = tpu.memref_slice %arg9[%dma_wait3A_127, %dma_wait3A_132] : memref<64x128xi32, #tpu.memory_space<vmem>> -> memref<1x128xi32, #tpu.memory_space<vmem>>
      %dma_wait3A_134 = tpu.memref_squeeze %dma_wait3A_133 : memref<1x128xi32, #tpu.memory_space<vmem>> -> memref<128xi32, #tpu.memory_space<vmem>>
      %dma_wait3A_135 = arith.constant 0 : i32
      %dma_wait3A_136 = arith.constant 0 : i32
      %dma_wait3A_137 = tpu.memref_slice %arg11[%dma_wait3A_135, %dma_wait3A_136] : memref<10112x128xf32, #tpu.memory_space<vmem_shared>> -> memref<10112x128xf32, #tpu.memory_space<vmem_shared>>
      tpu.wait_indirect_dma semaphore(%arg14 : memref<!tpu.dma_semaphore, #tpu.memory_space<semaphore_mem>>) src(%dma_wait3A_131 : memref<128x128xf32, #tpu.memory_space<vmem>>) dst(%dma_wait3A_137 : memref<10112x128xf32, #tpu.memory_space<vmem_shared>>)
      %dma_wait3A_138 = arith.constant 1 : i32
      %dma_wait3A_139 = arith.constant 1 : i32
      %dma_wait3A_140 = arith.constant 0 : i32
      %dma_wait3A_141 = arith.constant 0 : i32
      %dma_wait3A_142 = tpu.memref_slice %arg10[%dma_wait3A_138, %dma_wait3A_140, %dma_wait3A_141] : memref<2x128x128xf32, #tpu.memory_space<vmem>> -> memref<1x128x128xf32, #tpu.memory_space<vmem>>
      %dma_wait3A_143 = tpu.memref_squeeze %dma_wait3A_142 : memref<1x128x128xf32, #tpu.memory_space<vmem>> -> memref<128x128xf32, #tpu.memory_space<vmem>>
      %dma_wait3A_144 = arith.constant 0 : i32
      %dma_wait3A_145 = tpu.memref_slice %arg9[%dma_wait3A_139, %dma_wait3A_144] : memref<64x128xi32, #tpu.memory_space<vmem>> -> memref<1x128xi32, #tpu.memory_space<vmem>>
      %dma_wait3A_146 = tpu.memref_squeeze %dma_wait3A_145 : memref<1x128xi32, #tpu.memory_space<vmem>> -> memref<128xi32, #tpu.memory_space<vmem>>
      %dma_wait3A_147 = arith.constant 0 : i32
      %dma_wait3A_148 = arith.constant 0 : i32
      %dma_wait3A_149 = tpu.memref_slice %arg11[%dma_wait3A_147, %dma_wait3A_148] : memref<10112x128xf32, #tpu.memory_space<vmem_shared>> -> memref<10112x128xf32, #tpu.memory_space<vmem_shared>>
      tpu.wait_indirect_dma semaphore(%arg14 : memref<!tpu.dma_semaphore, #tpu.memory_space<semaphore_mem>>) src(%dma_wait3A_143 : memref<128x128xf32, #tpu.memory_space<vmem>>) dst(%dma_wait3A_149 : memref<10112x128xf32, #tpu.memory_space<vmem_shared>>)
      %barrier3A_150 = arith.constant 0 : index
      tpu.barrier barrier_id(%barrier3A_150)
      %mul3A_151 = arith.constant 632 : i32
      %mul3A_152 = arith.muli %arg1, %mul3A_151 : i32
      %mul3A_153 = arith.constant 632 : i32
      %mul3A_154 = arith.muli %arg1, %mul3A_153 : i32
      %run_scoped3A_155 = arith.constant 1 : i32
      "tpu.region"() ({
        %run_scoped3A_156 = tpu.sem_alloc : memref<!tpu.dma_semaphore, #tpu.memory_space<semaphore_mem>>
        %dma_start3A_157 = arith.constant 0 : i32
        %dma_start3A_158 = tpu.memref_slice %arg7[%run_scoped3A_155, %arg0, %mul3A_154, %dma_start3A_157] : memref<2x2x10112x128xf32, #tpu.memory_space<hbm>> -> memref<1x1x632x128xf32, #tpu.memory_space<hbm>>
        %dma_start3A_159 = tpu.memref_squeeze %dma_start3A_158 : memref<1x1x632x128xf32, #tpu.memory_space<hbm>> -> memref<632x128xf32, #tpu.memory_space<hbm>>
        %dma_start3A_160 = arith.constant 0 : i32
        %dma_start3A_161 = tpu.memref_slice %arg11[%mul3A_152, %dma_start3A_160] : memref<10112x128xf32, #tpu.memory_space<vmem_shared>> -> memref<632x128xf32, #tpu.memory_space<vmem_shared>>
        tpu.enqueue_dma source(%dma_start3A_161 : memref<632x128xf32, #tpu.memory_space<vmem_shared>>) target(%dma_start3A_159 : memref<632x128xf32, #tpu.memory_space<hbm>>) target_semaphore(%run_scoped3A_156 : memref<!tpu.dma_semaphore, #tpu.memory_space<semaphore_mem>>)
        %dma_wait3A_162 = arith.constant 0 : i32
        %dma_wait3A_163 = tpu.memref_slice %arg7[%run_scoped3A_155, %arg0, %mul3A_154, %dma_wait3A_162] : memref<2x2x10112x128xf32, #tpu.memory_space<hbm>> -> memref<1x1x632x128xf32, #tpu.memory_space<hbm>>
        %dma_wait3A_164 = tpu.memref_squeeze %dma_wait3A_163 : memref<1x1x632x128xf32, #tpu.memory_space<hbm>> -> memref<632x128xf32, #tpu.memory_space<hbm>>
        %dma_wait3A_165 = arith.constant 0 : i32
        %dma_wait3A_166 = tpu.memref_slice %arg11[%mul3A_152, %dma_wait3A_165] : memref<10112x128xf32, #tpu.memory_space<vmem_shared>> -> memref<632x128xf32, #tpu.memory_space<vmem_shared>>
        tpu.wait_dma2 semaphore(%run_scoped3A_156 : memref<!tpu.dma_semaphore, #tpu.memory_space<semaphore_mem>>) src(%dma_wait3A_166 : memref<632x128xf32, #tpu.memory_space<vmem_shared>>) dst(%dma_wait3A_164 : memref<632x128xf32, #tpu.memory_space<hbm>>)
        tpu.yield
      }) : () -> ()
    } else {
    }
    return
  }
}

module attributes {stable_mosaic.version = 14 : i64} {
  func.func @_deg_body(%arg0: i32, %arg1: memref<1x1x4096xi32, #tpu.memory_space<vmem>>, %arg2: memref<80x128xf32, #tpu.memory_space<vmem>>) attributes {dimension_semantics = [#tpu.dimension_semantics<arbitrary>], iteration_bounds = array<i64: 40>, scalar_prefetch = 0 : i64, scratch_operands = 0 : i64, tpu.core_type = #tpu.core_type<tc>, window_params = [{transform_indices = @transform_0, window_bounds = array<i64: 1, 1, 4096>}, {pipeline_mode = #tpu.pipeline_mode<synchronous>, transform_indices = @transform_1, window_bounds = array<i64: 80, 128>}]} {
    %get3A = arith.constant 0 : index
    %get3A_0 = arith.constant 0 : index
    %get3A_1 = arith.constant 0 : index
    %get3A_2 = vector.load %arg1[%get3A, %get3A_0, %get3A_1] : memref<1x1x4096xi32, #tpu.memory_space<vmem>>, vector<1x1x4096xi32>
    %get3A_3 = vector.shape_cast %get3A_2 : vector<1x1x4096xi32> to vector<4096xi32>
    %shift_right_arithmetic3A = arith.constant 7 : i32
    %shift_right_arithmetic3A_4 = vector.broadcast %shift_right_arithmetic3A : i32 to vector<4096xi32>
    %shift_right_arithmetic3A_5 = arith.shrsi %get3A_3, %shift_right_arithmetic3A_4 : vector<4096xi32>
    %and3A = arith.constant 127 : i32
    %and3A_6 = vector.broadcast %and3A : i32 to vector<4096xi32>
    %and3A_7 = arith.andi %get3A_3, %and3A_6 : vector<4096xi32>
    %broadcast_in_dim3A = vector.shape_cast %shift_right_arithmetic3A_5 : vector<4096xi32> to vector<1x4096xi32>
    %iota3A = tpu.iota {dimensions = array<i32: 0>} : vector<80x4096xi32>
    %eq3A = vector.broadcast %broadcast_in_dim3A : vector<1x4096xi32> to vector<80x4096xi32>
    %eq3A_8 = arith.cmpi eq, %eq3A, %iota3A : vector<80x4096xi32>
    %convert_element_type3A = arith.extui %eq3A_8 : vector<80x4096xi1> to vector<80x4096xi32>
    %convert_element_type3A_9 = arith.sitofp %convert_element_type3A : vector<80x4096xi32> to vector<80x4096xf32>
    %convert_element_type3A_10 = arith.truncf %convert_element_type3A_9 : vector<80x4096xf32> to vector<80x4096xbf16>
    %broadcast_in_dim3A_11 = vector.shape_cast %and3A_7 : vector<4096xi32> to vector<1x4096xi32>
    %iota3A_12 = tpu.iota {dimensions = array<i32: 0>} : vector<128x4096xi32>
    %eq3A_13 = vector.broadcast %broadcast_in_dim3A_11 : vector<1x4096xi32> to vector<128x4096xi32>
    %eq3A_14 = arith.cmpi eq, %eq3A_13, %iota3A_12 : vector<128x4096xi32>
    %convert_element_type3A_15 = arith.extui %eq3A_14 : vector<128x4096xi1> to vector<128x4096xi32>
    %convert_element_type3A_16 = arith.sitofp %convert_element_type3A_15 : vector<128x4096xi32> to vector<128x4096xf32>
    %convert_element_type3A_17 = arith.truncf %convert_element_type3A_16 : vector<128x4096xf32> to vector<128x4096xbf16>
    %dot_general3A = arith.constant dense<0.000000e+00> : vector<80x128xf32>
    %dot_general3A_18 = tpu.matmul %convert_element_type3A_10, %convert_element_type3A_17, %dot_general3A {dimension_numbers = #tpu.dot_dimension_numbers<[1], [1], [0], [0], [0, 0, 1, 0], [], []>, transpose_lhs_hint = false} : vector<80x4096xbf16>, vector<128x4096xbf16>, vector<80x128xf32> -> vector<80x128xf32>
    %eq3A_19 = arith.constant 0 : i32
    %eq3A_20 = arith.cmpi eq, %arg0, %eq3A_19 : i32
    %convert_element_type3A_21 = arith.extui %eq3A_20 : i1 to i32
    %cond3A = arith.constant 0 : i32
    %cond3A_22 = arith.cmpi ne, %convert_element_type3A_21, %cond3A : i32
    scf.if %cond3A_22 {
      %broadcast_in_dim3A_28 = arith.constant 0.000000e+00 : f32
      %broadcast_in_dim3A_29 = vector.broadcast %broadcast_in_dim3A_28 : f32 to vector<80x128xf32>
      %swap3A_30 = arith.constant 0 : index
      %swap3A_31 = arith.constant 0 : index
      %swap3A_32 = vector.load %arg2[%swap3A_30, %swap3A_31] : memref<80x128xf32, #tpu.memory_space<vmem>>, vector<80x128xf32>
      tpu.vector_store %arg2[%swap3A_30, %swap3A_31], %broadcast_in_dim3A_29 {strides = array<i32>} : memref<80x128xf32, #tpu.memory_space<vmem>>, vector<80x128xf32>,
    } else {
    }
    %get3A_23 = arith.constant 0 : index
    %get3A_24 = arith.constant 0 : index
    %get3A_25 = vector.load %arg2[%get3A_23, %get3A_24] : memref<80x128xf32, #tpu.memory_space<vmem>>, vector<80x128xf32>
    %add3A = arith.addf %get3A_25, %dot_general3A_18 : vector<80x128xf32>
    %swap3A = arith.constant 0 : index
    %swap3A_26 = arith.constant 0 : index
    %swap3A_27 = vector.load %arg2[%swap3A, %swap3A_26] : memref<80x128xf32, #tpu.memory_space<vmem>>, vector<80x128xf32>
    tpu.vector_store %arg2[%swap3A, %swap3A_26], %add3A {strides = array<i32>} : memref<80x128xf32, #tpu.memory_space<vmem>>, vector<80x128xf32>,
    return
  }
  func.func @transform_0(%arg0: i32) -> (i32, i32, i32) {
    %c0_i32 = arith.constant 0 : i32
    %c0_i32_0 = arith.constant 0 : i32
    %c0_i32_1 = arith.constant 0 : i32
    return %arg0, %c0_i32, %c0_i32_0 : i32, i32, i32
  }
  func.func @transform_1(%arg0: i32) -> (i32, i32) {
    %c0_i32 = arith.constant 0 : i32
    %c0_i32_0 = arith.constant 0 : i32
    %c0_i32_1 = arith.constant 0 : i32
    return %c0_i32, %c0_i32_0 : i32, i32
  }
}

module attributes {stable_mosaic.version = 14 : i64} {
  func.func @_b1_body(%arg0: i32, %arg1: memref<2x400x67xf32, #tpu.memory_space<vmem>>, %arg2: memref<2x400x128xf32, #tpu.memory_space<vmem>>, %arg3: memref<67x4096xf32, #tpu.memory_space<vmem>>, %arg4: memref<4096x64xf32, #tpu.memory_space<vmem>>, %arg5: memref<128x64xf32, #tpu.memory_space<vmem>>, %arg6: memref<1x64xf32, #tpu.memory_space<vmem>>, %arg7: memref<64x32xf32, #tpu.memory_space<vmem>>, %arg8: memref<1x32xf32, #tpu.memory_space<vmem>>, %arg9: memref<400x192xf32, #tpu.memory_space<vmem>>) attributes {dimension_semantics = [#tpu.dimension_semantics<arbitrary>], iteration_bounds = array<i64: 25>, scalar_prefetch = 0 : i64, scratch_operands = 0 : i64, tpu.core_type = #tpu.core_type<tc>, window_params = [{transform_indices = @transform_0, window_bounds = array<i64: 2, 400, 67>}, {transform_indices = @transform_1, window_bounds = array<i64: 2, 400, 128>}, {pipeline_mode = #tpu.pipeline_mode<synchronous>, transform_indices = @transform_2, window_bounds = array<i64: 67, 4096>}, {pipeline_mode = #tpu.pipeline_mode<synchronous>, transform_indices = @transform_3, window_bounds = array<i64: 4096, 64>}, {pipeline_mode = #tpu.pipeline_mode<synchronous>, transform_indices = @transform_4, window_bounds = array<i64: 128, 64>}, {pipeline_mode = #tpu.pipeline_mode<synchronous>, transform_indices = @transform_5, window_bounds = array<i64: 1, 64>}, {pipeline_mode = #tpu.pipeline_mode<synchronous>, transform_indices = @transform_6, window_bounds = array<i64: 64, 32>}, {pipeline_mode = #tpu.pipeline_mode<synchronous>, transform_indices = @transform_7, window_bounds = array<i64: 1, 32>}, {transform_indices = @transform_8, window_bounds = array<i64: 400, 192>}]} {
    %get3A = arith.constant 0 : index
    %get3A_0 = arith.constant 0 : index
    %get3A_1 = arith.constant 0 : index
    %get3A_2 = vector.load %arg1[%get3A, %get3A_0, %get3A_1] : memref<2x400x67xf32, #tpu.memory_space<vmem>>, vector<1x400x67xf32>
    %get3A_3 = vector.shape_cast %get3A_2 : vector<1x400x67xf32> to vector<400x67xf32>
    %convert_element_type3A = arith.truncf %get3A_3 : vector<400x67xf32> to vector<400x67xbf16>
    %get3A_4 = arith.constant 0 : index
    %get3A_5 = arith.constant 0 : index
    %get3A_6 = vector.load %arg3[%get3A_4, %get3A_5] : memref<67x4096xf32, #tpu.memory_space<vmem>>, vector<67x4096xf32>
    %dot_general3A = arith.constant dense<0.000000e+00> : vector<400x4096xf32>
    %dot_general3A_7 = tpu.matmul %convert_element_type3A, %get3A_6, %dot_general3A {dimension_numbers = #tpu.dot_dimension_numbers<[1], [0], [0], [1], [0, 0, 1, 1], [], []>, transpose_lhs_hint = false} : vector<400x67xbf16>, vector<67x4096xf32>, vector<400x4096xf32> -> vector<400x4096xf32>
    %max3A = arith.constant 0.000000e+00 : f32
    %max3A_8 = vector.broadcast %max3A : f32 to vector<400x4096xf32>
    %max3A_9 = arith.maximumf %dot_general3A_7, %max3A_8 : vector<400x4096xf32>
    %convert_element_type3A_10 = arith.truncf %max3A_9 : vector<400x4096xf32> to vector<400x4096xbf16>
    %get3A_11 = arith.constant 0 : index
    %get3A_12 = arith.constant 0 : index
    %get3A_13 = vector.load %arg4[%get3A_11, %get3A_12] : memref<4096x64xf32, #tpu.memory_space<vmem>>, vector<4096x64xf32>
    %dot_general3A_14 = arith.constant dense<0.000000e+00> : vector<400x64xf32>
    %dot_general3A_15 = tpu.matmul %convert_element_type3A_10, %get3A_13, %dot_general3A_14 {dimension_numbers = #tpu.dot_dimension_numbers<[1], [0], [0], [1], [0, 0, 1, 1], [], []>, transpose_lhs_hint = false} : vector<400x4096xbf16>, vector<4096x64xf32>, vector<400x64xf32> -> vector<400x64xf32>
    %get3A_16 = arith.constant 0 : index
    %get3A_17 = arith.constant 0 : index
    %get3A_18 = arith.constant 0 : index
    %get3A_19 = vector.load %arg2[%get3A_16, %get3A_17, %get3A_18] : memref<2x400x128xf32, #tpu.memory_space<vmem>>, vector<1x400x128xf32>
    %get3A_20 = vector.shape_cast %get3A_19 : vector<1x400x128xf32> to vector<400x128xf32>
    %get3A_21 = arith.constant 0 : index
    %get3A_22 = arith.constant 0 : index
    %get3A_23 = vector.load %arg5[%get3A_21, %get3A_22] : memref<128x64xf32, #tpu.memory_space<vmem>>, vector<128x64xf32>
    %dot_general3A_24 = arith.constant dense<0.000000e+00> : vector<400x64xf32>
    %dot_general3A_25 = tpu.matmul %get3A_20, %get3A_23, %dot_general3A_24 {dimension_numbers = #tpu.dot_dimension_numbers<[1], [0], [0], [1], [0, 0, 1, 1], [], []>, transpose_lhs_hint = false} : vector<400x128xf32>, vector<128x64xf32>, vector<400x64xf32> -> vector<400x64xf32>
    %get3A_26 = arith.constant 0 : index
    %get3A_27 = arith.constant 0 : index
    %get3A_28 = vector.load %arg6[%get3A_26, %get3A_27] : memref<1x64xf32, #tpu.memory_space<vmem>>, vector<1x64xf32>
    %get3A_29 = vector.shape_cast %get3A_28 : vector<1x64xf32> to vector<64xf32>
    %broadcast_in_dim3A = vector.shape_cast %get3A_29 : vector<64xf32> to vector<1x64xf32>
    %add3A = vector.broadcast %broadcast_in_dim3A : vector<1x64xf32> to vector<400x64xf32>
    %add3A_30 = arith.addf %dot_general3A_25, %add3A : vector<400x64xf32>
    %max3A_31 = arith.constant 0.000000e+00 : f32
    %max3A_32 = vector.broadcast %max3A_31 : f32 to vector<400x64xf32>
    %max3A_33 = arith.maximumf %add3A_30, %max3A_32 : vector<400x64xf32>
    %get3A_34 = arith.constant 0 : index
    %get3A_35 = arith.constant 0 : index
    %get3A_36 = vector.load %arg7[%get3A_34, %get3A_35] : memref<64x32xf32, #tpu.memory_space<vmem>>, vector<64x32xf32>
    %dot_general3A_37 = arith.constant dense<0.000000e+00> : vector<400x32xf32>
    %dot_general3A_38 = tpu.matmul %max3A_33, %get3A_36, %dot_general3A_37 {dimension_numbers = #tpu.dot_dimension_numbers<[1], [0], [0], [1], [0, 0, 1, 1], [], []>, transpose_lhs_hint = false} : vector<400x64xf32>, vector<64x32xf32>, vector<400x32xf32> -> vector<400x32xf32>
    %get3A_39 = arith.constant 0 : index
    %get3A_40 = arith.constant 0 : index
    %get3A_41 = vector.load %arg8[%get3A_39, %get3A_40] : memref<1x32xf32, #tpu.memory_space<vmem>>, vector<1x32xf32>
    %get3A_42 = vector.shape_cast %get3A_41 : vector<1x32xf32> to vector<32xf32>
    %broadcast_in_dim3A_43 = vector.shape_cast %get3A_42 : vector<32xf32> to vector<1x32xf32>
    %add3A_44 = vector.broadcast %broadcast_in_dim3A_43 : vector<1x32xf32> to vector<400x32xf32>
    %add3A_45 = arith.addf %dot_general3A_38, %add3A_44 : vector<400x32xf32>
    %get3A_46 = arith.constant 1 : index
    %get3A_47 = arith.constant 0 : index
    %get3A_48 = arith.constant 0 : index
    %get3A_49 = vector.load %arg1[%get3A_46, %get3A_47, %get3A_48] : memref<2x400x67xf32, #tpu.memory_space<vmem>>, vector<1x400x67xf32>
    %get3A_50 = vector.shape_cast %get3A_49 : vector<1x400x67xf32> to vector<400x67xf32>
    %convert_element_type3A_51 = arith.truncf %get3A_50 : vector<400x67xf32> to vector<400x67xbf16>
    %get3A_52 = arith.constant 0 : index
    %get3A_53 = arith.constant 0 : index
    %get3A_54 = vector.load %arg3[%get3A_52, %get3A_53] : memref<67x4096xf32, #tpu.memory_space<vmem>>, vector<67x4096xf32>
    %dot_general3A_55 = arith.constant dense<0.000000e+00> : vector<400x4096xf32>
    %dot_general3A_56 = tpu.matmul %convert_element_type3A_51, %get3A_54, %dot_general3A_55 {dimension_numbers = #tpu.dot_dimension_numbers<[1], [0], [0], [1], [0, 0, 1, 1], [], []>, transpose_lhs_hint = false} : vector<400x67xbf16>, vector<67x4096xf32>, vector<400x4096xf32> -> vector<400x4096xf32>
    %max3A_57 = arith.constant 0.000000e+00 : f32
    %max3A_58 = vector.broadcast %max3A_57 : f32 to vector<400x4096xf32>
    %max3A_59 = arith.maximumf %dot_general3A_56, %max3A_58 : vector<400x4096xf32>
    %convert_element_type3A_60 = arith.truncf %max3A_59 : vector<400x4096xf32> to vector<400x4096xbf16>
    %get3A_61 = arith.constant 0 : index
    %get3A_62 = arith.constant 0 : index
    %get3A_63 = vector.load %arg4[%get3A_61, %get3A_62] : memref<4096x64xf32, #tpu.memory_space<vmem>>, vector<4096x64xf32>
    %dot_general3A_64 = arith.constant dense<0.000000e+00> : vector<400x64xf32>
    %dot_general3A_65 = tpu.matmul %convert_element_type3A_60, %get3A_63, %dot_general3A_64 {dimension_numbers = #tpu.dot_dimension_numbers<[1], [0], [0], [1], [0, 0, 1, 1], [], []>, transpose_lhs_hint = false} : vector<400x4096xbf16>, vector<4096x64xf32>, vector<400x64xf32> -> vector<400x64xf32>
    %get3A_66 = arith.constant 1 : index
    %get3A_67 = arith.constant 0 : index
    %get3A_68 = arith.constant 0 : index
    %get3A_69 = vector.load %arg2[%get3A_66, %get3A_67, %get3A_68] : memref<2x400x128xf32, #tpu.memory_space<vmem>>, vector<1x400x128xf32>
    %get3A_70 = vector.shape_cast %get3A_69 : vector<1x400x128xf32> to vector<400x128xf32>
    %get3A_71 = arith.constant 0 : index
    %get3A_72 = arith.constant 0 : index
    %get3A_73 = vector.load %arg5[%get3A_71, %get3A_72] : memref<128x64xf32, #tpu.memory_space<vmem>>, vector<128x64xf32>
    %dot_general3A_74 = arith.constant dense<0.000000e+00> : vector<400x64xf32>
    %dot_general3A_75 = tpu.matmul %get3A_70, %get3A_73, %dot_general3A_74 {dimension_numbers = #tpu.dot_dimension_numbers<[1], [0], [0], [1], [0, 0, 1, 1], [], []>, transpose_lhs_hint = false} : vector<400x128xf32>, vector<128x64xf32>, vector<400x64xf32> -> vector<400x64xf32>
    %get3A_76 = arith.constant 0 : index
    %get3A_77 = arith.constant 0 : index
    %get3A_78 = vector.load %arg6[%get3A_76, %get3A_77] : memref<1x64xf32, #tpu.memory_space<vmem>>, vector<1x64xf32>
    %get3A_79 = vector.shape_cast %get3A_78 : vector<1x64xf32> to vector<64xf32>
    %broadcast_in_dim3A_80 = vector.shape_cast %get3A_79 : vector<64xf32> to vector<1x64xf32>
    %add3A_81 = vector.broadcast %broadcast_in_dim3A_80 : vector<1x64xf32> to vector<400x64xf32>
    %add3A_82 = arith.addf %dot_general3A_75, %add3A_81 : vector<400x64xf32>
    %max3A_83 = arith.constant 0.000000e+00 : f32
    %max3A_84 = vector.broadcast %max3A_83 : f32 to vector<400x64xf32>
    %max3A_85 = arith.maximumf %add3A_82, %max3A_84 : vector<400x64xf32>
    %get3A_86 = arith.constant 0 : index
    %get3A_87 = arith.constant 0 : index
    %get3A_88 = vector.load %arg7[%get3A_86, %get3A_87] : memref<64x32xf32, #tpu.memory_space<vmem>>, vector<64x32xf32>
    %dot_general3A_89 = arith.constant dense<0.000000e+00> : vector<400x32xf32>
    %dot_general3A_90 = tpu.matmul %max3A_85, %get3A_88, %dot_general3A_89 {dimension_numbers = #tpu.dot_dimension_numbers<[1], [0], [0], [1], [0, 0, 1, 1], [], []>, transpose_lhs_hint = false} : vector<400x64xf32>, vector<64x32xf32>, vector<400x32xf32> -> vector<400x32xf32>
    %get3A_91 = arith.constant 0 : index
    %get3A_92 = arith.constant 0 : index
    %get3A_93 = vector.load %arg8[%get3A_91, %get3A_92] : memref<1x32xf32, #tpu.memory_space<vmem>>, vector<1x32xf32>
    %get3A_94 = vector.shape_cast %get3A_93 : vector<1x32xf32> to vector<32xf32>
    %broadcast_in_dim3A_95 = vector.shape_cast %get3A_94 : vector<32xf32> to vector<1x32xf32>
    %add3A_96 = vector.broadcast %broadcast_in_dim3A_95 : vector<1x32xf32> to vector<400x32xf32>
    %add3A_97 = arith.addf %dot_general3A_90, %add3A_96 : vector<400x32xf32>
    %concatenate3A = tpu.concatenate %dot_general3A_15, %add3A_45, %dot_general3A_65, %add3A_97 in 1 : vector<400x64xf32>, vector<400x32xf32>, vector<400x64xf32>, vector<400x32xf32> -> vector<400x192xf32>
    %swap3A = arith.constant 0 : index
    %swap3A_98 = arith.constant 0 : index
    %swap3A_99 = vector.load %arg9[%swap3A, %swap3A_98] : memref<400x192xf32, #tpu.memory_space<vmem>>, vector<400x192xf32>
    tpu.vector_store %arg9[%swap3A, %swap3A_98], %concatenate3A {strides = array<i32>} : memref<400x192xf32, #tpu.memory_space<vmem>>, vector<400x192xf32>,
    return
  }
  func.func @transform_0(%arg0: i32) -> (i32, i32, i32) {
    %c0_i32 = arith.constant 0 : i32
    %c0_i32_0 = arith.constant 0 : i32
    %c0_i32_1 = arith.constant 0 : i32
    return %c0_i32, %arg0, %c0_i32_0 : i32, i32, i32
  }
  func.func @transform_1(%arg0: i32) -> (i32, i32, i32) {
    %c0_i32 = arith.constant 0 : i32
    %c0_i32_0 = arith.constant 0 : i32
    %c0_i32_1 = arith.constant 0 : i32
    return %c0_i32, %arg0, %c0_i32_0 : i32, i32, i32
  }
  func.func @transform_2(%arg0: i32) -> (i32, i32) {
    %c0_i32 = arith.constant 0 : i32
    %c0_i32_0 = arith.constant 0 : i32
    %c0_i32_1 = arith.constant 0 : i32
    return %c0_i32, %c0_i32_0 : i32, i32
  }
  func.func @transform_3(%arg0: i32) -> (i32, i32) {
    %c0_i32 = arith.constant 0 : i32
    %c0_i32_0 = arith.constant 0 : i32
    %c0_i32_1 = arith.constant 0 : i32
    return %c0_i32, %c0_i32_0 : i32, i32
  }
  func.func @transform_4(%arg0: i32) -> (i32, i32) {
    %c0_i32 = arith.constant 0 : i32
    %c0_i32_0 = arith.constant 0 : i32
    %c0_i32_1 = arith.constant 0 : i32
    return %c0_i32, %c0_i32_0 : i32, i32
  }
  func.func @transform_5(%arg0: i32) -> (i32, i32) {
    %c0_i32 = arith.constant 0 : i32
    %c0_i32_0 = arith.constant 0 : i32
    %c0_i32_1 = arith.constant 0 : i32
    return %c0_i32, %c0_i32_0 : i32, i32
  }
  func.func @transform_6(%arg0: i32) -> (i32, i32) {
    %c0_i32 = arith.constant 0 : i32
    %c0_i32_0 = arith.constant 0 : i32
    %c0_i32_1 = arith.constant 0 : i32
    return %c0_i32, %c0_i32_0 : i32, i32
  }
  func.func @transform_7(%arg0: i32) -> (i32, i32) {
    %c0_i32 = arith.constant 0 : i32
    %c0_i32_0 = arith.constant 0 : i32
    %c0_i32_1 = arith.constant 0 : i32
    return %c0_i32, %c0_i32_0 : i32, i32
  }
  func.func @transform_8(%arg0: i32) -> (i32, i32) {
    %c0_i32 = arith.constant 0 : i32
    %c0_i32_0 = arith.constant 0 : i32
    return %arg0, %c0_i32 : i32, i32
  }
}

module attributes {stable_mosaic.version = 14 : i64} {
  func.func @_b2_body(%arg0: i32, %arg1: memref<400x192xf32, #tpu.memory_space<vmem>>, %arg2: memref<192x512xf32, #tpu.memory_space<vmem>>, %arg3: memref<1x512xf32, #tpu.memory_space<vmem>>, %arg4: memref<400x1xf32, #tpu.memory_space<vmem>>, %arg5: memref<400x128xf32, #tpu.memory_space<vmem>>, %arg6: memref<400x128xf32, #tpu.memory_space<vmem>>, %arg7: memref<400x128xf32, #tpu.memory_space<vmem>>, %arg8: memref<400x128xf32, #tpu.memory_space<vmem>>, %arg9: memref<400x1xf32, #tpu.memory_space<vmem>>) attributes {dimension_semantics = [#tpu.dimension_semantics<arbitrary>], iteration_bounds = array<i64: 25>, scalar_prefetch = 0 : i64, scratch_operands = 0 : i64, tpu.core_type = #tpu.core_type<tc>, window_params = [{transform_indices = @transform_0, window_bounds = array<i64: 400, 192>}, {pipeline_mode = #tpu.pipeline_mode<synchronous>, transform_indices = @transform_1, window_bounds = array<i64: 192, 512>}, {pipeline_mode = #tpu.pipeline_mode<synchronous>, transform_indices = @transform_2, window_bounds = array<i64: 1, 512>}, {transform_indices = @transform_3, window_bounds = array<i64: 400, 1>}, {transform_indices = @transform_4, window_bounds = array<i64: 400, 128>}, {transform_indices = @transform_5, window_bounds = array<i64: 400, 128>}, {transform_indices = @transform_6, window_bounds = array<i64: 400, 128>}, {transform_indices = @transform_7, window_bounds = array<i64: 400, 128>}, {transform_indices = @transform_8, window_bounds = array<i64: 400, 1>}]} {
    %get3A = arith.constant 0 : index
    %get3A_0 = arith.constant 0 : index
    %get3A_1 = vector.load %arg1[%get3A, %get3A_0] : memref<400x192xf32, #tpu.memory_space<vmem>>, vector<400x192xf32>
    %get3A_2 = arith.constant 0 : index
    %get3A_3 = arith.constant 0 : index
    %get3A_4 = vector.load %arg2[%get3A_2, %get3A_3] : memref<192x512xf32, #tpu.memory_space<vmem>>, vector<192x512xf32>
    %dot_general3A = arith.constant dense<0.000000e+00> : vector<400x512xf32>
    %dot_general3A_5 = tpu.matmul %get3A_1, %get3A_4, %dot_general3A {dimension_numbers = #tpu.dot_dimension_numbers<[1], [0], [0], [1], [0, 0, 1, 1], [], []>, transpose_lhs_hint = false} : vector<400x192xf32>, vector<192x512xf32>, vector<400x512xf32> -> vector<400x512xf32>
    %get3A_6 = arith.constant 0 : index
    %get3A_7 = arith.constant 0 : index
    %get3A_8 = vector.load %arg3[%get3A_6, %get3A_7] : memref<1x512xf32, #tpu.memory_space<vmem>>, vector<1x512xf32>
    %get3A_9 = vector.shape_cast %get3A_8 : vector<1x512xf32> to vector<512xf32>
    %broadcast_in_dim3A = vector.shape_cast %get3A_9 : vector<512xf32> to vector<1x512xf32>
    %add3A = vector.broadcast %broadcast_in_dim3A : vector<1x512xf32> to vector<400x512xf32>
    %add3A_10 = arith.addf %dot_general3A_5, %add3A : vector<400x512xf32>
    %get3A_11 = arith.constant 0 : index
    %get3A_12 = arith.constant 0 : index
    %get3A_13 = vector.load %arg4[%get3A_11, %get3A_12] : memref<400x1xf32, #tpu.memory_space<vmem>>, vector<400x1xf32>
    %add3A_14 = arith.constant 1.000000e+00 : f32
    %add3A_15 = vector.broadcast %add3A_14 : f32 to vector<400x1xf32>
    %add3A_16 = arith.addf %get3A_13, %add3A_15 : vector<400x1xf32>
    %max3A = arith.constant 1.000000e+00 : f32
    %max3A_17 = vector.broadcast %max3A : f32 to vector<400x1xf32>
    %max3A_18 = arith.maximumf %add3A_16, %max3A_17 : vector<400x1xf32>
    %rsqrt3A = math.rsqrt %max3A_18 : vector<400x1xf32>
    %swap3A = arith.constant 0 : index
    %swap3A_19 = arith.constant 0 : index
    %swap3A_20 = vector.load %arg9[%swap3A, %swap3A_19] : memref<400x1xf32, #tpu.memory_space<vmem>>, vector<400x1xf32>
    tpu.vector_store %arg9[%swap3A, %swap3A_19], %rsqrt3A {strides = array<i32>} : memref<400x1xf32, #tpu.memory_space<vmem>>, vector<400x1xf32>,
    %mul3A = vector.broadcast %rsqrt3A : vector<400x1xf32> to vector<400x512xf32>
    %mul3A_21 = arith.mulf %add3A_10, %mul3A : vector<400x512xf32>
    %slice3A = vector.extract_strided_slice %mul3A_21 {offsets = [0, 0], sizes = [400, 128], strides = [1, 1]} : vector<400x512xf32> to vector<400x128xf32>
    %swap3A_22 = arith.constant 0 : index
    %swap3A_23 = arith.constant 0 : index
    %swap3A_24 = vector.load %arg5[%swap3A_22, %swap3A_23] : memref<400x128xf32, #tpu.memory_space<vmem>>, vector<400x128xf32>
    tpu.vector_store %arg5[%swap3A_22, %swap3A_23], %slice3A {strides = array<i32>} : memref<400x128xf32, #tpu.memory_space<vmem>>, vector<400x128xf32>,
    %slice3A_25 = vector.extract_strided_slice %mul3A_21 {offsets = [0, 128], sizes = [400, 128], strides = [1, 1]} : vector<400x512xf32> to vector<400x128xf32>
    %swap3A_26 = arith.constant 0 : index
    %swap3A_27 = arith.constant 0 : index
    %swap3A_28 = vector.load %arg6[%swap3A_26, %swap3A_27] : memref<400x128xf32, #tpu.memory_space<vmem>>, vector<400x128xf32>
    tpu.vector_store %arg6[%swap3A_26, %swap3A_27], %slice3A_25 {strides = array<i32>} : memref<400x128xf32, #tpu.memory_space<vmem>>, vector<400x128xf32>,
    %slice3A_29 = vector.extract_strided_slice %mul3A_21 {offsets = [0, 256], sizes = [400, 128], strides = [1, 1]} : vector<400x512xf32> to vector<400x128xf32>
    %swap3A_30 = arith.constant 0 : index
    %swap3A_31 = arith.constant 0 : index
    %swap3A_32 = vector.load %arg7[%swap3A_30, %swap3A_31] : memref<400x128xf32, #tpu.memory_space<vmem>>, vector<400x128xf32>
    tpu.vector_store %arg7[%swap3A_30, %swap3A_31], %slice3A_29 {strides = array<i32>} : memref<400x128xf32, #tpu.memory_space<vmem>>, vector<400x128xf32>,
    %slice3A_33 = vector.extract_strided_slice %mul3A_21 {offsets = [0, 384], sizes = [400, 128], strides = [1, 1]} : vector<400x512xf32> to vector<400x128xf32>
    %swap3A_34 = arith.constant 0 : index
    %swap3A_35 = arith.constant 0 : index
    %swap3A_36 = vector.load %arg8[%swap3A_34, %swap3A_35] : memref<400x128xf32, #tpu.memory_space<vmem>>, vector<400x128xf32>
    tpu.vector_store %arg8[%swap3A_34, %swap3A_35], %slice3A_33 {strides = array<i32>} : memref<400x128xf32, #tpu.memory_space<vmem>>, vector<400x128xf32>,
    return
  }
  func.func @transform_0(%arg0: i32) -> (i32, i32) {
    %c0_i32 = arith.constant 0 : i32
    %c0_i32_0 = arith.constant 0 : i32
    return %arg0, %c0_i32 : i32, i32
  }
  func.func @transform_1(%arg0: i32) -> (i32, i32) {
    %c0_i32 = arith.constant 0 : i32
    %c0_i32_0 = arith.constant 0 : i32
    %c0_i32_1 = arith.constant 0 : i32
    return %c0_i32, %c0_i32_0 : i32, i32
  }
  func.func @transform_2(%arg0: i32) -> (i32, i32) {
    %c0_i32 = arith.constant 0 : i32
    %c0_i32_0 = arith.constant 0 : i32
    %c0_i32_1 = arith.constant 0 : i32
    return %c0_i32, %c0_i32_0 : i32, i32
  }
  func.func @transform_3(%arg0: i32) -> (i32, i32) {
    %c0_i32 = arith.constant 0 : i32
    %c0_i32_0 = arith.constant 0 : i32
    return %arg0, %c0_i32 : i32, i32
  }
  func.func @transform_4(%arg0: i32) -> (i32, i32) {
    %c0_i32 = arith.constant 0 : i32
    %c0_i32_0 = arith.constant 0 : i32
    return %arg0, %c0_i32 : i32, i32
  }
  func.func @transform_5(%arg0: i32) -> (i32, i32) {
    %c0_i32 = arith.constant 0 : i32
    %c0_i32_0 = arith.constant 0 : i32
    return %arg0, %c0_i32 : i32, i32
  }
  func.func @transform_6(%arg0: i32) -> (i32, i32) {
    %c0_i32 = arith.constant 0 : i32
    %c0_i32_0 = arith.constant 0 : i32
    return %arg0, %c0_i32 : i32, i32
  }
  func.func @transform_7(%arg0: i32) -> (i32, i32) {
    %c0_i32 = arith.constant 0 : i32
    %c0_i32_0 = arith.constant 0 : i32
    return %arg0, %c0_i32 : i32, i32
  }
  func.func @transform_8(%arg0: i32) -> (i32, i32) {
    %c0_i32 = arith.constant 0 : i32
    %c0_i32_0 = arith.constant 0 : i32
    return %arg0, %c0_i32 : i32, i32
  }
}

module attributes {stable_mosaic.version = 14 : i64} {
  func.func @_c_body(%arg0: i32, %arg1: memref<4x2x400x128xf32, #tpu.memory_space<vmem>>, %arg2: memref<400x128xf32, #tpu.memory_space<vmem>>, %arg3: memref<400x128xf32, #tpu.memory_space<vmem>>, %arg4: memref<400x128xf32, #tpu.memory_space<vmem>>, %arg5: memref<400x128xf32, #tpu.memory_space<vmem>>, %arg6: memref<400x1xf32, #tpu.memory_space<vmem>>, %arg7: memref<512x256xf32, #tpu.memory_space<vmem>>, %arg8: memref<1x256xf32, #tpu.memory_space<vmem>>, %arg9: memref<400x128xf32, #tpu.memory_space<vmem>>, %arg10: memref<400x128xf32, #tpu.memory_space<vmem>>) attributes {dimension_semantics = [#tpu.dimension_semantics<arbitrary>], iteration_bounds = array<i64: 25>, scalar_prefetch = 0 : i64, scratch_operands = 0 : i64, tpu.core_type = #tpu.core_type<tc>, window_params = [{transform_indices = @transform_0, window_bounds = array<i64: 4, 2, 400, 128>}, {transform_indices = @transform_1, window_bounds = array<i64: 400, 128>}, {transform_indices = @transform_2, window_bounds = array<i64: 400, 128>}, {transform_indices = @transform_3, window_bounds = array<i64: 400, 128>}, {transform_indices = @transform_4, window_bounds = array<i64: 400, 128>}, {transform_indices = @transform_5, window_bounds = array<i64: 400, 1>}, {pipeline_mode = #tpu.pipeline_mode<synchronous>, transform_indices = @transform_6, window_bounds = array<i64: 512, 256>}, {pipeline_mode = #tpu.pipeline_mode<synchronous>, transform_indices = @transform_7, window_bounds = array<i64: 1, 256>}, {transform_indices = @transform_8, window_bounds = array<i64: 400, 128>}, {transform_indices = @transform_9, window_bounds = array<i64: 400, 128>}]} {
    %get3A = arith.constant 0 : index
    %get3A_0 = arith.constant 0 : index
    %get3A_1 = vector.load %arg6[%get3A, %get3A_0] : memref<400x1xf32, #tpu.memory_space<vmem>>, vector<400x1xf32>
    %get3A_2 = arith.constant 0 : index
    %get3A_3 = arith.constant 0 : index
    %get3A_4 = arith.constant 0 : index
    %get3A_5 = arith.constant 0 : index
    %get3A_6 = vector.load %arg1[%get3A_2, %get3A_3, %get3A_4, %get3A_5] : memref<4x2x400x128xf32, #tpu.memory_space<vmem>>, vector<1x1x400x128xf32>
    %get3A_7 = vector.shape_cast %get3A_6 : vector<1x1x400x128xf32> to vector<400x128xf32>
    %get3A_8 = arith.constant 0 : index
    %get3A_9 = arith.constant 1 : index
    %get3A_10 = arith.constant 0 : index
    %get3A_11 = arith.constant 0 : index
    %get3A_12 = vector.load %arg1[%get3A_8, %get3A_9, %get3A_10, %get3A_11] : memref<4x2x400x128xf32, #tpu.memory_space<vmem>>, vector<1x1x400x128xf32>
    %get3A_13 = vector.shape_cast %get3A_12 : vector<1x1x400x128xf32> to vector<400x128xf32>
    %add3A = arith.addf %get3A_7, %get3A_13 : vector<400x128xf32>
    %get3A_14 = arith.constant 0 : index
    %get3A_15 = arith.constant 0 : index
    %get3A_16 = vector.load %arg2[%get3A_14, %get3A_15] : memref<400x128xf32, #tpu.memory_space<vmem>>, vector<400x128xf32>
    %add3A_17 = arith.addf %add3A, %get3A_16 : vector<400x128xf32>
    %mul3A = vector.broadcast %get3A_1 : vector<400x1xf32> to vector<400x128xf32>
    %mul3A_18 = arith.mulf %add3A_17, %mul3A : vector<400x128xf32>
    %max3A = arith.constant 0.000000e+00 : f32
    %max3A_19 = vector.broadcast %max3A : f32 to vector<400x128xf32>
    %max3A_20 = arith.maximumf %mul3A_18, %max3A_19 : vector<400x128xf32>
    %get3A_21 = arith.constant 1 : index
    %get3A_22 = arith.constant 0 : index
    %get3A_23 = arith.constant 0 : index
    %get3A_24 = arith.constant 0 : index
    %get3A_25 = vector.load %arg1[%get3A_21, %get3A_22, %get3A_23, %get3A_24] : memref<4x2x400x128xf32, #tpu.memory_space<vmem>>, vector<1x1x400x128xf32>
    %get3A_26 = vector.shape_cast %get3A_25 : vector<1x1x400x128xf32> to vector<400x128xf32>
    %get3A_27 = arith.constant 1 : index
    %get3A_28 = arith.constant 1 : index
    %get3A_29 = arith.constant 0 : index
    %get3A_30 = arith.constant 0 : index
    %get3A_31 = vector.load %arg1[%get3A_27, %get3A_28, %get3A_29, %get3A_30] : memref<4x2x400x128xf32, #tpu.memory_space<vmem>>, vector<1x1x400x128xf32>
    %get3A_32 = vector.shape_cast %get3A_31 : vector<1x1x400x128xf32> to vector<400x128xf32>
    %add3A_33 = arith.addf %get3A_26, %get3A_32 : vector<400x128xf32>
    %get3A_34 = arith.constant 0 : index
    %get3A_35 = arith.constant 0 : index
    %get3A_36 = vector.load %arg3[%get3A_34, %get3A_35] : memref<400x128xf32, #tpu.memory_space<vmem>>, vector<400x128xf32>
    %add3A_37 = arith.addf %add3A_33, %get3A_36 : vector<400x128xf32>
    %mul3A_38 = vector.broadcast %get3A_1 : vector<400x1xf32> to vector<400x128xf32>
    %mul3A_39 = arith.mulf %add3A_37, %mul3A_38 : vector<400x128xf32>
    %max3A_40 = arith.constant 0.000000e+00 : f32
    %max3A_41 = vector.broadcast %max3A_40 : f32 to vector<400x128xf32>
    %max3A_42 = arith.maximumf %mul3A_39, %max3A_41 : vector<400x128xf32>
    %get3A_43 = arith.constant 2 : index
    %get3A_44 = arith.constant 0 : index
    %get3A_45 = arith.constant 0 : index
    %get3A_46 = arith.constant 0 : index
    %get3A_47 = vector.load %arg1[%get3A_43, %get3A_44, %get3A_45, %get3A_46] : memref<4x2x400x128xf32, #tpu.memory_space<vmem>>, vector<1x1x400x128xf32>
    %get3A_48 = vector.shape_cast %get3A_47 : vector<1x1x400x128xf32> to vector<400x128xf32>
    %get3A_49 = arith.constant 2 : index
    %get3A_50 = arith.constant 1 : index
    %get3A_51 = arith.constant 0 : index
    %get3A_52 = arith.constant 0 : index
    %get3A_53 = vector.load %arg1[%get3A_49, %get3A_50, %get3A_51, %get3A_52] : memref<4x2x400x128xf32, #tpu.memory_space<vmem>>, vector<1x1x400x128xf32>
    %get3A_54 = vector.shape_cast %get3A_53 : vector<1x1x400x128xf32> to vector<400x128xf32>
    %add3A_55 = arith.addf %get3A_48, %get3A_54 : vector<400x128xf32>
    %get3A_56 = arith.constant 0 : index
    %get3A_57 = arith.constant 0 : index
    %get3A_58 = vector.load %arg4[%get3A_56, %get3A_57] : memref<400x128xf32, #tpu.memory_space<vmem>>, vector<400x128xf32>
    %add3A_59 = arith.addf %add3A_55, %get3A_58 : vector<400x128xf32>
    %mul3A_60 = vector.broadcast %get3A_1 : vector<400x1xf32> to vector<400x128xf32>
    %mul3A_61 = arith.mulf %add3A_59, %mul3A_60 : vector<400x128xf32>
    %max3A_62 = arith.constant 0.000000e+00 : f32
    %max3A_63 = vector.broadcast %max3A_62 : f32 to vector<400x128xf32>
    %max3A_64 = arith.maximumf %mul3A_61, %max3A_63 : vector<400x128xf32>
    %get3A_65 = arith.constant 3 : index
    %get3A_66 = arith.constant 0 : index
    %get3A_67 = arith.constant 0 : index
    %get3A_68 = arith.constant 0 : index
    %get3A_69 = vector.load %arg1[%get3A_65, %get3A_66, %get3A_67, %get3A_68] : memref<4x2x400x128xf32, #tpu.memory_space<vmem>>, vector<1x1x400x128xf32>
    %get3A_70 = vector.shape_cast %get3A_69 : vector<1x1x400x128xf32> to vector<400x128xf32>
    %get3A_71 = arith.constant 3 : index
    %get3A_72 = arith.constant 1 : index
    %get3A_73 = arith.constant 0 : index
    %get3A_74 = arith.constant 0 : index
    %get3A_75 = vector.load %arg1[%get3A_71, %get3A_72, %get3A_73, %get3A_74] : memref<4x2x400x128xf32, #tpu.memory_space<vmem>>, vector<1x1x400x128xf32>
    %get3A_76 = vector.shape_cast %get3A_75 : vector<1x1x400x128xf32> to vector<400x128xf32>
    %add3A_77 = arith.addf %get3A_70, %get3A_76 : vector<400x128xf32>
    %get3A_78 = arith.constant 0 : index
    %get3A_79 = arith.constant 0 : index
    %get3A_80 = vector.load %arg5[%get3A_78, %get3A_79] : memref<400x128xf32, #tpu.memory_space<vmem>>, vector<400x128xf32>
    %add3A_81 = arith.addf %add3A_77, %get3A_80 : vector<400x128xf32>
    %mul3A_82 = vector.broadcast %get3A_1 : vector<400x1xf32> to vector<400x128xf32>
    %mul3A_83 = arith.mulf %add3A_81, %mul3A_82 : vector<400x128xf32>
    %max3A_84 = arith.constant 0.000000e+00 : f32
    %max3A_85 = vector.broadcast %max3A_84 : f32 to vector<400x128xf32>
    %max3A_86 = arith.maximumf %mul3A_83, %max3A_85 : vector<400x128xf32>
    %concatenate3A = tpu.concatenate %max3A_20, %max3A_42, %max3A_64, %max3A_86 in 1 : vector<400x128xf32>, vector<400x128xf32>, vector<400x128xf32>, vector<400x128xf32> -> vector<400x512xf32>
    %get3A_87 = arith.constant 0 : index
    %get3A_88 = arith.constant 0 : index
    %get3A_89 = vector.load %arg7[%get3A_87, %get3A_88] : memref<512x256xf32, #tpu.memory_space<vmem>>, vector<512x256xf32>
    %dot_general3A = arith.constant dense<0.000000e+00> : vector<400x256xf32>
    %dot_general3A_90 = tpu.matmul %concatenate3A, %get3A_89, %dot_general3A {dimension_numbers = #tpu.dot_dimension_numbers<[1], [0], [0], [1], [0, 0, 1, 1], [], []>, transpose_lhs_hint = false} : vector<400x512xf32>, vector<512x256xf32>, vector<400x256xf32> -> vector<400x256xf32>
    %get3A_91 = arith.constant 0 : index
    %get3A_92 = arith.constant 0 : index
    %get3A_93 = vector.load %arg8[%get3A_91, %get3A_92] : memref<1x256xf32, #tpu.memory_space<vmem>>, vector<1x256xf32>
    %get3A_94 = vector.shape_cast %get3A_93 : vector<1x256xf32> to vector<256xf32>
    %broadcast_in_dim3A = vector.shape_cast %get3A_94 : vector<256xf32> to vector<1x256xf32>
    %add3A_95 = vector.broadcast %broadcast_in_dim3A : vector<1x256xf32> to vector<400x256xf32>
    %add3A_96 = arith.addf %dot_general3A_90, %add3A_95 : vector<400x256xf32>
    %mul3A_97 = vector.broadcast %get3A_1 : vector<400x1xf32> to vector<400x256xf32>
    %mul3A_98 = arith.mulf %add3A_96, %mul3A_97 : vector<400x256xf32>
    %slice3A = vector.extract_strided_slice %mul3A_98 {offsets = [0, 0], sizes = [400, 128], strides = [1, 1]} : vector<400x256xf32> to vector<400x128xf32>
    %swap3A = arith.constant 0 : index
    %swap3A_99 = arith.constant 0 : index
    %swap3A_100 = vector.load %arg9[%swap3A, %swap3A_99] : memref<400x128xf32, #tpu.memory_space<vmem>>, vector<400x128xf32>
    tpu.vector_store %arg9[%swap3A, %swap3A_99], %slice3A {strides = array<i32>} : memref<400x128xf32, #tpu.memory_space<vmem>>, vector<400x128xf32>,
    %slice3A_101 = vector.extract_strided_slice %mul3A_98 {offsets = [0, 128], sizes = [400, 128], strides = [1, 1]} : vector<400x256xf32> to vector<400x128xf32>
    %swap3A_102 = arith.constant 0 : index
    %swap3A_103 = arith.constant 0 : index
    %swap3A_104 = vector.load %arg10[%swap3A_102, %swap3A_103] : memref<400x128xf32, #tpu.memory_space<vmem>>, vector<400x128xf32>
    tpu.vector_store %arg10[%swap3A_102, %swap3A_103], %slice3A_101 {strides = array<i32>} : memref<400x128xf32, #tpu.memory_space<vmem>>, vector<400x128xf32>,
    return
  }
  func.func @transform_0(%arg0: i32) -> (i32, i32, i32, i32) {
    %c0_i32 = arith.constant 0 : i32
    %c0_i32_0 = arith.constant 0 : i32
    %c0_i32_1 = arith.constant 0 : i32
    %c0_i32_2 = arith.constant 0 : i32
    return %c0_i32, %c0_i32_0, %arg0, %c0_i32_1 : i32, i32, i32, i32
  }
  func.func @transform_1(%arg0: i32) -> (i32, i32) {
    %c0_i32 = arith.constant 0 : i32
    %c0_i32_0 = arith.constant 0 : i32
    return %arg0, %c0_i32 : i32, i32
  }
  func.func @transform_2(%arg0: i32) -> (i32, i32) {
    %c0_i32 = arith.constant 0 : i32
    %c0_i32_0 = arith.constant 0 : i32
    return %arg0, %c0_i32 : i32, i32
  }
  func.func @transform_3(%arg0: i32) -> (i32, i32) {
    %c0_i32 = arith.constant 0 : i32
    %c0_i32_0 = arith.constant 0 : i32
    return %arg0, %c0_i32 : i32, i32
  }
  func.func @transform_4(%arg0: i32) -> (i32, i32) {
    %c0_i32 = arith.constant 0 : i32
    %c0_i32_0 = arith.constant 0 : i32
    return %arg0, %c0_i32 : i32, i32
  }
  func.func @transform_5(%arg0: i32) -> (i32, i32) {
    %c0_i32 = arith.constant 0 : i32
    %c0_i32_0 = arith.constant 0 : i32
    return %arg0, %c0_i32 : i32, i32
  }
  func.func @transform_6(%arg0: i32) -> (i32, i32) {
    %c0_i32 = arith.constant 0 : i32
    %c0_i32_0 = arith.constant 0 : i32
    %c0_i32_1 = arith.constant 0 : i32
    return %c0_i32, %c0_i32_0 : i32, i32
  }
  func.func @transform_7(%arg0: i32) -> (i32, i32) {
    %c0_i32 = arith.constant 0 : i32
    %c0_i32_0 = arith.constant 0 : i32
    %c0_i32_1 = arith.constant 0 : i32
    return %c0_i32, %c0_i32_0 : i32, i32
  }
  func.func @transform_8(%arg0: i32) -> (i32, i32) {
    %c0_i32 = arith.constant 0 : i32
    %c0_i32_0 = arith.constant 0 : i32
    return %arg0, %c0_i32 : i32, i32
  }
  func.func @transform_9(%arg0: i32) -> (i32, i32) {
    %c0_i32 = arith.constant 0 : i32
    %c0_i32_0 = arith.constant 0 : i32
    return %arg0, %c0_i32 : i32, i32
  }
}

module attributes {stable_mosaic.version = 14 : i64} {
  func.func @_f_body(%arg0: i32, %arg1: memref<2x2x400x128xf32, #tpu.memory_space<vmem>>, %arg2: memref<400x128xf32, #tpu.memory_space<vmem>>, %arg3: memref<400x128xf32, #tpu.memory_space<vmem>>, %arg4: memref<400x1xf32, #tpu.memory_space<vmem>>, %arg5: memref<256x256xf32, #tpu.memory_space<vmem>>, %arg6: memref<1x256xf32, #tpu.memory_space<vmem>>, %arg7: memref<256x4xf32, #tpu.memory_space<vmem>>, %arg8: memref<1x4xf32, #tpu.memory_space<vmem>>, %arg9: memref<400x4xf32, #tpu.memory_space<vmem>>) attributes {dimension_semantics = [#tpu.dimension_semantics<arbitrary>], iteration_bounds = array<i64: 25>, scalar_prefetch = 0 : i64, scratch_operands = 0 : i64, tpu.core_type = #tpu.core_type<tc>, window_params = [{transform_indices = @transform_0, window_bounds = array<i64: 2, 2, 400, 128>}, {transform_indices = @transform_1, window_bounds = array<i64: 400, 128>}, {transform_indices = @transform_2, window_bounds = array<i64: 400, 128>}, {transform_indices = @transform_3, window_bounds = array<i64: 400, 1>}, {pipeline_mode = #tpu.pipeline_mode<synchronous>, transform_indices = @transform_4, window_bounds = array<i64: 256, 256>}, {pipeline_mode = #tpu.pipeline_mode<synchronous>, transform_indices = @transform_5, window_bounds = array<i64: 1, 256>}, {pipeline_mode = #tpu.pipeline_mode<synchronous>, transform_indices = @transform_6, window_bounds = array<i64: 256, 4>}, {pipeline_mode = #tpu.pipeline_mode<synchronous>, transform_indices = @transform_7, window_bounds = array<i64: 1, 4>}, {transform_indices = @transform_8, window_bounds = array<i64: 400, 4>}]} {
    %get3A = arith.constant 0 : index
    %get3A_0 = arith.constant 0 : index
    %get3A_1 = vector.load %arg4[%get3A, %get3A_0] : memref<400x1xf32, #tpu.memory_space<vmem>>, vector<400x1xf32>
    %get3A_2 = arith.constant 0 : index
    %get3A_3 = arith.constant 0 : index
    %get3A_4 = arith.constant 0 : index
    %get3A_5 = arith.constant 0 : index
    %get3A_6 = vector.load %arg1[%get3A_2, %get3A_3, %get3A_4, %get3A_5] : memref<2x2x400x128xf32, #tpu.memory_space<vmem>>, vector<1x1x400x128xf32>
    %get3A_7 = vector.shape_cast %get3A_6 : vector<1x1x400x128xf32> to vector<400x128xf32>
    %get3A_8 = arith.constant 0 : index
    %get3A_9 = arith.constant 1 : index
    %get3A_10 = arith.constant 0 : index
    %get3A_11 = arith.constant 0 : index
    %get3A_12 = vector.load %arg1[%get3A_8, %get3A_9, %get3A_10, %get3A_11] : memref<2x2x400x128xf32, #tpu.memory_space<vmem>>, vector<1x1x400x128xf32>
    %get3A_13 = vector.shape_cast %get3A_12 : vector<1x1x400x128xf32> to vector<400x128xf32>
    %add3A = arith.addf %get3A_7, %get3A_13 : vector<400x128xf32>
    %get3A_14 = arith.constant 0 : index
    %get3A_15 = arith.constant 0 : index
    %get3A_16 = vector.load %arg2[%get3A_14, %get3A_15] : memref<400x128xf32, #tpu.memory_space<vmem>>, vector<400x128xf32>
    %add3A_17 = arith.addf %add3A, %get3A_16 : vector<400x128xf32>
    %mul3A = vector.broadcast %get3A_1 : vector<400x1xf32> to vector<400x128xf32>
    %mul3A_18 = arith.mulf %add3A_17, %mul3A : vector<400x128xf32>
    %get3A_19 = arith.constant 1 : index
    %get3A_20 = arith.constant 0 : index
    %get3A_21 = arith.constant 0 : index
    %get3A_22 = arith.constant 0 : index
    %get3A_23 = vector.load %arg1[%get3A_19, %get3A_20, %get3A_21, %get3A_22] : memref<2x2x400x128xf32, #tpu.memory_space<vmem>>, vector<1x1x400x128xf32>
    %get3A_24 = vector.shape_cast %get3A_23 : vector<1x1x400x128xf32> to vector<400x128xf32>
    %get3A_25 = arith.constant 1 : index
    %get3A_26 = arith.constant 1 : index
    %get3A_27 = arith.constant 0 : index
    %get3A_28 = arith.constant 0 : index
    %get3A_29 = vector.load %arg1[%get3A_25, %get3A_26, %get3A_27, %get3A_28] : memref<2x2x400x128xf32, #tpu.memory_space<vmem>>, vector<1x1x400x128xf32>
    %get3A_30 = vector.shape_cast %get3A_29 : vector<1x1x400x128xf32> to vector<400x128xf32>
    %add3A_31 = arith.addf %get3A_24, %get3A_30 : vector<400x128xf32>
    %get3A_32 = arith.constant 0 : index
    %get3A_33 = arith.constant 0 : index
    %get3A_34 = vector.load %arg3[%get3A_32, %get3A_33] : memref<400x128xf32, #tpu.memory_space<vmem>>, vector<400x128xf32>
    %add3A_35 = arith.addf %add3A_31, %get3A_34 : vector<400x128xf32>
    %mul3A_36 = vector.broadcast %get3A_1 : vector<400x1xf32> to vector<400x128xf32>
    %mul3A_37 = arith.mulf %add3A_35, %mul3A_36 : vector<400x128xf32>
    %concatenate3A = tpu.concatenate %mul3A_18, %mul3A_37 in 1 : vector<400x128xf32>, vector<400x128xf32> -> vector<400x256xf32>
    %get3A_38 = arith.constant 0 : index
    %get3A_39 = arith.constant 0 : index
    %get3A_40 = vector.load %arg5[%get3A_38, %get3A_39] : memref<256x256xf32, #tpu.memory_space<vmem>>, vector<256x256xf32>
    %dot_general3A = arith.constant dense<0.000000e+00> : vector<400x256xf32>
    %dot_general3A_41 = tpu.matmul %concatenate3A, %get3A_40, %dot_general3A {dimension_numbers = #tpu.dot_dimension_numbers<[1], [0], [0], [1], [0, 0, 1, 1], [], []>, transpose_lhs_hint = false} : vector<400x256xf32>, vector<256x256xf32>, vector<400x256xf32> -> vector<400x256xf32>
    %get3A_42 = arith.constant 0 : index
    %get3A_43 = arith.constant 0 : index
    %get3A_44 = vector.load %arg6[%get3A_42, %get3A_43] : memref<1x256xf32, #tpu.memory_space<vmem>>, vector<1x256xf32>
    %get3A_45 = vector.shape_cast %get3A_44 : vector<1x256xf32> to vector<256xf32>
    %broadcast_in_dim3A = vector.shape_cast %get3A_45 : vector<256xf32> to vector<1x256xf32>
    %add3A_46 = vector.broadcast %broadcast_in_dim3A : vector<1x256xf32> to vector<400x256xf32>
    %add3A_47 = arith.addf %dot_general3A_41, %add3A_46 : vector<400x256xf32>
    %max3A = arith.constant 0.000000e+00 : f32
    %max3A_48 = vector.broadcast %max3A : f32 to vector<400x256xf32>
    %max3A_49 = arith.maximumf %add3A_47, %max3A_48 : vector<400x256xf32>
    %get3A_50 = arith.constant 0 : index
    %get3A_51 = arith.constant 0 : index
    %get3A_52 = vector.load %arg7[%get3A_50, %get3A_51] : memref<256x4xf32, #tpu.memory_space<vmem>>, vector<256x4xf32>
    %dot_general3A_53 = arith.constant dense<0.000000e+00> : vector<400x4xf32>
    %dot_general3A_54 = tpu.matmul %max3A_49, %get3A_52, %dot_general3A_53 {dimension_numbers = #tpu.dot_dimension_numbers<[1], [0], [0], [1], [0, 0, 1, 1], [], []>, transpose_lhs_hint = false} : vector<400x256xf32>, vector<256x4xf32>, vector<400x4xf32> -> vector<400x4xf32>
    %get3A_55 = arith.constant 0 : index
    %get3A_56 = arith.constant 0 : index
    %get3A_57 = vector.load %arg8[%get3A_55, %get3A_56] : memref<1x4xf32, #tpu.memory_space<vmem>>, vector<1x4xf32>
    %get3A_58 = vector.shape_cast %get3A_57 : vector<1x4xf32> to vector<4xf32>
    %broadcast_in_dim3A_59 = vector.shape_cast %get3A_58 : vector<4xf32> to vector<1x4xf32>
    %add3A_60 = vector.broadcast %broadcast_in_dim3A_59 : vector<1x4xf32> to vector<400x4xf32>
    %add3A_61 = arith.addf %dot_general3A_54, %add3A_60 : vector<400x4xf32>
    %swap3A = arith.constant 0 : index
    %swap3A_62 = arith.constant 0 : index
    %swap3A_63 = vector.load %arg9[%swap3A, %swap3A_62] : memref<400x4xf32, #tpu.memory_space<vmem>>, vector<400x4xf32>
    tpu.vector_store %arg9[%swap3A, %swap3A_62], %add3A_61 {strides = array<i32>} : memref<400x4xf32, #tpu.memory_space<vmem>>, vector<400x4xf32>,
    return
  }
  func.func @transform_0(%arg0: i32) -> (i32, i32, i32, i32) {
    %c0_i32 = arith.constant 0 : i32
    %c0_i32_0 = arith.constant 0 : i32
    %c0_i32_1 = arith.constant 0 : i32
    %c0_i32_2 = arith.constant 0 : i32
    return %c0_i32, %c0_i32_0, %arg0, %c0_i32_1 : i32, i32, i32, i32
  }
  func.func @transform_1(%arg0: i32) -> (i32, i32) {
    %c0_i32 = arith.constant 0 : i32
    %c0_i32_0 = arith.constant 0 : i32
    return %arg0, %c0_i32 : i32, i32
  }
  func.func @transform_2(%arg0: i32) -> (i32, i32) {
    %c0_i32 = arith.constant 0 : i32
    %c0_i32_0 = arith.constant 0 : i32
    return %arg0, %c0_i32 : i32, i32
  }
  func.func @transform_3(%arg0: i32) -> (i32, i32) {
    %c0_i32 = arith.constant 0 : i32
    %c0_i32_0 = arith.constant 0 : i32
    return %arg0, %c0_i32 : i32, i32
  }
  func.func @transform_4(%arg0: i32) -> (i32, i32) {
    %c0_i32 = arith.constant 0 : i32
    %c0_i32_0 = arith.constant 0 : i32
    %c0_i32_1 = arith.constant 0 : i32
    return %c0_i32, %c0_i32_0 : i32, i32
  }
  func.func @transform_5(%arg0: i32) -> (i32, i32) {
    %c0_i32 = arith.constant 0 : i32
    %c0_i32_0 = arith.constant 0 : i32
    %c0_i32_1 = arith.constant 0 : i32
    return %c0_i32, %c0_i32_0 : i32, i32
  }
  func.func @transform_6(%arg0: i32) -> (i32, i32) {
    %c0_i32 = arith.constant 0 : i32
    %c0_i32_0 = arith.constant 0 : i32
    %c0_i32_1 = arith.constant 0 : i32
    return %c0_i32, %c0_i32_0 : i32, i32
  }
  func.func @transform_7(%arg0: i32) -> (i32, i32) {
    %c0_i32 = arith.constant 0 : i32
    %c0_i32_0 = arith.constant 0 : i32
    %c0_i32_1 = arith.constant 0 : i32
    return %c0_i32, %c0_i32_0 : i32, i32
  }
  func.func @transform_8(%arg0: i32) -> (i32, i32) {
    %c0_i32 = arith.constant 0 : i32
    %c0_i32_0 = arith.constant 0 : i32
    return %arg0, %c0_i32 : i32, i32
  }
}

</mosaic_0001>

<sc_bundles>
// kernel: kernel.12.cloned.1.call-start
scs
__scs_entry_jumppad:
0x0: {  	(pc) =	sbr.rel $0x88, $3  }
0x1: {  	(tag) =	ssettag $0x0;
	lr =	simm.s32 $0x1  }
0x2: {  	[smem:$0x3F90] =	sst lr;
	_ =	strace $0xD0000000  }
0x3: {  	_ = 	snop  }
0x4: {  	_ = 	snop  }
0x5: {  	_ = 	snop  }
0x6: {  	_ = 	snop  }
0x7: {  	_ = 	snop  }
__scs_overlays_trampoline_lowered:
0x8: {  	[smem:$0x3F9F] =	sst s0  }
0x9: {  	[smem:$0x3FA0] =	sst s1  }
0xa: {  	[smem:$0x3FA1] =	sst s2  }
0xb: {  	[smem:$0x3FA2] =	sst s3  }
0xc: {  	[smem:$0x3FA3] =	sst s4  }
0xd: {  	[smem:$0x3FA4] =	sst s5  }
0xe: {  	[smem:$0x3FA5] =	sst s6  }
0xf: {  	[smem:$0x3FA6] =	sst s7  }
0x10: {  	[smem:$0x3FA7] =	sst s8  }
0x11: {  	[smem:$0x3FA8] =	sst s9;
	s0 =	simm.s32 @!p0 $0x0  }
0x12: {  	s1 =	sld [smem:$0x3F8E];
	s0 =	simm.s32 @p0 $0x1  }
0x13: {  	[smem:$0x3FA9] =	sst s0;
	s0 =	simm.s32 @!p1 $0x0  }
0x14: {  	s2 =	sld [smem:$0x3F8D];
	s0 =	simm.s32 @p1 $0x1  }
0x15: {  	[smem:$0x3FAA] =	sst s0;
	s0 =	simm.s32 @!p2 $0x0  }
0x16: {  	s3 =	sld [smem:$0x3FDB];
	s0 =	simm.s32 @p2 $0x1  }
0x17: {  	s4 =	simm.s32 $0x1BF5;
	[smem:$0x3FAC] =	sst s0  }
0x18: {  	s0 =	sld [smem:$0x3F8F];
	_ =	swait.ge [sflag:s4], $0x0  }
0x19: {  	s7 =	sld [smem:$0x3F90]  }
0x1a: {  	s8 =	sadd.s32 $0xFFFFE003, lr  }
0x1b: {  	s9 =	sadd.s32 $0xFFFFFEF7, lr;
	s5 =	simm.s32 $0xFFFFFFFF;
	p2 =	slt.u32 s8, $0xFFFFF086  }
0x1c: {  	p1 =	slt.u32 s9, $0xF7A;
	s5 =	simm.s32 @!p2 $0x0  }
0x1d: {  	s5 =	simm.s32 @p1 $0x1;
	p0 =	seq.s32 s7, s2  }
0x1e: {  	s7 =	smul.u32 @!p0 $0xF7A, s2;
	p2 =	seq.s32 @!p0 s5, $0x0  }
0x1f: {  	s9 =	smul.u32 $0xF7A, s1;
	s8 =	simm.s32 @!p0 $0x1BF5;
	p2 =	por !p2, p0  }
0x20: {  	[sflag:s8] =	ssyncset.s32 @!p0 $0xFFFFF086;
	s6 =	sadd.s32 @!p0 s3, s7;
	s7 =	simm.s32 @!p0 $0x108  }
0x21: {  	s3 =	sadd.s32 s3, s9;
	s6 =	sadd.s32 @!p0 $0x88, s6;
	s7 =	simm.s32 @p2 $0x1082  }
0x22: {  	[simem:s7], [sflag:s8] =	dma.local @!p0 [hbm:s6], $0xF7A  }
0x23: {  	s9 =	sor.u32 $0xD0000000, s2;
	s6 =	simm.s32 $0x108;
	_ =	swait.ge @!p0 [sflag:s8], $0x0  }
0x24: {  	s3 =	sadd.s32 $0x88, s3;
	s6 =	simm.s32 @!p1 $0x1082;
	[sflag:s4] =	ssyncset.s32 $0xFFFFF086  }
0x25: {  	[simem:s6], [sflag:s4] =	dma.local [hbm:s3], $0xF7A  }
0x26: {  	[smem:$0x3F90] =	sst s1;
	(tag) =	ssettag s2;
	_ =	strace s9  }
0x27: {  	s1 =	sld [smem:$0x3FA0]  }
0x28: {  	s2 =	sld [smem:$0x3FA1]  }
0x29: {  	s4 =	sld [smem:$0x3FA3]  }
0x2a: {  	p0 =	seq.s32 s5, $0x0;
	s5 =	sld [smem:$0x3FA4]  }
0x2b: {  	s6 =	sld [smem:$0x3FA5]  }
0x2c: {  	s7 =	sld [smem:$0x3FA6]  }
0x2d: {  	s3 =	simm.s32 $0x108;
	s8 =	sld [smem:$0x3FA7]  }
0x2e: {  	s3 =	simm.s32 @!p0 $0x1082;
	s9 =	sld [smem:$0x3FA8]  }
0x2f: {  	lr =	sadd.s32 s0, s3;
	s0 =	sld [smem:$0x3F9F]  }
0x30: {  	s3 =	sld [smem:$0x3FA2]  }
0x31: {  	[smem:$0x3FAB] =	sst s10  }
0x32: {  	s10 =	sld [smem:$0x3FA9];
	_ =	sdelay $0x3  }
0x33: {  	p0 =	seq.s32 s10, $0x1;
	s10 =	sld [smem:$0x3FAB];
	_ =	sdelay $0x3  }
0x34: {  	[smem:$0x3FAB] =	sst s10  }
0x35: {  	s10 =	sld [smem:$0x3FAA];
	_ =	sdelay $0x3  }
0x36: {  	p1 =	seq.s32 s10, $0x1;
	s10 =	sld [smem:$0x3FAB];
	_ =	sdelay $0x3  }
0x37: {  	[smem:$0x3FAB] =	sst s10  }
0x38: {  	s10 =	sld [smem:$0x3FAC]  }
0x39: {  	_ = 	snop;
	(pc) =	sbr.ind lr, $3  }
0x3a: {  	_ = 	snop  }
0x3b: {  	_ = 	snop  }
0x3c: {  	p2 =	seq.s32 s10, $0x1;
	s10 =	sld [smem:$0x3FAB]  }
0x3d: {  	_ =	shalt  }
0x3e: {  	_ =	shalt  }
0x3f: {  	_ =	shalt  }
0x40: {  	_ =	shalt  }
0x41: {  	_ =	shalt  }
0x42: {  	_ =	shalt  }
0x43: {  	_ =	shalt  }
0x44: {  	_ =	shalt  }
0x45: {  	_ =	shalt  }
0x46: {  	_ =	shalt  }
0x47: {  	_ =	shalt  }
0x48: {  	_ =	shalt  }
0x49: {  	_ =	shalt  }
0x4a: {  	_ =	shalt  }
0x4b: {  	_ =	shalt  }
0x4c: {  	_ =	shalt  }
0x4d: {  	_ =	shalt  }
0x4e: {  	_ =	shalt  }
0x4f: {  	_ =	shalt  }
0x50: {  	_ =	shalt  }
0x51: {  	_ =	shalt  }
0x52: {  	_ =	shalt  }
0x53: {  	_ =	shalt  }
0x54: {  	_ =	shalt  }
0x55: {  	_ =	shalt  }
0x56: {  	_ =	shalt  }
0x57: {  	_ =	shalt  }
0x58: {  	_ =	shalt  }
0x59: {  	_ =	shalt  }
0x5a: {  	_ =	shalt  }
0x5b: {  	_ =	shalt  }
0x5c: {  	_ =	shalt  }
0x5d: {  	_ =	shalt  }
0x5e: {  	_ =	shalt  }
0x5f: {  	_ =	shalt  }
0x60: {  	_ =	shalt  }
0x61: {  	_ =	shalt  }
0x62: {  	_ =	shalt  }
0x63: {  	_ =	shalt  }
0x64: {  	_ =	shalt  }
0x65: {  	_ =	shalt  }
0x66: {  	_ =	shalt  }
0x67: {  	_ =	shalt  }
0x68: {  	_ =	shalt  }
0x69: {  	_ =	shalt  }
0x6a: {  	_ =	shalt  }
0x6b: {  	_ =	shalt  }
0x6c: {  	_ =	shalt  }
0x6d: {  	_ =	shalt  }
0x6e: {  	_ =	shalt  }
0x6f: {  	_ =	shalt  }
0x70: {  	_ =	shalt  }
0x71: {  	_ =	shalt  }
0x72: {  	_ =	shalt  }
0x73: {  	_ =	shalt  }
0x74: {  	_ =	shalt  }
0x75: {  	_ =	shalt  }
0x76: {  	_ =	shalt  }
0x77: {  	_ =	shalt  }
0x78: {  	_ =	shalt  }
0x79: {  	_ =	shalt  }
0x7a: {  	_ =	shalt  }
0x7b: {  	_ =	shalt  }
0x7c: {  	_ =	shalt  }
0x7d: {  	_ =	shalt  }
0x7e: {  	_ =	shalt  }
0x7f: {  	_ =	shalt  }
0x80: {  	_ =	shalt  }
0x81: {  	_ =	shalt  }
0x82: {  	_ =	shalt  }
0x83: {  	_ =	shalt  }
0x84: {  	_ =	shalt  }
0x85: {  	_ =	shalt  }
0x86: {  	_ =	shalt  }
0x87: {  	_ =	shalt  }
.Lfunc_end0:
.L_simem_size_0:
called_computation.1_lowered:
.L_overlay_start_0:
0x88: {  	s2 =	sld [smem:$0x3FD9]  }
0x89: {  	s3 =	sld [smem:$0x3FFE];
	_ =	sdelay $0x1  }
0x8a: {  	s1 =	srdreg.scid  }
0x8b: {  	s0 =	sand.u32 $0x1, s1  }
0x8c: {  	s17 =	sshll.u32 s0, $0xA;
	s2 =	sadd.s32 s3, s2  }
0x8d: {  	s2 =	sadd.s32 s2, s17  }
0x8e: {  	[smem:$0x3FB7] =	sst s2  }
0x8f: {  	_ = 	snop  }
0x90: {  	s2 =	sld [smem:$0x3FD0];
	(tm) =	ssettm $0x1  }
0x91: {  	s18 =	sld [smem:$0x3FFB];
	_ =	sdelay $0x3  }
0x92: {  	_ =	strace s18  }
0x93: {  	s3 =	sld [smem:$0x3FFC];
	_ =	sdelay $0x3  }
0x94: {  	_ =	strace s3  }
0x95: {  	s3 =	sld [smem:$0x3FFD];
	_ =	sdelay $0x3  }
0x96: {  	_ =	strace s3  }
0x97: {  	_ =	strace $0x8FFFFFFF  }
0x98: {  	s19 =	sld [smem:$0x3FDB];
	_ =	sdelay $0x1  }
0x99: {  	s4 =	simm.s32 $_scs_section_size  }
0x9a: {  	s5 =	simm.s32 $_size__tile_overlayer_lowered;
	s6 =	simm.s32 $_tile_overlayer_lowered  }
0x9b: {  	s22 =	simm.s32 $0x1BFF;
	s21 =	sshll.u32 s6, $0x1;
	s3 =	sadd.s32 s4, s19  }
0x9c: {  	s7 =	simm.s32 $0x0;
	s20 =	sshll.u32 s5, $0x1;
	s5 =	sadd.s32 s21, s3  }
0x9d: {  	[timem:s7], [sflag:s22] =	dma.local [hbm:s5], s20  }
0x9e: {  	_ =	swait.ge [sflag:s22], s20  }
0x9f: {  	s4 =	ssub.s32 $0x0, s20;
	[sflag:s22] =	ssyncset.done $0x0  }
0xa0: {  	[sflag:s22] =	ssyncadd.s32 s4;
	_ =	sdelay $0x1  }
0xa1: {  	s23 =	simm.s32 $0x1B8B  }
0xa2: {  	_ =	swait.ge [sflag:s23], $0x1  }
0xa3: {  	[sflag:s23] =	ssyncset.done $0x0  }
0xa4: {  	s25 =	simm.s32 $0x1B8E;
	s24 =	sld [smem:$0x3FFE];
	[sflag:s23] =	ssyncadd.s32 $0xFFFFFFFF  }
0xa5: {  	s26 =	simm.s32 $execute0_lowered;
	[smem:$0x3FD2] =	sst s25  }
0xa6: {  	s5 =	sshll.u32 s26, $0x1;
	_ =	strace $0x80000049;
	[dreg:$0x1] =	wrdreg $0xFFFFFFFF  }
0xa7: {  	s28 =	simm.s32 $_size_execute0_lowered;
	s3 =	sadd.s32 s3, s5;
	[dreg:$0x0] =	wrdreg $0x0  }
0xa8: {  	s5 =	sshll.u32 s28, $0x1;
	[dreg:$0x2] =	wrdreg s3  }
0xa9: {  	[dreg:$0x3] =	wrdreg s5  }
0xaa: {  	[dreg:$0x4] =	wrdreg $0xC0  }
0xab: {  	_ =	task [dreg:s7], $0x5FFFF  }
0xac: {  	[dreg:$0x1] =	wrdreg $0xFFFFFFFF  }
0xad: {  	[dreg:$0x0] =	wrdreg $0x60  }
0xae: {  	[dreg:$0x2] =	wrdreg s24  }
0xaf: {  	[dreg:$0x3] =	wrdreg s2  }
0xb0: {  	[dreg:$0x4] =	wrdreg $0xC0000  }
0xb1: {  	[dreg:$0x5] =	wrdreg $0x1FC000  }
0xb2: {  	[dreg:$0x6] =	wrdreg $0x9  }
0xb3: {  	_ =	task.clear_ibuf [dreg:s7], $0x7FFFF;
	_ =	strace $0x90000049  }
0xb4: {  	s29 =	simm.s32 $0x9;
	_ =	strace $0x8000004B  }
0xb5: {  	_ =	swait.ge [sflag:s29], $0x1  }
0xb6: {  	[sflag:s29] =	ssyncadd.s32 $0xFFFFFFFF  }
0xb7: {  	_ =	strace $0x9000004B  }
0xb8: {  	_ =	sfence  }
0xb9: {  	s30 =	sld [smem:$0x0];
	_ =	sdelay $0x2  }
0xba: {  	s31 =	sshll.u32 s1, $0xD;
	s1 =	sshrl.u32 s1, $0x2  }
0xbb: {  	s3 =	sand.u32 $0x4000, s31;
	s1 =	sadd.s32 s1, s30  }
0xbc: {  	s0 =	sor.u32 s3, s0;
	s1 =	sshll.u32 s1, $0x11  }
0xbd: {  	s0 =	sor.u32 s1, s0  }
0xbe: {  	s0 =	sadd.s32 $0x8F2B, s0  }
0xbf: {  	[sflag:s0] =	ssyncadd.remote.s32 $0x1  }
0xc0: {  	_ =	sfence.sel $0xFFFF  }
0xc1: {  	[dreg:$0x0] =	wrdreg $0xFFFFFFFF;
	(pc) =	sbr.abs _section_cstart, $3  }
0xc2: {  	[dreg:$0x1] =	wrdreg $0xFFFFFFFF  }
0xc3: {  	_ =	task.clear_ibuf [dreg:s7], $0x2FFFF;
	_ =	strace $0x9FFFFFFF  }
0xc4: {  	(tm) =	ssettm $0x7FFFFFFF  }
0xc5: {  	_ =	shalt  }
tec
execute0_lowered:
.L_overlay_start_1:
0x0: {  	(tag) =	ssettag $0x1  }
0x1: {  	s0 =	rddreg [dreg:$0x0]  }
0x2: {  	s2 =	rddreg [dreg:$0x2]  }
0x3: {  	s13 =	rddreg [dreg:$0x3];
	s4 =	simm.s32 $0x0  }
0x4: {  	s1 =	srdreg.scid;
	s14 =	stileid.u32;
	s28 =	simm.s32 $0x8000  }
0x5: {  	s29 =	simm.s32 $0x1;
	s30 =	simm.s32 $0x2;
	[smem:$0x7FF] =	sst s4  }
0x6: {  	s3 =	sadd.s32 $0x31C00, s0;
	s1 =	sand.u32 $0x1, s1;
	s10 =	smul.u32 $0x500, s14  }
0x7: {  	s5 =	sadd.s32 $0x5A00, s0;
	s6 =	sadd.s32 $0xAA00, s0;
	s12 =	smul.u32 $0x4F000, s14  }
0x8: {  	s7 =	sadd.s32 $0x36C00, s0;
	s8 =	sadd.s32 $0xAC000, s0;
	s22 =	smul.u32 $0x13C00, s14  }
0x9: {  	s24 =	smul.u32 $0x2800, s14;
	p1 =	sne.s32 s14, $0x0;
	_ =	strace $0x8000004A  }
0xa: {  	s9 =	ssub.s32 $0x2, s1;
	p0 =	seq.s32 s1, $0x1;
	s1 =	smul.u32 $0x13C000, s1  }
0xb: {  	s11 =	sshrl.u32 s9, $0x1;
	s20 =	sadd.s32 s3, s10;
	[dreg:$0x7] =	wrdreg s22  }
0xc: {  	s21 =	sshrl.u32 s12, $0x2;
	s10 =	sadd.s32 s5, s10;
	[dreg:$0x5] =	wrdreg s20  }
0xd: {  	s26 =	sshrl.u32 s22, $0x3;
	s19 =	ssub.s32 s9, s11;
	[dreg:$0x6] =	wrdreg s10  }
0xe: {  	s11 =	sadd.s32 s21, s2;
	s10 =	sadd.s32 s8, s26;
	s1 =	sadd.s32 s22, s1  }
0xf: {  	s26 =	simm.s32 $0x4000;
	s9 =	sadd.s32 $0x3C00, s11;
	[dreg:$0xb] =	wrdreg s10  }
0x10: {  	s23 =	sadd.s32 $0x7800, s11;
	s25 =	sadd.s32 $0xB400, s11;
	[dreg:$0xc] =	wrdreg s1  }
0x11: {  	s16 =	sadd.s32 $0xF000, s11;
	s1 =	sshrl.u32 s1, $0x3;
	[dreg:$0x8] =	wrdreg s9  }
.Ltmp0:
0x12: {  	[dreg:$0x9] =	wrdreg s23;
	s9 =	sshrl.u32 s24, $0x3;
	(pc) =	sbr.rel .LBB2_1-.Ltmp0, $4  }
0x13: {  	[dreg:$0xa] =	wrdreg s25;
	s1 =	sadd.s32 s8, s1;
	s9 =	sadd.s32 $0x400, s9  }
0x14: {  	s17 =	sadd.s32 $0x12C00, s11;
	[dreg:$0xf] =	wrdreg s1;
	s3 =	sadd.s32 s3, s9  }
0x15: {  	s23 =	smax.u32 s19, $0x1;
	s31 =	sadd.s32 s5, s9;
	[dreg:$0xd] =	wrdreg s3  }
0x16: {  	s24 =	simm.s32 $0x3;
	s25 =	simm.s32 $0x80;
	[dreg:$0xe] =	wrdreg s31  }
.LBB2_11:
0x17: {  	[sflag:s12] =	ssyncadd.s32 @!p2 $0xFFFFC000;
	s0 =	rddreg [dreg:$0xc]  }
0x18: {  	[tilespmem:s1], [sflag:$0x1] =	stream.indirect.gather @!p2 [hbm4b:s7+s13], $0x80, s10, s13, $0xb8;
	v63 =	vld [tilespmem:$0x0]  }
.LBB2_12:
0x19: {  	_ =	swait.ge [sflag:s30], $0x4000  }
0x1a: {  	[sflag:s30] =	ssyncset.done $0x0  }
0x1b: {  	[sflag:s30] =	ssyncadd.s32 $0xFFFFC000  }
0x1c: {  	_ =	swait.ge [sflag:s30], $0x4000  }
0x1d: {  	s0 =	sshrl.u32 s0, $0x3;
	s1 =	sshrl.u32 s11, $0x3;
	[sflag:s30] =	ssyncset.done $0x0  }
0x1e: {  	s4 =	sadd.s32 $0x1, s4;
	s0 =	sadd.s32 s8, s0;
	[sflag:s30] =	ssyncadd.s32 $0xFFFFC000  }
0x1f: {  	p2 =	sne.s32 s4, s23;
	s0 =	sadd.s32 $0x4F000, s0;
	[bflag:$0x0] =	sbarrier.arrive $0xFFFF  }
0x20: {  	[hbm:s0], [sflag:s31] =	dma.local [spmem:s1], $0x2780  }
.Ltmp1:
0x21: {  	_ = 	snop;
	(pc) =	sbr.rel @!p2 .LBB2_13-.Ltmp1, $4  }
0x22: {  	_ =	swait.ge [sflag:s24], $0x2780  }
0x23: {  	[sflag:s24] =	ssyncset.done $0x0  }
0x24: {  	[sflag:s24] =	ssyncadd.s32 $0xFFFFD880  }
0x25: {  	s13 =	rddreg [dreg:$0x3]  }
.LBB2_1:
0x26: {  	s0 =	sshrl.u32 @!p1 s13, $0x3;
	s1 =	simm.s32 @!p1 $0x1C03;
	s3 =	rddreg [dreg:$0x1]  }
0x27: {  	[spmem:s0], [sflag:s1] =	dma.local @!p1 [hbm:s3], $0x780  }
0x28: {  	s0 =	simm.s32 @!p1 $0x3  }
.Ltmp2:
0x29: {  	_ =	swait.ge @!p1 [sflag:s0], $0x780;
	(pc) =	sbr.rel @!p0 .LBB2_2-.Ltmp2, $4  }
0x2a: {  	[sflag:s0] =	ssyncset.done @!p1 $0x0  }
0x2b: {  	[sflag:s0] =	ssyncadd.s32 @!p1 $0xFFFFF880  }
0x2c: {  	[bflag:$0x0] =	sbarrier.arrive $0xFFFF  }
0x2d: {  	s3 =	simm.s32 $0x0  }
0x2e: {  	s0 =	rddreg [dreg:$0xd]  }
0x2f: {  	[tilespmem:s3], [sflag:$0x3] =	stream.linear.gather [hbm4b:s0+s3], $0x800, $0x38;
	v63 =	vld [tilespmem:$0x0]  }
0x30: {  	_ =	swait.ge [sflag:s24], $0x800  }
0x31: {  	[sflag:s24] =	ssyncset.done $0x0  }
0x32: {  	s12 =	simm.s32 $0x2000;
	s18 =	rddreg [dreg:$0xe];
	[sflag:s24] =	ssyncadd.s32 $0xFFFFF800  }
0x33: {  	[tilespmem:s12], [sflag:$0x3] =	stream.linear.gather [hbm4b:s18+s3], $0x800, $0x38;
	v63 =	vld [tilespmem:$0x0]  }
0x34: {  	s19 =	stileid.u32;
	_ =	swait.ge [sflag:s24], $0x800  }
0x35: {  	s1 =	sshrl.u32 s11, $0x3;
	s0 =	sshll.u32 s19, $0x6;
	[sflag:s24] =	ssyncset.done $0x0  }
0x36: {  	s31 =	sor.u32 $0x1C03, s0;
	s0 =	sshrl.u32 s13, $0x3;
	[sflag:s24] =	ssyncadd.s32 $0xFFFFF800  }
0x37: {  	[spmem:s1], [sflag:s31] =	dma.local [spmem:s0], $0x780  }
0x38: {  	_ =	swait.ge [sflag:s24], $0x780  }
0x39: {  	[sflag:s24] =	ssyncset.done $0x0;
	s5 =	rddreg [dreg:$0x8]  }
0x3a: {  	[sflag:s24] =	ssyncadd.s32 $0xFFFFF880;
	s9 =	sshrl.u32 s5, $0x3  }
0x3b: {  	[spmem:s9], [sflag:s31] =	dma.local [spmem:s0], $0x780  }
0x3c: {  	_ =	swait.ge [sflag:s24], $0x780  }
0x3d: {  	[sflag:s24] =	ssyncset.done $0x0;
	s20 =	rddreg [dreg:$0x9]  }
0x3e: {  	[sflag:s24] =	ssyncadd.s32 $0xFFFFF880;
	s10 =	sshrl.u32 s20, $0x3  }
0x3f: {  	[spmem:s10], [sflag:s31] =	dma.local [spmem:s0], $0x780  }
0x40: {  	_ =	swait.ge [sflag:s24], $0x780  }
0x41: {  	[sflag:s24] =	ssyncset.done $0x0;
	s21 =	rddreg [dreg:$0xa]  }
0x42: {  	[sflag:s24] =	ssyncadd.s32 $0xFFFFF880;
	s18 =	sshrl.u32 s21, $0x3  }
0x43: {  	[spmem:s18], [sflag:s31] =	dma.local [spmem:s0], $0x780  }
0x44: {  	_ =	swait.ge [sflag:s24], $0x780  }
0x45: {  	[sflag:s24] =	ssyncset.done $0x0  }
0x46: {  	s20 =	sshrl.u32 s16, $0x3;
	[sflag:s24] =	ssyncadd.s32 $0xFFFFF880  }
0x47: {  	[spmem:s20], [sflag:s31] =	dma.local [spmem:s0], $0x780  }
0x48: {  	_ =	swait.ge [sflag:s24], $0x780  }
0x49: {  	[sflag:s24] =	ssyncset.done $0x0  }
0x4a: {  	s21 =	sshrl.u32 s17, $0x3;
	[sflag:s24] =	ssyncadd.s32 $0xFFFFF880  }
0x4b: {  	[spmem:s21], [sflag:s31] =	dma.local [spmem:s0], $0x200  }
0x4c: {  	_ =	swait.ge [sflag:s24], $0x200  }
0x4d: {  	[sflag:s24] =	ssyncset.done $0x0  }
0x4e: {  	[sflag:s24] =	ssyncadd.s32 $0xFFFFFE00  }
0x4f: {  	[bflag:$0x0] =	sbarrier.arrive $0xFFFF  }
0x50: {  	[tilespmem:s26], [sflag:$0x1] =	stream.indirect.gather [hbm4b:s6+s25], $0x80, s3, s25, $0xb8;
	v63 =	vld [tilespmem:$0x0]  }
0x51: {  	_ = 	snop  }
0x52: {  	[tilespmem:s28], [sflag:$0x1] =	stream.indirect.gather [hbm4b:s6+s25], $0x80, s25, s25, $0xb8;
	v63 =	vld [tilespmem:$0x0]  }
0x53: {  	s22 =	sand.u32 $0x4000, s3;
	p2 =	por $0x0, $0x0;
	_ =	swait.ge [sflag:s29], $0x4000  }
0x54: {  	s14 =	simm.s32 @!p2 $0x2;
	s19 =	simm.s32 $0x1;
	[sflag:s29] =	ssyncset.done $0x0  }
0x55: {  	s15 =	simm.s32 @!p2 $0x80;
	s5 =	sadd.s32 $0x4000, s22;
	[sflag:s29] =	ssyncadd.s32 $0xFFFFC000  }
0x56: {  	[spmem:s2] =	stream.indirect.scatter.add.f32 [tilespmem:s5], [sflag:$0x2], $0x80, s12, s25, $0xb8;
	v63 =	vld [tilespmem:$0x0]  }
0x57: {  	s13 =	simm.s32 $0x100;
	s22 =	simm.s32 $0x100;
	_ =	swait.ge @!p2 [sflag:s14], $0x4000  }
0x58: {  	s3 =	simm.s32 $0x2080;
	s12 =	simm.s32 $0x4000;
	[sflag:s14] =	ssyncset.done @!p2 $0x0  }
.LBB2_8:
0x59: {  	[sflag:s14] =	ssyncadd.s32 @!p2 $0xFFFFC000  }
0x5a: {  	s22 =	sadd.s32 $0x80, s22;
	s14 =	smov.u32 s19;
	s19 =	sadd.s32 $0x1, s19  }
0x5b: {  	[tilespmem:s5], [sflag:$0x1] =	stream.indirect.gather @!p2 [hbm4b:s6+s15], $0x80, s13, s15, $0xb8;
	v63 =	vld [tilespmem:$0x0]  }
0x5c: {  	p3 =	sne.s32 s19, $0x10;
	s13 =	smov.u32 s22;
	_ =	swait.ge [sflag:s29], $0x4000  }
0x5d: {  	s5 =	sand.u32 $0x4000, s12;
	p2 =	sgt.u32 s14, $0xD;
	[sflag:s29] =	ssyncset.done $0x0  }
.Ltmp3:
0x5e: {  	s5 =	sadd.s32 $0x4000, s5;
	[sflag:s29] =	ssyncadd.s32 $0xFFFFC000;
	(pc) =	sbr.rel @p3 .LBB2_8-.Ltmp3, $4  }
0x5f: {  	[spmem:s2] =	stream.indirect.scatter.add.f32 [tilespmem:s5], [sflag:$0x2], $0x80, s3, s25, $0xb8;
	v63 =	vld [tilespmem:$0x0]  }
0x60: {  	s14 =	simm.s32 @!p2 $0x2  }
0x61: {  	s12 =	sadd.s32 $0x4000, s12;
	_ =	swait.ge @!p2 [sflag:s14], $0x4000  }
0x62: {  	s15 =	simm.s32 @!p2 $0x80;
	s3 =	sadd.s32 $0x80, s3;
	[sflag:s14] =	ssyncset.done @!p2 $0x0  }
0x63: {  	[sflag:s14] =	ssyncadd.s32 @!p2 $0xFFFFC000  }
0x64: {  	[tilespmem:s5], [sflag:$0x1] =	stream.indirect.gather @!p2 [hbm4b:s6+s15], $0x80, s13, s15, $0xb8;
	v63 =	vld [tilespmem:$0x0]  }
0x65: {  	_ =	swait.ge [sflag:s30], $0x4000  }
0x66: {  	[sflag:s30] =	ssyncset.done $0x0  }
0x67: {  	[sflag:s30] =	ssyncadd.s32 $0xFFFFC000  }
0x68: {  	_ =	swait.ge [sflag:s30], $0x4000  }
0x69: {  	[sflag:s30] =	ssyncset.done $0x0  }
0x6a: {  	[sflag:s30] =	ssyncadd.s32 $0xFFFFC000  }
0x6b: {  	[bflag:$0x0] =	sbarrier.arrive $0xFFFF  }
0x6c: {  	s3 =	rddreg [dreg:$0xf]  }
0x6d: {  	[hbm:s3], [sflag:s31] =	dma.local [spmem:s1], $0x2780  }
0x6e: {  	_ =	swait.ge [sflag:s24], $0x2780  }
0x6f: {  	[sflag:s24] =	ssyncset.done $0x0  }
0x70: {  	[sflag:s24] =	ssyncadd.s32 $0xFFFFD880  }
0x71: {  	[spmem:s1], [sflag:s31] =	dma.local [spmem:s0], $0x780  }
0x72: {  	_ =	swait.ge [sflag:s24], $0x780  }
0x73: {  	[sflag:s24] =	ssyncset.done $0x0  }
0x74: {  	[sflag:s24] =	ssyncadd.s32 $0xFFFFF880  }
0x75: {  	[spmem:s9], [sflag:s31] =	dma.local [spmem:s0], $0x780  }
0x76: {  	_ =	swait.ge [sflag:s24], $0x780  }
0x77: {  	[sflag:s24] =	ssyncset.done $0x0  }
0x78: {  	[sflag:s24] =	ssyncadd.s32 $0xFFFFF880  }
0x79: {  	[spmem:s10], [sflag:s31] =	dma.local [spmem:s0], $0x780  }
0x7a: {  	_ =	swait.ge [sflag:s24], $0x780  }
0x7b: {  	[sflag:s24] =	ssyncset.done $0x0  }
0x7c: {  	[sflag:s24] =	ssyncadd.s32 $0xFFFFF880  }
0x7d: {  	[spmem:s18], [sflag:s31] =	dma.local [spmem:s0], $0x780  }
0x7e: {  	_ =	swait.ge [sflag:s24], $0x780  }
0x7f: {  	[sflag:s24] =	ssyncset.done $0x0  }
0x80: {  	[sflag:s24] =	ssyncadd.s32 $0xFFFFF880  }
0x81: {  	[spmem:s20], [sflag:s31] =	dma.local [spmem:s0], $0x780  }
0x82: {  	_ =	swait.ge [sflag:s24], $0x780  }
0x83: {  	[sflag:s24] =	ssyncset.done $0x0  }
0x84: {  	[sflag:s24] =	ssyncadd.s32 $0xFFFFF880  }
0x85: {  	[spmem:s21], [sflag:s31] =	dma.local [spmem:s0], $0x200  }
0x86: {  	_ =	swait.ge [sflag:s24], $0x200  }
0x87: {  	[sflag:s24] =	ssyncset.done $0x0  }
0x88: {  	[sflag:s24] =	ssyncadd.s32 $0xFFFFFE00  }
0x89: {  	s21 =	simm.s32 $0x0;
	[bflag:$0x0] =	sbarrier.arrive $0xFFFF  }
0x8a: {  	[tilespmem:s26], [sflag:$0x1] =	stream.indirect.gather [hbm4b:s7+s25], $0x80, s21, s25, $0xb8;
	v63 =	vld [tilespmem:$0x0]  }
0x8b: {  	s22 =	simm.s32 $0x2000  }
0x8c: {  	[tilespmem:s28], [sflag:$0x1] =	stream.indirect.gather [hbm4b:s7+s25], $0x80, s25, s25, $0xb8;
	v63 =	vld [tilespmem:$0x0]  }
0x8d: {  	p2 =	por $0x0, $0x0;
	s5 =	simm.s32 $0x1;
	_ =	swait.ge [sflag:s29], $0x4000  }
0x8e: {  	s12 =	simm.s32 @!p2 $0x2;
	s0 =	sand.u32 $0x4000, s21;
	[sflag:s29] =	ssyncset.done $0x0  }
0x8f: {  	s13 =	simm.s32 @!p2 $0x80;
	s1 =	sadd.s32 $0x4000, s0;
	[sflag:s29] =	ssyncadd.s32 $0xFFFFC000  }
0x90: {  	[spmem:s2] =	stream.indirect.scatter.add.f32 [tilespmem:s1], [sflag:$0x2], $0x80, s22, s25, $0xb8;
	v63 =	vld [tilespmem:$0x0]  }
0x91: {  	s3 =	simm.s32 $0x2080;
	s9 =	simm.s32 $0x4000;
	_ =	swait.ge @!p2 [sflag:s12], $0x4000  }
0x92: {  	s10 =	simm.s32 $0x100;
	s0 =	simm.s32 $0x100;
	[sflag:s12] =	ssyncset.done @!p2 $0x0  }
.LBB2_10:
0x93: {  	[sflag:s12] =	ssyncadd.s32 @!p2 $0xFFFFC000  }
0x94: {  	s0 =	sadd.s32 $0x80, s0;
	s12 =	smov.u32 s5;
	s5 =	sadd.s32 $0x1, s5  }
0x95: {  	[tilespmem:s1], [sflag:$0x1] =	stream.indirect.gather @!p2 [hbm4b:s7+s13], $0x80, s10, s13, $0xb8;
	v63 =	vld [tilespmem:$0x0]  }
0x96: {  	p3 =	sne.s32 s5, $0x10;
	s10 =	smov.u32 s0;
	_ =	swait.ge [sflag:s29], $0x4000  }
0x97: {  	s1 =	sand.u32 $0x4000, s9;
	p2 =	sgt.u32 s12, $0xD;
	[sflag:s29] =	ssyncset.done $0x0  }
.Ltmp4:
0x98: {  	s1 =	sadd.s32 $0x4000, s1;
	[sflag:s29] =	ssyncadd.s32 $0xFFFFC000;
	(pc) =	sbr.rel @p3 .LBB2_10-.Ltmp4, $4  }
0x99: {  	[spmem:s2] =	stream.indirect.scatter.add.f32 [tilespmem:s1], [sflag:$0x2], $0x80, s3, s25, $0xb8;
	v63 =	vld [tilespmem:$0x0]  }
0x9a: {  	s12 =	simm.s32 @!p2 $0x2  }
0x9b: {  	s9 =	sadd.s32 $0x4000, s9;
	_ =	swait.ge @!p2 [sflag:s12], $0x4000  }
0x9c: {  	s13 =	simm.s32 @!p2 $0x80;
	s3 =	sadd.s32 $0x80, s3;
	[sflag:s12] =	ssyncset.done @!p2 $0x0  }
.Ltmp5:
0x9d: {  	_ = 	snop;
	(pc) =	sbr.rel .LBB2_11-.Ltmp5, $1  }
0x9e: {  	_ =	sdelay $0x3  }
.LBB2_2:
0x9f: {  	s0 =	rddreg [dreg:$0x5]  }
0xa0: {  	[tilespmem:s3], [sflag:$0x3] =	stream.linear.gather [hbm4b:s0+s3], $0x2000, $0x38;
	v63 =	vld [tilespmem:$0x0]  }
0xa1: {  	_ =	swait.ge [sflag:s24], $0x2000  }
0xa2: {  	[sflag:s24] =	ssyncset.done $0x0  }
0xa3: {  	s12 =	simm.s32 $0x2000;
	s18 =	rddreg [dreg:$0x6];
	[sflag:s24] =	ssyncadd.s32 $0xFFFFE000  }
0xa4: {  	[tilespmem:s12], [sflag:$0x3] =	stream.linear.gather [hbm4b:s18+s3], $0x2000, $0x38;
	v63 =	vld [tilespmem:$0x0]  }
0xa5: {  	s19 =	stileid.u32;
	_ =	swait.ge [sflag:s24], $0x2000  }
0xa6: {  	s1 =	sshrl.u32 s11, $0x3;
	s0 =	sshll.u32 s19, $0x6;
	[sflag:s24] =	ssyncset.done $0x0  }
0xa7: {  	s31 =	sor.u32 $0x1C03, s0;
	s0 =	sshrl.u32 s13, $0x3;
	[sflag:s24] =	ssyncadd.s32 $0xFFFFE000  }
0xa8: {  	[spmem:s1], [sflag:s31] =	dma.local [spmem:s0], $0x780  }
0xa9: {  	_ =	swait.ge [sflag:s24], $0x780  }
0xaa: {  	[sflag:s24] =	ssyncset.done $0x0;
	s5 =	rddreg [dreg:$0x8]  }
0xab: {  	[sflag:s24] =	ssyncadd.s32 $0xFFFFF880;
	s9 =	sshrl.u32 s5, $0x3  }
0xac: {  	[spmem:s9], [sflag:s31] =	dma.local [spmem:s0], $0x780  }
0xad: {  	_ =	swait.ge [sflag:s24], $0x780  }
0xae: {  	[sflag:s24] =	ssyncset.done $0x0;
	s20 =	rddreg [dreg:$0x9]  }
0xaf: {  	[sflag:s24] =	ssyncadd.s32 $0xFFFFF880;
	s10 =	sshrl.u32 s20, $0x3  }
0xb0: {  	[spmem:s10], [sflag:s31] =	dma.local [spmem:s0], $0x780  }
0xb1: {  	_ =	swait.ge [sflag:s24], $0x780  }
0xb2: {  	[sflag:s24] =	ssyncset.done $0x0;
	s21 =	rddreg [dreg:$0xa]  }
0xb3: {  	[sflag:s24] =	ssyncadd.s32 $0xFFFFF880;
	s18 =	sshrl.u32 s21, $0x3  }
0xb4: {  	[spmem:s18], [sflag:s31] =	dma.local [spmem:s0], $0x780  }
0xb5: {  	_ =	swait.ge [sflag:s24], $0x780  }
0xb6: {  	[sflag:s24] =	ssyncset.done $0x0  }
0xb7: {  	s20 =	sshrl.u32 s16, $0x3;
	[sflag:s24] =	ssyncadd.s32 $0xFFFFF880  }
0xb8: {  	[spmem:s20], [sflag:s31] =	dma.local [spmem:s0], $0x780  }
0xb9: {  	_ =	swait.ge [sflag:s24], $0x780  }
0xba: {  	[sflag:s24] =	ssyncset.done $0x0  }
0xbb: {  	s21 =	sshrl.u32 s17, $0x3;
	[sflag:s24] =	ssyncadd.s32 $0xFFFFF880  }
0xbc: {  	[spmem:s21], [sflag:s31] =	dma.local [spmem:s0], $0x200  }
0xbd: {  	_ =	swait.ge [sflag:s24], $0x200  }
0xbe: {  	[sflag:s24] =	ssyncset.done $0x0  }
0xbf: {  	[sflag:s24] =	ssyncadd.s32 $0xFFFFFE00  }
0xc0: {  	[bflag:$0x0] =	sbarrier.arrive $0xFFFF  }
0xc1: {  	[tilespmem:s26], [sflag:$0x1] =	stream.indirect.gather [hbm4b:s6+s25], $0x80, s3, s25, $0xb8;
	v63 =	vld [tilespmem:$0x0]  }
0xc2: {  	_ = 	snop  }
0xc3: {  	[tilespmem:s28], [sflag:$0x1] =	stream.indirect.gather [hbm4b:s6+s25], $0x80, s25, s25, $0xb8;
	v63 =	vld [tilespmem:$0x0]  }
0xc4: {  	s22 =	sand.u32 $0x4000, s3;
	p2 =	por $0x0, $0x0;
	_ =	swait.ge [sflag:s29], $0x4000  }
0xc5: {  	s14 =	simm.s32 @!p2 $0x2;
	s19 =	simm.s32 $0x1;
	[sflag:s29] =	ssyncset.done $0x0  }
0xc6: {  	s15 =	simm.s32 @!p2 $0x80;
	s5 =	sadd.s32 $0x4000, s22;
	[sflag:s29] =	ssyncadd.s32 $0xFFFFC000  }
0xc7: {  	[spmem:s2] =	stream.indirect.scatter.add.f32 [tilespmem:s5], [sflag:$0x2], $0x80, s12, s25, $0xb8;
	v63 =	vld [tilespmem:$0x0]  }
0xc8: {  	s13 =	simm.s32 $0x100;
	s22 =	simm.s32 $0x100;
	_ =	swait.ge @!p2 [sflag:s14], $0x4000  }
0xc9: {  	s3 =	simm.s32 $0x2080;
	s12 =	simm.s32 $0x4000;
	[sflag:s14] =	ssyncset.done @!p2 $0x0  }
.LBB2_3:
0xca: {  	[sflag:s14] =	ssyncadd.s32 @!p2 $0xFFFFC000  }
0xcb: {  	s22 =	sadd.s32 $0x80, s22;
	s14 =	smov.u32 s19;
	s19 =	sadd.s32 $0x1, s19  }
0xcc: {  	[tilespmem:s5], [sflag:$0x1] =	stream.indirect.gather @!p2 [hbm4b:s6+s15], $0x80, s13, s15, $0xb8;
	v63 =	vld [tilespmem:$0x0]  }
0xcd: {  	p3 =	sne.s32 s19, $0x40;
	s13 =	smov.u32 s22;
	_ =	swait.ge [sflag:s29], $0x4000  }
0xce: {  	s5 =	sand.u32 $0x4000, s12;
	p2 =	sgt.u32 s14, $0x3D;
	[sflag:s29] =	ssyncset.done $0x0  }
.Ltmp6:
0xcf: {  	s5 =	sadd.s32 $0x4000, s5;
	[sflag:s29] =	ssyncadd.s32 $0xFFFFC000;
	(pc) =	sbr.rel @p3 .LBB2_3-.Ltmp6, $4  }
0xd0: {  	[spmem:s2] =	stream.indirect.scatter.add.f32 [tilespmem:s5], [sflag:$0x2], $0x80, s3, s25, $0xb8;
	v63 =	vld [tilespmem:$0x0]  }
0xd1: {  	s14 =	simm.s32 @!p2 $0x2  }
0xd2: {  	s12 =	sadd.s32 $0x4000, s12;
	_ =	swait.ge @!p2 [sflag:s14], $0x4000  }
0xd3: {  	s15 =	simm.s32 @!p2 $0x80;
	s3 =	sadd.s32 $0x80, s3;
	[sflag:s14] =	ssyncset.done @!p2 $0x0  }
0xd4: {  	[sflag:s14] =	ssyncadd.s32 @!p2 $0xFFFFC000  }
0xd5: {  	[tilespmem:s5], [sflag:$0x1] =	stream.indirect.gather @!p2 [hbm4b:s6+s15], $0x80, s13, s15, $0xb8;
	v63 =	vld [tilespmem:$0x0]  }
0xd6: {  	_ =	swait.ge [sflag:s30], $0x4000  }
0xd7: {  	[sflag:s30] =	ssyncset.done $0x0  }
0xd8: {  	[sflag:s30] =	ssyncadd.s32 $0xFFFFC000  }
0xd9: {  	_ =	swait.ge [sflag:s30], $0x4000  }
0xda: {  	[sflag:s30] =	ssyncset.done $0x0  }
0xdb: {  	[sflag:s30] =	ssyncadd.s32 $0xFFFFC000  }
0xdc: {  	[bflag:$0x0] =	sbarrier.arrive $0xFFFF  }
0xdd: {  	s3 =	rddreg [dreg:$0xb]  }
0xde: {  	[hbm:s3], [sflag:s31] =	dma.local [spmem:s1], $0x2780  }
0xdf: {  	_ =	swait.ge [sflag:s24], $0x2780  }
0xe0: {  	[sflag:s24] =	ssyncset.done $0x0  }
0xe1: {  	[sflag:s24] =	ssyncadd.s32 $0xFFFFD880  }
0xe2: {  	[spmem:s1], [sflag:s31] =	dma.local [spmem:s0], $0x780  }
0xe3: {  	_ =	swait.ge [sflag:s24], $0x780  }
0xe4: {  	[sflag:s24] =	ssyncset.done $0x0  }
0xe5: {  	[sflag:s24] =	ssyncadd.s32 $0xFFFFF880  }
0xe6: {  	[spmem:s9], [sflag:s31] =	dma.local [spmem:s0], $0x780  }
0xe7: {  	_ =	swait.ge [sflag:s24], $0x780  }
0xe8: {  	[sflag:s24] =	ssyncset.done $0x0  }
0xe9: {  	[sflag:s24] =	ssyncadd.s32 $0xFFFFF880  }
0xea: {  	[spmem:s10], [sflag:s31] =	dma.local [spmem:s0], $0x780  }
0xeb: {  	_ =	swait.ge [sflag:s24], $0x780  }
0xec: {  	[sflag:s24] =	ssyncset.done $0x0  }
0xed: {  	[sflag:s24] =	ssyncadd.s32 $0xFFFFF880  }
0xee: {  	[spmem:s18], [sflag:s31] =	dma.local [spmem:s0], $0x780  }
0xef: {  	_ =	swait.ge [sflag:s24], $0x780  }
0xf0: {  	[sflag:s24] =	ssyncset.done $0x0  }
0xf1: {  	[sflag:s24] =	ssyncadd.s32 $0xFFFFF880  }
0xf2: {  	[spmem:s20], [sflag:s31] =	dma.local [spmem:s0], $0x780  }
0xf3: {  	_ =	swait.ge [sflag:s24], $0x780  }
0xf4: {  	[sflag:s24] =	ssyncset.done $0x0  }
0xf5: {  	[sflag:s24] =	ssyncadd.s32 $0xFFFFF880  }
0xf6: {  	[spmem:s21], [sflag:s31] =	dma.local [spmem:s0], $0x200  }
0xf7: {  	_ =	swait.ge [sflag:s24], $0x200  }
0xf8: {  	[sflag:s24] =	ssyncset.done $0x0  }
0xf9: {  	[sflag:s24] =	ssyncadd.s32 $0xFFFFFE00  }
0xfa: {  	s21 =	simm.s32 $0x0;
	[bflag:$0x0] =	sbarrier.arrive $0xFFFF  }
0xfb: {  	[tilespmem:s26], [sflag:$0x1] =	stream.indirect.gather [hbm4b:s7+s25], $0x80, s21, s25, $0xb8;
	v63 =	vld [tilespmem:$0x0]  }
0xfc: {  	s22 =	simm.s32 $0x2000  }
0xfd: {  	[tilespmem:s28], [sflag:$0x1] =	stream.indirect.gather [hbm4b:s7+s25], $0x80, s25, s25, $0xb8;
	v63 =	vld [tilespmem:$0x0]  }
0xfe: {  	p2 =	por $0x0, $0x0;
	s5 =	simm.s32 $0x1;
	_ =	swait.ge [sflag:s29], $0x4000  }
0xff: {  	s12 =	simm.s32 @!p2 $0x2;
	s0 =	sand.u32 $0x4000, s21;
	[sflag:s29] =	ssyncset.done $0x0  }
0x100: {  	s13 =	simm.s32 @!p2 $0x80;
	s1 =	sadd.s32 $0x4000, s0;
	[sflag:s29] =	ssyncadd.s32 $0xFFFFC000  }
0x101: {  	[spmem:s2] =	stream.indirect.scatter.add.f32 [tilespmem:s1], [sflag:$0x2], $0x80, s22, s25, $0xb8;
	v63 =	vld [tilespmem:$0x0]  }
0x102: {  	s3 =	simm.s32 $0x2080;
	s9 =	simm.s32 $0x4000;
	_ =	swait.ge @!p2 [sflag:s12], $0x4000  }
0x103: {  	s10 =	simm.s32 $0x100;
	s0 =	simm.s32 $0x100;
	[sflag:s12] =	ssyncset.done @!p2 $0x0  }
.LBB2_5:
0x104: {  	[sflag:s12] =	ssyncadd.s32 @!p2 $0xFFFFC000  }
0x105: {  	s0 =	sadd.s32 $0x80, s0;
	s12 =	smov.u32 s5;
	s5 =	sadd.s32 $0x1, s5  }
0x106: {  	[tilespmem:s1], [sflag:$0x1] =	stream.indirect.gather @!p2 [hbm4b:s7+s13], $0x80, s10, s13, $0xb8;
	v63 =	vld [tilespmem:$0x0]  }
0x107: {  	p3 =	seq.s32 s5, $0x40;
	s10 =	smov.u32 s0;
	_ =	swait.ge [sflag:s29], $0x4000  }
0x108: {  	s1 =	sand.u32 $0x4000, s9;
	p2 =	sgt.u32 s12, $0x3D;
	[sflag:s29] =	ssyncset.done $0x0  }
.Ltmp7:
0x109: {  	s1 =	sadd.s32 $0x4000, s1;
	[sflag:s29] =	ssyncadd.s32 $0xFFFFC000;
	(pc) =	sbr.rel @!p3 .LBB2_5-.Ltmp7, $4  }
0x10a: {  	[spmem:s2] =	stream.indirect.scatter.add.f32 [tilespmem:s1], [sflag:$0x2], $0x80, s3, s25, $0xb8;
	v63 =	vld [tilespmem:$0x0]  }
0x10b: {  	s12 =	simm.s32 @!p2 $0x2  }
0x10c: {  	s9 =	sadd.s32 $0x4000, s9;
	_ =	swait.ge @!p2 [sflag:s12], $0x4000  }
0x10d: {  	s13 =	simm.s32 @!p2 $0x80;
	s3 =	sadd.s32 $0x80, s3;
	[sflag:s12] =	ssyncset.done @!p2 $0x0  }
.Ltmp8:
0x10e: {  	(pc) =	sbr.rel .LBB2_12-.Ltmp8, $3  }
0x10f: {  	_ =	sdelay $0x1  }
0x110: {  	[sflag:s12] =	ssyncadd.s32 @!p2 $0xFFFFC000;
	s0 =	rddreg [dreg:$0x7]  }
0x111: {  	[tilespmem:s1], [sflag:$0x1] =	stream.indirect.gather @!p2 [hbm4b:s7+s13], $0x80, s10, s13, $0xb8;
	v63 =	vld [tilespmem:$0x0]  }
.LBB2_13:
0x112: {  	_ =	sfence.sel $0x180000  }
0x113: {  	[bflag:$0x0] =	sbarrier.arrive $0xFFFF  }
0x114: {  	_ =	strace $0x9000004A  }
0x115: {  	[bflag:$0x2] =	sbarrier.arrive $0xFFFF  }
0x116: {  	s0 =	rddreg [dreg:$0x4]  }
0x117: {  	s0 =	sadd.s32 @!p1 $0x100000, s0  }
0x118: {  	[sflag:s0] =	ssyncadd.tile.s32 @!p1 $0x1;
	_ =	shalt  }
.Lfunc_end2:
_tile_overlayer_lowered:
.L_overlay_start_2:
0x119: {  	(tag) =	ssettag $0x2  }
0x11a: {  	s0 =	rddreg [dreg:$0x0];
	s2 =	stileid.u32  }
0x11b: {  	s1 =	rddreg [dreg:$0x1];
	p0 =	sne.s32 s2, $0x0  }
0x11c: {  	s3 =	rddreg [dreg:$0x2];
	[bflag:$0x3] =	sbarrier.arrive $0xFFFF;
	s2 =	simm.s32 @!p0 $0x1C03  }
0x11d: {  	[timem:s3], [sflag:s2] =	dma.local @!p0 [hbm:s0], s1  }
0x11e: {  	s0 =	simm.s32 @!p0 $0x3  }
0x11f: {  	_ =	swait.ge @!p0 [sflag:s0], s1  }
0x120: {  	s1 =	ssub.s32 @!p0 $0x0, s1;
	[sflag:s0] =	ssyncset.done @!p0 $0x0  }
0x121: {  	[sflag:s0] =	ssyncadd.s32 @!p0 s1  }
0x122: {  	[bflag:$0x3] =	sbarrier.arrive $0xFFFF  }
0x123: {  	_ =	shalt  }

// kernel: kernel.9.cloned.1.call-start
scs
__scs_entry_jumppad:
0x0: {  	(pc) =	sbr.rel $0x88, $3  }
0x1: {  	(tag) =	ssettag $0x0;
	lr =	simm.s32 $0x1  }
0x2: {  	[smem:$0x3F90] =	sst lr;
	_ =	strace $0xD0000000  }
0x3: {  	_ = 	snop  }
0x4: {  	_ = 	snop  }
0x5: {  	_ = 	snop  }
0x6: {  	_ = 	snop  }
0x7: {  	_ = 	snop  }
__scs_overlays_trampoline_lowered:
0x8: {  	[smem:$0x3F9F] =	sst s0  }
0x9: {  	[smem:$0x3FA0] =	sst s1  }
0xa: {  	[smem:$0x3FA1] =	sst s2  }
0xb: {  	[smem:$0x3FA2] =	sst s3  }
0xc: {  	[smem:$0x3FA3] =	sst s4  }
0xd: {  	[smem:$0x3FA4] =	sst s5  }
0xe: {  	[smem:$0x3FA5] =	sst s6  }
0xf: {  	[smem:$0x3FA6] =	sst s7  }
0x10: {  	[smem:$0x3FA7] =	sst s8  }
0x11: {  	[smem:$0x3FA8] =	sst s9;
	s0 =	simm.s32 @!p0 $0x0  }
0x12: {  	s1 =	sld [smem:$0x3F8E];
	s0 =	simm.s32 @p0 $0x1  }
0x13: {  	[smem:$0x3FA9] =	sst s0;
	s0 =	simm.s32 @!p1 $0x0  }
0x14: {  	s2 =	sld [smem:$0x3F8D];
	s0 =	simm.s32 @p1 $0x1  }
0x15: {  	[smem:$0x3FAA] =	sst s0;
	s0 =	simm.s32 @!p2 $0x0  }
0x16: {  	s3 =	sld [smem:$0x3FDB];
	s0 =	simm.s32 @p2 $0x1  }
0x17: {  	s4 =	simm.s32 $0x1BF5;
	[smem:$0x3FAC] =	sst s0  }
0x18: {  	s0 =	sld [smem:$0x3F8F];
	_ =	swait.ge [sflag:s4], $0x0  }
0x19: {  	s7 =	sld [smem:$0x3F90]  }
0x1a: {  	s8 =	sadd.s32 $0xFFFFE003, lr  }
0x1b: {  	s9 =	sadd.s32 $0xFFFFFEF7, lr;
	s5 =	simm.s32 $0xFFFFFFFF;
	p2 =	slt.u32 s8, $0xFFFFF086  }
0x1c: {  	p1 =	slt.u32 s9, $0xF7A;
	s5 =	simm.s32 @!p2 $0x0  }
0x1d: {  	s5 =	simm.s32 @p1 $0x1;
	p0 =	seq.s32 s7, s2  }
0x1e: {  	s7 =	smul.u32 @!p0 $0xF7A, s2;
	p2 =	seq.s32 @!p0 s5, $0x0  }
0x1f: {  	s9 =	smul.u32 $0xF7A, s1;
	s8 =	simm.s32 @!p0 $0x1BF5;
	p2 =	por !p2, p0  }
0x20: {  	[sflag:s8] =	ssyncset.s32 @!p0 $0xFFFFF086;
	s6 =	sadd.s32 @!p0 s3, s7;
	s7 =	simm.s32 @!p0 $0x108  }
0x21: {  	s3 =	sadd.s32 s3, s9;
	s6 =	sadd.s32 @!p0 $0x88, s6;
	s7 =	simm.s32 @p2 $0x1082  }
0x22: {  	[simem:s7], [sflag:s8] =	dma.local @!p0 [hbm:s6], $0xF7A  }
0x23: {  	s9 =	sor.u32 $0xD0000000, s2;
	s6 =	simm.s32 $0x108;
	_ =	swait.ge @!p0 [sflag:s8], $0x0  }
0x24: {  	s3 =	sadd.s32 $0x88, s3;
	s6 =	simm.s32 @!p1 $0x1082;
	[sflag:s4] =	ssyncset.s32 $0xFFFFF086  }
0x25: {  	[simem:s6], [sflag:s4] =	dma.local [hbm:s3], $0xF7A  }
0x26: {  	[smem:$0x3F90] =	sst s1;
	(tag) =	ssettag s2;
	_ =	strace s9  }
0x27: {  	s1 =	sld [smem:$0x3FA0]  }
0x28: {  	s2 =	sld [smem:$0x3FA1]  }
0x29: {  	s4 =	sld [smem:$0x3FA3]  }
0x2a: {  	p0 =	seq.s32 s5, $0x0;
	s5 =	sld [smem:$0x3FA4]  }
0x2b: {  	s6 =	sld [smem:$0x3FA5]  }
0x2c: {  	s7 =	sld [smem:$0x3FA6]  }
0x2d: {  	s3 =	simm.s32 $0x108;
	s8 =	sld [smem:$0x3FA7]  }
0x2e: {  	s3 =	simm.s32 @!p0 $0x1082;
	s9 =	sld [smem:$0x3FA8]  }
0x2f: {  	lr =	sadd.s32 s0, s3;
	s0 =	sld [smem:$0x3F9F]  }
0x30: {  	s3 =	sld [smem:$0x3FA2]  }
0x31: {  	[smem:$0x3FAB] =	sst s10  }
0x32: {  	s10 =	sld [smem:$0x3FA9];
	_ =	sdelay $0x3  }
0x33: {  	p0 =	seq.s32 s10, $0x1;
	s10 =	sld [smem:$0x3FAB];
	_ =	sdelay $0x3  }
0x34: {  	[smem:$0x3FAB] =	sst s10  }
0x35: {  	s10 =	sld [smem:$0x3FAA];
	_ =	sdelay $0x3  }
0x36: {  	p1 =	seq.s32 s10, $0x1;
	s10 =	sld [smem:$0x3FAB];
	_ =	sdelay $0x3  }
0x37: {  	[smem:$0x3FAB] =	sst s10  }
0x38: {  	s10 =	sld [smem:$0x3FAC]  }
0x39: {  	_ = 	snop;
	(pc) =	sbr.ind lr, $3  }
0x3a: {  	_ = 	snop  }
0x3b: {  	_ = 	snop  }
0x3c: {  	p2 =	seq.s32 s10, $0x1;
	s10 =	sld [smem:$0x3FAB]  }
0x3d: {  	_ =	shalt  }
0x3e: {  	_ =	shalt  }
0x3f: {  	_ =	shalt  }
0x40: {  	_ =	shalt  }
0x41: {  	_ =	shalt  }
0x42: {  	_ =	shalt  }
0x43: {  	_ =	shalt  }
0x44: {  	_ =	shalt  }
0x45: {  	_ =	shalt  }
0x46: {  	_ =	shalt  }
0x47: {  	_ =	shalt  }
0x48: {  	_ =	shalt  }
0x49: {  	_ =	shalt  }
0x4a: {  	_ =	shalt  }
0x4b: {  	_ =	shalt  }
0x4c: {  	_ =	shalt  }
0x4d: {  	_ =	shalt  }
0x4e: {  	_ =	shalt  }
0x4f: {  	_ =	shalt  }
0x50: {  	_ =	shalt  }
0x51: {  	_ =	shalt  }
0x52: {  	_ =	shalt  }
0x53: {  	_ =	shalt  }
0x54: {  	_ =	shalt  }
0x55: {  	_ =	shalt  }
0x56: {  	_ =	shalt  }
0x57: {  	_ =	shalt  }
0x58: {  	_ =	shalt  }
0x59: {  	_ =	shalt  }
0x5a: {  	_ =	shalt  }
0x5b: {  	_ =	shalt  }
0x5c: {  	_ =	shalt  }
0x5d: {  	_ =	shalt  }
0x5e: {  	_ =	shalt  }
0x5f: {  	_ =	shalt  }
0x60: {  	_ =	shalt  }
0x61: {  	_ =	shalt  }
0x62: {  	_ =	shalt  }
0x63: {  	_ =	shalt  }
0x64: {  	_ =	shalt  }
0x65: {  	_ =	shalt  }
0x66: {  	_ =	shalt  }
0x67: {  	_ =	shalt  }
0x68: {  	_ =	shalt  }
0x69: {  	_ =	shalt  }
0x6a: {  	_ =	shalt  }
0x6b: {  	_ =	shalt  }
0x6c: {  	_ =	shalt  }
0x6d: {  	_ =	shalt  }
0x6e: {  	_ =	shalt  }
0x6f: {  	_ =	shalt  }
0x70: {  	_ =	shalt  }
0x71: {  	_ =	shalt  }
0x72: {  	_ =	shalt  }
0x73: {  	_ =	shalt  }
0x74: {  	_ =	shalt  }
0x75: {  	_ =	shalt  }
0x76: {  	_ =	shalt  }
0x77: {  	_ =	shalt  }
0x78: {  	_ =	shalt  }
0x79: {  	_ =	shalt  }
0x7a: {  	_ =	shalt  }
0x7b: {  	_ =	shalt  }
0x7c: {  	_ =	shalt  }
0x7d: {  	_ =	shalt  }
0x7e: {  	_ =	shalt  }
0x7f: {  	_ =	shalt  }
0x80: {  	_ =	shalt  }
0x81: {  	_ =	shalt  }
0x82: {  	_ =	shalt  }
0x83: {  	_ =	shalt  }
0x84: {  	_ =	shalt  }
0x85: {  	_ =	shalt  }
0x86: {  	_ =	shalt  }
0x87: {  	_ =	shalt  }
.Lfunc_end0:
.L_simem_size_0:
called_computation_lowered:
.L_overlay_start_0:
0x88: {  	s2 =	sld [smem:$0x3FD9]  }
0x89: {  	s3 =	sld [smem:$0x3FFE];
	_ =	sdelay $0x1  }
0x8a: {  	s1 =	srdreg.scid  }
0x8b: {  	s0 =	sand.u32 $0x1, s1  }
0x8c: {  	s17 =	sshll.u32 s0, $0xA;
	s2 =	sadd.s32 s3, s2  }
0x8d: {  	s2 =	sadd.s32 s2, s17  }
0x8e: {  	[smem:$0x3FB7] =	sst s2  }
0x8f: {  	_ = 	snop  }
0x90: {  	s2 =	sld [smem:$0x3FD0];
	(tm) =	ssettm $0x1  }
0x91: {  	s18 =	sld [smem:$0x3FFB];
	_ =	sdelay $0x3  }
0x92: {  	_ =	strace s18  }
0x93: {  	s3 =	sld [smem:$0x3FFC];
	_ =	sdelay $0x3  }
0x94: {  	_ =	strace s3  }
0x95: {  	s3 =	sld [smem:$0x3FFD];
	_ =	sdelay $0x3  }
0x96: {  	_ =	strace s3  }
0x97: {  	_ =	strace $0x8FFFFFFF  }
0x98: {  	s19 =	sld [smem:$0x3FDB];
	_ =	sdelay $0x1  }
0x99: {  	s4 =	simm.s32 $_scs_section_size  }
0x9a: {  	s5 =	simm.s32 $_size__tile_overlayer_lowered;
	s6 =	simm.s32 $_tile_overlayer_lowered  }
0x9b: {  	s22 =	simm.s32 $0x1BFF;
	s21 =	sshll.u32 s6, $0x1;
	s3 =	sadd.s32 s4, s19  }
0x9c: {  	s7 =	simm.s32 $0x0;
	s20 =	sshll.u32 s5, $0x1;
	s5 =	sadd.s32 s21, s3  }
0x9d: {  	[timem:s7], [sflag:s22] =	dma.local [hbm:s5], s20  }
0x9e: {  	_ =	swait.ge [sflag:s22], s20  }
0x9f: {  	s4 =	ssub.s32 $0x0, s20;
	[sflag:s22] =	ssyncset.done $0x0  }
0xa0: {  	[sflag:s22] =	ssyncadd.s32 s4;
	_ =	sdelay $0x1  }
0xa1: {  	s23 =	simm.s32 $0x1B8B  }
0xa2: {  	_ =	swait.ge [sflag:s23], $0x1  }
0xa3: {  	[sflag:s23] =	ssyncset.done $0x0  }
0xa4: {  	s25 =	simm.s32 $0x1B8E;
	s24 =	sld [smem:$0x3FFE];
	[sflag:s23] =	ssyncadd.s32 $0xFFFFFFFF  }
0xa5: {  	s26 =	simm.s32 $execute0_lowered;
	[smem:$0x3FD2] =	sst s25  }
0xa6: {  	s5 =	sshll.u32 s26, $0x1;
	_ =	strace $0x80000046;
	[dreg:$0x1] =	wrdreg $0xFFFFFFFF  }
0xa7: {  	s28 =	simm.s32 $_size_execute0_lowered;
	s3 =	sadd.s32 s3, s5;
	[dreg:$0x0] =	wrdreg $0x0  }
0xa8: {  	s5 =	sshll.u32 s28, $0x1;
	[dreg:$0x2] =	wrdreg s3  }
0xa9: {  	[dreg:$0x3] =	wrdreg s5  }
0xaa: {  	[dreg:$0x4] =	wrdreg $0xC0  }
0xab: {  	_ =	task [dreg:s7], $0x5FFFF  }
0xac: {  	[dreg:$0x1] =	wrdreg $0xFFFFFFFF  }
0xad: {  	[dreg:$0x0] =	wrdreg $0x60  }
0xae: {  	[dreg:$0x2] =	wrdreg s24  }
0xaf: {  	[dreg:$0x3] =	wrdreg s2  }
0xb0: {  	[dreg:$0x4] =	wrdreg $0xC0000  }
0xb1: {  	[dreg:$0x5] =	wrdreg $0x1FC000  }
0xb2: {  	[dreg:$0x6] =	wrdreg $0x9  }
0xb3: {  	_ =	task.clear_ibuf [dreg:s7], $0x7FFFF;
	_ =	strace $0x90000046  }
0xb4: {  	s29 =	simm.s32 $0x9;
	_ =	strace $0x80000048  }
0xb5: {  	_ =	swait.ge [sflag:s29], $0x1  }
0xb6: {  	[sflag:s29] =	ssyncadd.s32 $0xFFFFFFFF  }
0xb7: {  	_ =	strace $0x90000048  }
0xb8: {  	_ =	sfence  }
0xb9: {  	s30 =	sld [smem:$0x0];
	_ =	sdelay $0x2  }
0xba: {  	s31 =	sshll.u32 s1, $0xD;
	s1 =	sshrl.u32 s1, $0x2  }
0xbb: {  	s3 =	sand.u32 $0x4000, s31;
	s1 =	sadd.s32 s1, s30  }
0xbc: {  	s0 =	sor.u32 s3, s0;
	s1 =	sshll.u32 s1, $0x11  }
0xbd: {  	s0 =	sor.u32 s1, s0  }
0xbe: {  	s0 =	sadd.s32 $0x8F2B, s0  }
0xbf: {  	[sflag:s0] =	ssyncadd.remote.s32 $0x1  }
0xc0: {  	_ =	sfence.sel $0xFFFF  }
0xc1: {  	[dreg:$0x0] =	wrdreg $0xFFFFFFFF;
	(pc) =	sbr.abs _section_cstart, $3  }
0xc2: {  	[dreg:$0x1] =	wrdreg $0xFFFFFFFF  }
0xc3: {  	_ =	task.clear_ibuf [dreg:s7], $0x2FFFF;
	_ =	strace $0x9FFFFFFF  }
0xc4: {  	(tm) =	ssettm $0x7FFFFFFF  }
0xc5: {  	_ =	shalt  }
tec
execute0_lowered:
.L_overlay_start_1:
0x0: {  	(tag) =	ssettag $0x1  }
0x1: {  	s0 =	rddreg [dreg:$0x0]  }
0x2: {  	s2 =	rddreg [dreg:$0x2]  }
0x3: {  	s16 =	rddreg [dreg:$0x3];
	s4 =	simm.s32 $0x0  }
0x4: {  	s7 =	srdreg.scid;
	s15 =	stileid.u32;
	s31 =	simm.s32 $0x3  }
0x5: {  	[smem:$0x7FF] =	sst s4;
	s1 =	sadd.s32 $0x31C00, s0;
	s3 =	sadd.s32 $0x5A00, s0  }
0x6: {  	s5 =	sadd.s32 $0xAA00, s0;
	s6 =	sadd.s32 $0x36C00, s0;
	s12 =	smul.u32 $0x500, s15  }
0x7: {  	s7 =	sand.u32 $0x1, s7;
	s8 =	sadd.s32 $0xAC000, s0;
	s14 =	smul.u32 $0x4F000, s15  }
0x8: {  	s9 =	sadd.s32 $0xD3200, s0;
	s10 =	sadd.s32 $0xFA400, s0;
	s28 =	smul.u32 $0x13C00, s15  }
0x9: {  	_ =	strace $0x80000047;
	s11 =	ssub.s32 $0x2, s7;
	p0 =	seq.s32 s7, $0x1  }
0xa: {  	s7 =	smul.u32 $0x13C000, s7;
	s25 =	sadd.s32 s1, s12;
	[dreg:$0x6] =	wrdreg s28  }
0xb: {  	s26 =	sshrl.u32 s14, $0x2;
	s12 =	sadd.s32 s3, s12;
	[dreg:$0x5] =	wrdreg s25  }
0xc: {  	s20 =	sshrl.u32 s28, $0x3;
	[dreg:$0x7] =	wrdreg s12;
	s7 =	sadd.s32 s28, s7  }
0xd: {  	s14 =	sadd.s32 s26, s2;
	s24 =	sadd.s32 s10, s20;
	[dreg:$0xc] =	wrdreg s7  }
0xe: {  	s29 =	smul.u32 $0x2800, s15;
	s30 =	sadd.s32 $0x3C00, s14;
	[dreg:$0x10] =	wrdreg s24  }
0xf: {  	p1 =	sne.s32 s15, $0x0;
	s17 =	sadd.s32 $0x7800, s14;
	[dreg:$0x8] =	wrdreg s30  }
0x10: {  	s13 =	sshrl.u32 s11, $0x1;
	s18 =	sadd.s32 $0xB400, s14;
	[dreg:$0x9] =	wrdreg s17  }
0x11: {  	s0 =	ssub.s32 s11, s13;
	s19 =	sadd.s32 $0xF000, s14;
	[dreg:$0xa] =	wrdreg s18  }
0x12: {  	s11 =	sshrl.u32 s29, $0x3;
	s23 =	sadd.s32 $0x12C00, s14;
	[dreg:$0xb] =	wrdreg s19  }
0x13: {  	s13 =	simm.s32 $0x1;
	s26 =	sadd.s32 $0x4F000, s24;
	[dreg:$0xf] =	wrdreg s23  }
0x14: {  	s11 =	sadd.s32 $0x400, s11;
	s28 =	sadd.s32 $0x9E000, s24;
	[dreg:$0x12] =	wrdreg s26  }
0x15: {  	s22 =	sshrl.u32 s7, $0x3;
	s1 =	sadd.s32 s1, s11;
	[dreg:$0x13] =	wrdreg s28  }
.Ltmp0:
0x16: {  	s21 =	sadd.s32 s3, s11;
	[dreg:$0xd] =	wrdreg s1;
	(pc) =	sbr.rel .LBB2_1-.Ltmp0, $4  }
0x17: {  	s20 =	simm.s32 $0x2;
	[dreg:$0xe] =	wrdreg s21;
	s1 =	sadd.s32 s10, s22  }
0x18: {  	s25 =	smax.u32 s0, $0x1;
	s29 =	sadd.s32 $0x4F000, s1;
	[dreg:$0x11] =	wrdreg s1  }
0x19: {  	s0 =	simm.s32 $0x80;
	s30 =	sadd.s32 $0x9E000, s1;
	[dreg:$0x14] =	wrdreg s29  }
0x1a: {  	s11 =	simm.s32 $0x8000;
	s1 =	simm.s32 $0x4000;
	[dreg:$0x15] =	wrdreg s30  }
.LBB2_19:
0x1b: {  	[sflag:s18] =	ssyncadd.s32 @!p2 $0xFFFFC000;
	s3 =	rddreg [dreg:$0xc]  }
0x1c: {  	[tilespmem:s12], [sflag:$0x1] =	stream.indirect.gather @!p2 [hbm4b:s9+s19], $0x80, s17, s19, $0xb8;
	v63 =	vld [tilespmem:$0x0]  }
.LBB2_20:
0x1d: {  	_ =	swait.ge [sflag:s20], $0x4000  }
0x1e: {  	[sflag:s20] =	ssyncset.done $0x0  }
0x1f: {  	[sflag:s20] =	ssyncadd.s32 $0xFFFFC000  }
0x20: {  	_ =	swait.ge [sflag:s20], $0x4000  }
0x21: {  	s3 =	sshrl.u32 s3, $0x3;
	s7 =	sshrl.u32 s14, $0x3;
	[sflag:s20] =	ssyncset.done $0x0  }
0x22: {  	s4 =	sadd.s32 $0x1, s4;
	s3 =	sadd.s32 s10, s3;
	[sflag:s20] =	ssyncadd.s32 $0xFFFFC000  }
0x23: {  	p2 =	sne.s32 s4, s25;
	s3 =	sadd.s32 $0xED000, s3;
	[bflag:$0x0] =	sbarrier.arrive $0xFFFF  }
0x24: {  	[hbm:s3], [sflag:s21] =	dma.local [spmem:s7], $0x2780  }
.Ltmp1:
0x25: {  	_ = 	snop;
	(pc) =	sbr.rel @!p2 .LBB2_21-.Ltmp1, $4  }
0x26: {  	_ =	swait.ge [sflag:s31], $0x2780  }
0x27: {  	[sflag:s31] =	ssyncset.done $0x0  }
0x28: {  	[sflag:s31] =	ssyncadd.s32 $0xFFFFD880  }
0x29: {  	s16 =	rddreg [dreg:$0x3]  }
.LBB2_1:
0x2a: {  	s3 =	sshrl.u32 @!p1 s16, $0x3;
	s7 =	simm.s32 @!p1 $0x1C03;
	s12 =	rddreg [dreg:$0x1]  }
0x2b: {  	[spmem:s3], [sflag:s7] =	dma.local @!p1 [hbm:s12], $0x780  }
0x2c: {  	s3 =	simm.s32 @!p1 $0x3  }
.Ltmp2:
0x2d: {  	_ =	swait.ge @!p1 [sflag:s3], $0x780;
	(pc) =	sbr.rel @!p0 .LBB2_2-.Ltmp2, $4  }
0x2e: {  	[sflag:s3] =	ssyncset.done @!p1 $0x0  }
0x2f: {  	[sflag:s3] =	ssyncadd.s32 @!p1 $0xFFFFF880  }
0x30: {  	[bflag:$0x0] =	sbarrier.arrive $0xFFFF  }
0x31: {  	s3 =	simm.s32 $0x0  }
0x32: {  	s7 =	rddreg [dreg:$0xd]  }
0x33: {  	[tilespmem:s3], [sflag:$0x3] =	stream.linear.gather [hbm4b:s7+s3], $0x800, $0x38;
	v63 =	vld [tilespmem:$0x0]  }
0x34: {  	_ =	swait.ge [sflag:s31], $0x800  }
0x35: {  	[sflag:s31] =	ssyncset.done $0x0  }
0x36: {  	s15 =	simm.s32 $0x2000;
	s12 =	rddreg [dreg:$0xe];
	[sflag:s31] =	ssyncadd.s32 $0xFFFFF800  }
0x37: {  	[tilespmem:s15], [sflag:$0x3] =	stream.linear.gather [hbm4b:s12+s3], $0x800, $0x38;
	v63 =	vld [tilespmem:$0x0]  }
0x38: {  	s17 =	stileid.u32;
	_ =	swait.ge [sflag:s31], $0x800  }
0x39: {  	s26 =	sshrl.u32 s16, $0x3;
	s7 =	sshll.u32 s17, $0x6;
	[sflag:s31] =	ssyncset.done $0x0  }
0x3a: {  	s28 =	sshrl.u32 s14, $0x3;
	s21 =	sor.u32 $0x1C03, s7;
	[sflag:s31] =	ssyncadd.s32 $0xFFFFF800  }
0x3b: {  	[spmem:s28], [sflag:s21] =	dma.local [spmem:s26], $0x780  }
0x3c: {  	_ =	swait.ge [sflag:s31], $0x780  }
0x3d: {  	[sflag:s31] =	ssyncset.done $0x0;
	s18 =	rddreg [dreg:$0x8]  }
0x3e: {  	[sflag:s31] =	ssyncadd.s32 $0xFFFFF880;
	s29 =	sshrl.u32 s18, $0x3  }
0x3f: {  	[spmem:s29], [sflag:s21] =	dma.local [spmem:s26], $0x780  }
0x40: {  	_ =	swait.ge [sflag:s31], $0x780  }
0x41: {  	[sflag:s31] =	ssyncset.done $0x0;
	s19 =	rddreg [dreg:$0x9]  }
0x42: {  	[sflag:s31] =	ssyncadd.s32 $0xFFFFF880;
	s30 =	sshrl.u32 s19, $0x3  }
0x43: {  	[spmem:s30], [sflag:s21] =	dma.local [spmem:s26], $0x780  }
0x44: {  	_ =	swait.ge [sflag:s31], $0x780  }
0x45: {  	[sflag:s31] =	ssyncset.done $0x0;
	s22 =	rddreg [dreg:$0xa]  }
0x46: {  	[sflag:s31] =	ssyncadd.s32 $0xFFFFF880;
	s19 =	sshrl.u32 s22, $0x3  }
0x47: {  	[spmem:s19], [sflag:s21] =	dma.local [spmem:s26], $0x780  }
0x48: {  	_ =	swait.ge [sflag:s31], $0x780  }
0x49: {  	[sflag:s31] =	ssyncset.done $0x0;
	s23 =	rddreg [dreg:$0xb]  }
0x4a: {  	[sflag:s31] =	ssyncadd.s32 $0xFFFFF880;
	s7 =	sshrl.u32 s23, $0x3  }
0x4b: {  	[spmem:s7], [sflag:s21] =	dma.local [spmem:s26], $0x780  }
0x4c: {  	_ =	swait.ge [sflag:s31], $0x780  }
0x4d: {  	[sflag:s31] =	ssyncset.done $0x0;
	s12 =	rddreg [dreg:$0xf]  }
0x4e: {  	[sflag:s31] =	ssyncadd.s32 $0xFFFFF880;
	s12 =	sshrl.u32 s12, $0x3  }
0x4f: {  	[spmem:s12], [sflag:s21] =	dma.local [spmem:s26], $0x200  }
0x50: {  	_ =	swait.ge [sflag:s31], $0x200  }
0x51: {  	[sflag:s31] =	ssyncset.done $0x0  }
0x52: {  	[sflag:s31] =	ssyncadd.s32 $0xFFFFFE00  }
0x53: {  	[bflag:$0x0] =	sbarrier.arrive $0xFFFF  }
0x54: {  	[tilespmem:s1], [sflag:$0x1] =	stream.indirect.gather [hbm4b:s5+s0], $0x80, s3, s0, $0xb8;
	v63 =	vld [tilespmem:$0x0]  }
0x55: {  	_ = 	snop  }
0x56: {  	[tilespmem:s11], [sflag:$0x1] =	stream.indirect.gather [hbm4b:s5+s0], $0x80, s0, s0, $0xb8;
	v63 =	vld [tilespmem:$0x0]  }
0x57: {  	s24 =	sand.u32 $0x4000, s3;
	p2 =	por $0x0, $0x0;
	_ =	swait.ge [sflag:s13], $0x4000  }
0x58: {  	s16 =	simm.s32 $0x2080;
	s24 =	sadd.s32 $0x4000, s24;
	[sflag:s13] =	ssyncset.done $0x0  }
0x59: {  	s17 =	simm.s32 $0x100;
	s18 =	simm.s32 @!p2 $0x2;
	[sflag:s13] =	ssyncadd.s32 $0xFFFFC000  }
0x5a: {  	[spmem:s2] =	stream.indirect.scatter.add.f32 [tilespmem:s24], [sflag:$0x2], $0x80, s15, s0, $0xb8;
	v63 =	vld [tilespmem:$0x0]  }
0x5b: {  	s22 =	simm.s32 @!p2 $0x80;
	s23 =	simm.s32 $0x100;
	_ =	swait.ge @!p2 [sflag:s18], $0x4000  }
0x5c: {  	s3 =	simm.s32 $0x1;
	s15 =	simm.s32 $0x4000;
	[sflag:s18] =	ssyncset.done @!p2 $0x0  }
.LBB2_12:
0x5d: {  	[sflag:s18] =	ssyncadd.s32 @!p2 $0xFFFFC000  }
0x5e: {  	s23 =	sadd.s32 $0x80, s23;
	s18 =	smov.u32 s3;
	s3 =	sadd.s32 $0x1, s3  }
0x5f: {  	[tilespmem:s24], [sflag:$0x1] =	stream.indirect.gather @!p2 [hbm4b:s5+s22], $0x80, s17, s22, $0xb8;
	v63 =	vld [tilespmem:$0x0]  }
0x60: {  	p3 =	sne.s32 s3, $0x10;
	s17 =	smov.u32 s23;
	_ =	swait.ge [sflag:s13], $0x4000  }
0x61: {  	s22 =	sand.u32 $0x4000, s15;
	p2 =	sgt.u32 s18, $0xD;
	[sflag:s13] =	ssyncset.done $0x0  }
.Ltmp3:
0x62: {  	s24 =	sadd.s32 $0x4000, s22;
	[sflag:s13] =	ssyncadd.s32 $0xFFFFC000;
	(pc) =	sbr.rel @p3 .LBB2_12-.Ltmp3, $4  }
0x63: {  	[spmem:s2] =	stream.indirect.scatter.add.f32 [tilespmem:s24], [sflag:$0x2], $0x80, s16, s0, $0xb8;
	v63 =	vld [tilespmem:$0x0]  }
0x64: {  	s18 =	simm.s32 @!p2 $0x2  }
0x65: {  	s15 =	sadd.s32 $0x4000, s15;
	_ =	swait.ge @!p2 [sflag:s18], $0x4000  }
0x66: {  	s22 =	simm.s32 @!p2 $0x80;
	s16 =	sadd.s32 $0x80, s16;
	[sflag:s18] =	ssyncset.done @!p2 $0x0  }
0x67: {  	[sflag:s18] =	ssyncadd.s32 @!p2 $0xFFFFC000  }
0x68: {  	[tilespmem:s24], [sflag:$0x1] =	stream.indirect.gather @!p2 [hbm4b:s5+s22], $0x80, s17, s22, $0xb8;
	v63 =	vld [tilespmem:$0x0]  }
0x69: {  	_ =	swait.ge [sflag:s20], $0x4000  }
0x6a: {  	[sflag:s20] =	ssyncset.done $0x0  }
0x6b: {  	[sflag:s20] =	ssyncadd.s32 $0xFFFFC000  }
0x6c: {  	_ =	swait.ge [sflag:s20], $0x4000  }
0x6d: {  	[sflag:s20] =	ssyncset.done $0x0  }
0x6e: {  	[sflag:s20] =	ssyncadd.s32 $0xFFFFC000  }
0x6f: {  	[bflag:$0x0] =	sbarrier.arrive $0xFFFF  }
0x70: {  	s3 =	rddreg [dreg:$0x11]  }
0x71: {  	[hbm:s3], [sflag:s21] =	dma.local [spmem:s28], $0x2780  }
0x72: {  	_ =	swait.ge [sflag:s31], $0x2780  }
0x73: {  	[sflag:s31] =	ssyncset.done $0x0  }
0x74: {  	[sflag:s31] =	ssyncadd.s32 $0xFFFFD880  }
0x75: {  	[spmem:s28], [sflag:s21] =	dma.local [spmem:s26], $0x780  }
0x76: {  	_ =	swait.ge [sflag:s31], $0x780  }
0x77: {  	[sflag:s31] =	ssyncset.done $0x0  }
0x78: {  	[sflag:s31] =	ssyncadd.s32 $0xFFFFF880  }
0x79: {  	[spmem:s29], [sflag:s21] =	dma.local [spmem:s26], $0x780  }
0x7a: {  	_ =	swait.ge [sflag:s31], $0x780  }
0x7b: {  	[sflag:s31] =	ssyncset.done $0x0  }
0x7c: {  	[sflag:s31] =	ssyncadd.s32 $0xFFFFF880  }
0x7d: {  	[spmem:s30], [sflag:s21] =	dma.local [spmem:s26], $0x780  }
0x7e: {  	_ =	swait.ge [sflag:s31], $0x780  }
0x7f: {  	[sflag:s31] =	ssyncset.done $0x0  }
0x80: {  	[sflag:s31] =	ssyncadd.s32 $0xFFFFF880  }
0x81: {  	[spmem:s19], [sflag:s21] =	dma.local [spmem:s26], $0x780  }
0x82: {  	_ =	swait.ge [sflag:s31], $0x780  }
0x83: {  	[sflag:s31] =	ssyncset.done $0x0  }
0x84: {  	[sflag:s31] =	ssyncadd.s32 $0xFFFFF880  }
0x85: {  	[spmem:s7], [sflag:s21] =	dma.local [spmem:s26], $0x780  }
0x86: {  	_ =	swait.ge [sflag:s31], $0x780  }
0x87: {  	[sflag:s31] =	ssyncset.done $0x0  }
0x88: {  	[sflag:s31] =	ssyncadd.s32 $0xFFFFF880  }
0x89: {  	[spmem:s12], [sflag:s21] =	dma.local [spmem:s26], $0x200  }
0x8a: {  	_ =	swait.ge [sflag:s31], $0x200  }
0x8b: {  	[sflag:s31] =	ssyncset.done $0x0  }
0x8c: {  	[sflag:s31] =	ssyncadd.s32 $0xFFFFFE00  }
0x8d: {  	s24 =	simm.s32 $0x0;
	[bflag:$0x0] =	sbarrier.arrive $0xFFFF  }
0x8e: {  	[tilespmem:s1], [sflag:$0x1] =	stream.indirect.gather [hbm4b:s6+s0], $0x80, s24, s0, $0xb8;
	v63 =	vld [tilespmem:$0x0]  }
0x8f: {  	s15 =	simm.s32 $0x2000  }
0x90: {  	[tilespmem:s11], [sflag:$0x1] =	stream.indirect.gather [hbm4b:s6+s0], $0x80, s0, s0, $0xb8;
	v63 =	vld [tilespmem:$0x0]  }
0x91: {  	s23 =	simm.s32 $0x100;
	s16 =	simm.s32 $0x2080;
	_ =	swait.ge [sflag:s13], $0x4000  }
0x92: {  	p2 =	por $0x0, $0x0;
	s3 =	sand.u32 $0x4000, s24;
	[sflag:s13] =	ssyncset.done $0x0  }
0x93: {  	s18 =	simm.s32 @!p2 $0x2;
	s24 =	sadd.s32 $0x4000, s3;
	[sflag:s13] =	ssyncadd.s32 $0xFFFFC000  }
0x94: {  	[spmem:s2] =	stream.indirect.scatter.add.f32 [tilespmem:s24], [sflag:$0x2], $0x80, s15, s0, $0xb8;
	v63 =	vld [tilespmem:$0x0]  }
0x95: {  	s17 =	simm.s32 $0x100;
	s22 =	simm.s32 @!p2 $0x80;
	_ =	swait.ge @!p2 [sflag:s18], $0x4000  }
0x96: {  	s3 =	simm.s32 $0x1;
	s15 =	simm.s32 $0x4000;
	[sflag:s18] =	ssyncset.done @!p2 $0x0  }
.LBB2_14:
0x97: {  	[sflag:s18] =	ssyncadd.s32 @!p2 $0xFFFFC000  }
0x98: {  	s23 =	sadd.s32 $0x80, s23;
	s18 =	smov.u32 s3;
	s3 =	sadd.s32 $0x1, s3  }
0x99: {  	[tilespmem:s24], [sflag:$0x1] =	stream.indirect.gather @!p2 [hbm4b:s6+s22], $0x80, s17, s22, $0xb8;
	v63 =	vld [tilespmem:$0x0]  }
0x9a: {  	p3 =	sne.s32 s3, $0x10;
	s17 =	smov.u32 s23;
	_ =	swait.ge [sflag:s13], $0x4000  }
0x9b: {  	s22 =	sand.u32 $0x4000, s15;
	p2 =	sgt.u32 s18, $0xD;
	[sflag:s13] =	ssyncset.done $0x0  }
.Ltmp4:
0x9c: {  	s24 =	sadd.s32 $0x4000, s22;
	[sflag:s13] =	ssyncadd.s32 $0xFFFFC000;
	(pc) =	sbr.rel @p3 .LBB2_14-.Ltmp4, $4  }
0x9d: {  	[spmem:s2] =	stream.indirect.scatter.add.f32 [tilespmem:s24], [sflag:$0x2], $0x80, s16, s0, $0xb8;
	v63 =	vld [tilespmem:$0x0]  }
0x9e: {  	s18 =	simm.s32 @!p2 $0x2  }
0x9f: {  	s15 =	sadd.s32 $0x4000, s15;
	_ =	swait.ge @!p2 [sflag:s18], $0x4000  }
0xa0: {  	s22 =	simm.s32 @!p2 $0x80;
	s16 =	sadd.s32 $0x80, s16;
	[sflag:s18] =	ssyncset.done @!p2 $0x0  }
0xa1: {  	[sflag:s18] =	ssyncadd.s32 @!p2 $0xFFFFC000  }
0xa2: {  	[tilespmem:s24], [sflag:$0x1] =	stream.indirect.gather @!p2 [hbm4b:s6+s22], $0x80, s17, s22, $0xb8;
	v63 =	vld [tilespmem:$0x0]  }
0xa3: {  	_ =	swait.ge [sflag:s20], $0x4000  }
0xa4: {  	[sflag:s20] =	ssyncset.done $0x0  }
0xa5: {  	[sflag:s20] =	ssyncadd.s32 $0xFFFFC000  }
0xa6: {  	_ =	swait.ge [sflag:s20], $0x4000  }
0xa7: {  	[sflag:s20] =	ssyncset.done $0x0  }
0xa8: {  	[sflag:s20] =	ssyncadd.s32 $0xFFFFC000  }
0xa9: {  	[bflag:$0x0] =	sbarrier.arrive $0xFFFF  }
0xaa: {  	s3 =	rddreg [dreg:$0x14]  }
0xab: {  	[hbm:s3], [sflag:s21] =	dma.local [spmem:s28], $0x2780  }
0xac: {  	_ =	swait.ge [sflag:s31], $0x2780  }
0xad: {  	[sflag:s31] =	ssyncset.done $0x0  }
0xae: {  	[sflag:s31] =	ssyncadd.s32 $0xFFFFD880  }
0xaf: {  	[spmem:s28], [sflag:s21] =	dma.local [spmem:s26], $0x780  }
0xb0: {  	_ =	swait.ge [sflag:s31], $0x780  }
0xb1: {  	[sflag:s31] =	ssyncset.done $0x0  }
0xb2: {  	[sflag:s31] =	ssyncadd.s32 $0xFFFFF880  }
0xb3: {  	[spmem:s29], [sflag:s21] =	dma.local [spmem:s26], $0x780  }
0xb4: {  	_ =	swait.ge [sflag:s31], $0x780  }
0xb5: {  	[sflag:s31] =	ssyncset.done $0x0  }
0xb6: {  	[sflag:s31] =	ssyncadd.s32 $0xFFFFF880  }
0xb7: {  	[spmem:s30], [sflag:s21] =	dma.local [spmem:s26], $0x780  }
0xb8: {  	_ =	swait.ge [sflag:s31], $0x780  }
0xb9: {  	[sflag:s31] =	ssyncset.done $0x0  }
0xba: {  	[sflag:s31] =	ssyncadd.s32 $0xFFFFF880  }
0xbb: {  	[spmem:s19], [sflag:s21] =	dma.local [spmem:s26], $0x780  }
0xbc: {  	_ =	swait.ge [sflag:s31], $0x780  }
0xbd: {  	[sflag:s31] =	ssyncset.done $0x0  }
0xbe: {  	[sflag:s31] =	ssyncadd.s32 $0xFFFFF880  }
0xbf: {  	[spmem:s7], [sflag:s21] =	dma.local [spmem:s26], $0x780  }
0xc0: {  	_ =	swait.ge [sflag:s31], $0x780  }
0xc1: {  	[sflag:s31] =	ssyncset.done $0x0  }
0xc2: {  	[sflag:s31] =	ssyncadd.s32 $0xFFFFF880  }
0xc3: {  	[spmem:s12], [sflag:s21] =	dma.local [spmem:s26], $0x200  }
0xc4: {  	_ =	swait.ge [sflag:s31], $0x200  }
0xc5: {  	[sflag:s31] =	ssyncset.done $0x0  }
0xc6: {  	[sflag:s31] =	ssyncadd.s32 $0xFFFFFE00  }
0xc7: {  	s24 =	simm.s32 $0x0;
	[bflag:$0x0] =	sbarrier.arrive $0xFFFF  }
0xc8: {  	[tilespmem:s1], [sflag:$0x1] =	stream.indirect.gather [hbm4b:s8+s0], $0x80, s24, s0, $0xb8;
	v63 =	vld [tilespmem:$0x0]  }
0xc9: {  	s15 =	simm.s32 $0x2000  }
0xca: {  	[tilespmem:s11], [sflag:$0x1] =	stream.indirect.gather [hbm4b:s8+s0], $0x80, s0, s0, $0xb8;
	v63 =	vld [tilespmem:$0x0]  }
0xcb: {  	s23 =	simm.s32 $0x100;
	s16 =	simm.s32 $0x2080;
	_ =	swait.ge [sflag:s13], $0x4000  }
0xcc: {  	p2 =	por $0x0, $0x0;
	s3 =	sand.u32 $0x4000, s24;
	[sflag:s13] =	ssyncset.done $0x0  }
0xcd: {  	s18 =	simm.s32 @!p2 $0x2;
	s24 =	sadd.s32 $0x4000, s3;
	[sflag:s13] =	ssyncadd.s32 $0xFFFFC000  }
0xce: {  	[spmem:s2] =	stream.indirect.scatter.add.f32 [tilespmem:s24], [sflag:$0x2], $0x80, s15, s0, $0xb8;
	v63 =	vld [tilespmem:$0x0]  }
0xcf: {  	s17 =	simm.s32 $0x100;
	s22 =	simm.s32 @!p2 $0x80;
	_ =	swait.ge @!p2 [sflag:s18], $0x4000  }
0xd0: {  	s3 =	simm.s32 $0x1;
	s15 =	simm.s32 $0x4000;
	[sflag:s18] =	ssyncset.done @!p2 $0x0  }
.LBB2_16:
0xd1: {  	[sflag:s18] =	ssyncadd.s32 @!p2 $0xFFFFC000  }
0xd2: {  	s23 =	sadd.s32 $0x80, s23;
	s18 =	smov.u32 s3;
	s3 =	sadd.s32 $0x1, s3  }
0xd3: {  	[tilespmem:s24], [sflag:$0x1] =	stream.indirect.gather @!p2 [hbm4b:s8+s22], $0x80, s17, s22, $0xb8;
	v63 =	vld [tilespmem:$0x0]  }
0xd4: {  	p3 =	sne.s32 s3, $0x10;
	s17 =	smov.u32 s23;
	_ =	swait.ge [sflag:s13], $0x4000  }
0xd5: {  	s22 =	sand.u32 $0x4000, s15;
	p2 =	sgt.u32 s18, $0xD;
	[sflag:s13] =	ssyncset.done $0x0  }
.Ltmp5:
0xd6: {  	s24 =	sadd.s32 $0x4000, s22;
	[sflag:s13] =	ssyncadd.s32 $0xFFFFC000;
	(pc) =	sbr.rel @p3 .LBB2_16-.Ltmp5, $4  }
0xd7: {  	[spmem:s2] =	stream.indirect.scatter.add.f32 [tilespmem:s24], [sflag:$0x2], $0x80, s16, s0, $0xb8;
	v63 =	vld [tilespmem:$0x0]  }
0xd8: {  	s18 =	simm.s32 @!p2 $0x2  }
0xd9: {  	s15 =	sadd.s32 $0x4000, s15;
	_ =	swait.ge @!p2 [sflag:s18], $0x4000  }
0xda: {  	s22 =	simm.s32 @!p2 $0x80;
	s16 =	sadd.s32 $0x80, s16;
	[sflag:s18] =	ssyncset.done @!p2 $0x0  }
0xdb: {  	[sflag:s18] =	ssyncadd.s32 @!p2 $0xFFFFC000  }
0xdc: {  	[tilespmem:s24], [sflag:$0x1] =	stream.indirect.gather @!p2 [hbm4b:s8+s22], $0x80, s17, s22, $0xb8;
	v63 =	vld [tilespmem:$0x0]  }
0xdd: {  	_ =	swait.ge [sflag:s20], $0x4000  }
0xde: {  	[sflag:s20] =	ssyncset.done $0x0  }
0xdf: {  	[sflag:s20] =	ssyncadd.s32 $0xFFFFC000  }
0xe0: {  	_ =	swait.ge [sflag:s20], $0x4000  }
0xe1: {  	[sflag:s20] =	ssyncset.done $0x0  }
0xe2: {  	[sflag:s20] =	ssyncadd.s32 $0xFFFFC000  }
0xe3: {  	[bflag:$0x0] =	sbarrier.arrive $0xFFFF  }
0xe4: {  	s3 =	rddreg [dreg:$0x15]  }
0xe5: {  	[hbm:s3], [sflag:s21] =	dma.local [spmem:s28], $0x2780  }
0xe6: {  	_ =	swait.ge [sflag:s31], $0x2780  }
0xe7: {  	[sflag:s31] =	ssyncset.done $0x0  }
0xe8: {  	[sflag:s31] =	ssyncadd.s32 $0xFFFFD880  }
0xe9: {  	[spmem:s28], [sflag:s21] =	dma.local [spmem:s26], $0x780  }
0xea: {  	_ =	swait.ge [sflag:s31], $0x780  }
0xeb: {  	[sflag:s31] =	ssyncset.done $0x0  }
0xec: {  	[sflag:s31] =	ssyncadd.s32 $0xFFFFF880  }
0xed: {  	[spmem:s29], [sflag:s21] =	dma.local [spmem:s26], $0x780  }
0xee: {  	_ =	swait.ge [sflag:s31], $0x780  }
0xef: {  	[sflag:s31] =	ssyncset.done $0x0  }
0xf0: {  	[sflag:s31] =	ssyncadd.s32 $0xFFFFF880  }
0xf1: {  	[spmem:s30], [sflag:s21] =	dma.local [spmem:s26], $0x780  }
0xf2: {  	_ =	swait.ge [sflag:s31], $0x780  }
0xf3: {  	[sflag:s31] =	ssyncset.done $0x0  }
0xf4: {  	[sflag:s31] =	ssyncadd.s32 $0xFFFFF880  }
0xf5: {  	[spmem:s19], [sflag:s21] =	dma.local [spmem:s26], $0x780  }
0xf6: {  	_ =	swait.ge [sflag:s31], $0x780  }
0xf7: {  	[sflag:s31] =	ssyncset.done $0x0  }
0xf8: {  	[sflag:s31] =	ssyncadd.s32 $0xFFFFF880  }
0xf9: {  	[spmem:s7], [sflag:s21] =	dma.local [spmem:s26], $0x780  }
0xfa: {  	_ =	swait.ge [sflag:s31], $0x780  }
0xfb: {  	[sflag:s31] =	ssyncset.done $0x0  }
0xfc: {  	[sflag:s31] =	ssyncadd.s32 $0xFFFFF880  }
0xfd: {  	[spmem:s12], [sflag:s21] =	dma.local [spmem:s26], $0x200  }
0xfe: {  	_ =	swait.ge [sflag:s31], $0x200  }
0xff: {  	[sflag:s31] =	ssyncset.done $0x0  }
0x100: {  	[sflag:s31] =	ssyncadd.s32 $0xFFFFFE00  }
0x101: {  	s29 =	simm.s32 $0x0;
	[bflag:$0x0] =	sbarrier.arrive $0xFFFF  }
0x102: {  	[tilespmem:s1], [sflag:$0x1] =	stream.indirect.gather [hbm4b:s9+s0], $0x80, s29, s0, $0xb8;
	v63 =	vld [tilespmem:$0x0]  }
0x103: {  	s15 =	simm.s32 $0x4000  }
0x104: {  	[tilespmem:s11], [sflag:$0x1] =	stream.indirect.gather [hbm4b:s9+s0], $0x80, s0, s0, $0xb8;
	v63 =	vld [tilespmem:$0x0]  }
0x105: {  	s16 =	simm.s32 $0x2080;
	p2 =	por $0x0, $0x0;
	_ =	swait.ge [sflag:s13], $0x4000  }
0x106: {  	s18 =	simm.s32 @!p2 $0x2;
	s3 =	sand.u32 $0x4000, s29;
	[sflag:s13] =	ssyncset.done $0x0  }
0x107: {  	s30 =	simm.s32 $0x2000;
	s12 =	sadd.s32 $0x4000, s3;
	[sflag:s13] =	ssyncadd.s32 $0xFFFFC000  }
0x108: {  	[spmem:s2] =	stream.indirect.scatter.add.f32 [tilespmem:s12], [sflag:$0x2], $0x80, s30, s0, $0xb8;
	v63 =	vld [tilespmem:$0x0]  }
0x109: {  	s17 =	simm.s32 $0x100;
	s19 =	simm.s32 @!p2 $0x80;
	_ =	swait.ge @!p2 [sflag:s18], $0x4000  }
0x10a: {  	s7 =	simm.s32 $0x100;
	s3 =	simm.s32 $0x1;
	[sflag:s18] =	ssyncset.done @!p2 $0x0  }
.LBB2_18:
0x10b: {  	[sflag:s18] =	ssyncadd.s32 @!p2 $0xFFFFC000  }
0x10c: {  	s7 =	sadd.s32 $0x80, s7;
	s18 =	smov.u32 s3;
	s3 =	sadd.s32 $0x1, s3  }
0x10d: {  	[tilespmem:s12], [sflag:$0x1] =	stream.indirect.gather @!p2 [hbm4b:s9+s19], $0x80, s17, s19, $0xb8;
	v63 =	vld [tilespmem:$0x0]  }
0x10e: {  	p3 =	sne.s32 s3, $0x10;
	s17 =	smov.u32 s7;
	_ =	swait.ge [sflag:s13], $0x4000  }
0x10f: {  	s12 =	sand.u32 $0x4000, s15;
	p2 =	sgt.u32 s18, $0xD;
	[sflag:s13] =	ssyncset.done $0x0  }
.Ltmp6:
0x110: {  	s12 =	sadd.s32 $0x4000, s12;
	[sflag:s13] =	ssyncadd.s32 $0xFFFFC000;
	(pc) =	sbr.rel @p3 .LBB2_18-.Ltmp6, $4  }
0x111: {  	[spmem:s2] =	stream.indirect.scatter.add.f32 [tilespmem:s12], [sflag:$0x2], $0x80, s16, s0, $0xb8;
	v63 =	vld [tilespmem:$0x0]  }
0x112: {  	s18 =	simm.s32 @!p2 $0x2  }
0x113: {  	s15 =	sadd.s32 $0x4000, s15;
	_ =	swait.ge @!p2 [sflag:s18], $0x4000  }
0x114: {  	s19 =	simm.s32 @!p2 $0x80;
	s16 =	sadd.s32 $0x80, s16;
	[sflag:s18] =	ssyncset.done @!p2 $0x0  }
.Ltmp7:
0x115: {  	_ = 	snop;
	(pc) =	sbr.rel .LBB2_19-.Ltmp7, $1  }
0x116: {  	_ =	sdelay $0x3  }
.LBB2_2:
0x117: {  	s7 =	rddreg [dreg:$0x5]  }
0x118: {  	[tilespmem:s3], [sflag:$0x3] =	stream.linear.gather [hbm4b:s7+s3], $0x2000, $0x38;
	v63 =	vld [tilespmem:$0x0]  }
0x119: {  	_ =	swait.ge [sflag:s31], $0x2000  }
0x11a: {  	[sflag:s31] =	ssyncset.done $0x0  }
0x11b: {  	s15 =	simm.s32 $0x2000;
	s12 =	rddreg [dreg:$0x7];
	[sflag:s31] =	ssyncadd.s32 $0xFFFFE000  }
0x11c: {  	[tilespmem:s15], [sflag:$0x3] =	stream.linear.gather [hbm4b:s12+s3], $0x2000, $0x38;
	v63 =	vld [tilespmem:$0x0]  }
0x11d: {  	s17 =	stileid.u32;
	_ =	swait.ge [sflag:s31], $0x2000  }
0x11e: {  	s26 =	sshrl.u32 s16, $0x3;
	s7 =	sshll.u32 s17, $0x6;
	[sflag:s31] =	ssyncset.done $0x0  }
0x11f: {  	s28 =	sshrl.u32 s14, $0x3;
	s21 =	sor.u32 $0x1C03, s7;
	[sflag:s31] =	ssyncadd.s32 $0xFFFFE000  }
0x120: {  	[spmem:s28], [sflag:s21] =	dma.local [spmem:s26], $0x780  }
0x121: {  	_ =	swait.ge [sflag:s31], $0x780  }
0x122: {  	[sflag:s31] =	ssyncset.done $0x0;
	s18 =	rddreg [dreg:$0x8]  }
0x123: {  	[sflag:s31] =	ssyncadd.s32 $0xFFFFF880;
	s29 =	sshrl.u32 s18, $0x3  }
0x124: {  	[spmem:s29], [sflag:s21] =	dma.local [spmem:s26], $0x780  }
0x125: {  	_ =	swait.ge [sflag:s31], $0x780  }
0x126: {  	[sflag:s31] =	ssyncset.done $0x0;
	s19 =	rddreg [dreg:$0x9]  }
0x127: {  	[sflag:s31] =	ssyncadd.s32 $0xFFFFF880;
	s30 =	sshrl.u32 s19, $0x3  }
0x128: {  	[spmem:s30], [sflag:s21] =	dma.local [spmem:s26], $0x780  }
0x129: {  	_ =	swait.ge [sflag:s31], $0x780  }
0x12a: {  	[sflag:s31] =	ssyncset.done $0x0;
	s22 =	rddreg [dreg:$0xa]  }
0x12b: {  	[sflag:s31] =	ssyncadd.s32 $0xFFFFF880;
	s19 =	sshrl.u32 s22, $0x3  }
0x12c: {  	[spmem:s19], [sflag:s21] =	dma.local [spmem:s26], $0x780  }
0x12d: {  	_ =	swait.ge [sflag:s31], $0x780  }
0x12e: {  	[sflag:s31] =	ssyncset.done $0x0;
	s23 =	rddreg [dreg:$0xb]  }
0x12f: {  	[sflag:s31] =	ssyncadd.s32 $0xFFFFF880;
	s7 =	sshrl.u32 s23, $0x3  }
0x130: {  	[spmem:s7], [sflag:s21] =	dma.local [spmem:s26], $0x780  }
0x131: {  	_ =	swait.ge [sflag:s31], $0x780  }
0x132: {  	[sflag:s31] =	ssyncset.done $0x0;
	s12 =	rddreg [dreg:$0xf]  }
0x133: {  	[sflag:s31] =	ssyncadd.s32 $0xFFFFF880;
	s12 =	sshrl.u32 s12, $0x3  }
0x134: {  	[spmem:s12], [sflag:s21] =	dma.local [spmem:s26], $0x200  }
0x135: {  	_ =	swait.ge [sflag:s31], $0x200  }
0x136: {  	[sflag:s31] =	ssyncset.done $0x0  }
0x137: {  	[sflag:s31] =	ssyncadd.s32 $0xFFFFFE00  }
0x138: {  	[bflag:$0x0] =	sbarrier.arrive $0xFFFF  }
0x139: {  	[tilespmem:s1], [sflag:$0x1] =	stream.indirect.gather [hbm4b:s5+s0], $0x80, s3, s0, $0xb8;
	v63 =	vld [tilespmem:$0x0]  }
0x13a: {  	_ = 	snop  }
0x13b: {  	[tilespmem:s11], [sflag:$0x1] =	stream.indirect.gather [hbm4b:s5+s0], $0x80, s0, s0, $0xb8;
	v63 =	vld [tilespmem:$0x0]  }
0x13c: {  	s24 =	sand.u32 $0x4000, s3;
	p2 =	por $0x0, $0x0;
	_ =	swait.ge [sflag:s13], $0x4000  }
0x13d: {  	s16 =	simm.s32 $0x2080;
	s24 =	sadd.s32 $0x4000, s24;
	[sflag:s13] =	ssyncset.done $0x0  }
0x13e: {  	s17 =	simm.s32 $0x100;
	s18 =	simm.s32 @!p2 $0x2;
	[sflag:s13] =	ssyncadd.s32 $0xFFFFC000  }
0x13f: {  	[spmem:s2] =	stream.indirect.scatter.add.f32 [tilespmem:s24], [sflag:$0x2], $0x80, s15, s0, $0xb8;
	v63 =	vld [tilespmem:$0x0]  }
0x140: {  	s22 =	simm.s32 @!p2 $0x80;
	s23 =	simm.s32 $0x100;
	_ =	swait.ge @!p2 [sflag:s18], $0x4000  }
0x141: {  	s3 =	simm.s32 $0x1;
	s15 =	simm.s32 $0x4000;
	[sflag:s18] =	ssyncset.done @!p2 $0x0  }
.LBB2_3:
0x142: {  	[sflag:s18] =	ssyncadd.s32 @!p2 $0xFFFFC000  }
0x143: {  	s23 =	sadd.s32 $0x80, s23;
	s18 =	smov.u32 s3;
	s3 =	sadd.s32 $0x1, s3  }
0x144: {  	[tilespmem:s24], [sflag:$0x1] =	stream.indirect.gather @!p2 [hbm4b:s5+s22], $0x80, s17, s22, $0xb8;
	v63 =	vld [tilespmem:$0x0]  }
0x145: {  	p3 =	sne.s32 s3, $0x40;
	s17 =	smov.u32 s23;
	_ =	swait.ge [sflag:s13], $0x4000  }
0x146: {  	s22 =	sand.u32 $0x4000, s15;
	p2 =	sgt.u32 s18, $0x3D;
	[sflag:s13] =	ssyncset.done $0x0  }
.Ltmp8:
0x147: {  	s24 =	sadd.s32 $0x4000, s22;
	[sflag:s13] =	ssyncadd.s32 $0xFFFFC000;
	(pc) =	sbr.rel @p3 .LBB2_3-.Ltmp8, $4  }
0x148: {  	[spmem:s2] =	stream.indirect.scatter.add.f32 [tilespmem:s24], [sflag:$0x2], $0x80, s16, s0, $0xb8;
	v63 =	vld [tilespmem:$0x0]  }
0x149: {  	s18 =	simm.s32 @!p2 $0x2  }
0x14a: {  	s15 =	sadd.s32 $0x4000, s15;
	_ =	swait.ge @!p2 [sflag:s18], $0x4000  }
0x14b: {  	s22 =	simm.s32 @!p2 $0x80;
	s16 =	sadd.s32 $0x80, s16;
	[sflag:s18] =	ssyncset.done @!p2 $0x0  }
0x14c: {  	[sflag:s18] =	ssyncadd.s32 @!p2 $0xFFFFC000  }
0x14d: {  	[tilespmem:s24], [sflag:$0x1] =	stream.indirect.gather @!p2 [hbm4b:s5+s22], $0x80, s17, s22, $0xb8;
	v63 =	vld [tilespmem:$0x0]  }
0x14e: {  	_ =	swait.ge [sflag:s20], $0x4000  }
0x14f: {  	[sflag:s20] =	ssyncset.done $0x0  }
0x150: {  	[sflag:s20] =	ssyncadd.s32 $0xFFFFC000  }
0x151: {  	_ =	swait.ge [sflag:s20], $0x4000  }
0x152: {  	[sflag:s20] =	ssyncset.done $0x0  }
0x153: {  	[sflag:s20] =	ssyncadd.s32 $0xFFFFC000  }
0x154: {  	[bflag:$0x0] =	sbarrier.arrive $0xFFFF  }
0x155: {  	s3 =	rddreg [dreg:$0x10]  }
0x156: {  	[hbm:s3], [sflag:s21] =	dma.local [spmem:s28], $0x2780  }
0x157: {  	_ =	swait.ge [sflag:s31], $0x2780  }
0x158: {  	[sflag:s31] =	ssyncset.done $0x0  }
0x159: {  	[sflag:s31] =	ssyncadd.s32 $0xFFFFD880  }
0x15a: {  	[spmem:s28], [sflag:s21] =	dma.local [spmem:s26], $0x780  }
0x15b: {  	_ =	swait.ge [sflag:s31], $0x780  }
0x15c: {  	[sflag:s31] =	ssyncset.done $0x0  }
0x15d: {  	[sflag:s31] =	ssyncadd.s32 $0xFFFFF880  }
0x15e: {  	[spmem:s29], [sflag:s21] =	dma.local [spmem:s26], $0x780  }
0x15f: {  	_ =	swait.ge [sflag:s31], $0x780  }
0x160: {  	[sflag:s31] =	ssyncset.done $0x0  }
0x161: {  	[sflag:s31] =	ssyncadd.s32 $0xFFFFF880  }
0x162: {  	[spmem:s30], [sflag:s21] =	dma.local [spmem:s26], $0x780  }
0x163: {  	_ =	swait.ge [sflag:s31], $0x780  }
0x164: {  	[sflag:s31] =	ssyncset.done $0x0  }
0x165: {  	[sflag:s31] =	ssyncadd.s32 $0xFFFFF880  }
0x166: {  	[spmem:s19], [sflag:s21] =	dma.local [spmem:s26], $0x780  }
0x167: {  	_ =	swait.ge [sflag:s31], $0x780  }
0x168: {  	[sflag:s31] =	ssyncset.done $0x0  }
0x169: {  	[sflag:s31] =	ssyncadd.s32 $0xFFFFF880  }
0x16a: {  	[spmem:s7], [sflag:s21] =	dma.local [spmem:s26], $0x780  }
0x16b: {  	_ =	swait.ge [sflag:s31], $0x780  }
0x16c: {  	[sflag:s31] =	ssyncset.done $0x0  }
0x16d: {  	[sflag:s31] =	ssyncadd.s32 $0xFFFFF880  }
0x16e: {  	[spmem:s12], [sflag:s21] =	dma.local [spmem:s26], $0x200  }
0x16f: {  	_ =	swait.ge [sflag:s31], $0x200  }
0x170: {  	[sflag:s31] =	ssyncset.done $0x0  }
0x171: {  	[sflag:s31] =	ssyncadd.s32 $0xFFFFFE00  }
0x172: {  	s24 =	simm.s32 $0x0;
	[bflag:$0x0] =	sbarrier.arrive $0xFFFF  }
0x173: {  	[tilespmem:s1], [sflag:$0x1] =	stream.indirect.gather [hbm4b:s6+s0], $0x80, s24, s0, $0xb8;
	v63 =	vld [tilespmem:$0x0]  }
0x174: {  	s15 =	simm.s32 $0x2000  }
0x175: {  	[tilespmem:s11], [sflag:$0x1] =	stream.indirect.gather [hbm4b:s6+s0], $0x80, s0, s0, $0xb8;
	v63 =	vld [tilespmem:$0x0]  }
0x176: {  	s23 =	simm.s32 $0x100;
	s16 =	simm.s32 $0x2080;
	_ =	swait.ge [sflag:s13], $0x4000  }
0x177: {  	p2 =	por $0x0, $0x0;
	s3 =	sand.u32 $0x4000, s24;
	[sflag:s13] =	ssyncset.done $0x0  }
0x178: {  	s18 =	simm.s32 @!p2 $0x2;
	s24 =	sadd.s32 $0x4000, s3;
	[sflag:s13] =	ssyncadd.s32 $0xFFFFC000  }
0x179: {  	[spmem:s2] =	stream.indirect.scatter.add.f32 [tilespmem:s24], [sflag:$0x2], $0x80, s15, s0, $0xb8;
	v63 =	vld [tilespmem:$0x0]  }
0x17a: {  	s17 =	simm.s32 $0x100;
	s22 =	simm.s32 @!p2 $0x80;
	_ =	swait.ge @!p2 [sflag:s18], $0x4000  }
0x17b: {  	s3 =	simm.s32 $0x1;
	s15 =	simm.s32 $0x4000;
	[sflag:s18] =	ssyncset.done @!p2 $0x0  }
.LBB2_5:
0x17c: {  	[sflag:s18] =	ssyncadd.s32 @!p2 $0xFFFFC000  }
0x17d: {  	s23 =	sadd.s32 $0x80, s23;
	s18 =	smov.u32 s3;
	s3 =	sadd.s32 $0x1, s3  }
0x17e: {  	[tilespmem:s24], [sflag:$0x1] =	stream.indirect.gather @!p2 [hbm4b:s6+s22], $0x80, s17, s22, $0xb8;
	v63 =	vld [tilespmem:$0x0]  }
0x17f: {  	p3 =	sne.s32 s3, $0x40;
	s17 =	smov.u32 s23;
	_ =	swait.ge [sflag:s13], $0x4000  }
0x180: {  	s22 =	sand.u32 $0x4000, s15;
	p2 =	sgt.u32 s18, $0x3D;
	[sflag:s13] =	ssyncset.done $0x0  }
.Ltmp9:
0x181: {  	s24 =	sadd.s32 $0x4000, s22;
	[sflag:s13] =	ssyncadd.s32 $0xFFFFC000;
	(pc) =	sbr.rel @p3 .LBB2_5-.Ltmp9, $4  }
0x182: {  	[spmem:s2] =	stream.indirect.scatter.add.f32 [tilespmem:s24], [sflag:$0x2], $0x80, s16, s0, $0xb8;
	v63 =	vld [tilespmem:$0x0]  }
0x183: {  	s18 =	simm.s32 @!p2 $0x2  }
0x184: {  	s15 =	sadd.s32 $0x4000, s15;
	_ =	swait.ge @!p2 [sflag:s18], $0x4000  }
0x185: {  	s22 =	simm.s32 @!p2 $0x80;
	s16 =	sadd.s32 $0x80, s16;
	[sflag:s18] =	ssyncset.done @!p2 $0x0  }
0x186: {  	[sflag:s18] =	ssyncadd.s32 @!p2 $0xFFFFC000  }
0x187: {  	[tilespmem:s24], [sflag:$0x1] =	stream.indirect.gather @!p2 [hbm4b:s6+s22], $0x80, s17, s22, $0xb8;
	v63 =	vld [tilespmem:$0x0]  }
0x188: {  	_ =	swait.ge [sflag:s20], $0x4000  }
0x189: {  	[sflag:s20] =	ssyncset.done $0x0  }
0x18a: {  	[sflag:s20] =	ssyncadd.s32 $0xFFFFC000  }
0x18b: {  	_ =	swait.ge [sflag:s20], $0x4000  }
0x18c: {  	[sflag:s20] =	ssyncset.done $0x0  }
0x18d: {  	[sflag:s20] =	ssyncadd.s32 $0xFFFFC000  }
0x18e: {  	[bflag:$0x0] =	sbarrier.arrive $0xFFFF  }
0x18f: {  	s3 =	rddreg [dreg:$0x12]  }
0x190: {  	[hbm:s3], [sflag:s21] =	dma.local [spmem:s28], $0x2780  }
0x191: {  	_ =	swait.ge [sflag:s31], $0x2780  }
0x192: {  	[sflag:s31] =	ssyncset.done $0x0  }
0x193: {  	[sflag:s31] =	ssyncadd.s32 $0xFFFFD880  }
0x194: {  	[spmem:s28], [sflag:s21] =	dma.local [spmem:s26], $0x780  }
0x195: {  	_ =	swait.ge [sflag:s31], $0x780  }
0x196: {  	[sflag:s31] =	ssyncset.done $0x0  }
0x197: {  	[sflag:s31] =	ssyncadd.s32 $0xFFFFF880  }
0x198: {  	[spmem:s29], [sflag:s21] =	dma.local [spmem:s26], $0x780  }
0x199: {  	_ =	swait.ge [sflag:s31], $0x780  }
0x19a: {  	[sflag:s31] =	ssyncset.done $0x0  }
0x19b: {  	[sflag:s31] =	ssyncadd.s32 $0xFFFFF880  }
0x19c: {  	[spmem:s30], [sflag:s21] =	dma.local [spmem:s26], $0x780  }
0x19d: {  	_ =	swait.ge [sflag:s31], $0x780  }
0x19e: {  	[sflag:s31] =	ssyncset.done $0x0  }
0x19f: {  	[sflag:s31] =	ssyncadd.s32 $0xFFFFF880  }
0x1a0: {  	[spmem:s19], [sflag:s21] =	dma.local [spmem:s26], $0x780  }
0x1a1: {  	_ =	swait.ge [sflag:s31], $0x780  }
0x1a2: {  	[sflag:s31] =	ssyncset.done $0x0  }
0x1a3: {  	[sflag:s31] =	ssyncadd.s32 $0xFFFFF880  }
0x1a4: {  	[spmem:s7], [sflag:s21] =	dma.local [spmem:s26], $0x780  }
0x1a5: {  	_ =	swait.ge [sflag:s31], $0x780  }
0x1a6: {  	[sflag:s31] =	ssyncset.done $0x0  }
0x1a7: {  	[sflag:s31] =	ssyncadd.s32 $0xFFFFF880  }
0x1a8: {  	[spmem:s12], [sflag:s21] =	dma.local [spmem:s26], $0x200  }
0x1a9: {  	_ =	swait.ge [sflag:s31], $0x200  }
0x1aa: {  	[sflag:s31] =	ssyncset.done $0x0  }
0x1ab: {  	[sflag:s31] =	ssyncadd.s32 $0xFFFFFE00  }
0x1ac: {  	s24 =	simm.s32 $0x0;
	[bflag:$0x0] =	sbarrier.arrive $0xFFFF  }
0x1ad: {  	[tilespmem:s1], [sflag:$0x1] =	stream.indirect.gather [hbm4b:s8+s0], $0x80, s24, s0, $0xb8;
	v63 =	vld [tilespmem:$0x0]  }
0x1ae: {  	s15 =	simm.s32 $0x2000  }
0x1af: {  	[tilespmem:s11], [sflag:$0x1] =	stream.indirect.gather [hbm4b:s8+s0], $0x80, s0, s0, $0xb8;
	v63 =	vld [tilespmem:$0x0]  }
0x1b0: {  	s23 =	simm.s32 $0x100;
	s16 =	simm.s32 $0x2080;
	_ =	swait.ge [sflag:s13], $0x4000  }
0x1b1: {  	p2 =	por $0x0, $0x0;
	s3 =	sand.u32 $0x4000, s24;
	[sflag:s13] =	ssyncset.done $0x0  }
0x1b2: {  	s18 =	simm.s32 @!p2 $0x2;
	s24 =	sadd.s32 $0x4000, s3;
	[sflag:s13] =	ssyncadd.s32 $0xFFFFC000  }
0x1b3: {  	[spmem:s2] =	stream.indirect.scatter.add.f32 [tilespmem:s24], [sflag:$0x2], $0x80, s15, s0, $0xb8;
	v63 =	vld [tilespmem:$0x0]  }
0x1b4: {  	s17 =	simm.s32 $0x100;
	s22 =	simm.s32 @!p2 $0x80;
	_ =	swait.ge @!p2 [sflag:s18], $0x4000  }
0x1b5: {  	s3 =	simm.s32 $0x1;
	s15 =	simm.s32 $0x4000;
	[sflag:s18] =	ssyncset.done @!p2 $0x0  }
.LBB2_7:
0x1b6: {  	[sflag:s18] =	ssyncadd.s32 @!p2 $0xFFFFC000  }
0x1b7: {  	s23 =	sadd.s32 $0x80, s23;
	s18 =	smov.u32 s3;
	s3 =	sadd.s32 $0x1, s3  }
0x1b8: {  	[tilespmem:s24], [sflag:$0x1] =	stream.indirect.gather @!p2 [hbm4b:s8+s22], $0x80, s17, s22, $0xb8;
	v63 =	vld [tilespmem:$0x0]  }
0x1b9: {  	p3 =	sne.s32 s3, $0x40;
	s17 =	smov.u32 s23;
	_ =	swait.ge [sflag:s13], $0x4000  }
0x1ba: {  	s22 =	sand.u32 $0x4000, s15;
	p2 =	sgt.u32 s18, $0x3D;
	[sflag:s13] =	ssyncset.done $0x0  }
.Ltmp10:
0x1bb: {  	s24 =	sadd.s32 $0x4000, s22;
	[sflag:s13] =	ssyncadd.s32 $0xFFFFC000;
	(pc) =	sbr.rel @p3 .LBB2_7-.Ltmp10, $4  }
0x1bc: {  	[spmem:s2] =	stream.indirect.scatter.add.f32 [tilespmem:s24], [sflag:$0x2], $0x80, s16, s0, $0xb8;
	v63 =	vld [tilespmem:$0x0]  }
0x1bd: {  	s18 =	simm.s32 @!p2 $0x2  }
0x1be: {  	s15 =	sadd.s32 $0x4000, s15;
	_ =	swait.ge @!p2 [sflag:s18], $0x4000  }
0x1bf: {  	s22 =	simm.s32 @!p2 $0x80;
	s16 =	sadd.s32 $0x80, s16;
	[sflag:s18] =	ssyncset.done @!p2 $0x0  }
0x1c0: {  	[sflag:s18] =	ssyncadd.s32 @!p2 $0xFFFFC000  }
0x1c1: {  	[tilespmem:s24], [sflag:$0x1] =	stream.indirect.gather @!p2 [hbm4b:s8+s22], $0x80, s17, s22, $0xb8;
	v63 =	vld [tilespmem:$0x0]  }
0x1c2: {  	_ =	swait.ge [sflag:s20], $0x4000  }
0x1c3: {  	[sflag:s20] =	ssyncset.done $0x0  }
0x1c4: {  	[sflag:s20] =	ssyncadd.s32 $0xFFFFC000  }
0x1c5: {  	_ =	swait.ge [sflag:s20], $0x4000  }
0x1c6: {  	[sflag:s20] =	ssyncset.done $0x0  }
0x1c7: {  	[sflag:s20] =	ssyncadd.s32 $0xFFFFC000  }
0x1c8: {  	[bflag:$0x0] =	sbarrier.arrive $0xFFFF  }
0x1c9: {  	s3 =	rddreg [dreg:$0x13]  }
0x1ca: {  	[hbm:s3], [sflag:s21] =	dma.local [spmem:s28], $0x2780  }
0x1cb: {  	_ =	swait.ge [sflag:s31], $0x2780  }
0x1cc: {  	[sflag:s31] =	ssyncset.done $0x0  }
0x1cd: {  	[sflag:s31] =	ssyncadd.s32 $0xFFFFD880  }
0x1ce: {  	[spmem:s28], [sflag:s21] =	dma.local [spmem:s26], $0x780  }
0x1cf: {  	_ =	swait.ge [sflag:s31], $0x780  }
0x1d0: {  	[sflag:s31] =	ssyncset.done $0x0  }
0x1d1: {  	[sflag:s31] =	ssyncadd.s32 $0xFFFFF880  }
0x1d2: {  	[spmem:s29], [sflag:s21] =	dma.local [spmem:s26], $0x780  }
0x1d3: {  	_ =	swait.ge [sflag:s31], $0x780  }
0x1d4: {  	[sflag:s31] =	ssyncset.done $0x0  }
0x1d5: {  	[sflag:s31] =	ssyncadd.s32 $0xFFFFF880  }
0x1d6: {  	[spmem:s30], [sflag:s21] =	dma.local [spmem:s26], $0x780  }
0x1d7: {  	_ =	swait.ge [sflag:s31], $0x780  }
0x1d8: {  	[sflag:s31] =	ssyncset.done $0x0  }
0x1d9: {  	[sflag:s31] =	ssyncadd.s32 $0xFFFFF880  }
0x1da: {  	[spmem:s19], [sflag:s21] =	dma.local [spmem:s26], $0x780  }
0x1db: {  	_ =	swait.ge [sflag:s31], $0x780  }
0x1dc: {  	[sflag:s31] =	ssyncset.done $0x0  }
0x1dd: {  	[sflag:s31] =	ssyncadd.s32 $0xFFFFF880  }
0x1de: {  	[spmem:s7], [sflag:s21] =	dma.local [spmem:s26], $0x780  }
0x1df: {  	_ =	swait.ge [sflag:s31], $0x780  }
0x1e0: {  	[sflag:s31] =	ssyncset.done $0x0  }
0x1e1: {  	[sflag:s31] =	ssyncadd.s32 $0xFFFFF880  }
0x1e2: {  	[spmem:s12], [sflag:s21] =	dma.local [spmem:s26], $0x200  }
0x1e3: {  	_ =	swait.ge [sflag:s31], $0x200  }
0x1e4: {  	[sflag:s31] =	ssyncset.done $0x0  }
0x1e5: {  	[sflag:s31] =	ssyncadd.s32 $0xFFFFFE00  }
0x1e6: {  	s29 =	simm.s32 $0x0;
	[bflag:$0x0] =	sbarrier.arrive $0xFFFF  }
0x1e7: {  	[tilespmem:s1], [sflag:$0x1] =	stream.indirect.gather [hbm4b:s9+s0], $0x80, s29, s0, $0xb8;
	v63 =	vld [tilespmem:$0x0]  }
0x1e8: {  	s15 =	simm.s32 $0x4000  }
0x1e9: {  	[tilespmem:s11], [sflag:$0x1] =	stream.indirect.gather [hbm4b:s9+s0], $0x80, s0, s0, $0xb8;
	v63 =	vld [tilespmem:$0x0]  }
0x1ea: {  	s16 =	simm.s32 $0x2080;
	p2 =	por $0x0, $0x0;
	_ =	swait.ge [sflag:s13], $0x4000  }
0x1eb: {  	s18 =	simm.s32 @!p2 $0x2;
	s3 =	sand.u32 $0x4000, s29;
	[sflag:s13] =	ssyncset.done $0x0  }
0x1ec: {  	s30 =	simm.s32 $0x2000;
	s12 =	sadd.s32 $0x4000, s3;
	[sflag:s13] =	ssyncadd.s32 $0xFFFFC000  }
0x1ed: {  	[spmem:s2] =	stream.indirect.scatter.add.f32 [tilespmem:s12], [sflag:$0x2], $0x80, s30, s0, $0xb8;
	v63 =	vld [tilespmem:$0x0]  }
0x1ee: {  	s17 =	simm.s32 $0x100;
	s19 =	simm.s32 @!p2 $0x80;
	_ =	swait.ge @!p2 [sflag:s18], $0x4000  }
0x1ef: {  	s7 =	simm.s32 $0x100;
	s3 =	simm.s32 $0x1;
	[sflag:s18] =	ssyncset.done @!p2 $0x0  }
.LBB2_9:
0x1f0: {  	[sflag:s18] =	ssyncadd.s32 @!p2 $0xFFFFC000  }
0x1f1: {  	s7 =	sadd.s32 $0x80, s7;
	s18 =	smov.u32 s3;
	s3 =	sadd.s32 $0x1, s3  }
0x1f2: {  	[tilespmem:s12], [sflag:$0x1] =	stream.indirect.gather @!p2 [hbm4b:s9+s19], $0x80, s17, s19, $0xb8;
	v63 =	vld [tilespmem:$0x0]  }
0x1f3: {  	p3 =	seq.s32 s3, $0x40;
	s17 =	smov.u32 s7;
	_ =	swait.ge [sflag:s13], $0x4000  }
0x1f4: {  	s12 =	sand.u32 $0x4000, s15;
	p2 =	sgt.u32 s18, $0x3D;
	[sflag:s13] =	ssyncset.done $0x0  }
.Ltmp11:
0x1f5: {  	s12 =	sadd.s32 $0x4000, s12;
	[sflag:s13] =	ssyncadd.s32 $0xFFFFC000;
	(pc) =	sbr.rel @!p3 .LBB2_9-.Ltmp11, $4  }
0x1f6: {  	[spmem:s2] =	stream.indirect.scatter.add.f32 [tilespmem:s12], [sflag:$0x2], $0x80, s16, s0, $0xb8;
	v63 =	vld [tilespmem:$0x0]  }
0x1f7: {  	s18 =	simm.s32 @!p2 $0x2  }
0x1f8: {  	s15 =	sadd.s32 $0x4000, s15;
	_ =	swait.ge @!p2 [sflag:s18], $0x4000  }
0x1f9: {  	s19 =	simm.s32 @!p2 $0x80;
	s16 =	sadd.s32 $0x80, s16;
	[sflag:s18] =	ssyncset.done @!p2 $0x0  }
.Ltmp12:
0x1fa: {  	(pc) =	sbr.rel .LBB2_20-.Ltmp12, $3  }
0x1fb: {  	_ =	sdelay $0x1  }
0x1fc: {  	[sflag:s18] =	ssyncadd.s32 @!p2 $0xFFFFC000;
	s3 =	rddreg [dreg:$0x6]  }
0x1fd: {  	[tilespmem:s12], [sflag:$0x1] =	stream.indirect.gather @!p2 [hbm4b:s9+s19], $0x80, s17, s19, $0xb8;
	v63 =	vld [tilespmem:$0x0]  }
.LBB2_21:
0x1fe: {  	_ =	sfence.sel $0x180000  }
0x1ff: {  	[bflag:$0x0] =	sbarrier.arrive $0xFFFF  }
0x200: {  	_ =	strace $0x90000047  }
0x201: {  	[bflag:$0x2] =	sbarrier.arrive $0xFFFF  }
0x202: {  	s0 =	rddreg [dreg:$0x4]  }
0x203: {  	s0 =	sadd.s32 @!p1 $0x100000, s0  }
0x204: {  	[sflag:s0] =	ssyncadd.tile.s32 @!p1 $0x1;
	_ =	shalt  }
.Lfunc_end2:
_tile_overlayer_lowered:
.L_overlay_start_2:
0x205: {  	(tag) =	ssettag $0x2  }
0x206: {  	s0 =	rddreg [dreg:$0x0];
	s2 =	stileid.u32  }
0x207: {  	s1 =	rddreg [dreg:$0x1];
	p0 =	sne.s32 s2, $0x0  }
0x208: {  	s3 =	rddreg [dreg:$0x2];
	[bflag:$0x3] =	sbarrier.arrive $0xFFFF;
	s2 =	simm.s32 @!p0 $0x1C03  }
0x209: {  	[timem:s3], [sflag:s2] =	dma.local @!p0 [hbm:s0], s1  }
0x20a: {  	s0 =	simm.s32 @!p0 $0x3  }
0x20b: {  	_ =	swait.ge @!p0 [sflag:s0], s1  }
0x20c: {  	s1 =	ssub.s32 @!p0 $0x0, s1;
	[sflag:s0] =	ssyncset.done @!p0 $0x0  }
0x20d: {  	[sflag:s0] =	ssyncadd.s32 @!p0 s1  }
0x20e: {  	[bflag:$0x3] =	sbarrier.arrive $0xFFFF  }
0x20f: {  	_ =	shalt  }

</sc_bundles>
